<compile_context>
chip_gen: v7x
topology: tpu7x:2x2x1
jax: 0.10.2.dev20260603
libtpu: 0.0.44.dev20260713+nightly
codegen_flags: <defaults>
</compile_context>

<pallas_src>
import functools

import jax
import jax.numpy as jnp
from jax import lax
from jax.experimental import pallas as pl
from jax.experimental.pallas import tpu as pltpu
from jax.experimental.pallas import tpu_sc as plsc

NC = 2
NS = 16
K = 125

_mesh = plsc.VectorSubcoreMesh(
    core_axis_name="c", subcore_axis_name="s", num_cores=NC, num_subcores=NS
)
_mesh1 = plsc.VectorSubcoreMesh(
    core_axis_name="c", subcore_axis_name="s", num_cores=1, num_subcores=NS
)


def _pad_rows(n):
  per_tile = -(-n // NS)
  per_tile = -(-per_tile // 8) * 8
  return per_tile * NS, per_tile


def _make_deg_kernel(npad, rpt, nblk):

  @functools.partial(
      pl.kernel,
      out_type=jax.ShapeDtypeStruct((NC, npad, 8), jnp.float32),
      mesh=_mesh,
      scratch_types=[
          pltpu.VMEM((nblk, K), jnp.int32),
          pltpu.VMEM((K, 8), jnp.float32),
          pltpu.VMEM_SHARED((npad, 8), jnp.float32),
      ],
      compiler_params=pltpu.CompilerParams(use_tc_tiling_on_sc=False),
  )
  def deg_kernel(dst_hbm, ones_hbm, zeros_hbm, out_hbm, dst_v, ones_v, acc_sh):
    cid = lax.axis_index("c")
    sid = lax.axis_index("s")
    tid = cid * NS + sid
    pltpu.sync_copy(dst_hbm.at[tid], dst_v)
    pltpu.sync_copy(ones_hbm, ones_v)
    r0 = sid * rpt
    pltpu.sync_copy(zeros_hbm.at[pl.ds(r0, rpt)], acc_sh.at[pl.ds(r0, rpt)])
    plsc.subcore_barrier()

    def body(j, carry):
      pltpu.sync_copy(ones_v, acc_sh.at[dst_v.at[j]], add=True)
      return carry

    lax.fori_loop(0, nblk, body, 0)
    plsc.subcore_barrier()
    pltpu.sync_copy(acc_sh.at[pl.ds(r0, rpt)], out_hbm.at[cid, pl.ds(r0, rpt)])

  return deg_kernel


def _make_scatter_kernel(npad, rpt, h, nblk, half):

  @functools.partial(
      pl.kernel,
      out_type=jax.ShapeDtypeStruct((npad, h), jnp.bfloat16),
      mesh=_mesh1,
      scratch_types=[
          pltpu.VMEM((nblk, K), jnp.int32),
          pltpu.VMEM((nblk, K), jnp.int32),
          *[pltpu.VMEM((K, h), jnp.bfloat16) for _ in range(8)],
          pltpu.VMEM_SHARED((npad, h), jnp.bfloat16),
          *[pltpu.SemaphoreType.DMA for _ in range(8)],
      ],
      compiler_params=pltpu.CompilerParams(use_tc_tiling_on_sc=False),
  )
  def scatter_kernel(
      p_hbm, src_hbm, dst_hbm, zeros_hbm, out_hbm,
      src_v, dst_v, r0_, r1_, r2_, r3_, r4_, r5_, r6_, r7_, acc_sh,
      s0_, s1_, s2_, s3_, s4_, s5_, s6_, s7_,
  ):
    sid = lax.axis_index("s")
    tid = half * NS + sid
    pltpu.sync_copy(src_hbm.at[tid], src_v)
    pltpu.sync_copy(dst_hbm.at[tid], dst_v)
    r0 = sid * rpt
    pltpu.sync_copy(zeros_hbm.at[pl.ds(r0, rpt)], acc_sh.at[pl.ds(r0, rpt)])
    plsc.subcore_barrier()

    rows = (r0_, r1_, r2_, r3_, r4_, r5_, r6_, r7_)
    sems = (s0_, s1_, s2_, s3_, s4_, s5_, s6_, s7_)
    nbuf = 8
    for b in range(nbuf):
      pltpu.async_copy(p_hbm.at[src_v.at[b]], rows[b], sems[b])

    def body(i, carry):
      for b in range(nbuf):
        j = nbuf * i + b
        pltpu.make_async_copy(p_hbm.at[src_v.at[j]], rows[b], sems[b]).wait()
        pltpu.sync_copy(rows[b], acc_sh.at[dst_v.at[j]], add=True)

        @pl.when(j + nbuf < nblk)
        def _():
          pltpu.async_copy(p_hbm.at[src_v.at[j + nbuf]], rows[b], sems[b])

      return carry

    lax.fori_loop(0, nblk // nbuf, body, 0)
    plsc.subcore_barrier()
    pltpu.sync_copy(acc_sh.at[pl.ds(r0, rpt)], out_hbm.at[pl.ds(r0, rpt)])

  return scatter_kernel


def _m1_tc(x, w1):
  n = x.shape[0]

  def body(x_ref, w_ref, m_ref):
    m_ref[...] = jnp.dot(x_ref[...], w_ref[...], preferred_element_type=jnp.float32)

  return pl.pallas_call(
      body,
      out_shape=jax.ShapeDtypeStruct((n, w1.shape[1]), jnp.float32),
  )(x, w1)


def _scale_tc(m1, deg_parts):
  n = m1.shape[0]

  def body(m_ref, dp_ref, dinv_ref, p_ref, pb_ref):
    deg = 1.0 + dp_ref[0, :n, 0:1] + dp_ref[1, :n, 0:1]
    dinv = lax.rsqrt(deg)
    dinv_ref[...] = dinv
    p = dinv * m_ref[...]
    p_ref[...] = p
    pb_ref[...] = p.astype(jnp.bfloat16)

  return pl.pallas_call(
      body,
      out_shape=(
          jax.ShapeDtypeStruct((n, 1), jnp.float32),
          jax.ShapeDtypeStruct((n, m1.shape[1]), jnp.float32),
          jax.ShapeDtypeStruct((n, m1.shape[1]), jnp.bfloat16),
      ),
  )(m1, deg_parts)


def _mid_tc(s_parts, p_prev, dinv, b_prev, w_next):
  n = p_prev.shape[0]

  def body(sa_ref, sb_ref, p_ref, dinv_ref, b_ref, w_ref, pn_ref, pnb_ref):
    s = (sa_ref[:n, :] + sb_ref[:n, :]).astype(jnp.float32) + p_ref[...]
    hcur = jnp.maximum(dinv_ref[...] * s + b_ref[...], 0.0)
    m = jnp.dot(hcur, w_ref[...], preferred_element_type=jnp.float32)
    pn = dinv_ref[...] * m
    pn_ref[...] = pn
    pnb_ref[...] = pn.astype(jnp.bfloat16)

  return pl.pallas_call(
      body,
      out_shape=(
          jax.ShapeDtypeStruct((n, w_next.shape[1]), jnp.float32),
          jax.ShapeDtypeStruct((n, w_next.shape[1]), jnp.bfloat16),
      ),
  )(s_parts[0], s_parts[1], p_prev, dinv, b_prev.reshape(1, -1), w_next)


def _final_tc(s_parts, p_prev, dinv, b3, wr, br):
  n = p_prev.shape[0]

  def body(sa_ref, sb_ref, p_ref, dinv_ref, b_ref, wr_ref, br_ref, out_ref):
    s = (sa_ref[:n, :] + sb_ref[:n, :]).astype(jnp.float32) + p_ref[...]
    hcur = jnp.maximum(dinv_ref[...] * s + b_ref[...], 0.0)
    pooled = jnp.sum(hcur, axis=0, keepdims=True) * (1.0 / n)
    out = jnp.dot(pooled, wr_ref[...], preferred_element_type=jnp.float32)
    out_ref[...] = jnp.maximum(out + br_ref[...], 0.0)

  return pl.pallas_call(
      body,
      out_shape=jax.ShapeDtypeStruct((1, wr.shape[1]), jnp.float32),
  )(s_parts[0], s_parts[1], p_prev, dinv, b3.reshape(1, -1), wr, br.reshape(1, -1))


def kernel(x, edge_index, W1, b1, W2, b2, W3, b3, Wr, br):
  n = x.shape[0]
  e = edge_index.shape[1]
  h = W1.shape[1]
  nblk_total = e // K
  nblk = nblk_total // (NC * NS)
  assert e % K == 0 and nblk_total % (NC * NS) == 0
  npad, rpt = _pad_rows(n)

  src3d = edge_index[0].reshape(NC * NS, nblk, K)
  dst3d = edge_index[1].reshape(NC * NS, nblk, K)
  ones8 = jnp.ones((K, 8), jnp.float32)
  zeros8 = jnp.zeros((npad, 8), jnp.float32)
  zeros_h = jnp.zeros((npad, h), jnp.bfloat16)

  deg_kernel = _make_deg_kernel(npad, rpt, nblk)
  scatter_a = _make_scatter_kernel(npad, rpt, h, nblk, 0)
  scatter_b = _make_scatter_kernel(npad, rpt, h, nblk, 1)

  m1 = _m1_tc(x, W1)
  deg_parts = deg_kernel(dst3d, ones8, zeros8)
  dinv, p, pb = _scale_tc(m1, deg_parts)

  s_parts = (scatter_a(pb, src3d, dst3d, zeros_h),
             scatter_b(pb, src3d, dst3d, zeros_h))
  p, pb = _mid_tc(s_parts, p, dinv, b1, W2)

  s_parts = (scatter_a(pb, src3d, dst3d, zeros_h),
             scatter_b(pb, src3d, dst3d, zeros_h))
  p, pb = _mid_tc(s_parts, p, dinv, b2, W3)

  s_parts = (scatter_a(pb, src3d, dst3d, zeros_h),
             scatter_b(pb, src3d, dst3d, zeros_h))
  return _final_tc(s_parts, p, dinv, b3, Wr, br)

# --- scband reference (transcript-rebuilt; emitter-appended) ---
"""Pipeline reference for scband-gnnbackbone-26104811225806 (READ-ONLY COPY).

The authoritative reference and input builder live on the scoring server;
editing this copy changes nothing except your own understanding.
"""

import jax, jax.numpy as jnp
import numpy as np

N = 10000
E = 320000
D_IN = 128
H = 64
R = 128


def setup_inputs(seed: int = 0) -> dict:
    key = jax.random.key(seed)
    ks = jax.random.split(key, 10)
    x = jax.random.normal(ks[0], (N, D_IN), dtype=jnp.float32)
    edge_index = jax.random.randint(ks[1], (2, E), 0, N, dtype=jnp.int32)
    W1 = jax.random.normal(ks[2], (D_IN, H), dtype=jnp.float32) * (1.0 / np.sqrt(D_IN))
    b1 = jnp.zeros((H,), dtype=jnp.float32)
    W2 = jax.random.normal(ks[3], (H, H), dtype=jnp.float32) * (1.0 / np.sqrt(H))
    b2 = jnp.zeros((H,), dtype=jnp.float32)
    W3 = jax.random.normal(ks[4], (H, H), dtype=jnp.float32) * (1.0 / np.sqrt(H))
    b3 = jnp.zeros((H,), dtype=jnp.float32)
    Wr = jax.random.normal(ks[5], (H, R), dtype=jnp.float32) * (1.0 / np.sqrt(H))
    br = jnp.zeros((R,), dtype=jnp.float32)
    return {"x": x, "edge_index": edge_index, "W1": W1, "b1": b1, "W2": W2, "b2": b2, "W3": W3, "b3": b3, "Wr": Wr, "br": br}


def reference(x, edge_index, W1, b1, W2, b2, W3, b3, Wr, br):
    n = x.shape[0]
    src = edge_index[0]
    dst = edge_index[1]
    # GCNConv default: add self-loops, symmetric normalization
    loops = jnp.arange(n, dtype=src.dtype)
    src = jnp.concatenate([src, loops])
    dst = jnp.concatenate([dst, loops])
    deg = jax.ops.segment_sum(jnp.ones_like(dst, dtype=x.dtype), dst, num_segments=n)
    dinv = jnp.where(deg > 0, 1.0 / jnp.sqrt(deg), 0.0)
    norm = dinv[src] * dinv[dst]

    def gcn_layer(h, W, b):
        m = h @ W
        msg = m[src] * norm[:, None]
        agg = jax.ops.segment_sum(msg, dst, num_segments=n)
        return jax.nn.relu(agg + b)

    h = gcn_layer(x, W1, b1)
    h = gcn_layer(h, W2, b2)
    h = gcn_layer(h, W3, b3)
    # global_mean_pool with batch all-zeros -> mean over all nodes, one graph
    pooled = jnp.mean(h, axis=0, keepdims=True)
    out = jax.nn.relu(pooled @ Wr + br)
    return out

if __name__ == "__main__":
    import jax
    _d = setup_inputs()
    print(jax.jit(kernel)(*tuple(_d.values())))

</pallas_src>

<mosaic_0001>
#map = affine_map<(d0, d1) -> (0, 0, 0)>
#map1 = affine_map<(d0, d1) -> (0, 0)>
module attributes {stable_mosaic.version = 14 : i64} {
  func.func @deg_kernel(%arg0: i32, %arg1: i32, %arg2: memref<32x80x125xi32, #tpu.memory_space<hbm>>, %arg3: memref<125x8xf32, #tpu.memory_space<hbm>>, %arg4: memref<10112x8xf32, #tpu.memory_space<hbm>>, %arg5: memref<2x10112x8xf32, #tpu.memory_space<hbm>>, %arg6: memref<80x125xi32, #tpu.memory_space<vmem>>, %arg7: memref<125x8xf32, #tpu.memory_space<vmem>>, %arg8: memref<10112x8xf32, #tpu.memory_space<vmem_shared>>) attributes {dimension_semantics = [#tpu.dimension_semantics<core_parallel>, #tpu.dimension_semantics<subcore_parallel>], iteration_bounds = array<i64: 2, 16>, scalar_prefetch = 0 : i64, scratch_operands = 3 : i64, tpu.core_type = #tpu.core_type<sc_vector_subcore>, window_params = [{transform_indices = #map}, {transform_indices = #map1}, {transform_indices = #map1}, {transform_indices = #map}]} {
    %mul3A = arith.constant 16 : i32
    %mul3A_0 = arith.muli %arg0, %mul3A : i32
    %add3A = arith.addi %mul3A_0, %arg1 : i32
    "tpu.region"() ({
      %run_scoped3A = tpu.sem_alloc : memref<!tpu.dma_semaphore, #tpu.memory_space<semaphore_mem>>
      %dma_start3A = arith.constant 0 : i32
      %dma_start3A_9 = arith.constant 0 : i32
      %dma_start3A_10 = tpu.memref_slice %arg2[%add3A, %dma_start3A, %dma_start3A_9] : memref<32x80x125xi32, #tpu.memory_space<hbm>> -> memref<1x80x125xi32, #tpu.memory_space<hbm>>
      %dma_start3A_11 = tpu.memref_squeeze %dma_start3A_10 : memref<1x80x125xi32, #tpu.memory_space<hbm>> -> memref<80x125xi32, #tpu.memory_space<hbm>>
      %dma_start3A_12 = arith.constant 0 : i32
      %dma_start3A_13 = arith.constant 0 : i32
      %dma_start3A_14 = tpu.memref_slice %arg2[%add3A, %dma_start3A_12, %dma_start3A_13] : memref<32x80x125xi32, #tpu.memory_space<hbm>> -> memref<1x80x125xi32, #tpu.memory_space<hbm>>
      %dma_start3A_15 = tpu.memref_squeeze %dma_start3A_14 : memref<1x80x125xi32, #tpu.memory_space<hbm>> -> memref<80x125xi32, #tpu.memory_space<hbm>>
      tpu.enqueue_dma source(%dma_start3A_15 : memref<80x125xi32, #tpu.memory_space<hbm>>) target(%arg6 : memref<80x125xi32, #tpu.memory_space<vmem>>) target_semaphore(%run_scoped3A : memref<!tpu.dma_semaphore, #tpu.memory_space<semaphore_mem>>)
      %dma_wait3A = arith.constant 0 : i32
      %dma_wait3A_16 = arith.constant 0 : i32
      %dma_wait3A_17 = tpu.memref_slice %arg2[%add3A, %dma_wait3A, %dma_wait3A_16] : memref<32x80x125xi32, #tpu.memory_space<hbm>> -> memref<1x80x125xi32, #tpu.memory_space<hbm>>
      %dma_wait3A_18 = tpu.memref_squeeze %dma_wait3A_17 : memref<1x80x125xi32, #tpu.memory_space<hbm>> -> memref<80x125xi32, #tpu.memory_space<hbm>>
      %dma_wait3A_19 = arith.constant 0 : i32
      %dma_wait3A_20 = arith.constant 0 : i32
      %dma_wait3A_21 = tpu.memref_slice %arg2[%add3A, %dma_wait3A_19, %dma_wait3A_20] : memref<32x80x125xi32, #tpu.memory_space<hbm>> -> memref<1x80x125xi32, #tpu.memory_space<hbm>>
      %dma_wait3A_22 = tpu.memref_squeeze %dma_wait3A_21 : memref<1x80x125xi32, #tpu.memory_space<hbm>> -> memref<80x125xi32, #tpu.memory_space<hbm>>
      tpu.wait_dma2 semaphore(%run_scoped3A : memref<!tpu.dma_semaphore, #tpu.memory_space<semaphore_mem>>) src(%dma_wait3A_22 : memref<80x125xi32, #tpu.memory_space<hbm>>) dst(%arg6 : memref<80x125xi32, #tpu.memory_space<vmem>>)
      tpu.yield
    }) : () -> ()
    "tpu.region"() ({
      %run_scoped3A = tpu.sem_alloc : memref<!tpu.dma_semaphore, #tpu.memory_space<semaphore_mem>>
      tpu.enqueue_dma source(%arg3 : memref<125x8xf32, #tpu.memory_space<hbm>>) target(%arg7 : memref<125x8xf32, #tpu.memory_space<vmem>>) target_semaphore(%run_scoped3A : memref<!tpu.dma_semaphore, #tpu.memory_space<semaphore_mem>>)
      tpu.wait_dma2 semaphore(%run_scoped3A : memref<!tpu.dma_semaphore, #tpu.memory_space<semaphore_mem>>) src(%arg3 : memref<125x8xf32, #tpu.memory_space<hbm>>) dst(%arg7 : memref<125x8xf32, #tpu.memory_space<vmem>>)
      tpu.yield
    }) : () -> ()
    %mul3A_1 = arith.constant 632 : i32
    %mul3A_2 = arith.muli %arg1, %mul3A_1 : i32
    "tpu.region"() ({
      %run_scoped3A = tpu.sem_alloc : memref<!tpu.dma_semaphore, #tpu.memory_space<semaphore_mem>>
      %dma_start3A = arith.constant 0 : i32
      %dma_start3A_9 = tpu.memref_slice %arg8[%mul3A_2, %dma_start3A] : memref<10112x8xf32, #tpu.memory_space<vmem_shared>> -> memref<632x8xf32, #tpu.memory_space<vmem_shared>>
      %dma_start3A_10 = arith.constant 0 : i32
      %dma_start3A_11 = tpu.memref_slice %arg4[%mul3A_2, %dma_start3A_10] : memref<10112x8xf32, #tpu.memory_space<hbm>> -> memref<632x8xf32, #tpu.memory_space<hbm>>
      tpu.enqueue_dma source(%dma_start3A_11 : memref<632x8xf32, #tpu.memory_space<hbm>>) target(%dma_start3A_9 : memref<632x8xf32, #tpu.memory_space<vmem_shared>>) target_semaphore(%run_scoped3A : memref<!tpu.dma_semaphore, #tpu.memory_space<semaphore_mem>>)
      %dma_wait3A = arith.constant 0 : i32
      %dma_wait3A_12 = tpu.memref_slice %arg8[%mul3A_2, %dma_wait3A] : memref<10112x8xf32, #tpu.memory_space<vmem_shared>> -> memref<632x8xf32, #tpu.memory_space<vmem_shared>>
      %dma_wait3A_13 = arith.constant 0 : i32
      %dma_wait3A_14 = tpu.memref_slice %arg4[%mul3A_2, %dma_wait3A_13] : memref<10112x8xf32, #tpu.memory_space<hbm>> -> memref<632x8xf32, #tpu.memory_space<hbm>>
      tpu.wait_dma2 semaphore(%run_scoped3A : memref<!tpu.dma_semaphore, #tpu.memory_space<semaphore_mem>>) src(%dma_wait3A_14 : memref<632x8xf32, #tpu.memory_space<hbm>>) dst(%dma_wait3A_12 : memref<632x8xf32, #tpu.memory_space<vmem_shared>>)
      tpu.yield
    }) : () -> ()
    %barrier3A = arith.constant 0 : index
    tpu.barrier barrier_id(%barrier3A)
    %scan3A = arith.constant 0 : i32
    %scan3A_3 = arith.constant 0 : i32
    %scan3A_4 = arith.constant 80 : i32
    %scan3A_5 = arith.addi %scan3A_3, %scan3A_4 : i32
    %scan3A_6 = arith.constant 1 : i32
    scf.for %scan3A_9 = %scan3A_3 to %scan3A_5 step %scan3A_6  : i32 {
      "tpu.region"() ({
        %run_scoped3A = tpu.sem_alloc : memref<!tpu.dma_semaphore, #tpu.memory_space<semaphore_mem>>
        %dma_start3A = arith.constant 0 : i32
        %dma_start3A_10 = tpu.memref_slice %arg6[%scan3A_9, %dma_start3A] : memref<80x125xi32, #tpu.memory_space<vmem>> -> memref<1x125xi32, #tpu.memory_space<vmem>>
        %dma_start3A_11 = tpu.memref_squeeze %dma_start3A_10 : memref<1x125xi32, #tpu.memory_space<vmem>> -> memref<125xi32, #tpu.memory_space<vmem>>
        %dma_start3A_12 = arith.constant 0 : i32
        %dma_start3A_13 = arith.constant 0 : i32
        %dma_start3A_14 = tpu.memref_slice %arg8[%dma_start3A_12, %dma_start3A_13] : memref<10112x8xf32, #tpu.memory_space<vmem_shared>> -> memref<10112x8xf32, #tpu.memory_space<vmem_shared>>
        tpu.enqueue_indirect_dma source(%arg7 : memref<125x8xf32, #tpu.memory_space<vmem>>) target(%dma_start3A_14 : memref<10112x8xf32, #tpu.memory_space<vmem_shared>>) offsets(%dma_start3A_11 : memref<125xi32, #tpu.memory_space<vmem>>) semaphore(%run_scoped3A : memref<!tpu.dma_semaphore, #tpu.memory_space<semaphore_mem>>) {add = true}
        %dma_wait3A = arith.constant 0 : i32
        %dma_wait3A_15 = tpu.memref_slice %arg6[%scan3A_9, %dma_wait3A] : memref<80x125xi32, #tpu.memory_space<vmem>> -> memref<1x125xi32, #tpu.memory_space<vmem>>
        %dma_wait3A_16 = tpu.memref_squeeze %dma_wait3A_15 : memref<1x125xi32, #tpu.memory_space<vmem>> -> memref<125xi32, #tpu.memory_space<vmem>>
        %dma_wait3A_17 = arith.constant 0 : i32
        %dma_wait3A_18 = arith.constant 0 : i32
        %dma_wait3A_19 = tpu.memref_slice %arg8[%dma_wait3A_17, %dma_wait3A_18] : memref<10112x8xf32, #tpu.memory_space<vmem_shared>> -> memref<10112x8xf32, #tpu.memory_space<vmem_shared>>
        tpu.wait_indirect_dma semaphore(%run_scoped3A : memref<!tpu.dma_semaphore, #tpu.memory_space<semaphore_mem>>) src(%arg7 : memref<125x8xf32, #tpu.memory_space<vmem>>) dst(%dma_wait3A_19 : memref<10112x8xf32, #tpu.memory_space<vmem_shared>>)
        tpu.yield
      }) : () -> ()
    }
    %scan3A_7 = arith.constant 80 : i32
    %barrier3A_8 = arith.constant 0 : index
    tpu.barrier barrier_id(%barrier3A_8)
    "tpu.region"() ({
      %run_scoped3A = tpu.sem_alloc : memref<!tpu.dma_semaphore, #tpu.memory_space<semaphore_mem>>
      %dma_start3A = arith.constant 0 : i32
      %dma_start3A_9 = tpu.memref_slice %arg5[%arg0, %mul3A_2, %dma_start3A] : memref<2x10112x8xf32, #tpu.memory_space<hbm>> -> memref<1x632x8xf32, #tpu.memory_space<hbm>>
      %dma_start3A_10 = tpu.memref_squeeze %dma_start3A_9 : memref<1x632x8xf32, #tpu.memory_space<hbm>> -> memref<632x8xf32, #tpu.memory_space<hbm>>
      %dma_start3A_11 = arith.constant 0 : i32
      %dma_start3A_12 = tpu.memref_slice %arg8[%mul3A_2, %dma_start3A_11] : memref<10112x8xf32, #tpu.memory_space<vmem_shared>> -> memref<632x8xf32, #tpu.memory_space<vmem_shared>>
      tpu.enqueue_dma source(%dma_start3A_12 : memref<632x8xf32, #tpu.memory_space<vmem_shared>>) target(%dma_start3A_10 : memref<632x8xf32, #tpu.memory_space<hbm>>) target_semaphore(%run_scoped3A : memref<!tpu.dma_semaphore, #tpu.memory_space<semaphore_mem>>)
      %dma_wait3A = arith.constant 0 : i32
      %dma_wait3A_13 = tpu.memref_slice %arg5[%arg0, %mul3A_2, %dma_wait3A] : memref<2x10112x8xf32, #tpu.memory_space<hbm>> -> memref<1x632x8xf32, #tpu.memory_space<hbm>>
      %dma_wait3A_14 = tpu.memref_squeeze %dma_wait3A_13 : memref<1x632x8xf32, #tpu.memory_space<hbm>> -> memref<632x8xf32, #tpu.memory_space<hbm>>
      %dma_wait3A_15 = arith.constant 0 : i32
      %dma_wait3A_16 = tpu.memref_slice %arg8[%mul3A_2, %dma_wait3A_15] : memref<10112x8xf32, #tpu.memory_space<vmem_shared>> -> memref<632x8xf32, #tpu.memory_space<vmem_shared>>
      tpu.wait_dma2 semaphore(%run_scoped3A : memref<!tpu.dma_semaphore, #tpu.memory_space<semaphore_mem>>) src(%dma_wait3A_16 : memref<632x8xf32, #tpu.memory_space<vmem_shared>>) dst(%dma_wait3A_14 : memref<632x8xf32, #tpu.memory_space<hbm>>)
      tpu.yield
    }) : () -> ()
    return
  }
}

#map = affine_map<(d0, d1) -> (0, 0)>
#map1 = affine_map<(d0, d1) -> (0, 0, 0)>
module attributes {stable_mosaic.version = 14 : i64} {
  func.func @scatter_kernel(%arg0: i32, %arg1: i32, %arg2: memref<10000x64xbf16, #tpu.memory_space<hbm>>, %arg3: memref<32x80x125xi32, #tpu.memory_space<hbm>>, %arg4: memref<32x80x125xi32, #tpu.memory_space<hbm>>, %arg5: memref<10112x64xbf16, #tpu.memory_space<hbm>>, %arg6: memref<10112x64xbf16, #tpu.memory_space<hbm>>, %arg7: memref<80x125xi32, #tpu.memory_space<vmem>>, %arg8: memref<80x125xi32, #tpu.memory_space<vmem>>, %arg9: memref<125x64xbf16, #tpu.memory_space<vmem>>, %arg10: memref<125x64xbf16, #tpu.memory_space<vmem>>, %arg11: memref<125x64xbf16, #tpu.memory_space<vmem>>, %arg12: memref<125x64xbf16, #tpu.memory_space<vmem>>, %arg13: memref<125x64xbf16, #tpu.memory_space<vmem>>, %arg14: memref<125x64xbf16, #tpu.memory_space<vmem>>, %arg15: memref<125x64xbf16, #tpu.memory_space<vmem>>, %arg16: memref<125x64xbf16, #tpu.memory_space<vmem>>, %arg17: memref<10112x64xbf16, #tpu.memory_space<vmem_shared>>, %arg18: memref<!tpu.dma_semaphore, #tpu.memory_space<semaphore_mem>>, %arg19: memref<!tpu.dma_semaphore, #tpu.memory_space<semaphore_mem>>, %arg20: memref<!tpu.dma_semaphore, #tpu.memory_space<semaphore_mem>>, %arg21: memref<!tpu.dma_semaphore, #tpu.memory_space<semaphore_mem>>, %arg22: memref<!tpu.dma_semaphore, #tpu.memory_space<semaphore_mem>>, %arg23: memref<!tpu.dma_semaphore, #tpu.memory_space<semaphore_mem>>, %arg24: memref<!tpu.dma_semaphore, #tpu.memory_space<semaphore_mem>>, %arg25: memref<!tpu.dma_semaphore, #tpu.memory_space<semaphore_mem>>) attributes {dimension_semantics = [#tpu.dimension_semantics<core_parallel>, #tpu.dimension_semantics<subcore_parallel>], iteration_bounds = array<i64: 1, 16>, scalar_prefetch = 0 : i64, scratch_operands = 19 : i64, tpu.core_type = #tpu.core_type<sc_vector_subcore>, window_params = [{transform_indices = #map}, {transform_indices = #map1}, {transform_indices = #map1}, {transform_indices = #map}, {transform_indices = #map}]} {
    %add3A = arith.constant 16 : i32
    %add3A_0 = arith.addi %add3A, %arg1 : i32
    "tpu.region"() ({
      %run_scoped3A = tpu.sem_alloc : memref<!tpu.dma_semaphore, #tpu.memory_space<semaphore_mem>>
      %dma_start3A_63 = arith.constant 0 : i32
      %dma_start3A_64 = arith.constant 0 : i32
      %dma_start3A_65 = tpu.memref_slice %arg3[%add3A_0, %dma_start3A_63, %dma_start3A_64] : memref<32x80x125xi32, #tpu.memory_space<hbm>> -> memref<1x80x125xi32, #tpu.memory_space<hbm>>
      %dma_start3A_66 = tpu.memref_squeeze %dma_start3A_65 : memref<1x80x125xi32, #tpu.memory_space<hbm>> -> memref<80x125xi32, #tpu.memory_space<hbm>>
      %dma_start3A_67 = arith.constant 0 : i32
      %dma_start3A_68 = arith.constant 0 : i32
      %dma_start3A_69 = tpu.memref_slice %arg3[%add3A_0, %dma_start3A_67, %dma_start3A_68] : memref<32x80x125xi32, #tpu.memory_space<hbm>> -> memref<1x80x125xi32, #tpu.memory_space<hbm>>
      %dma_start3A_70 = tpu.memref_squeeze %dma_start3A_69 : memref<1x80x125xi32, #tpu.memory_space<hbm>> -> memref<80x125xi32, #tpu.memory_space<hbm>>
      tpu.enqueue_dma source(%dma_start3A_70 : memref<80x125xi32, #tpu.memory_space<hbm>>) target(%arg7 : memref<80x125xi32, #tpu.memory_space<vmem>>) target_semaphore(%run_scoped3A : memref<!tpu.dma_semaphore, #tpu.memory_space<semaphore_mem>>)
      %dma_wait3A = arith.constant 0 : i32
      %dma_wait3A_71 = arith.constant 0 : i32
      %dma_wait3A_72 = tpu.memref_slice %arg3[%add3A_0, %dma_wait3A, %dma_wait3A_71] : memref<32x80x125xi32, #tpu.memory_space<hbm>> -> memref<1x80x125xi32, #tpu.memory_space<hbm>>
      %dma_wait3A_73 = tpu.memref_squeeze %dma_wait3A_72 : memref<1x80x125xi32, #tpu.memory_space<hbm>> -> memref<80x125xi32, #tpu.memory_space<hbm>>
      %dma_wait3A_74 = arith.constant 0 : i32
      %dma_wait3A_75 = arith.constant 0 : i32
      %dma_wait3A_76 = tpu.memref_slice %arg3[%add3A_0, %dma_wait3A_74, %dma_wait3A_75] : memref<32x80x125xi32, #tpu.memory_space<hbm>> -> memref<1x80x125xi32, #tpu.memory_space<hbm>>
      %dma_wait3A_77 = tpu.memref_squeeze %dma_wait3A_76 : memref<1x80x125xi32, #tpu.memory_space<hbm>> -> memref<80x125xi32, #tpu.memory_space<hbm>>
      tpu.wait_dma2 semaphore(%run_scoped3A : memref<!tpu.dma_semaphore, #tpu.memory_space<semaphore_mem>>) src(%dma_wait3A_77 : memref<80x125xi32, #tpu.memory_space<hbm>>) dst(%arg7 : memref<80x125xi32, #tpu.memory_space<vmem>>)
      tpu.yield
    }) : () -> ()
    "tpu.region"() ({
      %run_scoped3A = tpu.sem_alloc : memref<!tpu.dma_semaphore, #tpu.memory_space<semaphore_mem>>
      %dma_start3A_63 = arith.constant 0 : i32
      %dma_start3A_64 = arith.constant 0 : i32
      %dma_start3A_65 = tpu.memref_slice %arg4[%add3A_0, %dma_start3A_63, %dma_start3A_64] : memref<32x80x125xi32, #tpu.memory_space<hbm>> -> memref<1x80x125xi32, #tpu.memory_space<hbm>>
      %dma_start3A_66 = tpu.memref_squeeze %dma_start3A_65 : memref<1x80x125xi32, #tpu.memory_space<hbm>> -> memref<80x125xi32, #tpu.memory_space<hbm>>
      %dma_start3A_67 = arith.constant 0 : i32
      %dma_start3A_68 = arith.constant 0 : i32
      %dma_start3A_69 = tpu.memref_slice %arg4[%add3A_0, %dma_start3A_67, %dma_start3A_68] : memref<32x80x125xi32, #tpu.memory_space<hbm>> -> memref<1x80x125xi32, #tpu.memory_space<hbm>>
      %dma_start3A_70 = tpu.memref_squeeze %dma_start3A_69 : memref<1x80x125xi32, #tpu.memory_space<hbm>> -> memref<80x125xi32, #tpu.memory_space<hbm>>
      tpu.enqueue_dma source(%dma_start3A_70 : memref<80x125xi32, #tpu.memory_space<hbm>>) target(%arg8 : memref<80x125xi32, #tpu.memory_space<vmem>>) target_semaphore(%run_scoped3A : memref<!tpu.dma_semaphore, #tpu.memory_space<semaphore_mem>>)
      %dma_wait3A = arith.constant 0 : i32
      %dma_wait3A_71 = arith.constant 0 : i32
      %dma_wait3A_72 = tpu.memref_slice %arg4[%add3A_0, %dma_wait3A, %dma_wait3A_71] : memref<32x80x125xi32, #tpu.memory_space<hbm>> -> memref<1x80x125xi32, #tpu.memory_space<hbm>>
      %dma_wait3A_73 = tpu.memref_squeeze %dma_wait3A_72 : memref<1x80x125xi32, #tpu.memory_space<hbm>> -> memref<80x125xi32, #tpu.memory_space<hbm>>
      %dma_wait3A_74 = arith.constant 0 : i32
      %dma_wait3A_75 = arith.constant 0 : i32
      %dma_wait3A_76 = tpu.memref_slice %arg4[%add3A_0, %dma_wait3A_74, %dma_wait3A_75] : memref<32x80x125xi32, #tpu.memory_space<hbm>> -> memref<1x80x125xi32, #tpu.memory_space<hbm>>
      %dma_wait3A_77 = tpu.memref_squeeze %dma_wait3A_76 : memref<1x80x125xi32, #tpu.memory_space<hbm>> -> memref<80x125xi32, #tpu.memory_space<hbm>>
      tpu.wait_dma2 semaphore(%run_scoped3A : memref<!tpu.dma_semaphore, #tpu.memory_space<semaphore_mem>>) src(%dma_wait3A_77 : memref<80x125xi32, #tpu.memory_space<hbm>>) dst(%arg8 : memref<80x125xi32, #tpu.memory_space<vmem>>)
      tpu.yield
    }) : () -> ()
    %mul3A = arith.constant 632 : i32
    %mul3A_1 = arith.muli %arg1, %mul3A : i32
    "tpu.region"() ({
      %run_scoped3A = tpu.sem_alloc : memref<!tpu.dma_semaphore, #tpu.memory_space<semaphore_mem>>
      %dma_start3A_63 = arith.constant 0 : i32
      %dma_start3A_64 = tpu.memref_slice %arg17[%mul3A_1, %dma_start3A_63] : memref<10112x64xbf16, #tpu.memory_space<vmem_shared>> -> memref<632x64xbf16, #tpu.memory_space<vmem_shared>>
      %dma_start3A_65 = arith.constant 0 : i32
      %dma_start3A_66 = tpu.memref_slice %arg5[%mul3A_1, %dma_start3A_65] : memref<10112x64xbf16, #tpu.memory_space<hbm>> -> memref<632x64xbf16, #tpu.memory_space<hbm>>
      tpu.enqueue_dma source(%dma_start3A_66 : memref<632x64xbf16, #tpu.memory_space<hbm>>) target(%dma_start3A_64 : memref<632x64xbf16, #tpu.memory_space<vmem_shared>>) target_semaphore(%run_scoped3A : memref<!tpu.dma_semaphore, #tpu.memory_space<semaphore_mem>>)
      %dma_wait3A = arith.constant 0 : i32
      %dma_wait3A_67 = tpu.memref_slice %arg17[%mul3A_1, %dma_wait3A] : memref<10112x64xbf16, #tpu.memory_space<vmem_shared>> -> memref<632x64xbf16, #tpu.memory_space<vmem_shared>>
      %dma_wait3A_68 = arith.constant 0 : i32
      %dma_wait3A_69 = tpu.memref_slice %arg5[%mul3A_1, %dma_wait3A_68] : memref<10112x64xbf16, #tpu.memory_space<hbm>> -> memref<632x64xbf16, #tpu.memory_space<hbm>>
      tpu.wait_dma2 semaphore(%run_scoped3A : memref<!tpu.dma_semaphore, #tpu.memory_space<semaphore_mem>>) src(%dma_wait3A_69 : memref<632x64xbf16, #tpu.memory_space<hbm>>) dst(%dma_wait3A_67 : memref<632x64xbf16, #tpu.memory_space<vmem_shared>>)
      tpu.yield
    }) : () -> ()
    %barrier3A = arith.constant 0 : index
    tpu.barrier barrier_id(%barrier3A)
    %dma_start3A = arith.constant 0 : i32
    %dma_start3A_2 = arith.constant 0 : i32
    %dma_start3A_3 = tpu.memref_slice %arg7[%dma_start3A, %dma_start3A_2] : memref<80x125xi32, #tpu.memory_space<vmem>> -> memref<1x125xi32, #tpu.memory_space<vmem>>
    %dma_start3A_4 = tpu.memref_squeeze %dma_start3A_3 : memref<1x125xi32, #tpu.memory_space<vmem>> -> memref<125xi32, #tpu.memory_space<vmem>>
    %dma_start3A_5 = arith.constant 0 : i32
    %dma_start3A_6 = arith.constant 0 : i32
    %dma_start3A_7 = tpu.memref_slice %arg2[%dma_start3A_5, %dma_start3A_6] : memref<10000x64xbf16, #tpu.memory_space<hbm>> -> memref<10000x64xbf16, #tpu.memory_space<hbm>>
    tpu.enqueue_indirect_dma source(%dma_start3A_7 : memref<10000x64xbf16, #tpu.memory_space<hbm>>) target(%arg9 : memref<125x64xbf16, #tpu.memory_space<vmem>>) offsets(%dma_start3A_4 : memref<125xi32, #tpu.memory_space<vmem>>) semaphore(%arg18 : memref<!tpu.dma_semaphore, #tpu.memory_space<semaphore_mem>>)
    %dma_start3A_8 = arith.constant 1 : i32
    %dma_start3A_9 = arith.constant 0 : i32
    %dma_start3A_10 = tpu.memref_slice %arg7[%dma_start3A_8, %dma_start3A_9] : memref<80x125xi32, #tpu.memory_space<vmem>> -> memref<1x125xi32, #tpu.memory_space<vmem>>
    %dma_start3A_11 = tpu.memref_squeeze %dma_start3A_10 : memref<1x125xi32, #tpu.memory_space<vmem>> -> memref<125xi32, #tpu.memory_space<vmem>>
    %dma_start3A_12 = arith.constant 0 : i32
    %dma_start3A_13 = arith.constant 0 : i32
    %dma_start3A_14 = tpu.memref_slice %arg2[%dma_start3A_12, %dma_start3A_13] : memref<10000x64xbf16, #tpu.memory_space<hbm>> -> memref<10000x64xbf16, #tpu.memory_space<hbm>>
    tpu.enqueue_indirect_dma source(%dma_start3A_14 : memref<10000x64xbf16, #tpu.memory_space<hbm>>) target(%arg10 : memref<125x64xbf16, #tpu.memory_space<vmem>>) offsets(%dma_start3A_11 : memref<125xi32, #tpu.memory_space<vmem>>) semaphore(%arg19 : memref<!tpu.dma_semaphore, #tpu.memory_space<semaphore_mem>>)
    %dma_start3A_15 = arith.constant 2 : i32
    %dma_start3A_16 = arith.constant 0 : i32
    %dma_start3A_17 = tpu.memref_slice %arg7[%dma_start3A_15, %dma_start3A_16] : memref<80x125xi32, #tpu.memory_space<vmem>> -> memref<1x125xi32, #tpu.memory_space<vmem>>
    %dma_start3A_18 = tpu.memref_squeeze %dma_start3A_17 : memref<1x125xi32, #tpu.memory_space<vmem>> -> memref<125xi32, #tpu.memory_space<vmem>>
    %dma_start3A_19 = arith.constant 0 : i32
    %dma_start3A_20 = arith.constant 0 : i32
    %dma_start3A_21 = tpu.memref_slice %arg2[%dma_start3A_19, %dma_start3A_20] : memref<10000x64xbf16, #tpu.memory_space<hbm>> -> memref<10000x64xbf16, #tpu.memory_space<hbm>>
    tpu.enqueue_indirect_dma source(%dma_start3A_21 : memref<10000x64xbf16, #tpu.memory_space<hbm>>) target(%arg11 : memref<125x64xbf16, #tpu.memory_space<vmem>>) offsets(%dma_start3A_18 : memref<125xi32, #tpu.memory_space<vmem>>) semaphore(%arg20 : memref<!tpu.dma_semaphore, #tpu.memory_space<semaphore_mem>>)
    %dma_start3A_22 = arith.constant 3 : i32
    %dma_start3A_23 = arith.constant 0 : i32
    %dma_start3A_24 = tpu.memref_slice %arg7[%dma_start3A_22, %dma_start3A_23] : memref<80x125xi32, #tpu.memory_space<vmem>> -> memref<1x125xi32, #tpu.memory_space<vmem>>
    %dma_start3A_25 = tpu.memref_squeeze %dma_start3A_24 : memref<1x125xi32, #tpu.memory_space<vmem>> -> memref<125xi32, #tpu.memory_space<vmem>>
    %dma_start3A_26 = arith.constant 0 : i32
    %dma_start3A_27 = arith.constant 0 : i32
    %dma_start3A_28 = tpu.memref_slice %arg2[%dma_start3A_26, %dma_start3A_27] : memref<10000x64xbf16, #tpu.memory_space<hbm>> -> memref<10000x64xbf16, #tpu.memory_space<hbm>>
    tpu.enqueue_indirect_dma source(%dma_start3A_28 : memref<10000x64xbf16, #tpu.memory_space<hbm>>) target(%arg12 : memref<125x64xbf16, #tpu.memory_space<vmem>>) offsets(%dma_start3A_25 : memref<125xi32, #tpu.memory_space<vmem>>) semaphore(%arg21 : memref<!tpu.dma_semaphore, #tpu.memory_space<semaphore_mem>>)
    %dma_start3A_29 = arith.constant 4 : i32
    %dma_start3A_30 = arith.constant 0 : i32
    %dma_start3A_31 = tpu.memref_slice %arg7[%dma_start3A_29, %dma_start3A_30] : memref<80x125xi32, #tpu.memory_space<vmem>> -> memref<1x125xi32, #tpu.memory_space<vmem>>
    %dma_start3A_32 = tpu.memref_squeeze %dma_start3A_31 : memref<1x125xi32, #tpu.memory_space<vmem>> -> memref<125xi32, #tpu.memory_space<vmem>>
    %dma_start3A_33 = arith.constant 0 : i32
    %dma_start3A_34 = arith.constant 0 : i32
    %dma_start3A_35 = tpu.memref_slice %arg2[%dma_start3A_33, %dma_start3A_34] : memref<10000x64xbf16, #tpu.memory_space<hbm>> -> memref<10000x64xbf16, #tpu.memory_space<hbm>>
    tpu.enqueue_indirect_dma source(%dma_start3A_35 : memref<10000x64xbf16, #tpu.memory_space<hbm>>) target(%arg13 : memref<125x64xbf16, #tpu.memory_space<vmem>>) offsets(%dma_start3A_32 : memref<125xi32, #tpu.memory_space<vmem>>) semaphore(%arg22 : memref<!tpu.dma_semaphore, #tpu.memory_space<semaphore_mem>>)
    %dma_start3A_36 = arith.constant 5 : i32
    %dma_start3A_37 = arith.constant 0 : i32
    %dma_start3A_38 = tpu.memref_slice %arg7[%dma_start3A_36, %dma_start3A_37] : memref<80x125xi32, #tpu.memory_space<vmem>> -> memref<1x125xi32, #tpu.memory_space<vmem>>
    %dma_start3A_39 = tpu.memref_squeeze %dma_start3A_38 : memref<1x125xi32, #tpu.memory_space<vmem>> -> memref<125xi32, #tpu.memory_space<vmem>>
    %dma_start3A_40 = arith.constant 0 : i32
    %dma_start3A_41 = arith.constant 0 : i32
    %dma_start3A_42 = tpu.memref_slice %arg2[%dma_start3A_40, %dma_start3A_41] : memref<10000x64xbf16, #tpu.memory_space<hbm>> -> memref<10000x64xbf16, #tpu.memory_space<hbm>>
    tpu.enqueue_indirect_dma source(%dma_start3A_42 : memref<10000x64xbf16, #tpu.memory_space<hbm>>) target(%arg14 : memref<125x64xbf16, #tpu.memory_space<vmem>>) offsets(%dma_start3A_39 : memref<125xi32, #tpu.memory_space<vmem>>) semaphore(%arg23 : memref<!tpu.dma_semaphore, #tpu.memory_space<semaphore_mem>>)
    %dma_start3A_43 = arith.constant 6 : i32
    %dma_start3A_44 = arith.constant 0 : i32
    %dma_start3A_45 = tpu.memref_slice %arg7[%dma_start3A_43, %dma_start3A_44] : memref<80x125xi32, #tpu.memory_space<vmem>> -> memref<1x125xi32, #tpu.memory_space<vmem>>
    %dma_start3A_46 = tpu.memref_squeeze %dma_start3A_45 : memref<1x125xi32, #tpu.memory_space<vmem>> -> memref<125xi32, #tpu.memory_space<vmem>>
    %dma_start3A_47 = arith.constant 0 : i32
    %dma_start3A_48 = arith.constant 0 : i32
    %dma_start3A_49 = tpu.memref_slice %arg2[%dma_start3A_47, %dma_start3A_48] : memref<10000x64xbf16, #tpu.memory_space<hbm>> -> memref<10000x64xbf16, #tpu.memory_space<hbm>>
    tpu.enqueue_indirect_dma source(%dma_start3A_49 : memref<10000x64xbf16, #tpu.memory_space<hbm>>) target(%arg15 : memref<125x64xbf16, #tpu.memory_space<vmem>>) offsets(%dma_start3A_46 : memref<125xi32, #tpu.memory_space<vmem>>) semaphore(%arg24 : memref<!tpu.dma_semaphore, #tpu.memory_space<semaphore_mem>>)
    %dma_start3A_50 = arith.constant 7 : i32
    %dma_start3A_51 = arith.constant 0 : i32
    %dma_start3A_52 = tpu.memref_slice %arg7[%dma_start3A_50, %dma_start3A_51] : memref<80x125xi32, #tpu.memory_space<vmem>> -> memref<1x125xi32, #tpu.memory_space<vmem>>
    %dma_start3A_53 = tpu.memref_squeeze %dma_start3A_52 : memref<1x125xi32, #tpu.memory_space<vmem>> -> memref<125xi32, #tpu.memory_space<vmem>>
    %dma_start3A_54 = arith.constant 0 : i32
    %dma_start3A_55 = arith.constant 0 : i32
    %dma_start3A_56 = tpu.memref_slice %arg2[%dma_start3A_54, %dma_start3A_55] : memref<10000x64xbf16, #tpu.memory_space<hbm>> -> memref<10000x64xbf16, #tpu.memory_space<hbm>>
    tpu.enqueue_indirect_dma source(%dma_start3A_56 : memref<10000x64xbf16, #tpu.memory_space<hbm>>) target(%arg16 : memref<125x64xbf16, #tpu.memory_space<vmem>>) offsets(%dma_start3A_53 : memref<125xi32, #tpu.memory_space<vmem>>) semaphore(%arg25 : memref<!tpu.dma_semaphore, #tpu.memory_space<semaphore_mem>>)
    %scan3A = arith.constant 0 : i32
    %scan3A_57 = arith.constant 0 : i32
    %scan3A_58 = arith.constant 10 : i32
    %scan3A_59 = arith.addi %scan3A_57, %scan3A_58 : i32
    %scan3A_60 = arith.constant 1 : i32
    scf.for %scan3A_63 = %scan3A_57 to %scan3A_59 step %scan3A_60  : i32 {
      %mul3A_64 = arith.constant 8 : i32
      %mul3A_65 = arith.muli %mul3A_64, %scan3A_63 : i32
      %add3A_66 = arith.constant 0 : i32
      %add3A_67 = arith.addi %mul3A_65, %add3A_66 : i32
      %dma_wait3A = arith.constant 0 : i32
      %dma_wait3A_68 = tpu.memref_slice %arg7[%add3A_67, %dma_wait3A] : memref<80x125xi32, #tpu.memory_space<vmem>> -> memref<1x125xi32, #tpu.memory_space<vmem>>
      %dma_wait3A_69 = tpu.memref_squeeze %dma_wait3A_68 : memref<1x125xi32, #tpu.memory_space<vmem>> -> memref<125xi32, #tpu.memory_space<vmem>>
      %dma_wait3A_70 = arith.constant 0 : i32
      %dma_wait3A_71 = arith.constant 0 : i32
      %dma_wait3A_72 = tpu.memref_slice %arg2[%dma_wait3A_70, %dma_wait3A_71] : memref<10000x64xbf16, #tpu.memory_space<hbm>> -> memref<10000x64xbf16, #tpu.memory_space<hbm>>
      tpu.wait_indirect_dma semaphore(%arg18 : memref<!tpu.dma_semaphore, #tpu.memory_space<semaphore_mem>>) src(%dma_wait3A_72 : memref<10000x64xbf16, #tpu.memory_space<hbm>>) dst(%arg9 : memref<125x64xbf16, #tpu.memory_space<vmem>>)
      "tpu.region"() ({
        %run_scoped3A = tpu.sem_alloc : memref<!tpu.dma_semaphore, #tpu.memory_space<semaphore_mem>>
        %dma_start3A_196 = arith.constant 0 : i32
        %dma_start3A_197 = tpu.memref_slice %arg8[%add3A_67, %dma_start3A_196] : memref<80x125xi32, #tpu.memory_space<vmem>> -> memref<1x125xi32, #tpu.memory_space<vmem>>
        %dma_start3A_198 = tpu.memref_squeeze %dma_start3A_197 : memref<1x125xi32, #tpu.memory_space<vmem>> -> memref<125xi32, #tpu.memory_space<vmem>>
        %dma_start3A_199 = arith.constant 0 : i32
        %dma_start3A_200 = arith.constant 0 : i32
        %dma_start3A_201 = tpu.memref_slice %arg17[%dma_start3A_199, %dma_start3A_200] : memref<10112x64xbf16, #tpu.memory_space<vmem_shared>> -> memref<10112x64xbf16, #tpu.memory_space<vmem_shared>>
        tpu.enqueue_indirect_dma source(%arg9 : memref<125x64xbf16, #tpu.memory_space<vmem>>) target(%dma_start3A_201 : memref<10112x64xbf16, #tpu.memory_space<vmem_shared>>) offsets(%dma_start3A_198 : memref<125xi32, #tpu.memory_space<vmem>>) semaphore(%run_scoped3A : memref<!tpu.dma_semaphore, #tpu.memory_space<semaphore_mem>>) {add = true}
        %dma_wait3A_202 = arith.constant 0 : i32
        %dma_wait3A_203 = tpu.memref_slice %arg8[%add3A_67, %dma_wait3A_202] : memref<80x125xi32, #tpu.memory_space<vmem>> -> memref<1x125xi32, #tpu.memory_space<vmem>>
        %dma_wait3A_204 = tpu.memref_squeeze %dma_wait3A_203 : memref<1x125xi32, #tpu.memory_space<vmem>> -> memref<125xi32, #tpu.memory_space<vmem>>
        %dma_wait3A_205 = arith.constant 0 : i32
        %dma_wait3A_206 = arith.constant 0 : i32
        %dma_wait3A_207 = tpu.memref_slice %arg17[%dma_wait3A_205, %dma_wait3A_206] : memref<10112x64xbf16, #tpu.memory_space<vmem_shared>> -> memref<10112x64xbf16, #tpu.memory_space<vmem_shared>>
        tpu.wait_indirect_dma semaphore(%run_scoped3A : memref<!tpu.dma_semaphore, #tpu.memory_space<semaphore_mem>>) src(%arg9 : memref<125x64xbf16, #tpu.memory_space<vmem>>) dst(%dma_wait3A_207 : memref<10112x64xbf16, #tpu.memory_space<vmem_shared>>)
        tpu.yield
      }) : () -> ()
      %add3A_73 = arith.constant 8 : i32
      %add3A_74 = arith.addi %add3A_67, %add3A_73 : i32
      %lt3A = arith.constant 80 : i32
      %lt3A_75 = arith.cmpi slt, %add3A_74, %lt3A : i32
      %convert_element_type3A = arith.extui %lt3A_75 : i1 to i32
      %cond3A = arith.constant 0 : i32
      %cond3A_76 = arith.cmpi ne, %convert_element_type3A, %cond3A : i32
      scf.if %cond3A_76 {
        %add3A_196 = arith.constant 8 : i32
        %add3A_197 = arith.addi %add3A_67, %add3A_196 : i32
        %dma_start3A_198 = arith.constant 0 : i32
        %dma_start3A_199 = tpu.memref_slice %arg7[%add3A_197, %dma_start3A_198] : memref<80x125xi32, #tpu.memory_space<vmem>> -> memref<1x125xi32, #tpu.memory_space<vmem>>
        %dma_start3A_200 = tpu.memref_squeeze %dma_start3A_199 : memref<1x125xi32, #tpu.memory_space<vmem>> -> memref<125xi32, #tpu.memory_space<vmem>>
        %dma_start3A_201 = arith.constant 0 : i32
        %dma_start3A_202 = arith.constant 0 : i32
        %dma_start3A_203 = tpu.memref_slice %arg2[%dma_start3A_201, %dma_start3A_202] : memref<10000x64xbf16, #tpu.memory_space<hbm>> -> memref<10000x64xbf16, #tpu.memory_space<hbm>>
        tpu.enqueue_indirect_dma source(%dma_start3A_203 : memref<10000x64xbf16, #tpu.memory_space<hbm>>) target(%arg9 : memref<125x64xbf16, #tpu.memory_space<vmem>>) offsets(%dma_start3A_200 : memref<125xi32, #tpu.memory_space<vmem>>) semaphore(%arg18 : memref<!tpu.dma_semaphore, #tpu.memory_space<semaphore_mem>>)
      } else {
      }
      %mul3A_77 = arith.constant 8 : i32
      %mul3A_78 = arith.muli %mul3A_77, %scan3A_63 : i32
      %add3A_79 = arith.constant 1 : i32
      %add3A_80 = arith.addi %mul3A_78, %add3A_79 : i32
      %dma_wait3A_81 = arith.constant 0 : i32
      %dma_wait3A_82 = tpu.memref_slice %arg7[%add3A_80, %dma_wait3A_81] : memref<80x125xi32, #tpu.memory_space<vmem>> -> memref<1x125xi32, #tpu.memory_space<vmem>>
      %dma_wait3A_83 = tpu.memref_squeeze %dma_wait3A_82 : memref<1x125xi32, #tpu.memory_space<vmem>> -> memref<125xi32, #tpu.memory_space<vmem>>
      %dma_wait3A_84 = arith.constant 0 : i32
      %dma_wait3A_85 = arith.constant 0 : i32
      %dma_wait3A_86 = tpu.memref_slice %arg2[%dma_wait3A_84, %dma_wait3A_85] : memref<10000x64xbf16, #tpu.memory_space<hbm>> -> memref<10000x64xbf16, #tpu.memory_space<hbm>>
      tpu.wait_indirect_dma semaphore(%arg19 : memref<!tpu.dma_semaphore, #tpu.memory_space<semaphore_mem>>) src(%dma_wait3A_86 : memref<10000x64xbf16, #tpu.memory_space<hbm>>) dst(%arg10 : memref<125x64xbf16, #tpu.memory_space<vmem>>)
      "tpu.region"() ({
        %run_scoped3A = tpu.sem_alloc : memref<!tpu.dma_semaphore, #tpu.memory_space<semaphore_mem>>
        %dma_start3A_196 = arith.constant 0 : i32
        %dma_start3A_197 = tpu.memref_slice %arg8[%add3A_80, %dma_start3A_196] : memref<80x125xi32, #tpu.memory_space<vmem>> -> memref<1x125xi32, #tpu.memory_space<vmem>>
        %dma_start3A_198 = tpu.memref_squeeze %dma_start3A_197 : memref<1x125xi32, #tpu.memory_space<vmem>> -> memref<125xi32, #tpu.memory_space<vmem>>
        %dma_start3A_199 = arith.constant 0 : i32
        %dma_start3A_200 = arith.constant 0 : i32
        %dma_start3A_201 = tpu.memref_slice %arg17[%dma_start3A_199, %dma_start3A_200] : memref<10112x64xbf16, #tpu.memory_space<vmem_shared>> -> memref<10112x64xbf16, #tpu.memory_space<vmem_shared>>
        tpu.enqueue_indirect_dma source(%arg10 : memref<125x64xbf16, #tpu.memory_space<vmem>>) target(%dma_start3A_201 : memref<10112x64xbf16, #tpu.memory_space<vmem_shared>>) offsets(%dma_start3A_198 : memref<125xi32, #tpu.memory_space<vmem>>) semaphore(%run_scoped3A : memref<!tpu.dma_semaphore, #tpu.memory_space<semaphore_mem>>) {add = true}
        %dma_wait3A_202 = arith.constant 0 : i32
        %dma_wait3A_203 = tpu.memref_slice %arg8[%add3A_80, %dma_wait3A_202] : memref<80x125xi32, #tpu.memory_space<vmem>> -> memref<1x125xi32, #tpu.memory_space<vmem>>
        %dma_wait3A_204 = tpu.memref_squeeze %dma_wait3A_203 : memref<1x125xi32, #tpu.memory_space<vmem>> -> memref<125xi32, #tpu.memory_space<vmem>>
        %dma_wait3A_205 = arith.constant 0 : i32
        %dma_wait3A_206 = arith.constant 0 : i32
        %dma_wait3A_207 = tpu.memref_slice %arg17[%dma_wait3A_205, %dma_wait3A_206] : memref<10112x64xbf16, #tpu.memory_space<vmem_shared>> -> memref<10112x64xbf16, #tpu.memory_space<vmem_shared>>
        tpu.wait_indirect_dma semaphore(%run_scoped3A : memref<!tpu.dma_semaphore, #tpu.memory_space<semaphore_mem>>) src(%arg10 : memref<125x64xbf16, #tpu.memory_space<vmem>>) dst(%dma_wait3A_207 : memref<10112x64xbf16, #tpu.memory_space<vmem_shared>>)
        tpu.yield
      }) : () -> ()
      %add3A_87 = arith.constant 8 : i32
      %add3A_88 = arith.addi %add3A_80, %add3A_87 : i32
      %lt3A_89 = arith.constant 80 : i32
      %lt3A_90 = arith.cmpi slt, %add3A_88, %lt3A_89 : i32
      %convert_element_type3A_91 = arith.extui %lt3A_90 : i1 to i32
      %cond3A_92 = arith.constant 0 : i32
      %cond3A_93 = arith.cmpi ne, %convert_element_type3A_91, %cond3A_92 : i32
      scf.if %cond3A_93 {
        %add3A_196 = arith.constant 8 : i32
        %add3A_197 = arith.addi %add3A_80, %add3A_196 : i32
        %dma_start3A_198 = arith.constant 0 : i32
        %dma_start3A_199 = tpu.memref_slice %arg7[%add3A_197, %dma_start3A_198] : memref<80x125xi32, #tpu.memory_space<vmem>> -> memref<1x125xi32, #tpu.memory_space<vmem>>
        %dma_start3A_200 = tpu.memref_squeeze %dma_start3A_199 : memref<1x125xi32, #tpu.memory_space<vmem>> -> memref<125xi32, #tpu.memory_space<vmem>>
        %dma_start3A_201 = arith.constant 0 : i32
        %dma_start3A_202 = arith.constant 0 : i32
        %dma_start3A_203 = tpu.memref_slice %arg2[%dma_start3A_201, %dma_start3A_202] : memref<10000x64xbf16, #tpu.memory_space<hbm>> -> memref<10000x64xbf16, #tpu.memory_space<hbm>>
        tpu.enqueue_indirect_dma source(%dma_start3A_203 : memref<10000x64xbf16, #tpu.memory_space<hbm>>) target(%arg10 : memref<125x64xbf16, #tpu.memory_space<vmem>>) offsets(%dma_start3A_200 : memref<125xi32, #tpu.memory_space<vmem>>) semaphore(%arg19 : memref<!tpu.dma_semaphore, #tpu.memory_space<semaphore_mem>>)
      } else {
      }
      %mul3A_94 = arith.constant 8 : i32
      %mul3A_95 = arith.muli %mul3A_94, %scan3A_63 : i32
      %add3A_96 = arith.constant 2 : i32
      %add3A_97 = arith.addi %mul3A_95, %add3A_96 : i32
      %dma_wait3A_98 = arith.constant 0 : i32
      %dma_wait3A_99 = tpu.memref_slice %arg7[%add3A_97, %dma_wait3A_98] : memref<80x125xi32, #tpu.memory_space<vmem>> -> memref<1x125xi32, #tpu.memory_space<vmem>>
      %dma_wait3A_100 = tpu.memref_squeeze %dma_wait3A_99 : memref<1x125xi32, #tpu.memory_space<vmem>> -> memref<125xi32, #tpu.memory_space<vmem>>
      %dma_wait3A_101 = arith.constant 0 : i32
      %dma_wait3A_102 = arith.constant 0 : i32
      %dma_wait3A_103 = tpu.memref_slice %arg2[%dma_wait3A_101, %dma_wait3A_102] : memref<10000x64xbf16, #tpu.memory_space<hbm>> -> memref<10000x64xbf16, #tpu.memory_space<hbm>>
      tpu.wait_indirect_dma semaphore(%arg20 : memref<!tpu.dma_semaphore, #tpu.memory_space<semaphore_mem>>) src(%dma_wait3A_103 : memref<10000x64xbf16, #tpu.memory_space<hbm>>) dst(%arg11 : memref<125x64xbf16, #tpu.memory_space<vmem>>)
      "tpu.region"() ({
        %run_scoped3A = tpu.sem_alloc : memref<!tpu.dma_semaphore, #tpu.memory_space<semaphore_mem>>
        %dma_start3A_196 = arith.constant 0 : i32
        %dma_start3A_197 = tpu.memref_slice %arg8[%add3A_97, %dma_start3A_196] : memref<80x125xi32, #tpu.memory_space<vmem>> -> memref<1x125xi32, #tpu.memory_space<vmem>>
        %dma_start3A_198 = tpu.memref_squeeze %dma_start3A_197 : memref<1x125xi32, #tpu.memory_space<vmem>> -> memref<125xi32, #tpu.memory_space<vmem>>
        %dma_start3A_199 = arith.constant 0 : i32
        %dma_start3A_200 = arith.constant 0 : i32
        %dma_start3A_201 = tpu.memref_slice %arg17[%dma_start3A_199, %dma_start3A_200] : memref<10112x64xbf16, #tpu.memory_space<vmem_shared>> -> memref<10112x64xbf16, #tpu.memory_space<vmem_shared>>
        tpu.enqueue_indirect_dma source(%arg11 : memref<125x64xbf16, #tpu.memory_space<vmem>>) target(%dma_start3A_201 : memref<10112x64xbf16, #tpu.memory_space<vmem_shared>>) offsets(%dma_start3A_198 : memref<125xi32, #tpu.memory_space<vmem>>) semaphore(%run_scoped3A : memref<!tpu.dma_semaphore, #tpu.memory_space<semaphore_mem>>) {add = true}
        %dma_wait3A_202 = arith.constant 0 : i32
        %dma_wait3A_203 = tpu.memref_slice %arg8[%add3A_97, %dma_wait3A_202] : memref<80x125xi32, #tpu.memory_space<vmem>> -> memref<1x125xi32, #tpu.memory_space<vmem>>
        %dma_wait3A_204 = tpu.memref_squeeze %dma_wait3A_203 : memref<1x125xi32, #tpu.memory_space<vmem>> -> memref<125xi32, #tpu.memory_space<vmem>>
        %dma_wait3A_205 = arith.constant 0 : i32
        %dma_wait3A_206 = arith.constant 0 : i32
        %dma_wait3A_207 = tpu.memref_slice %arg17[%dma_wait3A_205, %dma_wait3A_206] : memref<10112x64xbf16, #tpu.memory_space<vmem_shared>> -> memref<10112x64xbf16, #tpu.memory_space<vmem_shared>>
        tpu.wait_indirect_dma semaphore(%run_scoped3A : memref<!tpu.dma_semaphore, #tpu.memory_space<semaphore_mem>>) src(%arg11 : memref<125x64xbf16, #tpu.memory_space<vmem>>) dst(%dma_wait3A_207 : memref<10112x64xbf16, #tpu.memory_space<vmem_shared>>)
        tpu.yield
      }) : () -> ()
      %add3A_104 = arith.constant 8 : i32
      %add3A_105 = arith.addi %add3A_97, %add3A_104 : i32
      %lt3A_106 = arith.constant 80 : i32
      %lt3A_107 = arith.cmpi slt, %add3A_105, %lt3A_106 : i32
      %convert_element_type3A_108 = arith.extui %lt3A_107 : i1 to i32
      %cond3A_109 = arith.constant 0 : i32
      %cond3A_110 = arith.cmpi ne, %convert_element_type3A_108, %cond3A_109 : i32
      scf.if %cond3A_110 {
        %add3A_196 = arith.constant 8 : i32
        %add3A_197 = arith.addi %add3A_97, %add3A_196 : i32
        %dma_start3A_198 = arith.constant 0 : i32
        %dma_start3A_199 = tpu.memref_slice %arg7[%add3A_197, %dma_start3A_198] : memref<80x125xi32, #tpu.memory_space<vmem>> -> memref<1x125xi32, #tpu.memory_space<vmem>>
        %dma_start3A_200 = tpu.memref_squeeze %dma_start3A_199 : memref<1x125xi32, #tpu.memory_space<vmem>> -> memref<125xi32, #tpu.memory_space<vmem>>
        %dma_start3A_201 = arith.constant 0 : i32
        %dma_start3A_202 = arith.constant 0 : i32
        %dma_start3A_203 = tpu.memref_slice %arg2[%dma_start3A_201, %dma_start3A_202] : memref<10000x64xbf16, #tpu.memory_space<hbm>> -> memref<10000x64xbf16, #tpu.memory_space<hbm>>
        tpu.enqueue_indirect_dma source(%dma_start3A_203 : memref<10000x64xbf16, #tpu.memory_space<hbm>>) target(%arg11 : memref<125x64xbf16, #tpu.memory_space<vmem>>) offsets(%dma_start3A_200 : memref<125xi32, #tpu.memory_space<vmem>>) semaphore(%arg20 : memref<!tpu.dma_semaphore, #tpu.memory_space<semaphore_mem>>)
      } else {
      }
      %mul3A_111 = arith.constant 8 : i32
      %mul3A_112 = arith.muli %mul3A_111, %scan3A_63 : i32
      %add3A_113 = arith.constant 3 : i32
      %add3A_114 = arith.addi %mul3A_112, %add3A_113 : i32
      %dma_wait3A_115 = arith.constant 0 : i32
      %dma_wait3A_116 = tpu.memref_slice %arg7[%add3A_114, %dma_wait3A_115] : memref<80x125xi32, #tpu.memory_space<vmem>> -> memref<1x125xi32, #tpu.memory_space<vmem>>
      %dma_wait3A_117 = tpu.memref_squeeze %dma_wait3A_116 : memref<1x125xi32, #tpu.memory_space<vmem>> -> memref<125xi32, #tpu.memory_space<vmem>>
      %dma_wait3A_118 = arith.constant 0 : i32
      %dma_wait3A_119 = arith.constant 0 : i32
      %dma_wait3A_120 = tpu.memref_slice %arg2[%dma_wait3A_118, %dma_wait3A_119] : memref<10000x64xbf16, #tpu.memory_space<hbm>> -> memref<10000x64xbf16, #tpu.memory_space<hbm>>
      tpu.wait_indirect_dma semaphore(%arg21 : memref<!tpu.dma_semaphore, #tpu.memory_space<semaphore_mem>>) src(%dma_wait3A_120 : memref<10000x64xbf16, #tpu.memory_space<hbm>>) dst(%arg12 : memref<125x64xbf16, #tpu.memory_space<vmem>>)
      "tpu.region"() ({
        %run_scoped3A = tpu.sem_alloc : memref<!tpu.dma_semaphore, #tpu.memory_space<semaphore_mem>>
        %dma_start3A_196 = arith.constant 0 : i32
        %dma_start3A_197 = tpu.memref_slice %arg8[%add3A_114, %dma_start3A_196] : memref<80x125xi32, #tpu.memory_space<vmem>> -> memref<1x125xi32, #tpu.memory_space<vmem>>
        %dma_start3A_198 = tpu.memref_squeeze %dma_start3A_197 : memref<1x125xi32, #tpu.memory_space<vmem>> -> memref<125xi32, #tpu.memory_space<vmem>>
        %dma_start3A_199 = arith.constant 0 : i32
        %dma_start3A_200 = arith.constant 0 : i32
        %dma_start3A_201 = tpu.memref_slice %arg17[%dma_start3A_199, %dma_start3A_200] : memref<10112x64xbf16, #tpu.memory_space<vmem_shared>> -> memref<10112x64xbf16, #tpu.memory_space<vmem_shared>>
        tpu.enqueue_indirect_dma source(%arg12 : memref<125x64xbf16, #tpu.memory_space<vmem>>) target(%dma_start3A_201 : memref<10112x64xbf16, #tpu.memory_space<vmem_shared>>) offsets(%dma_start3A_198 : memref<125xi32, #tpu.memory_space<vmem>>) semaphore(%run_scoped3A : memref<!tpu.dma_semaphore, #tpu.memory_space<semaphore_mem>>) {add = true}
        %dma_wait3A_202 = arith.constant 0 : i32
        %dma_wait3A_203 = tpu.memref_slice %arg8[%add3A_114, %dma_wait3A_202] : memref<80x125xi32, #tpu.memory_space<vmem>> -> memref<1x125xi32, #tpu.memory_space<vmem>>
        %dma_wait3A_204 = tpu.memref_squeeze %dma_wait3A_203 : memref<1x125xi32, #tpu.memory_space<vmem>> -> memref<125xi32, #tpu.memory_space<vmem>>
        %dma_wait3A_205 = arith.constant 0 : i32
        %dma_wait3A_206 = arith.constant 0 : i32
        %dma_wait3A_207 = tpu.memref_slice %arg17[%dma_wait3A_205, %dma_wait3A_206] : memref<10112x64xbf16, #tpu.memory_space<vmem_shared>> -> memref<10112x64xbf16, #tpu.memory_space<vmem_shared>>
        tpu.wait_indirect_dma semaphore(%run_scoped3A : memref<!tpu.dma_semaphore, #tpu.memory_space<semaphore_mem>>) src(%arg12 : memref<125x64xbf16, #tpu.memory_space<vmem>>) dst(%dma_wait3A_207 : memref<10112x64xbf16, #tpu.memory_space<vmem_shared>>)
        tpu.yield
      }) : () -> ()
      %add3A_121 = arith.constant 8 : i32
      %add3A_122 = arith.addi %add3A_114, %add3A_121 : i32
      %lt3A_123 = arith.constant 80 : i32
      %lt3A_124 = arith.cmpi slt, %add3A_122, %lt3A_123 : i32
      %convert_element_type3A_125 = arith.extui %lt3A_124 : i1 to i32
      %cond3A_126 = arith.constant 0 : i32
      %cond3A_127 = arith.cmpi ne, %convert_element_type3A_125, %cond3A_126 : i32
      scf.if %cond3A_127 {
        %add3A_196 = arith.constant 8 : i32
        %add3A_197 = arith.addi %add3A_114, %add3A_196 : i32
        %dma_start3A_198 = arith.constant 0 : i32
        %dma_start3A_199 = tpu.memref_slice %arg7[%add3A_197, %dma_start3A_198] : memref<80x125xi32, #tpu.memory_space<vmem>> -> memref<1x125xi32, #tpu.memory_space<vmem>>
        %dma_start3A_200 = tpu.memref_squeeze %dma_start3A_199 : memref<1x125xi32, #tpu.memory_space<vmem>> -> memref<125xi32, #tpu.memory_space<vmem>>
        %dma_start3A_201 = arith.constant 0 : i32
        %dma_start3A_202 = arith.constant 0 : i32
        %dma_start3A_203 = tpu.memref_slice %arg2[%dma_start3A_201, %dma_start3A_202] : memref<10000x64xbf16, #tpu.memory_space<hbm>> -> memref<10000x64xbf16, #tpu.memory_space<hbm>>
        tpu.enqueue_indirect_dma source(%dma_start3A_203 : memref<10000x64xbf16, #tpu.memory_space<hbm>>) target(%arg12 : memref<125x64xbf16, #tpu.memory_space<vmem>>) offsets(%dma_start3A_200 : memref<125xi32, #tpu.memory_space<vmem>>) semaphore(%arg21 : memref<!tpu.dma_semaphore, #tpu.memory_space<semaphore_mem>>)
      } else {
      }
      %mul3A_128 = arith.constant 8 : i32
      %mul3A_129 = arith.muli %mul3A_128, %scan3A_63 : i32
      %add3A_130 = arith.constant 4 : i32
      %add3A_131 = arith.addi %mul3A_129, %add3A_130 : i32
      %dma_wait3A_132 = arith.constant 0 : i32
      %dma_wait3A_133 = tpu.memref_slice %arg7[%add3A_131, %dma_wait3A_132] : memref<80x125xi32, #tpu.memory_space<vmem>> -> memref<1x125xi32, #tpu.memory_space<vmem>>
      %dma_wait3A_134 = tpu.memref_squeeze %dma_wait3A_133 : memref<1x125xi32, #tpu.memory_space<vmem>> -> memref<125xi32, #tpu.memory_space<vmem>>
      %dma_wait3A_135 = arith.constant 0 : i32
      %dma_wait3A_136 = arith.constant 0 : i32
      %dma_wait3A_137 = tpu.memref_slice %arg2[%dma_wait3A_135, %dma_wait3A_136] : memref<10000x64xbf16, #tpu.memory_space<hbm>> -> memref<10000x64xbf16, #tpu.memory_space<hbm>>
      tpu.wait_indirect_dma semaphore(%arg22 : memref<!tpu.dma_semaphore, #tpu.memory_space<semaphore_mem>>) src(%dma_wait3A_137 : memref<10000x64xbf16, #tpu.memory_space<hbm>>) dst(%arg13 : memref<125x64xbf16, #tpu.memory_space<vmem>>)
      "tpu.region"() ({
        %run_scoped3A = tpu.sem_alloc : memref<!tpu.dma_semaphore, #tpu.memory_space<semaphore_mem>>
        %dma_start3A_196 = arith.constant 0 : i32
        %dma_start3A_197 = tpu.memref_slice %arg8[%add3A_131, %dma_start3A_196] : memref<80x125xi32, #tpu.memory_space<vmem>> -> memref<1x125xi32, #tpu.memory_space<vmem>>
        %dma_start3A_198 = tpu.memref_squeeze %dma_start3A_197 : memref<1x125xi32, #tpu.memory_space<vmem>> -> memref<125xi32, #tpu.memory_space<vmem>>
        %dma_start3A_199 = arith.constant 0 : i32
        %dma_start3A_200 = arith.constant 0 : i32
        %dma_start3A_201 = tpu.memref_slice %arg17[%dma_start3A_199, %dma_start3A_200] : memref<10112x64xbf16, #tpu.memory_space<vmem_shared>> -> memref<10112x64xbf16, #tpu.memory_space<vmem_shared>>
        tpu.enqueue_indirect_dma source(%arg13 : memref<125x64xbf16, #tpu.memory_space<vmem>>) target(%dma_start3A_201 : memref<10112x64xbf16, #tpu.memory_space<vmem_shared>>) offsets(%dma_start3A_198 : memref<125xi32, #tpu.memory_space<vmem>>) semaphore(%run_scoped3A : memref<!tpu.dma_semaphore, #tpu.memory_space<semaphore_mem>>) {add = true}
        %dma_wait3A_202 = arith.constant 0 : i32
        %dma_wait3A_203 = tpu.memref_slice %arg8[%add3A_131, %dma_wait3A_202] : memref<80x125xi32, #tpu.memory_space<vmem>> -> memref<1x125xi32, #tpu.memory_space<vmem>>
        %dma_wait3A_204 = tpu.memref_squeeze %dma_wait3A_203 : memref<1x125xi32, #tpu.memory_space<vmem>> -> memref<125xi32, #tpu.memory_space<vmem>>
        %dma_wait3A_205 = arith.constant 0 : i32
        %dma_wait3A_206 = arith.constant 0 : i32
        %dma_wait3A_207 = tpu.memref_slice %arg17[%dma_wait3A_205, %dma_wait3A_206] : memref<10112x64xbf16, #tpu.memory_space<vmem_shared>> -> memref<10112x64xbf16, #tpu.memory_space<vmem_shared>>
        tpu.wait_indirect_dma semaphore(%run_scoped3A : memref<!tpu.dma_semaphore, #tpu.memory_space<semaphore_mem>>) src(%arg13 : memref<125x64xbf16, #tpu.memory_space<vmem>>) dst(%dma_wait3A_207 : memref<10112x64xbf16, #tpu.memory_space<vmem_shared>>)
        tpu.yield
      }) : () -> ()
      %add3A_138 = arith.constant 8 : i32
      %add3A_139 = arith.addi %add3A_131, %add3A_138 : i32
      %lt3A_140 = arith.constant 80 : i32
      %lt3A_141 = arith.cmpi slt, %add3A_139, %lt3A_140 : i32
      %convert_element_type3A_142 = arith.extui %lt3A_141 : i1 to i32
      %cond3A_143 = arith.constant 0 : i32
      %cond3A_144 = arith.cmpi ne, %convert_element_type3A_142, %cond3A_143 : i32
      scf.if %cond3A_144 {
        %add3A_196 = arith.constant 8 : i32
        %add3A_197 = arith.addi %add3A_131, %add3A_196 : i32
        %dma_start3A_198 = arith.constant 0 : i32
        %dma_start3A_199 = tpu.memref_slice %arg7[%add3A_197, %dma_start3A_198] : memref<80x125xi32, #tpu.memory_space<vmem>> -> memref<1x125xi32, #tpu.memory_space<vmem>>
        %dma_start3A_200 = tpu.memref_squeeze %dma_start3A_199 : memref<1x125xi32, #tpu.memory_space<vmem>> -> memref<125xi32, #tpu.memory_space<vmem>>
        %dma_start3A_201 = arith.constant 0 : i32
        %dma_start3A_202 = arith.constant 0 : i32
        %dma_start3A_203 = tpu.memref_slice %arg2[%dma_start3A_201, %dma_start3A_202] : memref<10000x64xbf16, #tpu.memory_space<hbm>> -> memref<10000x64xbf16, #tpu.memory_space<hbm>>
        tpu.enqueue_indirect_dma source(%dma_start3A_203 : memref<10000x64xbf16, #tpu.memory_space<hbm>>) target(%arg13 : memref<125x64xbf16, #tpu.memory_space<vmem>>) offsets(%dma_start3A_200 : memref<125xi32, #tpu.memory_space<vmem>>) semaphore(%arg22 : memref<!tpu.dma_semaphore, #tpu.memory_space<semaphore_mem>>)
      } else {
      }
      %mul3A_145 = arith.constant 8 : i32
      %mul3A_146 = arith.muli %mul3A_145, %scan3A_63 : i32
      %add3A_147 = arith.constant 5 : i32
      %add3A_148 = arith.addi %mul3A_146, %add3A_147 : i32
      %dma_wait3A_149 = arith.constant 0 : i32
      %dma_wait3A_150 = tpu.memref_slice %arg7[%add3A_148, %dma_wait3A_149] : memref<80x125xi32, #tpu.memory_space<vmem>> -> memref<1x125xi32, #tpu.memory_space<vmem>>
      %dma_wait3A_151 = tpu.memref_squeeze %dma_wait3A_150 : memref<1x125xi32, #tpu.memory_space<vmem>> -> memref<125xi32, #tpu.memory_space<vmem>>
      %dma_wait3A_152 = arith.constant 0 : i32
      %dma_wait3A_153 = arith.constant 0 : i32
      %dma_wait3A_154 = tpu.memref_slice %arg2[%dma_wait3A_152, %dma_wait3A_153] : memref<10000x64xbf16, #tpu.memory_space<hbm>> -> memref<10000x64xbf16, #tpu.memory_space<hbm>>
      tpu.wait_indirect_dma semaphore(%arg23 : memref<!tpu.dma_semaphore, #tpu.memory_space<semaphore_mem>>) src(%dma_wait3A_154 : memref<10000x64xbf16, #tpu.memory_space<hbm>>) dst(%arg14 : memref<125x64xbf16, #tpu.memory_space<vmem>>)
      "tpu.region"() ({
        %run_scoped3A = tpu.sem_alloc : memref<!tpu.dma_semaphore, #tpu.memory_space<semaphore_mem>>
        %dma_start3A_196 = arith.constant 0 : i32
        %dma_start3A_197 = tpu.memref_slice %arg8[%add3A_148, %dma_start3A_196] : memref<80x125xi32, #tpu.memory_space<vmem>> -> memref<1x125xi32, #tpu.memory_space<vmem>>
        %dma_start3A_198 = tpu.memref_squeeze %dma_start3A_197 : memref<1x125xi32, #tpu.memory_space<vmem>> -> memref<125xi32, #tpu.memory_space<vmem>>
        %dma_start3A_199 = arith.constant 0 : i32
        %dma_start3A_200 = arith.constant 0 : i32
        %dma_start3A_201 = tpu.memref_slice %arg17[%dma_start3A_199, %dma_start3A_200] : memref<10112x64xbf16, #tpu.memory_space<vmem_shared>> -> memref<10112x64xbf16, #tpu.memory_space<vmem_shared>>
        tpu.enqueue_indirect_dma source(%arg14 : memref<125x64xbf16, #tpu.memory_space<vmem>>) target(%dma_start3A_201 : memref<10112x64xbf16, #tpu.memory_space<vmem_shared>>) offsets(%dma_start3A_198 : memref<125xi32, #tpu.memory_space<vmem>>) semaphore(%run_scoped3A : memref<!tpu.dma_semaphore, #tpu.memory_space<semaphore_mem>>) {add = true}
        %dma_wait3A_202 = arith.constant 0 : i32
        %dma_wait3A_203 = tpu.memref_slice %arg8[%add3A_148, %dma_wait3A_202] : memref<80x125xi32, #tpu.memory_space<vmem>> -> memref<1x125xi32, #tpu.memory_space<vmem>>
        %dma_wait3A_204 = tpu.memref_squeeze %dma_wait3A_203 : memref<1x125xi32, #tpu.memory_space<vmem>> -> memref<125xi32, #tpu.memory_space<vmem>>
        %dma_wait3A_205 = arith.constant 0 : i32
        %dma_wait3A_206 = arith.constant 0 : i32
        %dma_wait3A_207 = tpu.memref_slice %arg17[%dma_wait3A_205, %dma_wait3A_206] : memref<10112x64xbf16, #tpu.memory_space<vmem_shared>> -> memref<10112x64xbf16, #tpu.memory_space<vmem_shared>>
        tpu.wait_indirect_dma semaphore(%run_scoped3A : memref<!tpu.dma_semaphore, #tpu.memory_space<semaphore_mem>>) src(%arg14 : memref<125x64xbf16, #tpu.memory_space<vmem>>) dst(%dma_wait3A_207 : memref<10112x64xbf16, #tpu.memory_space<vmem_shared>>)
        tpu.yield
      }) : () -> ()
      %add3A_155 = arith.constant 8 : i32
      %add3A_156 = arith.addi %add3A_148, %add3A_155 : i32
      %lt3A_157 = arith.constant 80 : i32
      %lt3A_158 = arith.cmpi slt, %add3A_156, %lt3A_157 : i32
      %convert_element_type3A_159 = arith.extui %lt3A_158 : i1 to i32
      %cond3A_160 = arith.constant 0 : i32
      %cond3A_161 = arith.cmpi ne, %convert_element_type3A_159, %cond3A_160 : i32
      scf.if %cond3A_161 {
        %add3A_196 = arith.constant 8 : i32
        %add3A_197 = arith.addi %add3A_148, %add3A_196 : i32
        %dma_start3A_198 = arith.constant 0 : i32
        %dma_start3A_199 = tpu.memref_slice %arg7[%add3A_197, %dma_start3A_198] : memref<80x125xi32, #tpu.memory_space<vmem>> -> memref<1x125xi32, #tpu.memory_space<vmem>>
        %dma_start3A_200 = tpu.memref_squeeze %dma_start3A_199 : memref<1x125xi32, #tpu.memory_space<vmem>> -> memref<125xi32, #tpu.memory_space<vmem>>
        %dma_start3A_201 = arith.constant 0 : i32
        %dma_start3A_202 = arith.constant 0 : i32
        %dma_start3A_203 = tpu.memref_slice %arg2[%dma_start3A_201, %dma_start3A_202] : memref<10000x64xbf16, #tpu.memory_space<hbm>> -> memref<10000x64xbf16, #tpu.memory_space<hbm>>
        tpu.enqueue_indirect_dma source(%dma_start3A_203 : memref<10000x64xbf16, #tpu.memory_space<hbm>>) target(%arg14 : memref<125x64xbf16, #tpu.memory_space<vmem>>) offsets(%dma_start3A_200 : memref<125xi32, #tpu.memory_space<vmem>>) semaphore(%arg23 : memref<!tpu.dma_semaphore, #tpu.memory_space<semaphore_mem>>)
      } else {
      }
      %mul3A_162 = arith.constant 8 : i32
      %mul3A_163 = arith.muli %mul3A_162, %scan3A_63 : i32
      %add3A_164 = arith.constant 6 : i32
      %add3A_165 = arith.addi %mul3A_163, %add3A_164 : i32
      %dma_wait3A_166 = arith.constant 0 : i32
      %dma_wait3A_167 = tpu.memref_slice %arg7[%add3A_165, %dma_wait3A_166] : memref<80x125xi32, #tpu.memory_space<vmem>> -> memref<1x125xi32, #tpu.memory_space<vmem>>
      %dma_wait3A_168 = tpu.memref_squeeze %dma_wait3A_167 : memref<1x125xi32, #tpu.memory_space<vmem>> -> memref<125xi32, #tpu.memory_space<vmem>>
      %dma_wait3A_169 = arith.constant 0 : i32
      %dma_wait3A_170 = arith.constant 0 : i32
      %dma_wait3A_171 = tpu.memref_slice %arg2[%dma_wait3A_169, %dma_wait3A_170] : memref<10000x64xbf16, #tpu.memory_space<hbm>> -> memref<10000x64xbf16, #tpu.memory_space<hbm>>
      tpu.wait_indirect_dma semaphore(%arg24 : memref<!tpu.dma_semaphore, #tpu.memory_space<semaphore_mem>>) src(%dma_wait3A_171 : memref<10000x64xbf16, #tpu.memory_space<hbm>>) dst(%arg15 : memref<125x64xbf16, #tpu.memory_space<vmem>>)
      "tpu.region"() ({
        %run_scoped3A = tpu.sem_alloc : memref<!tpu.dma_semaphore, #tpu.memory_space<semaphore_mem>>
        %dma_start3A_196 = arith.constant 0 : i32
        %dma_start3A_197 = tpu.memref_slice %arg8[%add3A_165, %dma_start3A_196] : memref<80x125xi32, #tpu.memory_space<vmem>> -> memref<1x125xi32, #tpu.memory_space<vmem>>
        %dma_start3A_198 = tpu.memref_squeeze %dma_start3A_197 : memref<1x125xi32, #tpu.memory_space<vmem>> -> memref<125xi32, #tpu.memory_space<vmem>>
        %dma_start3A_199 = arith.constant 0 : i32
        %dma_start3A_200 = arith.constant 0 : i32
        %dma_start3A_201 = tpu.memref_slice %arg17[%dma_start3A_199, %dma_start3A_200] : memref<10112x64xbf16, #tpu.memory_space<vmem_shared>> -> memref<10112x64xbf16, #tpu.memory_space<vmem_shared>>
        tpu.enqueue_indirect_dma source(%arg15 : memref<125x64xbf16, #tpu.memory_space<vmem>>) target(%dma_start3A_201 : memref<10112x64xbf16, #tpu.memory_space<vmem_shared>>) offsets(%dma_start3A_198 : memref<125xi32, #tpu.memory_space<vmem>>) semaphore(%run_scoped3A : memref<!tpu.dma_semaphore, #tpu.memory_space<semaphore_mem>>) {add = true}
        %dma_wait3A_202 = arith.constant 0 : i32
        %dma_wait3A_203 = tpu.memref_slice %arg8[%add3A_165, %dma_wait3A_202] : memref<80x125xi32, #tpu.memory_space<vmem>> -> memref<1x125xi32, #tpu.memory_space<vmem>>
        %dma_wait3A_204 = tpu.memref_squeeze %dma_wait3A_203 : memref<1x125xi32, #tpu.memory_space<vmem>> -> memref<125xi32, #tpu.memory_space<vmem>>
        %dma_wait3A_205 = arith.constant 0 : i32
        %dma_wait3A_206 = arith.constant 0 : i32
        %dma_wait3A_207 = tpu.memref_slice %arg17[%dma_wait3A_205, %dma_wait3A_206] : memref<10112x64xbf16, #tpu.memory_space<vmem_shared>> -> memref<10112x64xbf16, #tpu.memory_space<vmem_shared>>
        tpu.wait_indirect_dma semaphore(%run_scoped3A : memref<!tpu.dma_semaphore, #tpu.memory_space<semaphore_mem>>) src(%arg15 : memref<125x64xbf16, #tpu.memory_space<vmem>>) dst(%dma_wait3A_207 : memref<10112x64xbf16, #tpu.memory_space<vmem_shared>>)
        tpu.yield
      }) : () -> ()
      %add3A_172 = arith.constant 8 : i32
      %add3A_173 = arith.addi %add3A_165, %add3A_172 : i32
      %lt3A_174 = arith.constant 80 : i32
      %lt3A_175 = arith.cmpi slt, %add3A_173, %lt3A_174 : i32
      %convert_element_type3A_176 = arith.extui %lt3A_175 : i1 to i32
      %cond3A_177 = arith.constant 0 : i32
      %cond3A_178 = arith.cmpi ne, %convert_element_type3A_176, %cond3A_177 : i32
      scf.if %cond3A_178 {
        %add3A_196 = arith.constant 8 : i32
        %add3A_197 = arith.addi %add3A_165, %add3A_196 : i32
        %dma_start3A_198 = arith.constant 0 : i32
        %dma_start3A_199 = tpu.memref_slice %arg7[%add3A_197, %dma_start3A_198] : memref<80x125xi32, #tpu.memory_space<vmem>> -> memref<1x125xi32, #tpu.memory_space<vmem>>
        %dma_start3A_200 = tpu.memref_squeeze %dma_start3A_199 : memref<1x125xi32, #tpu.memory_space<vmem>> -> memref<125xi32, #tpu.memory_space<vmem>>
        %dma_start3A_201 = arith.constant 0 : i32
        %dma_start3A_202 = arith.constant 0 : i32
        %dma_start3A_203 = tpu.memref_slice %arg2[%dma_start3A_201, %dma_start3A_202] : memref<10000x64xbf16, #tpu.memory_space<hbm>> -> memref<10000x64xbf16, #tpu.memory_space<hbm>>
        tpu.enqueue_indirect_dma source(%dma_start3A_203 : memref<10000x64xbf16, #tpu.memory_space<hbm>>) target(%arg15 : memref<125x64xbf16, #tpu.memory_space<vmem>>) offsets(%dma_start3A_200 : memref<125xi32, #tpu.memory_space<vmem>>) semaphore(%arg24 : memref<!tpu.dma_semaphore, #tpu.memory_space<semaphore_mem>>)
      } else {
      }
      %mul3A_179 = arith.constant 8 : i32
      %mul3A_180 = arith.muli %mul3A_179, %scan3A_63 : i32
      %add3A_181 = arith.constant 7 : i32
      %add3A_182 = arith.addi %mul3A_180, %add3A_181 : i32
      %dma_wait3A_183 = arith.constant 0 : i32
      %dma_wait3A_184 = tpu.memref_slice %arg7[%add3A_182, %dma_wait3A_183] : memref<80x125xi32, #tpu.memory_space<vmem>> -> memref<1x125xi32, #tpu.memory_space<vmem>>
      %dma_wait3A_185 = tpu.memref_squeeze %dma_wait3A_184 : memref<1x125xi32, #tpu.memory_space<vmem>> -> memref<125xi32, #tpu.memory_space<vmem>>
      %dma_wait3A_186 = arith.constant 0 : i32
      %dma_wait3A_187 = arith.constant 0 : i32
      %dma_wait3A_188 = tpu.memref_slice %arg2[%dma_wait3A_186, %dma_wait3A_187] : memref<10000x64xbf16, #tpu.memory_space<hbm>> -> memref<10000x64xbf16, #tpu.memory_space<hbm>>
      tpu.wait_indirect_dma semaphore(%arg25 : memref<!tpu.dma_semaphore, #tpu.memory_space<semaphore_mem>>) src(%dma_wait3A_188 : memref<10000x64xbf16, #tpu.memory_space<hbm>>) dst(%arg16 : memref<125x64xbf16, #tpu.memory_space<vmem>>)
      "tpu.region"() ({
        %run_scoped3A = tpu.sem_alloc : memref<!tpu.dma_semaphore, #tpu.memory_space<semaphore_mem>>
        %dma_start3A_196 = arith.constant 0 : i32
        %dma_start3A_197 = tpu.memref_slice %arg8[%add3A_182, %dma_start3A_196] : memref<80x125xi32, #tpu.memory_space<vmem>> -> memref<1x125xi32, #tpu.memory_space<vmem>>
        %dma_start3A_198 = tpu.memref_squeeze %dma_start3A_197 : memref<1x125xi32, #tpu.memory_space<vmem>> -> memref<125xi32, #tpu.memory_space<vmem>>
        %dma_start3A_199 = arith.constant 0 : i32
        %dma_start3A_200 = arith.constant 0 : i32
        %dma_start3A_201 = tpu.memref_slice %arg17[%dma_start3A_199, %dma_start3A_200] : memref<10112x64xbf16, #tpu.memory_space<vmem_shared>> -> memref<10112x64xbf16, #tpu.memory_space<vmem_shared>>
        tpu.enqueue_indirect_dma source(%arg16 : memref<125x64xbf16, #tpu.memory_space<vmem>>) target(%dma_start3A_201 : memref<10112x64xbf16, #tpu.memory_space<vmem_shared>>) offsets(%dma_start3A_198 : memref<125xi32, #tpu.memory_space<vmem>>) semaphore(%run_scoped3A : memref<!tpu.dma_semaphore, #tpu.memory_space<semaphore_mem>>) {add = true}
        %dma_wait3A_202 = arith.constant 0 : i32
        %dma_wait3A_203 = tpu.memref_slice %arg8[%add3A_182, %dma_wait3A_202] : memref<80x125xi32, #tpu.memory_space<vmem>> -> memref<1x125xi32, #tpu.memory_space<vmem>>
        %dma_wait3A_204 = tpu.memref_squeeze %dma_wait3A_203 : memref<1x125xi32, #tpu.memory_space<vmem>> -> memref<125xi32, #tpu.memory_space<vmem>>
        %dma_wait3A_205 = arith.constant 0 : i32
        %dma_wait3A_206 = arith.constant 0 : i32
        %dma_wait3A_207 = tpu.memref_slice %arg17[%dma_wait3A_205, %dma_wait3A_206] : memref<10112x64xbf16, #tpu.memory_space<vmem_shared>> -> memref<10112x64xbf16, #tpu.memory_space<vmem_shared>>
        tpu.wait_indirect_dma semaphore(%run_scoped3A : memref<!tpu.dma_semaphore, #tpu.memory_space<semaphore_mem>>) src(%arg16 : memref<125x64xbf16, #tpu.memory_space<vmem>>) dst(%dma_wait3A_207 : memref<10112x64xbf16, #tpu.memory_space<vmem_shared>>)
        tpu.yield
      }) : () -> ()
      %add3A_189 = arith.constant 8 : i32
      %add3A_190 = arith.addi %add3A_182, %add3A_189 : i32
      %lt3A_191 = arith.constant 80 : i32
      %lt3A_192 = arith.cmpi slt, %add3A_190, %lt3A_191 : i32
      %convert_element_type3A_193 = arith.extui %lt3A_192 : i1 to i32
      %cond3A_194 = arith.constant 0 : i32
      %cond3A_195 = arith.cmpi ne, %convert_element_type3A_193, %cond3A_194 : i32
      scf.if %cond3A_195 {
        %add3A_196 = arith.constant 8 : i32
        %add3A_197 = arith.addi %add3A_182, %add3A_196 : i32
        %dma_start3A_198 = arith.constant 0 : i32
        %dma_start3A_199 = tpu.memref_slice %arg7[%add3A_197, %dma_start3A_198] : memref<80x125xi32, #tpu.memory_space<vmem>> -> memref<1x125xi32, #tpu.memory_space<vmem>>
        %dma_start3A_200 = tpu.memref_squeeze %dma_start3A_199 : memref<1x125xi32, #tpu.memory_space<vmem>> -> memref<125xi32, #tpu.memory_space<vmem>>
        %dma_start3A_201 = arith.constant 0 : i32
        %dma_start3A_202 = arith.constant 0 : i32
        %dma_start3A_203 = tpu.memref_slice %arg2[%dma_start3A_201, %dma_start3A_202] : memref<10000x64xbf16, #tpu.memory_space<hbm>> -> memref<10000x64xbf16, #tpu.memory_space<hbm>>
        tpu.enqueue_indirect_dma source(%dma_start3A_203 : memref<10000x64xbf16, #tpu.memory_space<hbm>>) target(%arg16 : memref<125x64xbf16, #tpu.memory_space<vmem>>) offsets(%dma_start3A_200 : memref<125xi32, #tpu.memory_space<vmem>>) semaphore(%arg25 : memref<!tpu.dma_semaphore, #tpu.memory_space<semaphore_mem>>)
      } else {
      }
    }
    %scan3A_61 = arith.constant 10 : i32
    %barrier3A_62 = arith.constant 0 : index
    tpu.barrier barrier_id(%barrier3A_62)
    "tpu.region"() ({
      %run_scoped3A = tpu.sem_alloc : memref<!tpu.dma_semaphore, #tpu.memory_space<semaphore_mem>>
      %dma_start3A_63 = arith.constant 0 : i32
      %dma_start3A_64 = tpu.memref_slice %arg6[%mul3A_1, %dma_start3A_63] : memref<10112x64xbf16, #tpu.memory_space<hbm>> -> memref<632x64xbf16, #tpu.memory_space<hbm>>
      %dma_start3A_65 = arith.constant 0 : i32
      %dma_start3A_66 = tpu.memref_slice %arg17[%mul3A_1, %dma_start3A_65] : memref<10112x64xbf16, #tpu.memory_space<vmem_shared>> -> memref<632x64xbf16, #tpu.memory_space<vmem_shared>>
      tpu.enqueue_dma source(%dma_start3A_66 : memref<632x64xbf16, #tpu.memory_space<vmem_shared>>) target(%dma_start3A_64 : memref<632x64xbf16, #tpu.memory_space<hbm>>) target_semaphore(%run_scoped3A : memref<!tpu.dma_semaphore, #tpu.memory_space<semaphore_mem>>)
      %dma_wait3A = arith.constant 0 : i32
      %dma_wait3A_67 = tpu.memref_slice %arg6[%mul3A_1, %dma_wait3A] : memref<10112x64xbf16, #tpu.memory_space<hbm>> -> memref<632x64xbf16, #tpu.memory_space<hbm>>
      %dma_wait3A_68 = arith.constant 0 : i32
      %dma_wait3A_69 = tpu.memref_slice %arg17[%mul3A_1, %dma_wait3A_68] : memref<10112x64xbf16, #tpu.memory_space<vmem_shared>> -> memref<632x64xbf16, #tpu.memory_space<vmem_shared>>
      tpu.wait_dma2 semaphore(%run_scoped3A : memref<!tpu.dma_semaphore, #tpu.memory_space<semaphore_mem>>) src(%dma_wait3A_69 : memref<632x64xbf16, #tpu.memory_space<vmem_shared>>) dst(%dma_wait3A_67 : memref<632x64xbf16, #tpu.memory_space<hbm>>)
      tpu.yield
    }) : () -> ()
    return
  }
}

#map = affine_map<(d0, d1) -> (0, 0)>
#map1 = affine_map<(d0, d1) -> (0, 0, 0)>
module attributes {stable_mosaic.version = 14 : i64} {
  func.func @scatter_kernel(%arg0: i32, %arg1: i32, %arg2: memref<10000x64xbf16, #tpu.memory_space<hbm>>, %arg3: memref<32x80x125xi32, #tpu.memory_space<hbm>>, %arg4: memref<32x80x125xi32, #tpu.memory_space<hbm>>, %arg5: memref<10112x64xbf16, #tpu.memory_space<hbm>>, %arg6: memref<10112x64xbf16, #tpu.memory_space<hbm>>, %arg7: memref<80x125xi32, #tpu.memory_space<vmem>>, %arg8: memref<80x125xi32, #tpu.memory_space<vmem>>, %arg9: memref<125x64xbf16, #tpu.memory_space<vmem>>, %arg10: memref<125x64xbf16, #tpu.memory_space<vmem>>, %arg11: memref<125x64xbf16, #tpu.memory_space<vmem>>, %arg12: memref<125x64xbf16, #tpu.memory_space<vmem>>, %arg13: memref<125x64xbf16, #tpu.memory_space<vmem>>, %arg14: memref<125x64xbf16, #tpu.memory_space<vmem>>, %arg15: memref<125x64xbf16, #tpu.memory_space<vmem>>, %arg16: memref<125x64xbf16, #tpu.memory_space<vmem>>, %arg17: memref<10112x64xbf16, #tpu.memory_space<vmem_shared>>, %arg18: memref<!tpu.dma_semaphore, #tpu.memory_space<semaphore_mem>>, %arg19: memref<!tpu.dma_semaphore, #tpu.memory_space<semaphore_mem>>, %arg20: memref<!tpu.dma_semaphore, #tpu.memory_space<semaphore_mem>>, %arg21: memref<!tpu.dma_semaphore, #tpu.memory_space<semaphore_mem>>, %arg22: memref<!tpu.dma_semaphore, #tpu.memory_space<semaphore_mem>>, %arg23: memref<!tpu.dma_semaphore, #tpu.memory_space<semaphore_mem>>, %arg24: memref<!tpu.dma_semaphore, #tpu.memory_space<semaphore_mem>>, %arg25: memref<!tpu.dma_semaphore, #tpu.memory_space<semaphore_mem>>) attributes {dimension_semantics = [#tpu.dimension_semantics<core_parallel>, #tpu.dimension_semantics<subcore_parallel>], iteration_bounds = array<i64: 1, 16>, scalar_prefetch = 0 : i64, scratch_operands = 19 : i64, tpu.core_type = #tpu.core_type<sc_vector_subcore>, window_params = [{transform_indices = #map}, {transform_indices = #map1}, {transform_indices = #map1}, {transform_indices = #map}, {transform_indices = #map}]} {
    %add3A = arith.constant 0 : i32
    %add3A_0 = arith.addi %add3A, %arg1 : i32
    "tpu.region"() ({
      %run_scoped3A = tpu.sem_alloc : memref<!tpu.dma_semaphore, #tpu.memory_space<semaphore_mem>>
      %dma_start3A_63 = arith.constant 0 : i32
      %dma_start3A_64 = arith.constant 0 : i32
      %dma_start3A_65 = tpu.memref_slice %arg3[%add3A_0, %dma_start3A_63, %dma_start3A_64] : memref<32x80x125xi32, #tpu.memory_space<hbm>> -> memref<1x80x125xi32, #tpu.memory_space<hbm>>
      %dma_start3A_66 = tpu.memref_squeeze %dma_start3A_65 : memref<1x80x125xi32, #tpu.memory_space<hbm>> -> memref<80x125xi32, #tpu.memory_space<hbm>>
      %dma_start3A_67 = arith.constant 0 : i32
      %dma_start3A_68 = arith.constant 0 : i32
      %dma_start3A_69 = tpu.memref_slice %arg3[%add3A_0, %dma_start3A_67, %dma_start3A_68] : memref<32x80x125xi32, #tpu.memory_space<hbm>> -> memref<1x80x125xi32, #tpu.memory_space<hbm>>
      %dma_start3A_70 = tpu.memref_squeeze %dma_start3A_69 : memref<1x80x125xi32, #tpu.memory_space<hbm>> -> memref<80x125xi32, #tpu.memory_space<hbm>>
      tpu.enqueue_dma source(%dma_start3A_70 : memref<80x125xi32, #tpu.memory_space<hbm>>) target(%arg7 : memref<80x125xi32, #tpu.memory_space<vmem>>) target_semaphore(%run_scoped3A : memref<!tpu.dma_semaphore, #tpu.memory_space<semaphore_mem>>)
      %dma_wait3A = arith.constant 0 : i32
      %dma_wait3A_71 = arith.constant 0 : i32
      %dma_wait3A_72 = tpu.memref_slice %arg3[%add3A_0, %dma_wait3A, %dma_wait3A_71] : memref<32x80x125xi32, #tpu.memory_space<hbm>> -> memref<1x80x125xi32, #tpu.memory_space<hbm>>
      %dma_wait3A_73 = tpu.memref_squeeze %dma_wait3A_72 : memref<1x80x125xi32, #tpu.memory_space<hbm>> -> memref<80x125xi32, #tpu.memory_space<hbm>>
      %dma_wait3A_74 = arith.constant 0 : i32
      %dma_wait3A_75 = arith.constant 0 : i32
      %dma_wait3A_76 = tpu.memref_slice %arg3[%add3A_0, %dma_wait3A_74, %dma_wait3A_75] : memref<32x80x125xi32, #tpu.memory_space<hbm>> -> memref<1x80x125xi32, #tpu.memory_space<hbm>>
      %dma_wait3A_77 = tpu.memref_squeeze %dma_wait3A_76 : memref<1x80x125xi32, #tpu.memory_space<hbm>> -> memref<80x125xi32, #tpu.memory_space<hbm>>
      tpu.wait_dma2 semaphore(%run_scoped3A : memref<!tpu.dma_semaphore, #tpu.memory_space<semaphore_mem>>) src(%dma_wait3A_77 : memref<80x125xi32, #tpu.memory_space<hbm>>) dst(%arg7 : memref<80x125xi32, #tpu.memory_space<vmem>>)
      tpu.yield
    }) : () -> ()
    "tpu.region"() ({
      %run_scoped3A = tpu.sem_alloc : memref<!tpu.dma_semaphore, #tpu.memory_space<semaphore_mem>>
      %dma_start3A_63 = arith.constant 0 : i32
      %dma_start3A_64 = arith.constant 0 : i32
      %dma_start3A_65 = tpu.memref_slice %arg4[%add3A_0, %dma_start3A_63, %dma_start3A_64] : memref<32x80x125xi32, #tpu.memory_space<hbm>> -> memref<1x80x125xi32, #tpu.memory_space<hbm>>
      %dma_start3A_66 = tpu.memref_squeeze %dma_start3A_65 : memref<1x80x125xi32, #tpu.memory_space<hbm>> -> memref<80x125xi32, #tpu.memory_space<hbm>>
      %dma_start3A_67 = arith.constant 0 : i32
      %dma_start3A_68 = arith.constant 0 : i32
      %dma_start3A_69 = tpu.memref_slice %arg4[%add3A_0, %dma_start3A_67, %dma_start3A_68] : memref<32x80x125xi32, #tpu.memory_space<hbm>> -> memref<1x80x125xi32, #tpu.memory_space<hbm>>
      %dma_start3A_70 = tpu.memref_squeeze %dma_start3A_69 : memref<1x80x125xi32, #tpu.memory_space<hbm>> -> memref<80x125xi32, #tpu.memory_space<hbm>>
      tpu.enqueue_dma source(%dma_start3A_70 : memref<80x125xi32, #tpu.memory_space<hbm>>) target(%arg8 : memref<80x125xi32, #tpu.memory_space<vmem>>) target_semaphore(%run_scoped3A : memref<!tpu.dma_semaphore, #tpu.memory_space<semaphore_mem>>)
      %dma_wait3A = arith.constant 0 : i32
      %dma_wait3A_71 = arith.constant 0 : i32
      %dma_wait3A_72 = tpu.memref_slice %arg4[%add3A_0, %dma_wait3A, %dma_wait3A_71] : memref<32x80x125xi32, #tpu.memory_space<hbm>> -> memref<1x80x125xi32, #tpu.memory_space<hbm>>
      %dma_wait3A_73 = tpu.memref_squeeze %dma_wait3A_72 : memref<1x80x125xi32, #tpu.memory_space<hbm>> -> memref<80x125xi32, #tpu.memory_space<hbm>>
      %dma_wait3A_74 = arith.constant 0 : i32
      %dma_wait3A_75 = arith.constant 0 : i32
      %dma_wait3A_76 = tpu.memref_slice %arg4[%add3A_0, %dma_wait3A_74, %dma_wait3A_75] : memref<32x80x125xi32, #tpu.memory_space<hbm>> -> memref<1x80x125xi32, #tpu.memory_space<hbm>>
      %dma_wait3A_77 = tpu.memref_squeeze %dma_wait3A_76 : memref<1x80x125xi32, #tpu.memory_space<hbm>> -> memref<80x125xi32, #tpu.memory_space<hbm>>
      tpu.wait_dma2 semaphore(%run_scoped3A : memref<!tpu.dma_semaphore, #tpu.memory_space<semaphore_mem>>) src(%dma_wait3A_77 : memref<80x125xi32, #tpu.memory_space<hbm>>) dst(%arg8 : memref<80x125xi32, #tpu.memory_space<vmem>>)
      tpu.yield
    }) : () -> ()
    %mul3A = arith.constant 632 : i32
    %mul3A_1 = arith.muli %arg1, %mul3A : i32
    "tpu.region"() ({
      %run_scoped3A = tpu.sem_alloc : memref<!tpu.dma_semaphore, #tpu.memory_space<semaphore_mem>>
      %dma_start3A_63 = arith.constant 0 : i32
      %dma_start3A_64 = tpu.memref_slice %arg17[%mul3A_1, %dma_start3A_63] : memref<10112x64xbf16, #tpu.memory_space<vmem_shared>> -> memref<632x64xbf16, #tpu.memory_space<vmem_shared>>
      %dma_start3A_65 = arith.constant 0 : i32
      %dma_start3A_66 = tpu.memref_slice %arg5[%mul3A_1, %dma_start3A_65] : memref<10112x64xbf16, #tpu.memory_space<hbm>> -> memref<632x64xbf16, #tpu.memory_space<hbm>>
      tpu.enqueue_dma source(%dma_start3A_66 : memref<632x64xbf16, #tpu.memory_space<hbm>>) target(%dma_start3A_64 : memref<632x64xbf16, #tpu.memory_space<vmem_shared>>) target_semaphore(%run_scoped3A : memref<!tpu.dma_semaphore, #tpu.memory_space<semaphore_mem>>)
      %dma_wait3A = arith.constant 0 : i32
      %dma_wait3A_67 = tpu.memref_slice %arg17[%mul3A_1, %dma_wait3A] : memref<10112x64xbf16, #tpu.memory_space<vmem_shared>> -> memref<632x64xbf16, #tpu.memory_space<vmem_shared>>
      %dma_wait3A_68 = arith.constant 0 : i32
      %dma_wait3A_69 = tpu.memref_slice %arg5[%mul3A_1, %dma_wait3A_68] : memref<10112x64xbf16, #tpu.memory_space<hbm>> -> memref<632x64xbf16, #tpu.memory_space<hbm>>
      tpu.wait_dma2 semaphore(%run_scoped3A : memref<!tpu.dma_semaphore, #tpu.memory_space<semaphore_mem>>) src(%dma_wait3A_69 : memref<632x64xbf16, #tpu.memory_space<hbm>>) dst(%dma_wait3A_67 : memref<632x64xbf16, #tpu.memory_space<vmem_shared>>)
      tpu.yield
    }) : () -> ()
    %barrier3A = arith.constant 0 : index
    tpu.barrier barrier_id(%barrier3A)
    %dma_start3A = arith.constant 0 : i32
    %dma_start3A_2 = arith.constant 0 : i32
    %dma_start3A_3 = tpu.memref_slice %arg7[%dma_start3A, %dma_start3A_2] : memref<80x125xi32, #tpu.memory_space<vmem>> -> memref<1x125xi32, #tpu.memory_space<vmem>>
    %dma_start3A_4 = tpu.memref_squeeze %dma_start3A_3 : memref<1x125xi32, #tpu.memory_space<vmem>> -> memref<125xi32, #tpu.memory_space<vmem>>
    %dma_start3A_5 = arith.constant 0 : i32
    %dma_start3A_6 = arith.constant 0 : i32
    %dma_start3A_7 = tpu.memref_slice %arg2[%dma_start3A_5, %dma_start3A_6] : memref<10000x64xbf16, #tpu.memory_space<hbm>> -> memref<10000x64xbf16, #tpu.memory_space<hbm>>
    tpu.enqueue_indirect_dma source(%dma_start3A_7 : memref<10000x64xbf16, #tpu.memory_space<hbm>>) target(%arg9 : memref<125x64xbf16, #tpu.memory_space<vmem>>) offsets(%dma_start3A_4 : memref<125xi32, #tpu.memory_space<vmem>>) semaphore(%arg18 : memref<!tpu.dma_semaphore, #tpu.memory_space<semaphore_mem>>)
    %dma_start3A_8 = arith.constant 1 : i32
    %dma_start3A_9 = arith.constant 0 : i32
    %dma_start3A_10 = tpu.memref_slice %arg7[%dma_start3A_8, %dma_start3A_9] : memref<80x125xi32, #tpu.memory_space<vmem>> -> memref<1x125xi32, #tpu.memory_space<vmem>>
    %dma_start3A_11 = tpu.memref_squeeze %dma_start3A_10 : memref<1x125xi32, #tpu.memory_space<vmem>> -> memref<125xi32, #tpu.memory_space<vmem>>
    %dma_start3A_12 = arith.constant 0 : i32
    %dma_start3A_13 = arith.constant 0 : i32
    %dma_start3A_14 = tpu.memref_slice %arg2[%dma_start3A_12, %dma_start3A_13] : memref<10000x64xbf16, #tpu.memory_space<hbm>> -> memref<10000x64xbf16, #tpu.memory_space<hbm>>
    tpu.enqueue_indirect_dma source(%dma_start3A_14 : memref<10000x64xbf16, #tpu.memory_space<hbm>>) target(%arg10 : memref<125x64xbf16, #tpu.memory_space<vmem>>) offsets(%dma_start3A_11 : memref<125xi32, #tpu.memory_space<vmem>>) semaphore(%arg19 : memref<!tpu.dma_semaphore, #tpu.memory_space<semaphore_mem>>)
    %dma_start3A_15 = arith.constant 2 : i32
    %dma_start3A_16 = arith.constant 0 : i32
    %dma_start3A_17 = tpu.memref_slice %arg7[%dma_start3A_15, %dma_start3A_16] : memref<80x125xi32, #tpu.memory_space<vmem>> -> memref<1x125xi32, #tpu.memory_space<vmem>>
    %dma_start3A_18 = tpu.memref_squeeze %dma_start3A_17 : memref<1x125xi32, #tpu.memory_space<vmem>> -> memref<125xi32, #tpu.memory_space<vmem>>
    %dma_start3A_19 = arith.constant 0 : i32
    %dma_start3A_20 = arith.constant 0 : i32
    %dma_start3A_21 = tpu.memref_slice %arg2[%dma_start3A_19, %dma_start3A_20] : memref<10000x64xbf16, #tpu.memory_space<hbm>> -> memref<10000x64xbf16, #tpu.memory_space<hbm>>
    tpu.enqueue_indirect_dma source(%dma_start3A_21 : memref<10000x64xbf16, #tpu.memory_space<hbm>>) target(%arg11 : memref<125x64xbf16, #tpu.memory_space<vmem>>) offsets(%dma_start3A_18 : memref<125xi32, #tpu.memory_space<vmem>>) semaphore(%arg20 : memref<!tpu.dma_semaphore, #tpu.memory_space<semaphore_mem>>)
    %dma_start3A_22 = arith.constant 3 : i32
    %dma_start3A_23 = arith.constant 0 : i32
    %dma_start3A_24 = tpu.memref_slice %arg7[%dma_start3A_22, %dma_start3A_23] : memref<80x125xi32, #tpu.memory_space<vmem>> -> memref<1x125xi32, #tpu.memory_space<vmem>>
    %dma_start3A_25 = tpu.memref_squeeze %dma_start3A_24 : memref<1x125xi32, #tpu.memory_space<vmem>> -> memref<125xi32, #tpu.memory_space<vmem>>
    %dma_start3A_26 = arith.constant 0 : i32
    %dma_start3A_27 = arith.constant 0 : i32
    %dma_start3A_28 = tpu.memref_slice %arg2[%dma_start3A_26, %dma_start3A_27] : memref<10000x64xbf16, #tpu.memory_space<hbm>> -> memref<10000x64xbf16, #tpu.memory_space<hbm>>
    tpu.enqueue_indirect_dma source(%dma_start3A_28 : memref<10000x64xbf16, #tpu.memory_space<hbm>>) target(%arg12 : memref<125x64xbf16, #tpu.memory_space<vmem>>) offsets(%dma_start3A_25 : memref<125xi32, #tpu.memory_space<vmem>>) semaphore(%arg21 : memref<!tpu.dma_semaphore, #tpu.memory_space<semaphore_mem>>)
    %dma_start3A_29 = arith.constant 4 : i32
    %dma_start3A_30 = arith.constant 0 : i32
    %dma_start3A_31 = tpu.memref_slice %arg7[%dma_start3A_29, %dma_start3A_30] : memref<80x125xi32, #tpu.memory_space<vmem>> -> memref<1x125xi32, #tpu.memory_space<vmem>>
    %dma_start3A_32 = tpu.memref_squeeze %dma_start3A_31 : memref<1x125xi32, #tpu.memory_space<vmem>> -> memref<125xi32, #tpu.memory_space<vmem>>
    %dma_start3A_33 = arith.constant 0 : i32
    %dma_start3A_34 = arith.constant 0 : i32
    %dma_start3A_35 = tpu.memref_slice %arg2[%dma_start3A_33, %dma_start3A_34] : memref<10000x64xbf16, #tpu.memory_space<hbm>> -> memref<10000x64xbf16, #tpu.memory_space<hbm>>
    tpu.enqueue_indirect_dma source(%dma_start3A_35 : memref<10000x64xbf16, #tpu.memory_space<hbm>>) target(%arg13 : memref<125x64xbf16, #tpu.memory_space<vmem>>) offsets(%dma_start3A_32 : memref<125xi32, #tpu.memory_space<vmem>>) semaphore(%arg22 : memref<!tpu.dma_semaphore, #tpu.memory_space<semaphore_mem>>)
    %dma_start3A_36 = arith.constant 5 : i32
    %dma_start3A_37 = arith.constant 0 : i32
    %dma_start3A_38 = tpu.memref_slice %arg7[%dma_start3A_36, %dma_start3A_37] : memref<80x125xi32, #tpu.memory_space<vmem>> -> memref<1x125xi32, #tpu.memory_space<vmem>>
    %dma_start3A_39 = tpu.memref_squeeze %dma_start3A_38 : memref<1x125xi32, #tpu.memory_space<vmem>> -> memref<125xi32, #tpu.memory_space<vmem>>
    %dma_start3A_40 = arith.constant 0 : i32
    %dma_start3A_41 = arith.constant 0 : i32
    %dma_start3A_42 = tpu.memref_slice %arg2[%dma_start3A_40, %dma_start3A_41] : memref<10000x64xbf16, #tpu.memory_space<hbm>> -> memref<10000x64xbf16, #tpu.memory_space<hbm>>
    tpu.enqueue_indirect_dma source(%dma_start3A_42 : memref<10000x64xbf16, #tpu.memory_space<hbm>>) target(%arg14 : memref<125x64xbf16, #tpu.memory_space<vmem>>) offsets(%dma_start3A_39 : memref<125xi32, #tpu.memory_space<vmem>>) semaphore(%arg23 : memref<!tpu.dma_semaphore, #tpu.memory_space<semaphore_mem>>)
    %dma_start3A_43 = arith.constant 6 : i32
    %dma_start3A_44 = arith.constant 0 : i32
    %dma_start3A_45 = tpu.memref_slice %arg7[%dma_start3A_43, %dma_start3A_44] : memref<80x125xi32, #tpu.memory_space<vmem>> -> memref<1x125xi32, #tpu.memory_space<vmem>>
    %dma_start3A_46 = tpu.memref_squeeze %dma_start3A_45 : memref<1x125xi32, #tpu.memory_space<vmem>> -> memref<125xi32, #tpu.memory_space<vmem>>
    %dma_start3A_47 = arith.constant 0 : i32
    %dma_start3A_48 = arith.constant 0 : i32
    %dma_start3A_49 = tpu.memref_slice %arg2[%dma_start3A_47, %dma_start3A_48] : memref<10000x64xbf16, #tpu.memory_space<hbm>> -> memref<10000x64xbf16, #tpu.memory_space<hbm>>
    tpu.enqueue_indirect_dma source(%dma_start3A_49 : memref<10000x64xbf16, #tpu.memory_space<hbm>>) target(%arg15 : memref<125x64xbf16, #tpu.memory_space<vmem>>) offsets(%dma_start3A_46 : memref<125xi32, #tpu.memory_space<vmem>>) semaphore(%arg24 : memref<!tpu.dma_semaphore, #tpu.memory_space<semaphore_mem>>)
    %dma_start3A_50 = arith.constant 7 : i32
    %dma_start3A_51 = arith.constant 0 : i32
    %dma_start3A_52 = tpu.memref_slice %arg7[%dma_start3A_50, %dma_start3A_51] : memref<80x125xi32, #tpu.memory_space<vmem>> -> memref<1x125xi32, #tpu.memory_space<vmem>>
    %dma_start3A_53 = tpu.memref_squeeze %dma_start3A_52 : memref<1x125xi32, #tpu.memory_space<vmem>> -> memref<125xi32, #tpu.memory_space<vmem>>
    %dma_start3A_54 = arith.constant 0 : i32
    %dma_start3A_55 = arith.constant 0 : i32
    %dma_start3A_56 = tpu.memref_slice %arg2[%dma_start3A_54, %dma_start3A_55] : memref<10000x64xbf16, #tpu.memory_space<hbm>> -> memref<10000x64xbf16, #tpu.memory_space<hbm>>
    tpu.enqueue_indirect_dma source(%dma_start3A_56 : memref<10000x64xbf16, #tpu.memory_space<hbm>>) target(%arg16 : memref<125x64xbf16, #tpu.memory_space<vmem>>) offsets(%dma_start3A_53 : memref<125xi32, #tpu.memory_space<vmem>>) semaphore(%arg25 : memref<!tpu.dma_semaphore, #tpu.memory_space<semaphore_mem>>)
    %scan3A = arith.constant 0 : i32
    %scan3A_57 = arith.constant 0 : i32
    %scan3A_58 = arith.constant 10 : i32
    %scan3A_59 = arith.addi %scan3A_57, %scan3A_58 : i32
    %scan3A_60 = arith.constant 1 : i32
    scf.for %scan3A_63 = %scan3A_57 to %scan3A_59 step %scan3A_60  : i32 {
      %mul3A_64 = arith.constant 8 : i32
      %mul3A_65 = arith.muli %mul3A_64, %scan3A_63 : i32
      %add3A_66 = arith.constant 0 : i32
      %add3A_67 = arith.addi %mul3A_65, %add3A_66 : i32
      %dma_wait3A = arith.constant 0 : i32
      %dma_wait3A_68 = tpu.memref_slice %arg7[%add3A_67, %dma_wait3A] : memref<80x125xi32, #tpu.memory_space<vmem>> -> memref<1x125xi32, #tpu.memory_space<vmem>>
      %dma_wait3A_69 = tpu.memref_squeeze %dma_wait3A_68 : memref<1x125xi32, #tpu.memory_space<vmem>> -> memref<125xi32, #tpu.memory_space<vmem>>
      %dma_wait3A_70 = arith.constant 0 : i32
      %dma_wait3A_71 = arith.constant 0 : i32
      %dma_wait3A_72 = tpu.memref_slice %arg2[%dma_wait3A_70, %dma_wait3A_71] : memref<10000x64xbf16, #tpu.memory_space<hbm>> -> memref<10000x64xbf16, #tpu.memory_space<hbm>>
      tpu.wait_indirect_dma semaphore(%arg18 : memref<!tpu.dma_semaphore, #tpu.memory_space<semaphore_mem>>) src(%dma_wait3A_72 : memref<10000x64xbf16, #tpu.memory_space<hbm>>) dst(%arg9 : memref<125x64xbf16, #tpu.memory_space<vmem>>)
      "tpu.region"() ({
        %run_scoped3A = tpu.sem_alloc : memref<!tpu.dma_semaphore, #tpu.memory_space<semaphore_mem>>
        %dma_start3A_196 = arith.constant 0 : i32
        %dma_start3A_197 = tpu.memref_slice %arg8[%add3A_67, %dma_start3A_196] : memref<80x125xi32, #tpu.memory_space<vmem>> -> memref<1x125xi32, #tpu.memory_space<vmem>>
        %dma_start3A_198 = tpu.memref_squeeze %dma_start3A_197 : memref<1x125xi32, #tpu.memory_space<vmem>> -> memref<125xi32, #tpu.memory_space<vmem>>
        %dma_start3A_199 = arith.constant 0 : i32
        %dma_start3A_200 = arith.constant 0 : i32
        %dma_start3A_201 = tpu.memref_slice %arg17[%dma_start3A_199, %dma_start3A_200] : memref<10112x64xbf16, #tpu.memory_space<vmem_shared>> -> memref<10112x64xbf16, #tpu.memory_space<vmem_shared>>
        tpu.enqueue_indirect_dma source(%arg9 : memref<125x64xbf16, #tpu.memory_space<vmem>>) target(%dma_start3A_201 : memref<10112x64xbf16, #tpu.memory_space<vmem_shared>>) offsets(%dma_start3A_198 : memref<125xi32, #tpu.memory_space<vmem>>) semaphore(%run_scoped3A : memref<!tpu.dma_semaphore, #tpu.memory_space<semaphore_mem>>) {add = true}
        %dma_wait3A_202 = arith.constant 0 : i32
        %dma_wait3A_203 = tpu.memref_slice %arg8[%add3A_67, %dma_wait3A_202] : memref<80x125xi32, #tpu.memory_space<vmem>> -> memref<1x125xi32, #tpu.memory_space<vmem>>
        %dma_wait3A_204 = tpu.memref_squeeze %dma_wait3A_203 : memref<1x125xi32, #tpu.memory_space<vmem>> -> memref<125xi32, #tpu.memory_space<vmem>>
        %dma_wait3A_205 = arith.constant 0 : i32
        %dma_wait3A_206 = arith.constant 0 : i32
        %dma_wait3A_207 = tpu.memref_slice %arg17[%dma_wait3A_205, %dma_wait3A_206] : memref<10112x64xbf16, #tpu.memory_space<vmem_shared>> -> memref<10112x64xbf16, #tpu.memory_space<vmem_shared>>
        tpu.wait_indirect_dma semaphore(%run_scoped3A : memref<!tpu.dma_semaphore, #tpu.memory_space<semaphore_mem>>) src(%arg9 : memref<125x64xbf16, #tpu.memory_space<vmem>>) dst(%dma_wait3A_207 : memref<10112x64xbf16, #tpu.memory_space<vmem_shared>>)
        tpu.yield
      }) : () -> ()
      %add3A_73 = arith.constant 8 : i32
      %add3A_74 = arith.addi %add3A_67, %add3A_73 : i32
      %lt3A = arith.constant 80 : i32
      %lt3A_75 = arith.cmpi slt, %add3A_74, %lt3A : i32
      %convert_element_type3A = arith.extui %lt3A_75 : i1 to i32
      %cond3A = arith.constant 0 : i32
      %cond3A_76 = arith.cmpi ne, %convert_element_type3A, %cond3A : i32
      scf.if %cond3A_76 {
        %add3A_196 = arith.constant 8 : i32
        %add3A_197 = arith.addi %add3A_67, %add3A_196 : i32
        %dma_start3A_198 = arith.constant 0 : i32
        %dma_start3A_199 = tpu.memref_slice %arg7[%add3A_197, %dma_start3A_198] : memref<80x125xi32, #tpu.memory_space<vmem>> -> memref<1x125xi32, #tpu.memory_space<vmem>>
        %dma_start3A_200 = tpu.memref_squeeze %dma_start3A_199 : memref<1x125xi32, #tpu.memory_space<vmem>> -> memref<125xi32, #tpu.memory_space<vmem>>
        %dma_start3A_201 = arith.constant 0 : i32
        %dma_start3A_202 = arith.constant 0 : i32
        %dma_start3A_203 = tpu.memref_slice %arg2[%dma_start3A_201, %dma_start3A_202] : memref<10000x64xbf16, #tpu.memory_space<hbm>> -> memref<10000x64xbf16, #tpu.memory_space<hbm>>
        tpu.enqueue_indirect_dma source(%dma_start3A_203 : memref<10000x64xbf16, #tpu.memory_space<hbm>>) target(%arg9 : memref<125x64xbf16, #tpu.memory_space<vmem>>) offsets(%dma_start3A_200 : memref<125xi32, #tpu.memory_space<vmem>>) semaphore(%arg18 : memref<!tpu.dma_semaphore, #tpu.memory_space<semaphore_mem>>)
      } else {
      }
      %mul3A_77 = arith.constant 8 : i32
      %mul3A_78 = arith.muli %mul3A_77, %scan3A_63 : i32
      %add3A_79 = arith.constant 1 : i32
      %add3A_80 = arith.addi %mul3A_78, %add3A_79 : i32
      %dma_wait3A_81 = arith.constant 0 : i32
      %dma_wait3A_82 = tpu.memref_slice %arg7[%add3A_80, %dma_wait3A_81] : memref<80x125xi32, #tpu.memory_space<vmem>> -> memref<1x125xi32, #tpu.memory_space<vmem>>
      %dma_wait3A_83 = tpu.memref_squeeze %dma_wait3A_82 : memref<1x125xi32, #tpu.memory_space<vmem>> -> memref<125xi32, #tpu.memory_space<vmem>>
      %dma_wait3A_84 = arith.constant 0 : i32
      %dma_wait3A_85 = arith.constant 0 : i32
      %dma_wait3A_86 = tpu.memref_slice %arg2[%dma_wait3A_84, %dma_wait3A_85] : memref<10000x64xbf16, #tpu.memory_space<hbm>> -> memref<10000x64xbf16, #tpu.memory_space<hbm>>
      tpu.wait_indirect_dma semaphore(%arg19 : memref<!tpu.dma_semaphore, #tpu.memory_space<semaphore_mem>>) src(%dma_wait3A_86 : memref<10000x64xbf16, #tpu.memory_space<hbm>>) dst(%arg10 : memref<125x64xbf16, #tpu.memory_space<vmem>>)
      "tpu.region"() ({
        %run_scoped3A = tpu.sem_alloc : memref<!tpu.dma_semaphore, #tpu.memory_space<semaphore_mem>>
        %dma_start3A_196 = arith.constant 0 : i32
        %dma_start3A_197 = tpu.memref_slice %arg8[%add3A_80, %dma_start3A_196] : memref<80x125xi32, #tpu.memory_space<vmem>> -> memref<1x125xi32, #tpu.memory_space<vmem>>
        %dma_start3A_198 = tpu.memref_squeeze %dma_start3A_197 : memref<1x125xi32, #tpu.memory_space<vmem>> -> memref<125xi32, #tpu.memory_space<vmem>>
        %dma_start3A_199 = arith.constant 0 : i32
        %dma_start3A_200 = arith.constant 0 : i32
        %dma_start3A_201 = tpu.memref_slice %arg17[%dma_start3A_199, %dma_start3A_200] : memref<10112x64xbf16, #tpu.memory_space<vmem_shared>> -> memref<10112x64xbf16, #tpu.memory_space<vmem_shared>>
        tpu.enqueue_indirect_dma source(%arg10 : memref<125x64xbf16, #tpu.memory_space<vmem>>) target(%dma_start3A_201 : memref<10112x64xbf16, #tpu.memory_space<vmem_shared>>) offsets(%dma_start3A_198 : memref<125xi32, #tpu.memory_space<vmem>>) semaphore(%run_scoped3A : memref<!tpu.dma_semaphore, #tpu.memory_space<semaphore_mem>>) {add = true}
        %dma_wait3A_202 = arith.constant 0 : i32
        %dma_wait3A_203 = tpu.memref_slice %arg8[%add3A_80, %dma_wait3A_202] : memref<80x125xi32, #tpu.memory_space<vmem>> -> memref<1x125xi32, #tpu.memory_space<vmem>>
        %dma_wait3A_204 = tpu.memref_squeeze %dma_wait3A_203 : memref<1x125xi32, #tpu.memory_space<vmem>> -> memref<125xi32, #tpu.memory_space<vmem>>
        %dma_wait3A_205 = arith.constant 0 : i32
        %dma_wait3A_206 = arith.constant 0 : i32
        %dma_wait3A_207 = tpu.memref_slice %arg17[%dma_wait3A_205, %dma_wait3A_206] : memref<10112x64xbf16, #tpu.memory_space<vmem_shared>> -> memref<10112x64xbf16, #tpu.memory_space<vmem_shared>>
        tpu.wait_indirect_dma semaphore(%run_scoped3A : memref<!tpu.dma_semaphore, #tpu.memory_space<semaphore_mem>>) src(%arg10 : memref<125x64xbf16, #tpu.memory_space<vmem>>) dst(%dma_wait3A_207 : memref<10112x64xbf16, #tpu.memory_space<vmem_shared>>)
        tpu.yield
      }) : () -> ()
      %add3A_87 = arith.constant 8 : i32
      %add3A_88 = arith.addi %add3A_80, %add3A_87 : i32
      %lt3A_89 = arith.constant 80 : i32
      %lt3A_90 = arith.cmpi slt, %add3A_88, %lt3A_89 : i32
      %convert_element_type3A_91 = arith.extui %lt3A_90 : i1 to i32
      %cond3A_92 = arith.constant 0 : i32
      %cond3A_93 = arith.cmpi ne, %convert_element_type3A_91, %cond3A_92 : i32
      scf.if %cond3A_93 {
        %add3A_196 = arith.constant 8 : i32
        %add3A_197 = arith.addi %add3A_80, %add3A_196 : i32
        %dma_start3A_198 = arith.constant 0 : i32
        %dma_start3A_199 = tpu.memref_slice %arg7[%add3A_197, %dma_start3A_198] : memref<80x125xi32, #tpu.memory_space<vmem>> -> memref<1x125xi32, #tpu.memory_space<vmem>>
        %dma_start3A_200 = tpu.memref_squeeze %dma_start3A_199 : memref<1x125xi32, #tpu.memory_space<vmem>> -> memref<125xi32, #tpu.memory_space<vmem>>
        %dma_start3A_201 = arith.constant 0 : i32
        %dma_start3A_202 = arith.constant 0 : i32
        %dma_start3A_203 = tpu.memref_slice %arg2[%dma_start3A_201, %dma_start3A_202] : memref<10000x64xbf16, #tpu.memory_space<hbm>> -> memref<10000x64xbf16, #tpu.memory_space<hbm>>
        tpu.enqueue_indirect_dma source(%dma_start3A_203 : memref<10000x64xbf16, #tpu.memory_space<hbm>>) target(%arg10 : memref<125x64xbf16, #tpu.memory_space<vmem>>) offsets(%dma_start3A_200 : memref<125xi32, #tpu.memory_space<vmem>>) semaphore(%arg19 : memref<!tpu.dma_semaphore, #tpu.memory_space<semaphore_mem>>)
      } else {
      }
      %mul3A_94 = arith.constant 8 : i32
      %mul3A_95 = arith.muli %mul3A_94, %scan3A_63 : i32
      %add3A_96 = arith.constant 2 : i32
      %add3A_97 = arith.addi %mul3A_95, %add3A_96 : i32
      %dma_wait3A_98 = arith.constant 0 : i32
      %dma_wait3A_99 = tpu.memref_slice %arg7[%add3A_97, %dma_wait3A_98] : memref<80x125xi32, #tpu.memory_space<vmem>> -> memref<1x125xi32, #tpu.memory_space<vmem>>
      %dma_wait3A_100 = tpu.memref_squeeze %dma_wait3A_99 : memref<1x125xi32, #tpu.memory_space<vmem>> -> memref<125xi32, #tpu.memory_space<vmem>>
      %dma_wait3A_101 = arith.constant 0 : i32
      %dma_wait3A_102 = arith.constant 0 : i32
      %dma_wait3A_103 = tpu.memref_slice %arg2[%dma_wait3A_101, %dma_wait3A_102] : memref<10000x64xbf16, #tpu.memory_space<hbm>> -> memref<10000x64xbf16, #tpu.memory_space<hbm>>
      tpu.wait_indirect_dma semaphore(%arg20 : memref<!tpu.dma_semaphore, #tpu.memory_space<semaphore_mem>>) src(%dma_wait3A_103 : memref<10000x64xbf16, #tpu.memory_space<hbm>>) dst(%arg11 : memref<125x64xbf16, #tpu.memory_space<vmem>>)
      "tpu.region"() ({
        %run_scoped3A = tpu.sem_alloc : memref<!tpu.dma_semaphore, #tpu.memory_space<semaphore_mem>>
        %dma_start3A_196 = arith.constant 0 : i32
        %dma_start3A_197 = tpu.memref_slice %arg8[%add3A_97, %dma_start3A_196] : memref<80x125xi32, #tpu.memory_space<vmem>> -> memref<1x125xi32, #tpu.memory_space<vmem>>
        %dma_start3A_198 = tpu.memref_squeeze %dma_start3A_197 : memref<1x125xi32, #tpu.memory_space<vmem>> -> memref<125xi32, #tpu.memory_space<vmem>>
        %dma_start3A_199 = arith.constant 0 : i32
        %dma_start3A_200 = arith.constant 0 : i32
        %dma_start3A_201 = tpu.memref_slice %arg17[%dma_start3A_199, %dma_start3A_200] : memref<10112x64xbf16, #tpu.memory_space<vmem_shared>> -> memref<10112x64xbf16, #tpu.memory_space<vmem_shared>>
        tpu.enqueue_indirect_dma source(%arg11 : memref<125x64xbf16, #tpu.memory_space<vmem>>) target(%dma_start3A_201 : memref<10112x64xbf16, #tpu.memory_space<vmem_shared>>) offsets(%dma_start3A_198 : memref<125xi32, #tpu.memory_space<vmem>>) semaphore(%run_scoped3A : memref<!tpu.dma_semaphore, #tpu.memory_space<semaphore_mem>>) {add = true}
        %dma_wait3A_202 = arith.constant 0 : i32
        %dma_wait3A_203 = tpu.memref_slice %arg8[%add3A_97, %dma_wait3A_202] : memref<80x125xi32, #tpu.memory_space<vmem>> -> memref<1x125xi32, #tpu.memory_space<vmem>>
        %dma_wait3A_204 = tpu.memref_squeeze %dma_wait3A_203 : memref<1x125xi32, #tpu.memory_space<vmem>> -> memref<125xi32, #tpu.memory_space<vmem>>
        %dma_wait3A_205 = arith.constant 0 : i32
        %dma_wait3A_206 = arith.constant 0 : i32
        %dma_wait3A_207 = tpu.memref_slice %arg17[%dma_wait3A_205, %dma_wait3A_206] : memref<10112x64xbf16, #tpu.memory_space<vmem_shared>> -> memref<10112x64xbf16, #tpu.memory_space<vmem_shared>>
        tpu.wait_indirect_dma semaphore(%run_scoped3A : memref<!tpu.dma_semaphore, #tpu.memory_space<semaphore_mem>>) src(%arg11 : memref<125x64xbf16, #tpu.memory_space<vmem>>) dst(%dma_wait3A_207 : memref<10112x64xbf16, #tpu.memory_space<vmem_shared>>)
        tpu.yield
      }) : () -> ()
      %add3A_104 = arith.constant 8 : i32
      %add3A_105 = arith.addi %add3A_97, %add3A_104 : i32
      %lt3A_106 = arith.constant 80 : i32
      %lt3A_107 = arith.cmpi slt, %add3A_105, %lt3A_106 : i32
      %convert_element_type3A_108 = arith.extui %lt3A_107 : i1 to i32
      %cond3A_109 = arith.constant 0 : i32
      %cond3A_110 = arith.cmpi ne, %convert_element_type3A_108, %cond3A_109 : i32
      scf.if %cond3A_110 {
        %add3A_196 = arith.constant 8 : i32
        %add3A_197 = arith.addi %add3A_97, %add3A_196 : i32
        %dma_start3A_198 = arith.constant 0 : i32
        %dma_start3A_199 = tpu.memref_slice %arg7[%add3A_197, %dma_start3A_198] : memref<80x125xi32, #tpu.memory_space<vmem>> -> memref<1x125xi32, #tpu.memory_space<vmem>>
        %dma_start3A_200 = tpu.memref_squeeze %dma_start3A_199 : memref<1x125xi32, #tpu.memory_space<vmem>> -> memref<125xi32, #tpu.memory_space<vmem>>
        %dma_start3A_201 = arith.constant 0 : i32
        %dma_start3A_202 = arith.constant 0 : i32
        %dma_start3A_203 = tpu.memref_slice %arg2[%dma_start3A_201, %dma_start3A_202] : memref<10000x64xbf16, #tpu.memory_space<hbm>> -> memref<10000x64xbf16, #tpu.memory_space<hbm>>
        tpu.enqueue_indirect_dma source(%dma_start3A_203 : memref<10000x64xbf16, #tpu.memory_space<hbm>>) target(%arg11 : memref<125x64xbf16, #tpu.memory_space<vmem>>) offsets(%dma_start3A_200 : memref<125xi32, #tpu.memory_space<vmem>>) semaphore(%arg20 : memref<!tpu.dma_semaphore, #tpu.memory_space<semaphore_mem>>)
      } else {
      }
      %mul3A_111 = arith.constant 8 : i32
      %mul3A_112 = arith.muli %mul3A_111, %scan3A_63 : i32
      %add3A_113 = arith.constant 3 : i32
      %add3A_114 = arith.addi %mul3A_112, %add3A_113 : i32
      %dma_wait3A_115 = arith.constant 0 : i32
      %dma_wait3A_116 = tpu.memref_slice %arg7[%add3A_114, %dma_wait3A_115] : memref<80x125xi32, #tpu.memory_space<vmem>> -> memref<1x125xi32, #tpu.memory_space<vmem>>
      %dma_wait3A_117 = tpu.memref_squeeze %dma_wait3A_116 : memref<1x125xi32, #tpu.memory_space<vmem>> -> memref<125xi32, #tpu.memory_space<vmem>>
      %dma_wait3A_118 = arith.constant 0 : i32
      %dma_wait3A_119 = arith.constant 0 : i32
      %dma_wait3A_120 = tpu.memref_slice %arg2[%dma_wait3A_118, %dma_wait3A_119] : memref<10000x64xbf16, #tpu.memory_space<hbm>> -> memref<10000x64xbf16, #tpu.memory_space<hbm>>
      tpu.wait_indirect_dma semaphore(%arg21 : memref<!tpu.dma_semaphore, #tpu.memory_space<semaphore_mem>>) src(%dma_wait3A_120 : memref<10000x64xbf16, #tpu.memory_space<hbm>>) dst(%arg12 : memref<125x64xbf16, #tpu.memory_space<vmem>>)
      "tpu.region"() ({
        %run_scoped3A = tpu.sem_alloc : memref<!tpu.dma_semaphore, #tpu.memory_space<semaphore_mem>>
        %dma_start3A_196 = arith.constant 0 : i32
        %dma_start3A_197 = tpu.memref_slice %arg8[%add3A_114, %dma_start3A_196] : memref<80x125xi32, #tpu.memory_space<vmem>> -> memref<1x125xi32, #tpu.memory_space<vmem>>
        %dma_start3A_198 = tpu.memref_squeeze %dma_start3A_197 : memref<1x125xi32, #tpu.memory_space<vmem>> -> memref<125xi32, #tpu.memory_space<vmem>>
        %dma_start3A_199 = arith.constant 0 : i32
        %dma_start3A_200 = arith.constant 0 : i32
        %dma_start3A_201 = tpu.memref_slice %arg17[%dma_start3A_199, %dma_start3A_200] : memref<10112x64xbf16, #tpu.memory_space<vmem_shared>> -> memref<10112x64xbf16, #tpu.memory_space<vmem_shared>>
        tpu.enqueue_indirect_dma source(%arg12 : memref<125x64xbf16, #tpu.memory_space<vmem>>) target(%dma_start3A_201 : memref<10112x64xbf16, #tpu.memory_space<vmem_shared>>) offsets(%dma_start3A_198 : memref<125xi32, #tpu.memory_space<vmem>>) semaphore(%run_scoped3A : memref<!tpu.dma_semaphore, #tpu.memory_space<semaphore_mem>>) {add = true}
        %dma_wait3A_202 = arith.constant 0 : i32
        %dma_wait3A_203 = tpu.memref_slice %arg8[%add3A_114, %dma_wait3A_202] : memref<80x125xi32, #tpu.memory_space<vmem>> -> memref<1x125xi32, #tpu.memory_space<vmem>>
        %dma_wait3A_204 = tpu.memref_squeeze %dma_wait3A_203 : memref<1x125xi32, #tpu.memory_space<vmem>> -> memref<125xi32, #tpu.memory_space<vmem>>
        %dma_wait3A_205 = arith.constant 0 : i32
        %dma_wait3A_206 = arith.constant 0 : i32
        %dma_wait3A_207 = tpu.memref_slice %arg17[%dma_wait3A_205, %dma_wait3A_206] : memref<10112x64xbf16, #tpu.memory_space<vmem_shared>> -> memref<10112x64xbf16, #tpu.memory_space<vmem_shared>>
        tpu.wait_indirect_dma semaphore(%run_scoped3A : memref<!tpu.dma_semaphore, #tpu.memory_space<semaphore_mem>>) src(%arg12 : memref<125x64xbf16, #tpu.memory_space<vmem>>) dst(%dma_wait3A_207 : memref<10112x64xbf16, #tpu.memory_space<vmem_shared>>)
        tpu.yield
      }) : () -> ()
      %add3A_121 = arith.constant 8 : i32
      %add3A_122 = arith.addi %add3A_114, %add3A_121 : i32
      %lt3A_123 = arith.constant 80 : i32
      %lt3A_124 = arith.cmpi slt, %add3A_122, %lt3A_123 : i32
      %convert_element_type3A_125 = arith.extui %lt3A_124 : i1 to i32
      %cond3A_126 = arith.constant 0 : i32
      %cond3A_127 = arith.cmpi ne, %convert_element_type3A_125, %cond3A_126 : i32
      scf.if %cond3A_127 {
        %add3A_196 = arith.constant 8 : i32
        %add3A_197 = arith.addi %add3A_114, %add3A_196 : i32
        %dma_start3A_198 = arith.constant 0 : i32
        %dma_start3A_199 = tpu.memref_slice %arg7[%add3A_197, %dma_start3A_198] : memref<80x125xi32, #tpu.memory_space<vmem>> -> memref<1x125xi32, #tpu.memory_space<vmem>>
        %dma_start3A_200 = tpu.memref_squeeze %dma_start3A_199 : memref<1x125xi32, #tpu.memory_space<vmem>> -> memref<125xi32, #tpu.memory_space<vmem>>
        %dma_start3A_201 = arith.constant 0 : i32
        %dma_start3A_202 = arith.constant 0 : i32
        %dma_start3A_203 = tpu.memref_slice %arg2[%dma_start3A_201, %dma_start3A_202] : memref<10000x64xbf16, #tpu.memory_space<hbm>> -> memref<10000x64xbf16, #tpu.memory_space<hbm>>
        tpu.enqueue_indirect_dma source(%dma_start3A_203 : memref<10000x64xbf16, #tpu.memory_space<hbm>>) target(%arg12 : memref<125x64xbf16, #tpu.memory_space<vmem>>) offsets(%dma_start3A_200 : memref<125xi32, #tpu.memory_space<vmem>>) semaphore(%arg21 : memref<!tpu.dma_semaphore, #tpu.memory_space<semaphore_mem>>)
      } else {
      }
      %mul3A_128 = arith.constant 8 : i32
      %mul3A_129 = arith.muli %mul3A_128, %scan3A_63 : i32
      %add3A_130 = arith.constant 4 : i32
      %add3A_131 = arith.addi %mul3A_129, %add3A_130 : i32
      %dma_wait3A_132 = arith.constant 0 : i32
      %dma_wait3A_133 = tpu.memref_slice %arg7[%add3A_131, %dma_wait3A_132] : memref<80x125xi32, #tpu.memory_space<vmem>> -> memref<1x125xi32, #tpu.memory_space<vmem>>
      %dma_wait3A_134 = tpu.memref_squeeze %dma_wait3A_133 : memref<1x125xi32, #tpu.memory_space<vmem>> -> memref<125xi32, #tpu.memory_space<vmem>>
      %dma_wait3A_135 = arith.constant 0 : i32
      %dma_wait3A_136 = arith.constant 0 : i32
      %dma_wait3A_137 = tpu.memref_slice %arg2[%dma_wait3A_135, %dma_wait3A_136] : memref<10000x64xbf16, #tpu.memory_space<hbm>> -> memref<10000x64xbf16, #tpu.memory_space<hbm>>
      tpu.wait_indirect_dma semaphore(%arg22 : memref<!tpu.dma_semaphore, #tpu.memory_space<semaphore_mem>>) src(%dma_wait3A_137 : memref<10000x64xbf16, #tpu.memory_space<hbm>>) dst(%arg13 : memref<125x64xbf16, #tpu.memory_space<vmem>>)
      "tpu.region"() ({
        %run_scoped3A = tpu.sem_alloc : memref<!tpu.dma_semaphore, #tpu.memory_space<semaphore_mem>>
        %dma_start3A_196 = arith.constant 0 : i32
        %dma_start3A_197 = tpu.memref_slice %arg8[%add3A_131, %dma_start3A_196] : memref<80x125xi32, #tpu.memory_space<vmem>> -> memref<1x125xi32, #tpu.memory_space<vmem>>
        %dma_start3A_198 = tpu.memref_squeeze %dma_start3A_197 : memref<1x125xi32, #tpu.memory_space<vmem>> -> memref<125xi32, #tpu.memory_space<vmem>>
        %dma_start3A_199 = arith.constant 0 : i32
        %dma_start3A_200 = arith.constant 0 : i32
        %dma_start3A_201 = tpu.memref_slice %arg17[%dma_start3A_199, %dma_start3A_200] : memref<10112x64xbf16, #tpu.memory_space<vmem_shared>> -> memref<10112x64xbf16, #tpu.memory_space<vmem_shared>>
        tpu.enqueue_indirect_dma source(%arg13 : memref<125x64xbf16, #tpu.memory_space<vmem>>) target(%dma_start3A_201 : memref<10112x64xbf16, #tpu.memory_space<vmem_shared>>) offsets(%dma_start3A_198 : memref<125xi32, #tpu.memory_space<vmem>>) semaphore(%run_scoped3A : memref<!tpu.dma_semaphore, #tpu.memory_space<semaphore_mem>>) {add = true}
        %dma_wait3A_202 = arith.constant 0 : i32
        %dma_wait3A_203 = tpu.memref_slice %arg8[%add3A_131, %dma_wait3A_202] : memref<80x125xi32, #tpu.memory_space<vmem>> -> memref<1x125xi32, #tpu.memory_space<vmem>>
        %dma_wait3A_204 = tpu.memref_squeeze %dma_wait3A_203 : memref<1x125xi32, #tpu.memory_space<vmem>> -> memref<125xi32, #tpu.memory_space<vmem>>
        %dma_wait3A_205 = arith.constant 0 : i32
        %dma_wait3A_206 = arith.constant 0 : i32
        %dma_wait3A_207 = tpu.memref_slice %arg17[%dma_wait3A_205, %dma_wait3A_206] : memref<10112x64xbf16, #tpu.memory_space<vmem_shared>> -> memref<10112x64xbf16, #tpu.memory_space<vmem_shared>>
        tpu.wait_indirect_dma semaphore(%run_scoped3A : memref<!tpu.dma_semaphore, #tpu.memory_space<semaphore_mem>>) src(%arg13 : memref<125x64xbf16, #tpu.memory_space<vmem>>) dst(%dma_wait3A_207 : memref<10112x64xbf16, #tpu.memory_space<vmem_shared>>)
        tpu.yield
      }) : () -> ()
      %add3A_138 = arith.constant 8 : i32
      %add3A_139 = arith.addi %add3A_131, %add3A_138 : i32
      %lt3A_140 = arith.constant 80 : i32
      %lt3A_141 = arith.cmpi slt, %add3A_139, %lt3A_140 : i32
      %convert_element_type3A_142 = arith.extui %lt3A_141 : i1 to i32
      %cond3A_143 = arith.constant 0 : i32
      %cond3A_144 = arith.cmpi ne, %convert_element_type3A_142, %cond3A_143 : i32
      scf.if %cond3A_144 {
        %add3A_196 = arith.constant 8 : i32
        %add3A_197 = arith.addi %add3A_131, %add3A_196 : i32
        %dma_start3A_198 = arith.constant 0 : i32
        %dma_start3A_199 = tpu.memref_slice %arg7[%add3A_197, %dma_start3A_198] : memref<80x125xi32, #tpu.memory_space<vmem>> -> memref<1x125xi32, #tpu.memory_space<vmem>>
        %dma_start3A_200 = tpu.memref_squeeze %dma_start3A_199 : memref<1x125xi32, #tpu.memory_space<vmem>> -> memref<125xi32, #tpu.memory_space<vmem>>
        %dma_start3A_201 = arith.constant 0 : i32
        %dma_start3A_202 = arith.constant 0 : i32
        %dma_start3A_203 = tpu.memref_slice %arg2[%dma_start3A_201, %dma_start3A_202] : memref<10000x64xbf16, #tpu.memory_space<hbm>> -> memref<10000x64xbf16, #tpu.memory_space<hbm>>
        tpu.enqueue_indirect_dma source(%dma_start3A_203 : memref<10000x64xbf16, #tpu.memory_space<hbm>>) target(%arg13 : memref<125x64xbf16, #tpu.memory_space<vmem>>) offsets(%dma_start3A_200 : memref<125xi32, #tpu.memory_space<vmem>>) semaphore(%arg22 : memref<!tpu.dma_semaphore, #tpu.memory_space<semaphore_mem>>)
      } else {
      }
      %mul3A_145 = arith.constant 8 : i32
      %mul3A_146 = arith.muli %mul3A_145, %scan3A_63 : i32
      %add3A_147 = arith.constant 5 : i32
      %add3A_148 = arith.addi %mul3A_146, %add3A_147 : i32
      %dma_wait3A_149 = arith.constant 0 : i32
      %dma_wait3A_150 = tpu.memref_slice %arg7[%add3A_148, %dma_wait3A_149] : memref<80x125xi32, #tpu.memory_space<vmem>> -> memref<1x125xi32, #tpu.memory_space<vmem>>
      %dma_wait3A_151 = tpu.memref_squeeze %dma_wait3A_150 : memref<1x125xi32, #tpu.memory_space<vmem>> -> memref<125xi32, #tpu.memory_space<vmem>>
      %dma_wait3A_152 = arith.constant 0 : i32
      %dma_wait3A_153 = arith.constant 0 : i32
      %dma_wait3A_154 = tpu.memref_slice %arg2[%dma_wait3A_152, %dma_wait3A_153] : memref<10000x64xbf16, #tpu.memory_space<hbm>> -> memref<10000x64xbf16, #tpu.memory_space<hbm>>
      tpu.wait_indirect_dma semaphore(%arg23 : memref<!tpu.dma_semaphore, #tpu.memory_space<semaphore_mem>>) src(%dma_wait3A_154 : memref<10000x64xbf16, #tpu.memory_space<hbm>>) dst(%arg14 : memref<125x64xbf16, #tpu.memory_space<vmem>>)
      "tpu.region"() ({
        %run_scoped3A = tpu.sem_alloc : memref<!tpu.dma_semaphore, #tpu.memory_space<semaphore_mem>>
        %dma_start3A_196 = arith.constant 0 : i32
        %dma_start3A_197 = tpu.memref_slice %arg8[%add3A_148, %dma_start3A_196] : memref<80x125xi32, #tpu.memory_space<vmem>> -> memref<1x125xi32, #tpu.memory_space<vmem>>
        %dma_start3A_198 = tpu.memref_squeeze %dma_start3A_197 : memref<1x125xi32, #tpu.memory_space<vmem>> -> memref<125xi32, #tpu.memory_space<vmem>>
        %dma_start3A_199 = arith.constant 0 : i32
        %dma_start3A_200 = arith.constant 0 : i32
        %dma_start3A_201 = tpu.memref_slice %arg17[%dma_start3A_199, %dma_start3A_200] : memref<10112x64xbf16, #tpu.memory_space<vmem_shared>> -> memref<10112x64xbf16, #tpu.memory_space<vmem_shared>>
        tpu.enqueue_indirect_dma source(%arg14 : memref<125x64xbf16, #tpu.memory_space<vmem>>) target(%dma_start3A_201 : memref<10112x64xbf16, #tpu.memory_space<vmem_shared>>) offsets(%dma_start3A_198 : memref<125xi32, #tpu.memory_space<vmem>>) semaphore(%run_scoped3A : memref<!tpu.dma_semaphore, #tpu.memory_space<semaphore_mem>>) {add = true}
        %dma_wait3A_202 = arith.constant 0 : i32
        %dma_wait3A_203 = tpu.memref_slice %arg8[%add3A_148, %dma_wait3A_202] : memref<80x125xi32, #tpu.memory_space<vmem>> -> memref<1x125xi32, #tpu.memory_space<vmem>>
        %dma_wait3A_204 = tpu.memref_squeeze %dma_wait3A_203 : memref<1x125xi32, #tpu.memory_space<vmem>> -> memref<125xi32, #tpu.memory_space<vmem>>
        %dma_wait3A_205 = arith.constant 0 : i32
        %dma_wait3A_206 = arith.constant 0 : i32
        %dma_wait3A_207 = tpu.memref_slice %arg17[%dma_wait3A_205, %dma_wait3A_206] : memref<10112x64xbf16, #tpu.memory_space<vmem_shared>> -> memref<10112x64xbf16, #tpu.memory_space<vmem_shared>>
        tpu.wait_indirect_dma semaphore(%run_scoped3A : memref<!tpu.dma_semaphore, #tpu.memory_space<semaphore_mem>>) src(%arg14 : memref<125x64xbf16, #tpu.memory_space<vmem>>) dst(%dma_wait3A_207 : memref<10112x64xbf16, #tpu.memory_space<vmem_shared>>)
        tpu.yield
      }) : () -> ()
      %add3A_155 = arith.constant 8 : i32
      %add3A_156 = arith.addi %add3A_148, %add3A_155 : i32
      %lt3A_157 = arith.constant 80 : i32
      %lt3A_158 = arith.cmpi slt, %add3A_156, %lt3A_157 : i32
      %convert_element_type3A_159 = arith.extui %lt3A_158 : i1 to i32
      %cond3A_160 = arith.constant 0 : i32
      %cond3A_161 = arith.cmpi ne, %convert_element_type3A_159, %cond3A_160 : i32
      scf.if %cond3A_161 {
        %add3A_196 = arith.constant 8 : i32
        %add3A_197 = arith.addi %add3A_148, %add3A_196 : i32
        %dma_start3A_198 = arith.constant 0 : i32
        %dma_start3A_199 = tpu.memref_slice %arg7[%add3A_197, %dma_start3A_198] : memref<80x125xi32, #tpu.memory_space<vmem>> -> memref<1x125xi32, #tpu.memory_space<vmem>>
        %dma_start3A_200 = tpu.memref_squeeze %dma_start3A_199 : memref<1x125xi32, #tpu.memory_space<vmem>> -> memref<125xi32, #tpu.memory_space<vmem>>
        %dma_start3A_201 = arith.constant 0 : i32
        %dma_start3A_202 = arith.constant 0 : i32
        %dma_start3A_203 = tpu.memref_slice %arg2[%dma_start3A_201, %dma_start3A_202] : memref<10000x64xbf16, #tpu.memory_space<hbm>> -> memref<10000x64xbf16, #tpu.memory_space<hbm>>
        tpu.enqueue_indirect_dma source(%dma_start3A_203 : memref<10000x64xbf16, #tpu.memory_space<hbm>>) target(%arg14 : memref<125x64xbf16, #tpu.memory_space<vmem>>) offsets(%dma_start3A_200 : memref<125xi32, #tpu.memory_space<vmem>>) semaphore(%arg23 : memref<!tpu.dma_semaphore, #tpu.memory_space<semaphore_mem>>)
      } else {
      }
      %mul3A_162 = arith.constant 8 : i32
      %mul3A_163 = arith.muli %mul3A_162, %scan3A_63 : i32
      %add3A_164 = arith.constant 6 : i32
      %add3A_165 = arith.addi %mul3A_163, %add3A_164 : i32
      %dma_wait3A_166 = arith.constant 0 : i32
      %dma_wait3A_167 = tpu.memref_slice %arg7[%add3A_165, %dma_wait3A_166] : memref<80x125xi32, #tpu.memory_space<vmem>> -> memref<1x125xi32, #tpu.memory_space<vmem>>
      %dma_wait3A_168 = tpu.memref_squeeze %dma_wait3A_167 : memref<1x125xi32, #tpu.memory_space<vmem>> -> memref<125xi32, #tpu.memory_space<vmem>>
      %dma_wait3A_169 = arith.constant 0 : i32
      %dma_wait3A_170 = arith.constant 0 : i32
      %dma_wait3A_171 = tpu.memref_slice %arg2[%dma_wait3A_169, %dma_wait3A_170] : memref<10000x64xbf16, #tpu.memory_space<hbm>> -> memref<10000x64xbf16, #tpu.memory_space<hbm>>
      tpu.wait_indirect_dma semaphore(%arg24 : memref<!tpu.dma_semaphore, #tpu.memory_space<semaphore_mem>>) src(%dma_wait3A_171 : memref<10000x64xbf16, #tpu.memory_space<hbm>>) dst(%arg15 : memref<125x64xbf16, #tpu.memory_space<vmem>>)
      "tpu.region"() ({
        %run_scoped3A = tpu.sem_alloc : memref<!tpu.dma_semaphore, #tpu.memory_space<semaphore_mem>>
        %dma_start3A_196 = arith.constant 0 : i32
        %dma_start3A_197 = tpu.memref_slice %arg8[%add3A_165, %dma_start3A_196] : memref<80x125xi32, #tpu.memory_space<vmem>> -> memref<1x125xi32, #tpu.memory_space<vmem>>
        %dma_start3A_198 = tpu.memref_squeeze %dma_start3A_197 : memref<1x125xi32, #tpu.memory_space<vmem>> -> memref<125xi32, #tpu.memory_space<vmem>>
        %dma_start3A_199 = arith.constant 0 : i32
        %dma_start3A_200 = arith.constant 0 : i32
        %dma_start3A_201 = tpu.memref_slice %arg17[%dma_start3A_199, %dma_start3A_200] : memref<10112x64xbf16, #tpu.memory_space<vmem_shared>> -> memref<10112x64xbf16, #tpu.memory_space<vmem_shared>>
        tpu.enqueue_indirect_dma source(%arg15 : memref<125x64xbf16, #tpu.memory_space<vmem>>) target(%dma_start3A_201 : memref<10112x64xbf16, #tpu.memory_space<vmem_shared>>) offsets(%dma_start3A_198 : memref<125xi32, #tpu.memory_space<vmem>>) semaphore(%run_scoped3A : memref<!tpu.dma_semaphore, #tpu.memory_space<semaphore_mem>>) {add = true}
        %dma_wait3A_202 = arith.constant 0 : i32
        %dma_wait3A_203 = tpu.memref_slice %arg8[%add3A_165, %dma_wait3A_202] : memref<80x125xi32, #tpu.memory_space<vmem>> -> memref<1x125xi32, #tpu.memory_space<vmem>>
        %dma_wait3A_204 = tpu.memref_squeeze %dma_wait3A_203 : memref<1x125xi32, #tpu.memory_space<vmem>> -> memref<125xi32, #tpu.memory_space<vmem>>
        %dma_wait3A_205 = arith.constant 0 : i32
        %dma_wait3A_206 = arith.constant 0 : i32
        %dma_wait3A_207 = tpu.memref_slice %arg17[%dma_wait3A_205, %dma_wait3A_206] : memref<10112x64xbf16, #tpu.memory_space<vmem_shared>> -> memref<10112x64xbf16, #tpu.memory_space<vmem_shared>>
        tpu.wait_indirect_dma semaphore(%run_scoped3A : memref<!tpu.dma_semaphore, #tpu.memory_space<semaphore_mem>>) src(%arg15 : memref<125x64xbf16, #tpu.memory_space<vmem>>) dst(%dma_wait3A_207 : memref<10112x64xbf16, #tpu.memory_space<vmem_shared>>)
        tpu.yield
      }) : () -> ()
      %add3A_172 = arith.constant 8 : i32
      %add3A_173 = arith.addi %add3A_165, %add3A_172 : i32
      %lt3A_174 = arith.constant 80 : i32
      %lt3A_175 = arith.cmpi slt, %add3A_173, %lt3A_174 : i32
      %convert_element_type3A_176 = arith.extui %lt3A_175 : i1 to i32
      %cond3A_177 = arith.constant 0 : i32
      %cond3A_178 = arith.cmpi ne, %convert_element_type3A_176, %cond3A_177 : i32
      scf.if %cond3A_178 {
        %add3A_196 = arith.constant 8 : i32
        %add3A_197 = arith.addi %add3A_165, %add3A_196 : i32
        %dma_start3A_198 = arith.constant 0 : i32
        %dma_start3A_199 = tpu.memref_slice %arg7[%add3A_197, %dma_start3A_198] : memref<80x125xi32, #tpu.memory_space<vmem>> -> memref<1x125xi32, #tpu.memory_space<vmem>>
        %dma_start3A_200 = tpu.memref_squeeze %dma_start3A_199 : memref<1x125xi32, #tpu.memory_space<vmem>> -> memref<125xi32, #tpu.memory_space<vmem>>
        %dma_start3A_201 = arith.constant 0 : i32
        %dma_start3A_202 = arith.constant 0 : i32
        %dma_start3A_203 = tpu.memref_slice %arg2[%dma_start3A_201, %dma_start3A_202] : memref<10000x64xbf16, #tpu.memory_space<hbm>> -> memref<10000x64xbf16, #tpu.memory_space<hbm>>
        tpu.enqueue_indirect_dma source(%dma_start3A_203 : memref<10000x64xbf16, #tpu.memory_space<hbm>>) target(%arg15 : memref<125x64xbf16, #tpu.memory_space<vmem>>) offsets(%dma_start3A_200 : memref<125xi32, #tpu.memory_space<vmem>>) semaphore(%arg24 : memref<!tpu.dma_semaphore, #tpu.memory_space<semaphore_mem>>)
      } else {
      }
      %mul3A_179 = arith.constant 8 : i32
      %mul3A_180 = arith.muli %mul3A_179, %scan3A_63 : i32
      %add3A_181 = arith.constant 7 : i32
      %add3A_182 = arith.addi %mul3A_180, %add3A_181 : i32
      %dma_wait3A_183 = arith.constant 0 : i32
      %dma_wait3A_184 = tpu.memref_slice %arg7[%add3A_182, %dma_wait3A_183] : memref<80x125xi32, #tpu.memory_space<vmem>> -> memref<1x125xi32, #tpu.memory_space<vmem>>
      %dma_wait3A_185 = tpu.memref_squeeze %dma_wait3A_184 : memref<1x125xi32, #tpu.memory_space<vmem>> -> memref<125xi32, #tpu.memory_space<vmem>>
      %dma_wait3A_186 = arith.constant 0 : i32
      %dma_wait3A_187 = arith.constant 0 : i32
      %dma_wait3A_188 = tpu.memref_slice %arg2[%dma_wait3A_186, %dma_wait3A_187] : memref<10000x64xbf16, #tpu.memory_space<hbm>> -> memref<10000x64xbf16, #tpu.memory_space<hbm>>
      tpu.wait_indirect_dma semaphore(%arg25 : memref<!tpu.dma_semaphore, #tpu.memory_space<semaphore_mem>>) src(%dma_wait3A_188 : memref<10000x64xbf16, #tpu.memory_space<hbm>>) dst(%arg16 : memref<125x64xbf16, #tpu.memory_space<vmem>>)
      "tpu.region"() ({
        %run_scoped3A = tpu.sem_alloc : memref<!tpu.dma_semaphore, #tpu.memory_space<semaphore_mem>>
        %dma_start3A_196 = arith.constant 0 : i32
        %dma_start3A_197 = tpu.memref_slice %arg8[%add3A_182, %dma_start3A_196] : memref<80x125xi32, #tpu.memory_space<vmem>> -> memref<1x125xi32, #tpu.memory_space<vmem>>
        %dma_start3A_198 = tpu.memref_squeeze %dma_start3A_197 : memref<1x125xi32, #tpu.memory_space<vmem>> -> memref<125xi32, #tpu.memory_space<vmem>>
        %dma_start3A_199 = arith.constant 0 : i32
        %dma_start3A_200 = arith.constant 0 : i32
        %dma_start3A_201 = tpu.memref_slice %arg17[%dma_start3A_199, %dma_start3A_200] : memref<10112x64xbf16, #tpu.memory_space<vmem_shared>> -> memref<10112x64xbf16, #tpu.memory_space<vmem_shared>>
        tpu.enqueue_indirect_dma source(%arg16 : memref<125x64xbf16, #tpu.memory_space<vmem>>) target(%dma_start3A_201 : memref<10112x64xbf16, #tpu.memory_space<vmem_shared>>) offsets(%dma_start3A_198 : memref<125xi32, #tpu.memory_space<vmem>>) semaphore(%run_scoped3A : memref<!tpu.dma_semaphore, #tpu.memory_space<semaphore_mem>>) {add = true}
        %dma_wait3A_202 = arith.constant 0 : i32
        %dma_wait3A_203 = tpu.memref_slice %arg8[%add3A_182, %dma_wait3A_202] : memref<80x125xi32, #tpu.memory_space<vmem>> -> memref<1x125xi32, #tpu.memory_space<vmem>>
        %dma_wait3A_204 = tpu.memref_squeeze %dma_wait3A_203 : memref<1x125xi32, #tpu.memory_space<vmem>> -> memref<125xi32, #tpu.memory_space<vmem>>
        %dma_wait3A_205 = arith.constant 0 : i32
        %dma_wait3A_206 = arith.constant 0 : i32
        %dma_wait3A_207 = tpu.memref_slice %arg17[%dma_wait3A_205, %dma_wait3A_206] : memref<10112x64xbf16, #tpu.memory_space<vmem_shared>> -> memref<10112x64xbf16, #tpu.memory_space<vmem_shared>>
        tpu.wait_indirect_dma semaphore(%run_scoped3A : memref<!tpu.dma_semaphore, #tpu.memory_space<semaphore_mem>>) src(%arg16 : memref<125x64xbf16, #tpu.memory_space<vmem>>) dst(%dma_wait3A_207 : memref<10112x64xbf16, #tpu.memory_space<vmem_shared>>)
        tpu.yield
      }) : () -> ()
      %add3A_189 = arith.constant 8 : i32
      %add3A_190 = arith.addi %add3A_182, %add3A_189 : i32
      %lt3A_191 = arith.constant 80 : i32
      %lt3A_192 = arith.cmpi slt, %add3A_190, %lt3A_191 : i32
      %convert_element_type3A_193 = arith.extui %lt3A_192 : i1 to i32
      %cond3A_194 = arith.constant 0 : i32
      %cond3A_195 = arith.cmpi ne, %convert_element_type3A_193, %cond3A_194 : i32
      scf.if %cond3A_195 {
        %add3A_196 = arith.constant 8 : i32
        %add3A_197 = arith.addi %add3A_182, %add3A_196 : i32
        %dma_start3A_198 = arith.constant 0 : i32
        %dma_start3A_199 = tpu.memref_slice %arg7[%add3A_197, %dma_start3A_198] : memref<80x125xi32, #tpu.memory_space<vmem>> -> memref<1x125xi32, #tpu.memory_space<vmem>>
        %dma_start3A_200 = tpu.memref_squeeze %dma_start3A_199 : memref<1x125xi32, #tpu.memory_space<vmem>> -> memref<125xi32, #tpu.memory_space<vmem>>
        %dma_start3A_201 = arith.constant 0 : i32
        %dma_start3A_202 = arith.constant 0 : i32
        %dma_start3A_203 = tpu.memref_slice %arg2[%dma_start3A_201, %dma_start3A_202] : memref<10000x64xbf16, #tpu.memory_space<hbm>> -> memref<10000x64xbf16, #tpu.memory_space<hbm>>
        tpu.enqueue_indirect_dma source(%dma_start3A_203 : memref<10000x64xbf16, #tpu.memory_space<hbm>>) target(%arg16 : memref<125x64xbf16, #tpu.memory_space<vmem>>) offsets(%dma_start3A_200 : memref<125xi32, #tpu.memory_space<vmem>>) semaphore(%arg25 : memref<!tpu.dma_semaphore, #tpu.memory_space<semaphore_mem>>)
      } else {
      }
    }
    %scan3A_61 = arith.constant 10 : i32
    %barrier3A_62 = arith.constant 0 : index
    tpu.barrier barrier_id(%barrier3A_62)
    "tpu.region"() ({
      %run_scoped3A = tpu.sem_alloc : memref<!tpu.dma_semaphore, #tpu.memory_space<semaphore_mem>>
      %dma_start3A_63 = arith.constant 0 : i32
      %dma_start3A_64 = tpu.memref_slice %arg6[%mul3A_1, %dma_start3A_63] : memref<10112x64xbf16, #tpu.memory_space<hbm>> -> memref<632x64xbf16, #tpu.memory_space<hbm>>
      %dma_start3A_65 = arith.constant 0 : i32
      %dma_start3A_66 = tpu.memref_slice %arg17[%mul3A_1, %dma_start3A_65] : memref<10112x64xbf16, #tpu.memory_space<vmem_shared>> -> memref<632x64xbf16, #tpu.memory_space<vmem_shared>>
      tpu.enqueue_dma source(%dma_start3A_66 : memref<632x64xbf16, #tpu.memory_space<vmem_shared>>) target(%dma_start3A_64 : memref<632x64xbf16, #tpu.memory_space<hbm>>) target_semaphore(%run_scoped3A : memref<!tpu.dma_semaphore, #tpu.memory_space<semaphore_mem>>)
      %dma_wait3A = arith.constant 0 : i32
      %dma_wait3A_67 = tpu.memref_slice %arg6[%mul3A_1, %dma_wait3A] : memref<10112x64xbf16, #tpu.memory_space<hbm>> -> memref<632x64xbf16, #tpu.memory_space<hbm>>
      %dma_wait3A_68 = arith.constant 0 : i32
      %dma_wait3A_69 = tpu.memref_slice %arg17[%mul3A_1, %dma_wait3A_68] : memref<10112x64xbf16, #tpu.memory_space<vmem_shared>> -> memref<632x64xbf16, #tpu.memory_space<vmem_shared>>
      tpu.wait_dma2 semaphore(%run_scoped3A : memref<!tpu.dma_semaphore, #tpu.memory_space<semaphore_mem>>) src(%dma_wait3A_69 : memref<632x64xbf16, #tpu.memory_space<vmem_shared>>) dst(%dma_wait3A_67 : memref<632x64xbf16, #tpu.memory_space<hbm>>)
      tpu.yield
    }) : () -> ()
    return
  }
}

#map = affine_map<(d0, d1) -> (0, 0)>
#map1 = affine_map<(d0, d1) -> (0, 0, 0)>
module attributes {stable_mosaic.version = 14 : i64} {
  func.func @scatter_kernel(%arg0: i32, %arg1: i32, %arg2: memref<10000x64xbf16, #tpu.memory_space<hbm>>, %arg3: memref<32x80x125xi32, #tpu.memory_space<hbm>>, %arg4: memref<32x80x125xi32, #tpu.memory_space<hbm>>, %arg5: memref<10112x64xbf16, #tpu.memory_space<hbm>>, %arg6: memref<10112x64xbf16, #tpu.memory_space<hbm>>, %arg7: memref<80x125xi32, #tpu.memory_space<vmem>>, %arg8: memref<80x125xi32, #tpu.memory_space<vmem>>, %arg9: memref<125x64xbf16, #tpu.memory_space<vmem>>, %arg10: memref<125x64xbf16, #tpu.memory_space<vmem>>, %arg11: memref<125x64xbf16, #tpu.memory_space<vmem>>, %arg12: memref<125x64xbf16, #tpu.memory_space<vmem>>, %arg13: memref<125x64xbf16, #tpu.memory_space<vmem>>, %arg14: memref<125x64xbf16, #tpu.memory_space<vmem>>, %arg15: memref<125x64xbf16, #tpu.memory_space<vmem>>, %arg16: memref<125x64xbf16, #tpu.memory_space<vmem>>, %arg17: memref<10112x64xbf16, #tpu.memory_space<vmem_shared>>, %arg18: memref<!tpu.dma_semaphore, #tpu.memory_space<semaphore_mem>>, %arg19: memref<!tpu.dma_semaphore, #tpu.memory_space<semaphore_mem>>, %arg20: memref<!tpu.dma_semaphore, #tpu.memory_space<semaphore_mem>>, %arg21: memref<!tpu.dma_semaphore, #tpu.memory_space<semaphore_mem>>, %arg22: memref<!tpu.dma_semaphore, #tpu.memory_space<semaphore_mem>>, %arg23: memref<!tpu.dma_semaphore, #tpu.memory_space<semaphore_mem>>, %arg24: memref<!tpu.dma_semaphore, #tpu.memory_space<semaphore_mem>>, %arg25: memref<!tpu.dma_semaphore, #tpu.memory_space<semaphore_mem>>) attributes {dimension_semantics = [#tpu.dimension_semantics<core_parallel>, #tpu.dimension_semantics<subcore_parallel>], iteration_bounds = array<i64: 1, 16>, scalar_prefetch = 0 : i64, scratch_operands = 19 : i64, tpu.core_type = #tpu.core_type<sc_vector_subcore>, window_params = [{transform_indices = #map}, {transform_indices = #map1}, {transform_indices = #map1}, {transform_indices = #map}, {transform_indices = #map}]} {
    %add3A = arith.constant 16 : i32
    %add3A_0 = arith.addi %add3A, %arg1 : i32
    "tpu.region"() ({
      %run_scoped3A = tpu.sem_alloc : memref<!tpu.dma_semaphore, #tpu.memory_space<semaphore_mem>>
      %dma_start3A_63 = arith.constant 0 : i32
      %dma_start3A_64 = arith.constant 0 : i32
      %dma_start3A_65 = tpu.memref_slice %arg3[%add3A_0, %dma_start3A_63, %dma_start3A_64] : memref<32x80x125xi32, #tpu.memory_space<hbm>> -> memref<1x80x125xi32, #tpu.memory_space<hbm>>
      %dma_start3A_66 = tpu.memref_squeeze %dma_start3A_65 : memref<1x80x125xi32, #tpu.memory_space<hbm>> -> memref<80x125xi32, #tpu.memory_space<hbm>>
      %dma_start3A_67 = arith.constant 0 : i32
      %dma_start3A_68 = arith.constant 0 : i32
      %dma_start3A_69 = tpu.memref_slice %arg3[%add3A_0, %dma_start3A_67, %dma_start3A_68] : memref<32x80x125xi32, #tpu.memory_space<hbm>> -> memref<1x80x125xi32, #tpu.memory_space<hbm>>
      %dma_start3A_70 = tpu.memref_squeeze %dma_start3A_69 : memref<1x80x125xi32, #tpu.memory_space<hbm>> -> memref<80x125xi32, #tpu.memory_space<hbm>>
      tpu.enqueue_dma source(%dma_start3A_70 : memref<80x125xi32, #tpu.memory_space<hbm>>) target(%arg7 : memref<80x125xi32, #tpu.memory_space<vmem>>) target_semaphore(%run_scoped3A : memref<!tpu.dma_semaphore, #tpu.memory_space<semaphore_mem>>)
      %dma_wait3A = arith.constant 0 : i32
      %dma_wait3A_71 = arith.constant 0 : i32
      %dma_wait3A_72 = tpu.memref_slice %arg3[%add3A_0, %dma_wait3A, %dma_wait3A_71] : memref<32x80x125xi32, #tpu.memory_space<hbm>> -> memref<1x80x125xi32, #tpu.memory_space<hbm>>
      %dma_wait3A_73 = tpu.memref_squeeze %dma_wait3A_72 : memref<1x80x125xi32, #tpu.memory_space<hbm>> -> memref<80x125xi32, #tpu.memory_space<hbm>>
      %dma_wait3A_74 = arith.constant 0 : i32
      %dma_wait3A_75 = arith.constant 0 : i32
      %dma_wait3A_76 = tpu.memref_slice %arg3[%add3A_0, %dma_wait3A_74, %dma_wait3A_75] : memref<32x80x125xi32, #tpu.memory_space<hbm>> -> memref<1x80x125xi32, #tpu.memory_space<hbm>>
      %dma_wait3A_77 = tpu.memref_squeeze %dma_wait3A_76 : memref<1x80x125xi32, #tpu.memory_space<hbm>> -> memref<80x125xi32, #tpu.memory_space<hbm>>
      tpu.wait_dma2 semaphore(%run_scoped3A : memref<!tpu.dma_semaphore, #tpu.memory_space<semaphore_mem>>) src(%dma_wait3A_77 : memref<80x125xi32, #tpu.memory_space<hbm>>) dst(%arg7 : memref<80x125xi32, #tpu.memory_space<vmem>>)
      tpu.yield
    }) : () -> ()
    "tpu.region"() ({
      %run_scoped3A = tpu.sem_alloc : memref<!tpu.dma_semaphore, #tpu.memory_space<semaphore_mem>>
      %dma_start3A_63 = arith.constant 0 : i32
      %dma_start3A_64 = arith.constant 0 : i32
      %dma_start3A_65 = tpu.memref_slice %arg4[%add3A_0, %dma_start3A_63, %dma_start3A_64] : memref<32x80x125xi32, #tpu.memory_space<hbm>> -> memref<1x80x125xi32, #tpu.memory_space<hbm>>
      %dma_start3A_66 = tpu.memref_squeeze %dma_start3A_65 : memref<1x80x125xi32, #tpu.memory_space<hbm>> -> memref<80x125xi32, #tpu.memory_space<hbm>>
      %dma_start3A_67 = arith.constant 0 : i32
      %dma_start3A_68 = arith.constant 0 : i32
      %dma_start3A_69 = tpu.memref_slice %arg4[%add3A_0, %dma_start3A_67, %dma_start3A_68] : memref<32x80x125xi32, #tpu.memory_space<hbm>> -> memref<1x80x125xi32, #tpu.memory_space<hbm>>
      %dma_start3A_70 = tpu.memref_squeeze %dma_start3A_69 : memref<1x80x125xi32, #tpu.memory_space<hbm>> -> memref<80x125xi32, #tpu.memory_space<hbm>>
      tpu.enqueue_dma source(%dma_start3A_70 : memref<80x125xi32, #tpu.memory_space<hbm>>) target(%arg8 : memref<80x125xi32, #tpu.memory_space<vmem>>) target_semaphore(%run_scoped3A : memref<!tpu.dma_semaphore, #tpu.memory_space<semaphore_mem>>)
      %dma_wait3A = arith.constant 0 : i32
      %dma_wait3A_71 = arith.constant 0 : i32
      %dma_wait3A_72 = tpu.memref_slice %arg4[%add3A_0, %dma_wait3A, %dma_wait3A_71] : memref<32x80x125xi32, #tpu.memory_space<hbm>> -> memref<1x80x125xi32, #tpu.memory_space<hbm>>
      %dma_wait3A_73 = tpu.memref_squeeze %dma_wait3A_72 : memref<1x80x125xi32, #tpu.memory_space<hbm>> -> memref<80x125xi32, #tpu.memory_space<hbm>>
      %dma_wait3A_74 = arith.constant 0 : i32
      %dma_wait3A_75 = arith.constant 0 : i32
      %dma_wait3A_76 = tpu.memref_slice %arg4[%add3A_0, %dma_wait3A_74, %dma_wait3A_75] : memref<32x80x125xi32, #tpu.memory_space<hbm>> -> memref<1x80x125xi32, #tpu.memory_space<hbm>>
      %dma_wait3A_77 = tpu.memref_squeeze %dma_wait3A_76 : memref<1x80x125xi32, #tpu.memory_space<hbm>> -> memref<80x125xi32, #tpu.memory_space<hbm>>
      tpu.wait_dma2 semaphore(%run_scoped3A : memref<!tpu.dma_semaphore, #tpu.memory_space<semaphore_mem>>) src(%dma_wait3A_77 : memref<80x125xi32, #tpu.memory_space<hbm>>) dst(%arg8 : memref<80x125xi32, #tpu.memory_space<vmem>>)
      tpu.yield
    }) : () -> ()
    %mul3A = arith.constant 632 : i32
    %mul3A_1 = arith.muli %arg1, %mul3A : i32
    "tpu.region"() ({
      %run_scoped3A = tpu.sem_alloc : memref<!tpu.dma_semaphore, #tpu.memory_space<semaphore_mem>>
      %dma_start3A_63 = arith.constant 0 : i32
      %dma_start3A_64 = tpu.memref_slice %arg17[%mul3A_1, %dma_start3A_63] : memref<10112x64xbf16, #tpu.memory_space<vmem_shared>> -> memref<632x64xbf16, #tpu.memory_space<vmem_shared>>
      %dma_start3A_65 = arith.constant 0 : i32
      %dma_start3A_66 = tpu.memref_slice %arg5[%mul3A_1, %dma_start3A_65] : memref<10112x64xbf16, #tpu.memory_space<hbm>> -> memref<632x64xbf16, #tpu.memory_space<hbm>>
      tpu.enqueue_dma source(%dma_start3A_66 : memref<632x64xbf16, #tpu.memory_space<hbm>>) target(%dma_start3A_64 : memref<632x64xbf16, #tpu.memory_space<vmem_shared>>) target_semaphore(%run_scoped3A : memref<!tpu.dma_semaphore, #tpu.memory_space<semaphore_mem>>)
      %dma_wait3A = arith.constant 0 : i32
      %dma_wait3A_67 = tpu.memref_slice %arg17[%mul3A_1, %dma_wait3A] : memref<10112x64xbf16, #tpu.memory_space<vmem_shared>> -> memref<632x64xbf16, #tpu.memory_space<vmem_shared>>
      %dma_wait3A_68 = arith.constant 0 : i32
      %dma_wait3A_69 = tpu.memref_slice %arg5[%mul3A_1, %dma_wait3A_68] : memref<10112x64xbf16, #tpu.memory_space<hbm>> -> memref<632x64xbf16, #tpu.memory_space<hbm>>
      tpu.wait_dma2 semaphore(%run_scoped3A : memref<!tpu.dma_semaphore, #tpu.memory_space<semaphore_mem>>) src(%dma_wait3A_69 : memref<632x64xbf16, #tpu.memory_space<hbm>>) dst(%dma_wait3A_67 : memref<632x64xbf16, #tpu.memory_space<vmem_shared>>)
      tpu.yield
    }) : () -> ()
    %barrier3A = arith.constant 0 : index
    tpu.barrier barrier_id(%barrier3A)
    %dma_start3A = arith.constant 0 : i32
    %dma_start3A_2 = arith.constant 0 : i32
    %dma_start3A_3 = tpu.memref_slice %arg7[%dma_start3A, %dma_start3A_2] : memref<80x125xi32, #tpu.memory_space<vmem>> -> memref<1x125xi32, #tpu.memory_space<vmem>>
    %dma_start3A_4 = tpu.memref_squeeze %dma_start3A_3 : memref<1x125xi32, #tpu.memory_space<vmem>> -> memref<125xi32, #tpu.memory_space<vmem>>
    %dma_start3A_5 = arith.constant 0 : i32
    %dma_start3A_6 = arith.constant 0 : i32
    %dma_start3A_7 = tpu.memref_slice %arg2[%dma_start3A_5, %dma_start3A_6] : memref<10000x64xbf16, #tpu.memory_space<hbm>> -> memref<10000x64xbf16, #tpu.memory_space<hbm>>
    tpu.enqueue_indirect_dma source(%dma_start3A_7 : memref<10000x64xbf16, #tpu.memory_space<hbm>>) target(%arg9 : memref<125x64xbf16, #tpu.memory_space<vmem>>) offsets(%dma_start3A_4 : memref<125xi32, #tpu.memory_space<vmem>>) semaphore(%arg18 : memref<!tpu.dma_semaphore, #tpu.memory_space<semaphore_mem>>)
    %dma_start3A_8 = arith.constant 1 : i32
    %dma_start3A_9 = arith.constant 0 : i32
    %dma_start3A_10 = tpu.memref_slice %arg7[%dma_start3A_8, %dma_start3A_9] : memref<80x125xi32, #tpu.memory_space<vmem>> -> memref<1x125xi32, #tpu.memory_space<vmem>>
    %dma_start3A_11 = tpu.memref_squeeze %dma_start3A_10 : memref<1x125xi32, #tpu.memory_space<vmem>> -> memref<125xi32, #tpu.memory_space<vmem>>
    %dma_start3A_12 = arith.constant 0 : i32
    %dma_start3A_13 = arith.constant 0 : i32
    %dma_start3A_14 = tpu.memref_slice %arg2[%dma_start3A_12, %dma_start3A_13] : memref<10000x64xbf16, #tpu.memory_space<hbm>> -> memref<10000x64xbf16, #tpu.memory_space<hbm>>
    tpu.enqueue_indirect_dma source(%dma_start3A_14 : memref<10000x64xbf16, #tpu.memory_space<hbm>>) target(%arg10 : memref<125x64xbf16, #tpu.memory_space<vmem>>) offsets(%dma_start3A_11 : memref<125xi32, #tpu.memory_space<vmem>>) semaphore(%arg19 : memref<!tpu.dma_semaphore, #tpu.memory_space<semaphore_mem>>)
    %dma_start3A_15 = arith.constant 2 : i32
    %dma_start3A_16 = arith.constant 0 : i32
    %dma_start3A_17 = tpu.memref_slice %arg7[%dma_start3A_15, %dma_start3A_16] : memref<80x125xi32, #tpu.memory_space<vmem>> -> memref<1x125xi32, #tpu.memory_space<vmem>>
    %dma_start3A_18 = tpu.memref_squeeze %dma_start3A_17 : memref<1x125xi32, #tpu.memory_space<vmem>> -> memref<125xi32, #tpu.memory_space<vmem>>
    %dma_start3A_19 = arith.constant 0 : i32
    %dma_start3A_20 = arith.constant 0 : i32
    %dma_start3A_21 = tpu.memref_slice %arg2[%dma_start3A_19, %dma_start3A_20] : memref<10000x64xbf16, #tpu.memory_space<hbm>> -> memref<10000x64xbf16, #tpu.memory_space<hbm>>
    tpu.enqueue_indirect_dma source(%dma_start3A_21 : memref<10000x64xbf16, #tpu.memory_space<hbm>>) target(%arg11 : memref<125x64xbf16, #tpu.memory_space<vmem>>) offsets(%dma_start3A_18 : memref<125xi32, #tpu.memory_space<vmem>>) semaphore(%arg20 : memref<!tpu.dma_semaphore, #tpu.memory_space<semaphore_mem>>)
    %dma_start3A_22 = arith.constant 3 : i32
    %dma_start3A_23 = arith.constant 0 : i32
    %dma_start3A_24 = tpu.memref_slice %arg7[%dma_start3A_22, %dma_start3A_23] : memref<80x125xi32, #tpu.memory_space<vmem>> -> memref<1x125xi32, #tpu.memory_space<vmem>>
    %dma_start3A_25 = tpu.memref_squeeze %dma_start3A_24 : memref<1x125xi32, #tpu.memory_space<vmem>> -> memref<125xi32, #tpu.memory_space<vmem>>
    %dma_start3A_26 = arith.constant 0 : i32
    %dma_start3A_27 = arith.constant 0 : i32
    %dma_start3A_28 = tpu.memref_slice %arg2[%dma_start3A_26, %dma_start3A_27] : memref<10000x64xbf16, #tpu.memory_space<hbm>> -> memref<10000x64xbf16, #tpu.memory_space<hbm>>
    tpu.enqueue_indirect_dma source(%dma_start3A_28 : memref<10000x64xbf16, #tpu.memory_space<hbm>>) target(%arg12 : memref<125x64xbf16, #tpu.memory_space<vmem>>) offsets(%dma_start3A_25 : memref<125xi32, #tpu.memory_space<vmem>>) semaphore(%arg21 : memref<!tpu.dma_semaphore, #tpu.memory_space<semaphore_mem>>)
    %dma_start3A_29 = arith.constant 4 : i32
    %dma_start3A_30 = arith.constant 0 : i32
    %dma_start3A_31 = tpu.memref_slice %arg7[%dma_start3A_29, %dma_start3A_30] : memref<80x125xi32, #tpu.memory_space<vmem>> -> memref<1x125xi32, #tpu.memory_space<vmem>>
    %dma_start3A_32 = tpu.memref_squeeze %dma_start3A_31 : memref<1x125xi32, #tpu.memory_space<vmem>> -> memref<125xi32, #tpu.memory_space<vmem>>
    %dma_start3A_33 = arith.constant 0 : i32
    %dma_start3A_34 = arith.constant 0 : i32
    %dma_start3A_35 = tpu.memref_slice %arg2[%dma_start3A_33, %dma_start3A_34] : memref<10000x64xbf16, #tpu.memory_space<hbm>> -> memref<10000x64xbf16, #tpu.memory_space<hbm>>
    tpu.enqueue_indirect_dma source(%dma_start3A_35 : memref<10000x64xbf16, #tpu.memory_space<hbm>>) target(%arg13 : memref<125x64xbf16, #tpu.memory_space<vmem>>) offsets(%dma_start3A_32 : memref<125xi32, #tpu.memory_space<vmem>>) semaphore(%arg22 : memref<!tpu.dma_semaphore, #tpu.memory_space<semaphore_mem>>)
    %dma_start3A_36 = arith.constant 5 : i32
    %dma_start3A_37 = arith.constant 0 : i32
    %dma_start3A_38 = tpu.memref_slice %arg7[%dma_start3A_36, %dma_start3A_37] : memref<80x125xi32, #tpu.memory_space<vmem>> -> memref<1x125xi32, #tpu.memory_space<vmem>>
    %dma_start3A_39 = tpu.memref_squeeze %dma_start3A_38 : memref<1x125xi32, #tpu.memory_space<vmem>> -> memref<125xi32, #tpu.memory_space<vmem>>
    %dma_start3A_40 = arith.constant 0 : i32
    %dma_start3A_41 = arith.constant 0 : i32
    %dma_start3A_42 = tpu.memref_slice %arg2[%dma_start3A_40, %dma_start3A_41] : memref<10000x64xbf16, #tpu.memory_space<hbm>> -> memref<10000x64xbf16, #tpu.memory_space<hbm>>
    tpu.enqueue_indirect_dma source(%dma_start3A_42 : memref<10000x64xbf16, #tpu.memory_space<hbm>>) target(%arg14 : memref<125x64xbf16, #tpu.memory_space<vmem>>) offsets(%dma_start3A_39 : memref<125xi32, #tpu.memory_space<vmem>>) semaphore(%arg23 : memref<!tpu.dma_semaphore, #tpu.memory_space<semaphore_mem>>)
    %dma_start3A_43 = arith.constant 6 : i32
    %dma_start3A_44 = arith.constant 0 : i32
    %dma_start3A_45 = tpu.memref_slice %arg7[%dma_start3A_43, %dma_start3A_44] : memref<80x125xi32, #tpu.memory_space<vmem>> -> memref<1x125xi32, #tpu.memory_space<vmem>>
    %dma_start3A_46 = tpu.memref_squeeze %dma_start3A_45 : memref<1x125xi32, #tpu.memory_space<vmem>> -> memref<125xi32, #tpu.memory_space<vmem>>
    %dma_start3A_47 = arith.constant 0 : i32
    %dma_start3A_48 = arith.constant 0 : i32
    %dma_start3A_49 = tpu.memref_slice %arg2[%dma_start3A_47, %dma_start3A_48] : memref<10000x64xbf16, #tpu.memory_space<hbm>> -> memref<10000x64xbf16, #tpu.memory_space<hbm>>
    tpu.enqueue_indirect_dma source(%dma_start3A_49 : memref<10000x64xbf16, #tpu.memory_space<hbm>>) target(%arg15 : memref<125x64xbf16, #tpu.memory_space<vmem>>) offsets(%dma_start3A_46 : memref<125xi32, #tpu.memory_space<vmem>>) semaphore(%arg24 : memref<!tpu.dma_semaphore, #tpu.memory_space<semaphore_mem>>)
    %dma_start3A_50 = arith.constant 7 : i32
    %dma_start3A_51 = arith.constant 0 : i32
    %dma_start3A_52 = tpu.memref_slice %arg7[%dma_start3A_50, %dma_start3A_51] : memref<80x125xi32, #tpu.memory_space<vmem>> -> memref<1x125xi32, #tpu.memory_space<vmem>>
    %dma_start3A_53 = tpu.memref_squeeze %dma_start3A_52 : memref<1x125xi32, #tpu.memory_space<vmem>> -> memref<125xi32, #tpu.memory_space<vmem>>
    %dma_start3A_54 = arith.constant 0 : i32
    %dma_start3A_55 = arith.constant 0 : i32
    %dma_start3A_56 = tpu.memref_slice %arg2[%dma_start3A_54, %dma_start3A_55] : memref<10000x64xbf16, #tpu.memory_space<hbm>> -> memref<10000x64xbf16, #tpu.memory_space<hbm>>
    tpu.enqueue_indirect_dma source(%dma_start3A_56 : memref<10000x64xbf16, #tpu.memory_space<hbm>>) target(%arg16 : memref<125x64xbf16, #tpu.memory_space<vmem>>) offsets(%dma_start3A_53 : memref<125xi32, #tpu.memory_space<vmem>>) semaphore(%arg25 : memref<!tpu.dma_semaphore, #tpu.memory_space<semaphore_mem>>)
    %scan3A = arith.constant 0 : i32
    %scan3A_57 = arith.constant 0 : i32
    %scan3A_58 = arith.constant 10 : i32
    %scan3A_59 = arith.addi %scan3A_57, %scan3A_58 : i32
    %scan3A_60 = arith.constant 1 : i32
    scf.for %scan3A_63 = %scan3A_57 to %scan3A_59 step %scan3A_60  : i32 {
      %mul3A_64 = arith.constant 8 : i32
      %mul3A_65 = arith.muli %mul3A_64, %scan3A_63 : i32
      %add3A_66 = arith.constant 0 : i32
      %add3A_67 = arith.addi %mul3A_65, %add3A_66 : i32
      %dma_wait3A = arith.constant 0 : i32
      %dma_wait3A_68 = tpu.memref_slice %arg7[%add3A_67, %dma_wait3A] : memref<80x125xi32, #tpu.memory_space<vmem>> -> memref<1x125xi32, #tpu.memory_space<vmem>>
      %dma_wait3A_69 = tpu.memref_squeeze %dma_wait3A_68 : memref<1x125xi32, #tpu.memory_space<vmem>> -> memref<125xi32, #tpu.memory_space<vmem>>
      %dma_wait3A_70 = arith.constant 0 : i32
      %dma_wait3A_71 = arith.constant 0 : i32
      %dma_wait3A_72 = tpu.memref_slice %arg2[%dma_wait3A_70, %dma_wait3A_71] : memref<10000x64xbf16, #tpu.memory_space<hbm>> -> memref<10000x64xbf16, #tpu.memory_space<hbm>>
      tpu.wait_indirect_dma semaphore(%arg18 : memref<!tpu.dma_semaphore, #tpu.memory_space<semaphore_mem>>) src(%dma_wait3A_72 : memref<10000x64xbf16, #tpu.memory_space<hbm>>) dst(%arg9 : memref<125x64xbf16, #tpu.memory_space<vmem>>)
      "tpu.region"() ({
        %run_scoped3A = tpu.sem_alloc : memref<!tpu.dma_semaphore, #tpu.memory_space<semaphore_mem>>
        %dma_start3A_196 = arith.constant 0 : i32
        %dma_start3A_197 = tpu.memref_slice %arg8[%add3A_67, %dma_start3A_196] : memref<80x125xi32, #tpu.memory_space<vmem>> -> memref<1x125xi32, #tpu.memory_space<vmem>>
        %dma_start3A_198 = tpu.memref_squeeze %dma_start3A_197 : memref<1x125xi32, #tpu.memory_space<vmem>> -> memref<125xi32, #tpu.memory_space<vmem>>
        %dma_start3A_199 = arith.constant 0 : i32
        %dma_start3A_200 = arith.constant 0 : i32
        %dma_start3A_201 = tpu.memref_slice %arg17[%dma_start3A_199, %dma_start3A_200] : memref<10112x64xbf16, #tpu.memory_space<vmem_shared>> -> memref<10112x64xbf16, #tpu.memory_space<vmem_shared>>
        tpu.enqueue_indirect_dma source(%arg9 : memref<125x64xbf16, #tpu.memory_space<vmem>>) target(%dma_start3A_201 : memref<10112x64xbf16, #tpu.memory_space<vmem_shared>>) offsets(%dma_start3A_198 : memref<125xi32, #tpu.memory_space<vmem>>) semaphore(%run_scoped3A : memref<!tpu.dma_semaphore, #tpu.memory_space<semaphore_mem>>) {add = true}
        %dma_wait3A_202 = arith.constant 0 : i32
        %dma_wait3A_203 = tpu.memref_slice %arg8[%add3A_67, %dma_wait3A_202] : memref<80x125xi32, #tpu.memory_space<vmem>> -> memref<1x125xi32, #tpu.memory_space<vmem>>
        %dma_wait3A_204 = tpu.memref_squeeze %dma_wait3A_203 : memref<1x125xi32, #tpu.memory_space<vmem>> -> memref<125xi32, #tpu.memory_space<vmem>>
        %dma_wait3A_205 = arith.constant 0 : i32
        %dma_wait3A_206 = arith.constant 0 : i32
        %dma_wait3A_207 = tpu.memref_slice %arg17[%dma_wait3A_205, %dma_wait3A_206] : memref<10112x64xbf16, #tpu.memory_space<vmem_shared>> -> memref<10112x64xbf16, #tpu.memory_space<vmem_shared>>
        tpu.wait_indirect_dma semaphore(%run_scoped3A : memref<!tpu.dma_semaphore, #tpu.memory_space<semaphore_mem>>) src(%arg9 : memref<125x64xbf16, #tpu.memory_space<vmem>>) dst(%dma_wait3A_207 : memref<10112x64xbf16, #tpu.memory_space<vmem_shared>>)
        tpu.yield
      }) : () -> ()
      %add3A_73 = arith.constant 8 : i32
      %add3A_74 = arith.addi %add3A_67, %add3A_73 : i32
      %lt3A = arith.constant 80 : i32
      %lt3A_75 = arith.cmpi slt, %add3A_74, %lt3A : i32
      %convert_element_type3A = arith.extui %lt3A_75 : i1 to i32
      %cond3A = arith.constant 0 : i32
      %cond3A_76 = arith.cmpi ne, %convert_element_type3A, %cond3A : i32
      scf.if %cond3A_76 {
        %add3A_196 = arith.constant 8 : i32
        %add3A_197 = arith.addi %add3A_67, %add3A_196 : i32
        %dma_start3A_198 = arith.constant 0 : i32
        %dma_start3A_199 = tpu.memref_slice %arg7[%add3A_197, %dma_start3A_198] : memref<80x125xi32, #tpu.memory_space<vmem>> -> memref<1x125xi32, #tpu.memory_space<vmem>>
        %dma_start3A_200 = tpu.memref_squeeze %dma_start3A_199 : memref<1x125xi32, #tpu.memory_space<vmem>> -> memref<125xi32, #tpu.memory_space<vmem>>
        %dma_start3A_201 = arith.constant 0 : i32
        %dma_start3A_202 = arith.constant 0 : i32
        %dma_start3A_203 = tpu.memref_slice %arg2[%dma_start3A_201, %dma_start3A_202] : memref<10000x64xbf16, #tpu.memory_space<hbm>> -> memref<10000x64xbf16, #tpu.memory_space<hbm>>
        tpu.enqueue_indirect_dma source(%dma_start3A_203 : memref<10000x64xbf16, #tpu.memory_space<hbm>>) target(%arg9 : memref<125x64xbf16, #tpu.memory_space<vmem>>) offsets(%dma_start3A_200 : memref<125xi32, #tpu.memory_space<vmem>>) semaphore(%arg18 : memref<!tpu.dma_semaphore, #tpu.memory_space<semaphore_mem>>)
      } else {
      }
      %mul3A_77 = arith.constant 8 : i32
      %mul3A_78 = arith.muli %mul3A_77, %scan3A_63 : i32
      %add3A_79 = arith.constant 1 : i32
      %add3A_80 = arith.addi %mul3A_78, %add3A_79 : i32
      %dma_wait3A_81 = arith.constant 0 : i32
      %dma_wait3A_82 = tpu.memref_slice %arg7[%add3A_80, %dma_wait3A_81] : memref<80x125xi32, #tpu.memory_space<vmem>> -> memref<1x125xi32, #tpu.memory_space<vmem>>
      %dma_wait3A_83 = tpu.memref_squeeze %dma_wait3A_82 : memref<1x125xi32, #tpu.memory_space<vmem>> -> memref<125xi32, #tpu.memory_space<vmem>>
      %dma_wait3A_84 = arith.constant 0 : i32
      %dma_wait3A_85 = arith.constant 0 : i32
      %dma_wait3A_86 = tpu.memref_slice %arg2[%dma_wait3A_84, %dma_wait3A_85] : memref<10000x64xbf16, #tpu.memory_space<hbm>> -> memref<10000x64xbf16, #tpu.memory_space<hbm>>
      tpu.wait_indirect_dma semaphore(%arg19 : memref<!tpu.dma_semaphore, #tpu.memory_space<semaphore_mem>>) src(%dma_wait3A_86 : memref<10000x64xbf16, #tpu.memory_space<hbm>>) dst(%arg10 : memref<125x64xbf16, #tpu.memory_space<vmem>>)
      "tpu.region"() ({
        %run_scoped3A = tpu.sem_alloc : memref<!tpu.dma_semaphore, #tpu.memory_space<semaphore_mem>>
        %dma_start3A_196 = arith.constant 0 : i32
        %dma_start3A_197 = tpu.memref_slice %arg8[%add3A_80, %dma_start3A_196] : memref<80x125xi32, #tpu.memory_space<vmem>> -> memref<1x125xi32, #tpu.memory_space<vmem>>
        %dma_start3A_198 = tpu.memref_squeeze %dma_start3A_197 : memref<1x125xi32, #tpu.memory_space<vmem>> -> memref<125xi32, #tpu.memory_space<vmem>>
        %dma_start3A_199 = arith.constant 0 : i32
        %dma_start3A_200 = arith.constant 0 : i32
        %dma_start3A_201 = tpu.memref_slice %arg17[%dma_start3A_199, %dma_start3A_200] : memref<10112x64xbf16, #tpu.memory_space<vmem_shared>> -> memref<10112x64xbf16, #tpu.memory_space<vmem_shared>>
        tpu.enqueue_indirect_dma source(%arg10 : memref<125x64xbf16, #tpu.memory_space<vmem>>) target(%dma_start3A_201 : memref<10112x64xbf16, #tpu.memory_space<vmem_shared>>) offsets(%dma_start3A_198 : memref<125xi32, #tpu.memory_space<vmem>>) semaphore(%run_scoped3A : memref<!tpu.dma_semaphore, #tpu.memory_space<semaphore_mem>>) {add = true}
        %dma_wait3A_202 = arith.constant 0 : i32
        %dma_wait3A_203 = tpu.memref_slice %arg8[%add3A_80, %dma_wait3A_202] : memref<80x125xi32, #tpu.memory_space<vmem>> -> memref<1x125xi32, #tpu.memory_space<vmem>>
        %dma_wait3A_204 = tpu.memref_squeeze %dma_wait3A_203 : memref<1x125xi32, #tpu.memory_space<vmem>> -> memref<125xi32, #tpu.memory_space<vmem>>
        %dma_wait3A_205 = arith.constant 0 : i32
        %dma_wait3A_206 = arith.constant 0 : i32
        %dma_wait3A_207 = tpu.memref_slice %arg17[%dma_wait3A_205, %dma_wait3A_206] : memref<10112x64xbf16, #tpu.memory_space<vmem_shared>> -> memref<10112x64xbf16, #tpu.memory_space<vmem_shared>>
        tpu.wait_indirect_dma semaphore(%run_scoped3A : memref<!tpu.dma_semaphore, #tpu.memory_space<semaphore_mem>>) src(%arg10 : memref<125x64xbf16, #tpu.memory_space<vmem>>) dst(%dma_wait3A_207 : memref<10112x64xbf16, #tpu.memory_space<vmem_shared>>)
        tpu.yield
      }) : () -> ()
      %add3A_87 = arith.constant 8 : i32
      %add3A_88 = arith.addi %add3A_80, %add3A_87 : i32
      %lt3A_89 = arith.constant 80 : i32
      %lt3A_90 = arith.cmpi slt, %add3A_88, %lt3A_89 : i32
      %convert_element_type3A_91 = arith.extui %lt3A_90 : i1 to i32
      %cond3A_92 = arith.constant 0 : i32
      %cond3A_93 = arith.cmpi ne, %convert_element_type3A_91, %cond3A_92 : i32
      scf.if %cond3A_93 {
        %add3A_196 = arith.constant 8 : i32
        %add3A_197 = arith.addi %add3A_80, %add3A_196 : i32
        %dma_start3A_198 = arith.constant 0 : i32
        %dma_start3A_199 = tpu.memref_slice %arg7[%add3A_197, %dma_start3A_198] : memref<80x125xi32, #tpu.memory_space<vmem>> -> memref<1x125xi32, #tpu.memory_space<vmem>>
        %dma_start3A_200 = tpu.memref_squeeze %dma_start3A_199 : memref<1x125xi32, #tpu.memory_space<vmem>> -> memref<125xi32, #tpu.memory_space<vmem>>
        %dma_start3A_201 = arith.constant 0 : i32
        %dma_start3A_202 = arith.constant 0 : i32
        %dma_start3A_203 = tpu.memref_slice %arg2[%dma_start3A_201, %dma_start3A_202] : memref<10000x64xbf16, #tpu.memory_space<hbm>> -> memref<10000x64xbf16, #tpu.memory_space<hbm>>
        tpu.enqueue_indirect_dma source(%dma_start3A_203 : memref<10000x64xbf16, #tpu.memory_space<hbm>>) target(%arg10 : memref<125x64xbf16, #tpu.memory_space<vmem>>) offsets(%dma_start3A_200 : memref<125xi32, #tpu.memory_space<vmem>>) semaphore(%arg19 : memref<!tpu.dma_semaphore, #tpu.memory_space<semaphore_mem>>)
      } else {
      }
      %mul3A_94 = arith.constant 8 : i32
      %mul3A_95 = arith.muli %mul3A_94, %scan3A_63 : i32
      %add3A_96 = arith.constant 2 : i32
      %add3A_97 = arith.addi %mul3A_95, %add3A_96 : i32
      %dma_wait3A_98 = arith.constant 0 : i32
      %dma_wait3A_99 = tpu.memref_slice %arg7[%add3A_97, %dma_wait3A_98] : memref<80x125xi32, #tpu.memory_space<vmem>> -> memref<1x125xi32, #tpu.memory_space<vmem>>
      %dma_wait3A_100 = tpu.memref_squeeze %dma_wait3A_99 : memref<1x125xi32, #tpu.memory_space<vmem>> -> memref<125xi32, #tpu.memory_space<vmem>>
      %dma_wait3A_101 = arith.constant 0 : i32
      %dma_wait3A_102 = arith.constant 0 : i32
      %dma_wait3A_103 = tpu.memref_slice %arg2[%dma_wait3A_101, %dma_wait3A_102] : memref<10000x64xbf16, #tpu.memory_space<hbm>> -> memref<10000x64xbf16, #tpu.memory_space<hbm>>
      tpu.wait_indirect_dma semaphore(%arg20 : memref<!tpu.dma_semaphore, #tpu.memory_space<semaphore_mem>>) src(%dma_wait3A_103 : memref<10000x64xbf16, #tpu.memory_space<hbm>>) dst(%arg11 : memref<125x64xbf16, #tpu.memory_space<vmem>>)
      "tpu.region"() ({
        %run_scoped3A = tpu.sem_alloc : memref<!tpu.dma_semaphore, #tpu.memory_space<semaphore_mem>>
        %dma_start3A_196 = arith.constant 0 : i32
        %dma_start3A_197 = tpu.memref_slice %arg8[%add3A_97, %dma_start3A_196] : memref<80x125xi32, #tpu.memory_space<vmem>> -> memref<1x125xi32, #tpu.memory_space<vmem>>
        %dma_start3A_198 = tpu.memref_squeeze %dma_start3A_197 : memref<1x125xi32, #tpu.memory_space<vmem>> -> memref<125xi32, #tpu.memory_space<vmem>>
        %dma_start3A_199 = arith.constant 0 : i32
        %dma_start3A_200 = arith.constant 0 : i32
        %dma_start3A_201 = tpu.memref_slice %arg17[%dma_start3A_199, %dma_start3A_200] : memref<10112x64xbf16, #tpu.memory_space<vmem_shared>> -> memref<10112x64xbf16, #tpu.memory_space<vmem_shared>>
        tpu.enqueue_indirect_dma source(%arg11 : memref<125x64xbf16, #tpu.memory_space<vmem>>) target(%dma_start3A_201 : memref<10112x64xbf16, #tpu.memory_space<vmem_shared>>) offsets(%dma_start3A_198 : memref<125xi32, #tpu.memory_space<vmem>>) semaphore(%run_scoped3A : memref<!tpu.dma_semaphore, #tpu.memory_space<semaphore_mem>>) {add = true}
        %dma_wait3A_202 = arith.constant 0 : i32
        %dma_wait3A_203 = tpu.memref_slice %arg8[%add3A_97, %dma_wait3A_202] : memref<80x125xi32, #tpu.memory_space<vmem>> -> memref<1x125xi32, #tpu.memory_space<vmem>>
        %dma_wait3A_204 = tpu.memref_squeeze %dma_wait3A_203 : memref<1x125xi32, #tpu.memory_space<vmem>> -> memref<125xi32, #tpu.memory_space<vmem>>
        %dma_wait3A_205 = arith.constant 0 : i32
        %dma_wait3A_206 = arith.constant 0 : i32
        %dma_wait3A_207 = tpu.memref_slice %arg17[%dma_wait3A_205, %dma_wait3A_206] : memref<10112x64xbf16, #tpu.memory_space<vmem_shared>> -> memref<10112x64xbf16, #tpu.memory_space<vmem_shared>>
        tpu.wait_indirect_dma semaphore(%run_scoped3A : memref<!tpu.dma_semaphore, #tpu.memory_space<semaphore_mem>>) src(%arg11 : memref<125x64xbf16, #tpu.memory_space<vmem>>) dst(%dma_wait3A_207 : memref<10112x64xbf16, #tpu.memory_space<vmem_shared>>)
        tpu.yield
      }) : () -> ()
      %add3A_104 = arith.constant 8 : i32
      %add3A_105 = arith.addi %add3A_97, %add3A_104 : i32
      %lt3A_106 = arith.constant 80 : i32
      %lt3A_107 = arith.cmpi slt, %add3A_105, %lt3A_106 : i32
      %convert_element_type3A_108 = arith.extui %lt3A_107 : i1 to i32
      %cond3A_109 = arith.constant 0 : i32
      %cond3A_110 = arith.cmpi ne, %convert_element_type3A_108, %cond3A_109 : i32
      scf.if %cond3A_110 {
        %add3A_196 = arith.constant 8 : i32
        %add3A_197 = arith.addi %add3A_97, %add3A_196 : i32
        %dma_start3A_198 = arith.constant 0 : i32
        %dma_start3A_199 = tpu.memref_slice %arg7[%add3A_197, %dma_start3A_198] : memref<80x125xi32, #tpu.memory_space<vmem>> -> memref<1x125xi32, #tpu.memory_space<vmem>>
        %dma_start3A_200 = tpu.memref_squeeze %dma_start3A_199 : memref<1x125xi32, #tpu.memory_space<vmem>> -> memref<125xi32, #tpu.memory_space<vmem>>
        %dma_start3A_201 = arith.constant 0 : i32
        %dma_start3A_202 = arith.constant 0 : i32
        %dma_start3A_203 = tpu.memref_slice %arg2[%dma_start3A_201, %dma_start3A_202] : memref<10000x64xbf16, #tpu.memory_space<hbm>> -> memref<10000x64xbf16, #tpu.memory_space<hbm>>
        tpu.enqueue_indirect_dma source(%dma_start3A_203 : memref<10000x64xbf16, #tpu.memory_space<hbm>>) target(%arg11 : memref<125x64xbf16, #tpu.memory_space<vmem>>) offsets(%dma_start3A_200 : memref<125xi32, #tpu.memory_space<vmem>>) semaphore(%arg20 : memref<!tpu.dma_semaphore, #tpu.memory_space<semaphore_mem>>)
      } else {
      }
      %mul3A_111 = arith.constant 8 : i32
      %mul3A_112 = arith.muli %mul3A_111, %scan3A_63 : i32
      %add3A_113 = arith.constant 3 : i32
      %add3A_114 = arith.addi %mul3A_112, %add3A_113 : i32
      %dma_wait3A_115 = arith.constant 0 : i32
      %dma_wait3A_116 = tpu.memref_slice %arg7[%add3A_114, %dma_wait3A_115] : memref<80x125xi32, #tpu.memory_space<vmem>> -> memref<1x125xi32, #tpu.memory_space<vmem>>
      %dma_wait3A_117 = tpu.memref_squeeze %dma_wait3A_116 : memref<1x125xi32, #tpu.memory_space<vmem>> -> memref<125xi32, #tpu.memory_space<vmem>>
      %dma_wait3A_118 = arith.constant 0 : i32
      %dma_wait3A_119 = arith.constant 0 : i32
      %dma_wait3A_120 = tpu.memref_slice %arg2[%dma_wait3A_118, %dma_wait3A_119] : memref<10000x64xbf16, #tpu.memory_space<hbm>> -> memref<10000x64xbf16, #tpu.memory_space<hbm>>
      tpu.wait_indirect_dma semaphore(%arg21 : memref<!tpu.dma_semaphore, #tpu.memory_space<semaphore_mem>>) src(%dma_wait3A_120 : memref<10000x64xbf16, #tpu.memory_space<hbm>>) dst(%arg12 : memref<125x64xbf16, #tpu.memory_space<vmem>>)
      "tpu.region"() ({
        %run_scoped3A = tpu.sem_alloc : memref<!tpu.dma_semaphore, #tpu.memory_space<semaphore_mem>>
        %dma_start3A_196 = arith.constant 0 : i32
        %dma_start3A_197 = tpu.memref_slice %arg8[%add3A_114, %dma_start3A_196] : memref<80x125xi32, #tpu.memory_space<vmem>> -> memref<1x125xi32, #tpu.memory_space<vmem>>
        %dma_start3A_198 = tpu.memref_squeeze %dma_start3A_197 : memref<1x125xi32, #tpu.memory_space<vmem>> -> memref<125xi32, #tpu.memory_space<vmem>>
        %dma_start3A_199 = arith.constant 0 : i32
        %dma_start3A_200 = arith.constant 0 : i32
        %dma_start3A_201 = tpu.memref_slice %arg17[%dma_start3A_199, %dma_start3A_200] : memref<10112x64xbf16, #tpu.memory_space<vmem_shared>> -> memref<10112x64xbf16, #tpu.memory_space<vmem_shared>>
        tpu.enqueue_indirect_dma source(%arg12 : memref<125x64xbf16, #tpu.memory_space<vmem>>) target(%dma_start3A_201 : memref<10112x64xbf16, #tpu.memory_space<vmem_shared>>) offsets(%dma_start3A_198 : memref<125xi32, #tpu.memory_space<vmem>>) semaphore(%run_scoped3A : memref<!tpu.dma_semaphore, #tpu.memory_space<semaphore_mem>>) {add = true}
        %dma_wait3A_202 = arith.constant 0 : i32
        %dma_wait3A_203 = tpu.memref_slice %arg8[%add3A_114, %dma_wait3A_202] : memref<80x125xi32, #tpu.memory_space<vmem>> -> memref<1x125xi32, #tpu.memory_space<vmem>>
        %dma_wait3A_204 = tpu.memref_squeeze %dma_wait3A_203 : memref<1x125xi32, #tpu.memory_space<vmem>> -> memref<125xi32, #tpu.memory_space<vmem>>
        %dma_wait3A_205 = arith.constant 0 : i32
        %dma_wait3A_206 = arith.constant 0 : i32
        %dma_wait3A_207 = tpu.memref_slice %arg17[%dma_wait3A_205, %dma_wait3A_206] : memref<10112x64xbf16, #tpu.memory_space<vmem_shared>> -> memref<10112x64xbf16, #tpu.memory_space<vmem_shared>>
        tpu.wait_indirect_dma semaphore(%run_scoped3A : memref<!tpu.dma_semaphore, #tpu.memory_space<semaphore_mem>>) src(%arg12 : memref<125x64xbf16, #tpu.memory_space<vmem>>) dst(%dma_wait3A_207 : memref<10112x64xbf16, #tpu.memory_space<vmem_shared>>)
        tpu.yield
      }) : () -> ()
      %add3A_121 = arith.constant 8 : i32
      %add3A_122 = arith.addi %add3A_114, %add3A_121 : i32
      %lt3A_123 = arith.constant 80 : i32
      %lt3A_124 = arith.cmpi slt, %add3A_122, %lt3A_123 : i32
      %convert_element_type3A_125 = arith.extui %lt3A_124 : i1 to i32
      %cond3A_126 = arith.constant 0 : i32
      %cond3A_127 = arith.cmpi ne, %convert_element_type3A_125, %cond3A_126 : i32
      scf.if %cond3A_127 {
        %add3A_196 = arith.constant 8 : i32
        %add3A_197 = arith.addi %add3A_114, %add3A_196 : i32
        %dma_start3A_198 = arith.constant 0 : i32
        %dma_start3A_199 = tpu.memref_slice %arg7[%add3A_197, %dma_start3A_198] : memref<80x125xi32, #tpu.memory_space<vmem>> -> memref<1x125xi32, #tpu.memory_space<vmem>>
        %dma_start3A_200 = tpu.memref_squeeze %dma_start3A_199 : memref<1x125xi32, #tpu.memory_space<vmem>> -> memref<125xi32, #tpu.memory_space<vmem>>
        %dma_start3A_201 = arith.constant 0 : i32
        %dma_start3A_202 = arith.constant 0 : i32
        %dma_start3A_203 = tpu.memref_slice %arg2[%dma_start3A_201, %dma_start3A_202] : memref<10000x64xbf16, #tpu.memory_space<hbm>> -> memref<10000x64xbf16, #tpu.memory_space<hbm>>
        tpu.enqueue_indirect_dma source(%dma_start3A_203 : memref<10000x64xbf16, #tpu.memory_space<hbm>>) target(%arg12 : memref<125x64xbf16, #tpu.memory_space<vmem>>) offsets(%dma_start3A_200 : memref<125xi32, #tpu.memory_space<vmem>>) semaphore(%arg21 : memref<!tpu.dma_semaphore, #tpu.memory_space<semaphore_mem>>)
      } else {
      }
      %mul3A_128 = arith.constant 8 : i32
      %mul3A_129 = arith.muli %mul3A_128, %scan3A_63 : i32
      %add3A_130 = arith.constant 4 : i32
      %add3A_131 = arith.addi %mul3A_129, %add3A_130 : i32
      %dma_wait3A_132 = arith.constant 0 : i32
      %dma_wait3A_133 = tpu.memref_slice %arg7[%add3A_131, %dma_wait3A_132] : memref<80x125xi32, #tpu.memory_space<vmem>> -> memref<1x125xi32, #tpu.memory_space<vmem>>
      %dma_wait3A_134 = tpu.memref_squeeze %dma_wait3A_133 : memref<1x125xi32, #tpu.memory_space<vmem>> -> memref<125xi32, #tpu.memory_space<vmem>>
      %dma_wait3A_135 = arith.constant 0 : i32
      %dma_wait3A_136 = arith.constant 0 : i32
      %dma_wait3A_137 = tpu.memref_slice %arg2[%dma_wait3A_135, %dma_wait3A_136] : memref<10000x64xbf16, #tpu.memory_space<hbm>> -> memref<10000x64xbf16, #tpu.memory_space<hbm>>
      tpu.wait_indirect_dma semaphore(%arg22 : memref<!tpu.dma_semaphore, #tpu.memory_space<semaphore_mem>>) src(%dma_wait3A_137 : memref<10000x64xbf16, #tpu.memory_space<hbm>>) dst(%arg13 : memref<125x64xbf16, #tpu.memory_space<vmem>>)
      "tpu.region"() ({
        %run_scoped3A = tpu.sem_alloc : memref<!tpu.dma_semaphore, #tpu.memory_space<semaphore_mem>>
        %dma_start3A_196 = arith.constant 0 : i32
        %dma_start3A_197 = tpu.memref_slice %arg8[%add3A_131, %dma_start3A_196] : memref<80x125xi32, #tpu.memory_space<vmem>> -> memref<1x125xi32, #tpu.memory_space<vmem>>
        %dma_start3A_198 = tpu.memref_squeeze %dma_start3A_197 : memref<1x125xi32, #tpu.memory_space<vmem>> -> memref<125xi32, #tpu.memory_space<vmem>>
        %dma_start3A_199 = arith.constant 0 : i32
        %dma_start3A_200 = arith.constant 0 : i32
        %dma_start3A_201 = tpu.memref_slice %arg17[%dma_start3A_199, %dma_start3A_200] : memref<10112x64xbf16, #tpu.memory_space<vmem_shared>> -> memref<10112x64xbf16, #tpu.memory_space<vmem_shared>>
        tpu.enqueue_indirect_dma source(%arg13 : memref<125x64xbf16, #tpu.memory_space<vmem>>) target(%dma_start3A_201 : memref<10112x64xbf16, #tpu.memory_space<vmem_shared>>) offsets(%dma_start3A_198 : memref<125xi32, #tpu.memory_space<vmem>>) semaphore(%run_scoped3A : memref<!tpu.dma_semaphore, #tpu.memory_space<semaphore_mem>>) {add = true}
        %dma_wait3A_202 = arith.constant 0 : i32
        %dma_wait3A_203 = tpu.memref_slice %arg8[%add3A_131, %dma_wait3A_202] : memref<80x125xi32, #tpu.memory_space<vmem>> -> memref<1x125xi32, #tpu.memory_space<vmem>>
        %dma_wait3A_204 = tpu.memref_squeeze %dma_wait3A_203 : memref<1x125xi32, #tpu.memory_space<vmem>> -> memref<125xi32, #tpu.memory_space<vmem>>
        %dma_wait3A_205 = arith.constant 0 : i32
        %dma_wait3A_206 = arith.constant 0 : i32
        %dma_wait3A_207 = tpu.memref_slice %arg17[%dma_wait3A_205, %dma_wait3A_206] : memref<10112x64xbf16, #tpu.memory_space<vmem_shared>> -> memref<10112x64xbf16, #tpu.memory_space<vmem_shared>>
        tpu.wait_indirect_dma semaphore(%run_scoped3A : memref<!tpu.dma_semaphore, #tpu.memory_space<semaphore_mem>>) src(%arg13 : memref<125x64xbf16, #tpu.memory_space<vmem>>) dst(%dma_wait3A_207 : memref<10112x64xbf16, #tpu.memory_space<vmem_shared>>)
        tpu.yield
      }) : () -> ()
      %add3A_138 = arith.constant 8 : i32
      %add3A_139 = arith.addi %add3A_131, %add3A_138 : i32
      %lt3A_140 = arith.constant 80 : i32
      %lt3A_141 = arith.cmpi slt, %add3A_139, %lt3A_140 : i32
      %convert_element_type3A_142 = arith.extui %lt3A_141 : i1 to i32
      %cond3A_143 = arith.constant 0 : i32
      %cond3A_144 = arith.cmpi ne, %convert_element_type3A_142, %cond3A_143 : i32
      scf.if %cond3A_144 {
        %add3A_196 = arith.constant 8 : i32
        %add3A_197 = arith.addi %add3A_131, %add3A_196 : i32
        %dma_start3A_198 = arith.constant 0 : i32
        %dma_start3A_199 = tpu.memref_slice %arg7[%add3A_197, %dma_start3A_198] : memref<80x125xi32, #tpu.memory_space<vmem>> -> memref<1x125xi32, #tpu.memory_space<vmem>>
        %dma_start3A_200 = tpu.memref_squeeze %dma_start3A_199 : memref<1x125xi32, #tpu.memory_space<vmem>> -> memref<125xi32, #tpu.memory_space<vmem>>
        %dma_start3A_201 = arith.constant 0 : i32
        %dma_start3A_202 = arith.constant 0 : i32
        %dma_start3A_203 = tpu.memref_slice %arg2[%dma_start3A_201, %dma_start3A_202] : memref<10000x64xbf16, #tpu.memory_space<hbm>> -> memref<10000x64xbf16, #tpu.memory_space<hbm>>
        tpu.enqueue_indirect_dma source(%dma_start3A_203 : memref<10000x64xbf16, #tpu.memory_space<hbm>>) target(%arg13 : memref<125x64xbf16, #tpu.memory_space<vmem>>) offsets(%dma_start3A_200 : memref<125xi32, #tpu.memory_space<vmem>>) semaphore(%arg22 : memref<!tpu.dma_semaphore, #tpu.memory_space<semaphore_mem>>)
      } else {
      }
      %mul3A_145 = arith.constant 8 : i32
      %mul3A_146 = arith.muli %mul3A_145, %scan3A_63 : i32
      %add3A_147 = arith.constant 5 : i32
      %add3A_148 = arith.addi %mul3A_146, %add3A_147 : i32
      %dma_wait3A_149 = arith.constant 0 : i32
      %dma_wait3A_150 = tpu.memref_slice %arg7[%add3A_148, %dma_wait3A_149] : memref<80x125xi32, #tpu.memory_space<vmem>> -> memref<1x125xi32, #tpu.memory_space<vmem>>
      %dma_wait3A_151 = tpu.memref_squeeze %dma_wait3A_150 : memref<1x125xi32, #tpu.memory_space<vmem>> -> memref<125xi32, #tpu.memory_space<vmem>>
      %dma_wait3A_152 = arith.constant 0 : i32
      %dma_wait3A_153 = arith.constant 0 : i32
      %dma_wait3A_154 = tpu.memref_slice %arg2[%dma_wait3A_152, %dma_wait3A_153] : memref<10000x64xbf16, #tpu.memory_space<hbm>> -> memref<10000x64xbf16, #tpu.memory_space<hbm>>
      tpu.wait_indirect_dma semaphore(%arg23 : memref<!tpu.dma_semaphore, #tpu.memory_space<semaphore_mem>>) src(%dma_wait3A_154 : memref<10000x64xbf16, #tpu.memory_space<hbm>>) dst(%arg14 : memref<125x64xbf16, #tpu.memory_space<vmem>>)
      "tpu.region"() ({
        %run_scoped3A = tpu.sem_alloc : memref<!tpu.dma_semaphore, #tpu.memory_space<semaphore_mem>>
        %dma_start3A_196 = arith.constant 0 : i32
        %dma_start3A_197 = tpu.memref_slice %arg8[%add3A_148, %dma_start3A_196] : memref<80x125xi32, #tpu.memory_space<vmem>> -> memref<1x125xi32, #tpu.memory_space<vmem>>
        %dma_start3A_198 = tpu.memref_squeeze %dma_start3A_197 : memref<1x125xi32, #tpu.memory_space<vmem>> -> memref<125xi32, #tpu.memory_space<vmem>>
        %dma_start3A_199 = arith.constant 0 : i32
        %dma_start3A_200 = arith.constant 0 : i32
        %dma_start3A_201 = tpu.memref_slice %arg17[%dma_start3A_199, %dma_start3A_200] : memref<10112x64xbf16, #tpu.memory_space<vmem_shared>> -> memref<10112x64xbf16, #tpu.memory_space<vmem_shared>>
        tpu.enqueue_indirect_dma source(%arg14 : memref<125x64xbf16, #tpu.memory_space<vmem>>) target(%dma_start3A_201 : memref<10112x64xbf16, #tpu.memory_space<vmem_shared>>) offsets(%dma_start3A_198 : memref<125xi32, #tpu.memory_space<vmem>>) semaphore(%run_scoped3A : memref<!tpu.dma_semaphore, #tpu.memory_space<semaphore_mem>>) {add = true}
        %dma_wait3A_202 = arith.constant 0 : i32
        %dma_wait3A_203 = tpu.memref_slice %arg8[%add3A_148, %dma_wait3A_202] : memref<80x125xi32, #tpu.memory_space<vmem>> -> memref<1x125xi32, #tpu.memory_space<vmem>>
        %dma_wait3A_204 = tpu.memref_squeeze %dma_wait3A_203 : memref<1x125xi32, #tpu.memory_space<vmem>> -> memref<125xi32, #tpu.memory_space<vmem>>
        %dma_wait3A_205 = arith.constant 0 : i32
        %dma_wait3A_206 = arith.constant 0 : i32
        %dma_wait3A_207 = tpu.memref_slice %arg17[%dma_wait3A_205, %dma_wait3A_206] : memref<10112x64xbf16, #tpu.memory_space<vmem_shared>> -> memref<10112x64xbf16, #tpu.memory_space<vmem_shared>>
        tpu.wait_indirect_dma semaphore(%run_scoped3A : memref<!tpu.dma_semaphore, #tpu.memory_space<semaphore_mem>>) src(%arg14 : memref<125x64xbf16, #tpu.memory_space<vmem>>) dst(%dma_wait3A_207 : memref<10112x64xbf16, #tpu.memory_space<vmem_shared>>)
        tpu.yield
      }) : () -> ()
      %add3A_155 = arith.constant 8 : i32
      %add3A_156 = arith.addi %add3A_148, %add3A_155 : i32
      %lt3A_157 = arith.constant 80 : i32
      %lt3A_158 = arith.cmpi slt, %add3A_156, %lt3A_157 : i32
      %convert_element_type3A_159 = arith.extui %lt3A_158 : i1 to i32
      %cond3A_160 = arith.constant 0 : i32
      %cond3A_161 = arith.cmpi ne, %convert_element_type3A_159, %cond3A_160 : i32
      scf.if %cond3A_161 {
        %add3A_196 = arith.constant 8 : i32
        %add3A_197 = arith.addi %add3A_148, %add3A_196 : i32
        %dma_start3A_198 = arith.constant 0 : i32
        %dma_start3A_199 = tpu.memref_slice %arg7[%add3A_197, %dma_start3A_198] : memref<80x125xi32, #tpu.memory_space<vmem>> -> memref<1x125xi32, #tpu.memory_space<vmem>>
        %dma_start3A_200 = tpu.memref_squeeze %dma_start3A_199 : memref<1x125xi32, #tpu.memory_space<vmem>> -> memref<125xi32, #tpu.memory_space<vmem>>
        %dma_start3A_201 = arith.constant 0 : i32
        %dma_start3A_202 = arith.constant 0 : i32
        %dma_start3A_203 = tpu.memref_slice %arg2[%dma_start3A_201, %dma_start3A_202] : memref<10000x64xbf16, #tpu.memory_space<hbm>> -> memref<10000x64xbf16, #tpu.memory_space<hbm>>
        tpu.enqueue_indirect_dma source(%dma_start3A_203 : memref<10000x64xbf16, #tpu.memory_space<hbm>>) target(%arg14 : memref<125x64xbf16, #tpu.memory_space<vmem>>) offsets(%dma_start3A_200 : memref<125xi32, #tpu.memory_space<vmem>>) semaphore(%arg23 : memref<!tpu.dma_semaphore, #tpu.memory_space<semaphore_mem>>)
      } else {
      }
      %mul3A_162 = arith.constant 8 : i32
      %mul3A_163 = arith.muli %mul3A_162, %scan3A_63 : i32
      %add3A_164 = arith.constant 6 : i32
      %add3A_165 = arith.addi %mul3A_163, %add3A_164 : i32
      %dma_wait3A_166 = arith.constant 0 : i32
      %dma_wait3A_167 = tpu.memref_slice %arg7[%add3A_165, %dma_wait3A_166] : memref<80x125xi32, #tpu.memory_space<vmem>> -> memref<1x125xi32, #tpu.memory_space<vmem>>
      %dma_wait3A_168 = tpu.memref_squeeze %dma_wait3A_167 : memref<1x125xi32, #tpu.memory_space<vmem>> -> memref<125xi32, #tpu.memory_space<vmem>>
      %dma_wait3A_169 = arith.constant 0 : i32
      %dma_wait3A_170 = arith.constant 0 : i32
      %dma_wait3A_171 = tpu.memref_slice %arg2[%dma_wait3A_169, %dma_wait3A_170] : memref<10000x64xbf16, #tpu.memory_space<hbm>> -> memref<10000x64xbf16, #tpu.memory_space<hbm>>
      tpu.wait_indirect_dma semaphore(%arg24 : memref<!tpu.dma_semaphore, #tpu.memory_space<semaphore_mem>>) src(%dma_wait3A_171 : memref<10000x64xbf16, #tpu.memory_space<hbm>>) dst(%arg15 : memref<125x64xbf16, #tpu.memory_space<vmem>>)
      "tpu.region"() ({
        %run_scoped3A = tpu.sem_alloc : memref<!tpu.dma_semaphore, #tpu.memory_space<semaphore_mem>>
        %dma_start3A_196 = arith.constant 0 : i32
        %dma_start3A_197 = tpu.memref_slice %arg8[%add3A_165, %dma_start3A_196] : memref<80x125xi32, #tpu.memory_space<vmem>> -> memref<1x125xi32, #tpu.memory_space<vmem>>
        %dma_start3A_198 = tpu.memref_squeeze %dma_start3A_197 : memref<1x125xi32, #tpu.memory_space<vmem>> -> memref<125xi32, #tpu.memory_space<vmem>>
        %dma_start3A_199 = arith.constant 0 : i32
        %dma_start3A_200 = arith.constant 0 : i32
        %dma_start3A_201 = tpu.memref_slice %arg17[%dma_start3A_199, %dma_start3A_200] : memref<10112x64xbf16, #tpu.memory_space<vmem_shared>> -> memref<10112x64xbf16, #tpu.memory_space<vmem_shared>>
        tpu.enqueue_indirect_dma source(%arg15 : memref<125x64xbf16, #tpu.memory_space<vmem>>) target(%dma_start3A_201 : memref<10112x64xbf16, #tpu.memory_space<vmem_shared>>) offsets(%dma_start3A_198 : memref<125xi32, #tpu.memory_space<vmem>>) semaphore(%run_scoped3A : memref<!tpu.dma_semaphore, #tpu.memory_space<semaphore_mem>>) {add = true}
        %dma_wait3A_202 = arith.constant 0 : i32
        %dma_wait3A_203 = tpu.memref_slice %arg8[%add3A_165, %dma_wait3A_202] : memref<80x125xi32, #tpu.memory_space<vmem>> -> memref<1x125xi32, #tpu.memory_space<vmem>>
        %dma_wait3A_204 = tpu.memref_squeeze %dma_wait3A_203 : memref<1x125xi32, #tpu.memory_space<vmem>> -> memref<125xi32, #tpu.memory_space<vmem>>
        %dma_wait3A_205 = arith.constant 0 : i32
        %dma_wait3A_206 = arith.constant 0 : i32
        %dma_wait3A_207 = tpu.memref_slice %arg17[%dma_wait3A_205, %dma_wait3A_206] : memref<10112x64xbf16, #tpu.memory_space<vmem_shared>> -> memref<10112x64xbf16, #tpu.memory_space<vmem_shared>>
        tpu.wait_indirect_dma semaphore(%run_scoped3A : memref<!tpu.dma_semaphore, #tpu.memory_space<semaphore_mem>>) src(%arg15 : memref<125x64xbf16, #tpu.memory_space<vmem>>) dst(%dma_wait3A_207 : memref<10112x64xbf16, #tpu.memory_space<vmem_shared>>)
        tpu.yield
      }) : () -> ()
      %add3A_172 = arith.constant 8 : i32
      %add3A_173 = arith.addi %add3A_165, %add3A_172 : i32
      %lt3A_174 = arith.constant 80 : i32
      %lt3A_175 = arith.cmpi slt, %add3A_173, %lt3A_174 : i32
      %convert_element_type3A_176 = arith.extui %lt3A_175 : i1 to i32
      %cond3A_177 = arith.constant 0 : i32
      %cond3A_178 = arith.cmpi ne, %convert_element_type3A_176, %cond3A_177 : i32
      scf.if %cond3A_178 {
        %add3A_196 = arith.constant 8 : i32
        %add3A_197 = arith.addi %add3A_165, %add3A_196 : i32
        %dma_start3A_198 = arith.constant 0 : i32
        %dma_start3A_199 = tpu.memref_slice %arg7[%add3A_197, %dma_start3A_198] : memref<80x125xi32, #tpu.memory_space<vmem>> -> memref<1x125xi32, #tpu.memory_space<vmem>>
        %dma_start3A_200 = tpu.memref_squeeze %dma_start3A_199 : memref<1x125xi32, #tpu.memory_space<vmem>> -> memref<125xi32, #tpu.memory_space<vmem>>
        %dma_start3A_201 = arith.constant 0 : i32
        %dma_start3A_202 = arith.constant 0 : i32
        %dma_start3A_203 = tpu.memref_slice %arg2[%dma_start3A_201, %dma_start3A_202] : memref<10000x64xbf16, #tpu.memory_space<hbm>> -> memref<10000x64xbf16, #tpu.memory_space<hbm>>
        tpu.enqueue_indirect_dma source(%dma_start3A_203 : memref<10000x64xbf16, #tpu.memory_space<hbm>>) target(%arg15 : memref<125x64xbf16, #tpu.memory_space<vmem>>) offsets(%dma_start3A_200 : memref<125xi32, #tpu.memory_space<vmem>>) semaphore(%arg24 : memref<!tpu.dma_semaphore, #tpu.memory_space<semaphore_mem>>)
      } else {
      }
      %mul3A_179 = arith.constant 8 : i32
      %mul3A_180 = arith.muli %mul3A_179, %scan3A_63 : i32
      %add3A_181 = arith.constant 7 : i32
      %add3A_182 = arith.addi %mul3A_180, %add3A_181 : i32
      %dma_wait3A_183 = arith.constant 0 : i32
      %dma_wait3A_184 = tpu.memref_slice %arg7[%add3A_182, %dma_wait3A_183] : memref<80x125xi32, #tpu.memory_space<vmem>> -> memref<1x125xi32, #tpu.memory_space<vmem>>
      %dma_wait3A_185 = tpu.memref_squeeze %dma_wait3A_184 : memref<1x125xi32, #tpu.memory_space<vmem>> -> memref<125xi32, #tpu.memory_space<vmem>>
      %dma_wait3A_186 = arith.constant 0 : i32
      %dma_wait3A_187 = arith.constant 0 : i32
      %dma_wait3A_188 = tpu.memref_slice %arg2[%dma_wait3A_186, %dma_wait3A_187] : memref<10000x64xbf16, #tpu.memory_space<hbm>> -> memref<10000x64xbf16, #tpu.memory_space<hbm>>
      tpu.wait_indirect_dma semaphore(%arg25 : memref<!tpu.dma_semaphore, #tpu.memory_space<semaphore_mem>>) src(%dma_wait3A_188 : memref<10000x64xbf16, #tpu.memory_space<hbm>>) dst(%arg16 : memref<125x64xbf16, #tpu.memory_space<vmem>>)
      "tpu.region"() ({
        %run_scoped3A = tpu.sem_alloc : memref<!tpu.dma_semaphore, #tpu.memory_space<semaphore_mem>>
        %dma_start3A_196 = arith.constant 0 : i32
        %dma_start3A_197 = tpu.memref_slice %arg8[%add3A_182, %dma_start3A_196] : memref<80x125xi32, #tpu.memory_space<vmem>> -> memref<1x125xi32, #tpu.memory_space<vmem>>
        %dma_start3A_198 = tpu.memref_squeeze %dma_start3A_197 : memref<1x125xi32, #tpu.memory_space<vmem>> -> memref<125xi32, #tpu.memory_space<vmem>>
        %dma_start3A_199 = arith.constant 0 : i32
        %dma_start3A_200 = arith.constant 0 : i32
        %dma_start3A_201 = tpu.memref_slice %arg17[%dma_start3A_199, %dma_start3A_200] : memref<10112x64xbf16, #tpu.memory_space<vmem_shared>> -> memref<10112x64xbf16, #tpu.memory_space<vmem_shared>>
        tpu.enqueue_indirect_dma source(%arg16 : memref<125x64xbf16, #tpu.memory_space<vmem>>) target(%dma_start3A_201 : memref<10112x64xbf16, #tpu.memory_space<vmem_shared>>) offsets(%dma_start3A_198 : memref<125xi32, #tpu.memory_space<vmem>>) semaphore(%run_scoped3A : memref<!tpu.dma_semaphore, #tpu.memory_space<semaphore_mem>>) {add = true}
        %dma_wait3A_202 = arith.constant 0 : i32
        %dma_wait3A_203 = tpu.memref_slice %arg8[%add3A_182, %dma_wait3A_202] : memref<80x125xi32, #tpu.memory_space<vmem>> -> memref<1x125xi32, #tpu.memory_space<vmem>>
        %dma_wait3A_204 = tpu.memref_squeeze %dma_wait3A_203 : memref<1x125xi32, #tpu.memory_space<vmem>> -> memref<125xi32, #tpu.memory_space<vmem>>
        %dma_wait3A_205 = arith.constant 0 : i32
        %dma_wait3A_206 = arith.constant 0 : i32
        %dma_wait3A_207 = tpu.memref_slice %arg17[%dma_wait3A_205, %dma_wait3A_206] : memref<10112x64xbf16, #tpu.memory_space<vmem_shared>> -> memref<10112x64xbf16, #tpu.memory_space<vmem_shared>>
        tpu.wait_indirect_dma semaphore(%run_scoped3A : memref<!tpu.dma_semaphore, #tpu.memory_space<semaphore_mem>>) src(%arg16 : memref<125x64xbf16, #tpu.memory_space<vmem>>) dst(%dma_wait3A_207 : memref<10112x64xbf16, #tpu.memory_space<vmem_shared>>)
        tpu.yield
      }) : () -> ()
      %add3A_189 = arith.constant 8 : i32
      %add3A_190 = arith.addi %add3A_182, %add3A_189 : i32
      %lt3A_191 = arith.constant 80 : i32
      %lt3A_192 = arith.cmpi slt, %add3A_190, %lt3A_191 : i32
      %convert_element_type3A_193 = arith.extui %lt3A_192 : i1 to i32
      %cond3A_194 = arith.constant 0 : i32
      %cond3A_195 = arith.cmpi ne, %convert_element_type3A_193, %cond3A_194 : i32
      scf.if %cond3A_195 {
        %add3A_196 = arith.constant 8 : i32
        %add3A_197 = arith.addi %add3A_182, %add3A_196 : i32
        %dma_start3A_198 = arith.constant 0 : i32
        %dma_start3A_199 = tpu.memref_slice %arg7[%add3A_197, %dma_start3A_198] : memref<80x125xi32, #tpu.memory_space<vmem>> -> memref<1x125xi32, #tpu.memory_space<vmem>>
        %dma_start3A_200 = tpu.memref_squeeze %dma_start3A_199 : memref<1x125xi32, #tpu.memory_space<vmem>> -> memref<125xi32, #tpu.memory_space<vmem>>
        %dma_start3A_201 = arith.constant 0 : i32
        %dma_start3A_202 = arith.constant 0 : i32
        %dma_start3A_203 = tpu.memref_slice %arg2[%dma_start3A_201, %dma_start3A_202] : memref<10000x64xbf16, #tpu.memory_space<hbm>> -> memref<10000x64xbf16, #tpu.memory_space<hbm>>
        tpu.enqueue_indirect_dma source(%dma_start3A_203 : memref<10000x64xbf16, #tpu.memory_space<hbm>>) target(%arg16 : memref<125x64xbf16, #tpu.memory_space<vmem>>) offsets(%dma_start3A_200 : memref<125xi32, #tpu.memory_space<vmem>>) semaphore(%arg25 : memref<!tpu.dma_semaphore, #tpu.memory_space<semaphore_mem>>)
      } else {
      }
    }
    %scan3A_61 = arith.constant 10 : i32
    %barrier3A_62 = arith.constant 0 : index
    tpu.barrier barrier_id(%barrier3A_62)
    "tpu.region"() ({
      %run_scoped3A = tpu.sem_alloc : memref<!tpu.dma_semaphore, #tpu.memory_space<semaphore_mem>>
      %dma_start3A_63 = arith.constant 0 : i32
      %dma_start3A_64 = tpu.memref_slice %arg6[%mul3A_1, %dma_start3A_63] : memref<10112x64xbf16, #tpu.memory_space<hbm>> -> memref<632x64xbf16, #tpu.memory_space<hbm>>
      %dma_start3A_65 = arith.constant 0 : i32
      %dma_start3A_66 = tpu.memref_slice %arg17[%mul3A_1, %dma_start3A_65] : memref<10112x64xbf16, #tpu.memory_space<vmem_shared>> -> memref<632x64xbf16, #tpu.memory_space<vmem_shared>>
      tpu.enqueue_dma source(%dma_start3A_66 : memref<632x64xbf16, #tpu.memory_space<vmem_shared>>) target(%dma_start3A_64 : memref<632x64xbf16, #tpu.memory_space<hbm>>) target_semaphore(%run_scoped3A : memref<!tpu.dma_semaphore, #tpu.memory_space<semaphore_mem>>)
      %dma_wait3A = arith.constant 0 : i32
      %dma_wait3A_67 = tpu.memref_slice %arg6[%mul3A_1, %dma_wait3A] : memref<10112x64xbf16, #tpu.memory_space<hbm>> -> memref<632x64xbf16, #tpu.memory_space<hbm>>
      %dma_wait3A_68 = arith.constant 0 : i32
      %dma_wait3A_69 = tpu.memref_slice %arg17[%mul3A_1, %dma_wait3A_68] : memref<10112x64xbf16, #tpu.memory_space<vmem_shared>> -> memref<632x64xbf16, #tpu.memory_space<vmem_shared>>
      tpu.wait_dma2 semaphore(%run_scoped3A : memref<!tpu.dma_semaphore, #tpu.memory_space<semaphore_mem>>) src(%dma_wait3A_69 : memref<632x64xbf16, #tpu.memory_space<vmem_shared>>) dst(%dma_wait3A_67 : memref<632x64xbf16, #tpu.memory_space<hbm>>)
      tpu.yield
    }) : () -> ()
    return
  }
}

#map = affine_map<(d0, d1) -> (0, 0)>
#map1 = affine_map<(d0, d1) -> (0, 0, 0)>
module attributes {stable_mosaic.version = 14 : i64} {
  func.func @scatter_kernel(%arg0: i32, %arg1: i32, %arg2: memref<10000x64xbf16, #tpu.memory_space<hbm>>, %arg3: memref<32x80x125xi32, #tpu.memory_space<hbm>>, %arg4: memref<32x80x125xi32, #tpu.memory_space<hbm>>, %arg5: memref<10112x64xbf16, #tpu.memory_space<hbm>>, %arg6: memref<10112x64xbf16, #tpu.memory_space<hbm>>, %arg7: memref<80x125xi32, #tpu.memory_space<vmem>>, %arg8: memref<80x125xi32, #tpu.memory_space<vmem>>, %arg9: memref<125x64xbf16, #tpu.memory_space<vmem>>, %arg10: memref<125x64xbf16, #tpu.memory_space<vmem>>, %arg11: memref<125x64xbf16, #tpu.memory_space<vmem>>, %arg12: memref<125x64xbf16, #tpu.memory_space<vmem>>, %arg13: memref<125x64xbf16, #tpu.memory_space<vmem>>, %arg14: memref<125x64xbf16, #tpu.memory_space<vmem>>, %arg15: memref<125x64xbf16, #tpu.memory_space<vmem>>, %arg16: memref<125x64xbf16, #tpu.memory_space<vmem>>, %arg17: memref<10112x64xbf16, #tpu.memory_space<vmem_shared>>, %arg18: memref<!tpu.dma_semaphore, #tpu.memory_space<semaphore_mem>>, %arg19: memref<!tpu.dma_semaphore, #tpu.memory_space<semaphore_mem>>, %arg20: memref<!tpu.dma_semaphore, #tpu.memory_space<semaphore_mem>>, %arg21: memref<!tpu.dma_semaphore, #tpu.memory_space<semaphore_mem>>, %arg22: memref<!tpu.dma_semaphore, #tpu.memory_space<semaphore_mem>>, %arg23: memref<!tpu.dma_semaphore, #tpu.memory_space<semaphore_mem>>, %arg24: memref<!tpu.dma_semaphore, #tpu.memory_space<semaphore_mem>>, %arg25: memref<!tpu.dma_semaphore, #tpu.memory_space<semaphore_mem>>) attributes {dimension_semantics = [#tpu.dimension_semantics<core_parallel>, #tpu.dimension_semantics<subcore_parallel>], iteration_bounds = array<i64: 1, 16>, scalar_prefetch = 0 : i64, scratch_operands = 19 : i64, tpu.core_type = #tpu.core_type<sc_vector_subcore>, window_params = [{transform_indices = #map}, {transform_indices = #map1}, {transform_indices = #map1}, {transform_indices = #map}, {transform_indices = #map}]} {
    %add3A = arith.constant 0 : i32
    %add3A_0 = arith.addi %add3A, %arg1 : i32
    "tpu.region"() ({
      %run_scoped3A = tpu.sem_alloc : memref<!tpu.dma_semaphore, #tpu.memory_space<semaphore_mem>>
      %dma_start3A_63 = arith.constant 0 : i32
      %dma_start3A_64 = arith.constant 0 : i32
      %dma_start3A_65 = tpu.memref_slice %arg3[%add3A_0, %dma_start3A_63, %dma_start3A_64] : memref<32x80x125xi32, #tpu.memory_space<hbm>> -> memref<1x80x125xi32, #tpu.memory_space<hbm>>
      %dma_start3A_66 = tpu.memref_squeeze %dma_start3A_65 : memref<1x80x125xi32, #tpu.memory_space<hbm>> -> memref<80x125xi32, #tpu.memory_space<hbm>>
      %dma_start3A_67 = arith.constant 0 : i32
      %dma_start3A_68 = arith.constant 0 : i32
      %dma_start3A_69 = tpu.memref_slice %arg3[%add3A_0, %dma_start3A_67, %dma_start3A_68] : memref<32x80x125xi32, #tpu.memory_space<hbm>> -> memref<1x80x125xi32, #tpu.memory_space<hbm>>
      %dma_start3A_70 = tpu.memref_squeeze %dma_start3A_69 : memref<1x80x125xi32, #tpu.memory_space<hbm>> -> memref<80x125xi32, #tpu.memory_space<hbm>>
      tpu.enqueue_dma source(%dma_start3A_70 : memref<80x125xi32, #tpu.memory_space<hbm>>) target(%arg7 : memref<80x125xi32, #tpu.memory_space<vmem>>) target_semaphore(%run_scoped3A : memref<!tpu.dma_semaphore, #tpu.memory_space<semaphore_mem>>)
      %dma_wait3A = arith.constant 0 : i32
      %dma_wait3A_71 = arith.constant 0 : i32
      %dma_wait3A_72 = tpu.memref_slice %arg3[%add3A_0, %dma_wait3A, %dma_wait3A_71] : memref<32x80x125xi32, #tpu.memory_space<hbm>> -> memref<1x80x125xi32, #tpu.memory_space<hbm>>
      %dma_wait3A_73 = tpu.memref_squeeze %dma_wait3A_72 : memref<1x80x125xi32, #tpu.memory_space<hbm>> -> memref<80x125xi32, #tpu.memory_space<hbm>>
      %dma_wait3A_74 = arith.constant 0 : i32
      %dma_wait3A_75 = arith.constant 0 : i32
      %dma_wait3A_76 = tpu.memref_slice %arg3[%add3A_0, %dma_wait3A_74, %dma_wait3A_75] : memref<32x80x125xi32, #tpu.memory_space<hbm>> -> memref<1x80x125xi32, #tpu.memory_space<hbm>>
      %dma_wait3A_77 = tpu.memref_squeeze %dma_wait3A_76 : memref<1x80x125xi32, #tpu.memory_space<hbm>> -> memref<80x125xi32, #tpu.memory_space<hbm>>
      tpu.wait_dma2 semaphore(%run_scoped3A : memref<!tpu.dma_semaphore, #tpu.memory_space<semaphore_mem>>) src(%dma_wait3A_77 : memref<80x125xi32, #tpu.memory_space<hbm>>) dst(%arg7 : memref<80x125xi32, #tpu.memory_space<vmem>>)
      tpu.yield
    }) : () -> ()
    "tpu.region"() ({
      %run_scoped3A = tpu.sem_alloc : memref<!tpu.dma_semaphore, #tpu.memory_space<semaphore_mem>>
      %dma_start3A_63 = arith.constant 0 : i32
      %dma_start3A_64 = arith.constant 0 : i32
      %dma_start3A_65 = tpu.memref_slice %arg4[%add3A_0, %dma_start3A_63, %dma_start3A_64] : memref<32x80x125xi32, #tpu.memory_space<hbm>> -> memref<1x80x125xi32, #tpu.memory_space<hbm>>
      %dma_start3A_66 = tpu.memref_squeeze %dma_start3A_65 : memref<1x80x125xi32, #tpu.memory_space<hbm>> -> memref<80x125xi32, #tpu.memory_space<hbm>>
      %dma_start3A_67 = arith.constant 0 : i32
      %dma_start3A_68 = arith.constant 0 : i32
      %dma_start3A_69 = tpu.memref_slice %arg4[%add3A_0, %dma_start3A_67, %dma_start3A_68] : memref<32x80x125xi32, #tpu.memory_space<hbm>> -> memref<1x80x125xi32, #tpu.memory_space<hbm>>
      %dma_start3A_70 = tpu.memref_squeeze %dma_start3A_69 : memref<1x80x125xi32, #tpu.memory_space<hbm>> -> memref<80x125xi32, #tpu.memory_space<hbm>>
      tpu.enqueue_dma source(%dma_start3A_70 : memref<80x125xi32, #tpu.memory_space<hbm>>) target(%arg8 : memref<80x125xi32, #tpu.memory_space<vmem>>) target_semaphore(%run_scoped3A : memref<!tpu.dma_semaphore, #tpu.memory_space<semaphore_mem>>)
      %dma_wait3A = arith.constant 0 : i32
      %dma_wait3A_71 = arith.constant 0 : i32
      %dma_wait3A_72 = tpu.memref_slice %arg4[%add3A_0, %dma_wait3A, %dma_wait3A_71] : memref<32x80x125xi32, #tpu.memory_space<hbm>> -> memref<1x80x125xi32, #tpu.memory_space<hbm>>
      %dma_wait3A_73 = tpu.memref_squeeze %dma_wait3A_72 : memref<1x80x125xi32, #tpu.memory_space<hbm>> -> memref<80x125xi32, #tpu.memory_space<hbm>>
      %dma_wait3A_74 = arith.constant 0 : i32
      %dma_wait3A_75 = arith.constant 0 : i32
      %dma_wait3A_76 = tpu.memref_slice %arg4[%add3A_0, %dma_wait3A_74, %dma_wait3A_75] : memref<32x80x125xi32, #tpu.memory_space<hbm>> -> memref<1x80x125xi32, #tpu.memory_space<hbm>>
      %dma_wait3A_77 = tpu.memref_squeeze %dma_wait3A_76 : memref<1x80x125xi32, #tpu.memory_space<hbm>> -> memref<80x125xi32, #tpu.memory_space<hbm>>
      tpu.wait_dma2 semaphore(%run_scoped3A : memref<!tpu.dma_semaphore, #tpu.memory_space<semaphore_mem>>) src(%dma_wait3A_77 : memref<80x125xi32, #tpu.memory_space<hbm>>) dst(%arg8 : memref<80x125xi32, #tpu.memory_space<vmem>>)
      tpu.yield
    }) : () -> ()
    %mul3A = arith.constant 632 : i32
    %mul3A_1 = arith.muli %arg1, %mul3A : i32
    "tpu.region"() ({
      %run_scoped3A = tpu.sem_alloc : memref<!tpu.dma_semaphore, #tpu.memory_space<semaphore_mem>>
      %dma_start3A_63 = arith.constant 0 : i32
      %dma_start3A_64 = tpu.memref_slice %arg17[%mul3A_1, %dma_start3A_63] : memref<10112x64xbf16, #tpu.memory_space<vmem_shared>> -> memref<632x64xbf16, #tpu.memory_space<vmem_shared>>
      %dma_start3A_65 = arith.constant 0 : i32
      %dma_start3A_66 = tpu.memref_slice %arg5[%mul3A_1, %dma_start3A_65] : memref<10112x64xbf16, #tpu.memory_space<hbm>> -> memref<632x64xbf16, #tpu.memory_space<hbm>>
      tpu.enqueue_dma source(%dma_start3A_66 : memref<632x64xbf16, #tpu.memory_space<hbm>>) target(%dma_start3A_64 : memref<632x64xbf16, #tpu.memory_space<vmem_shared>>) target_semaphore(%run_scoped3A : memref<!tpu.dma_semaphore, #tpu.memory_space<semaphore_mem>>)
      %dma_wait3A = arith.constant 0 : i32
      %dma_wait3A_67 = tpu.memref_slice %arg17[%mul3A_1, %dma_wait3A] : memref<10112x64xbf16, #tpu.memory_space<vmem_shared>> -> memref<632x64xbf16, #tpu.memory_space<vmem_shared>>
      %dma_wait3A_68 = arith.constant 0 : i32
      %dma_wait3A_69 = tpu.memref_slice %arg5[%mul3A_1, %dma_wait3A_68] : memref<10112x64xbf16, #tpu.memory_space<hbm>> -> memref<632x64xbf16, #tpu.memory_space<hbm>>
      tpu.wait_dma2 semaphore(%run_scoped3A : memref<!tpu.dma_semaphore, #tpu.memory_space<semaphore_mem>>) src(%dma_wait3A_69 : memref<632x64xbf16, #tpu.memory_space<hbm>>) dst(%dma_wait3A_67 : memref<632x64xbf16, #tpu.memory_space<vmem_shared>>)
      tpu.yield
    }) : () -> ()
    %barrier3A = arith.constant 0 : index
    tpu.barrier barrier_id(%barrier3A)
    %dma_start3A = arith.constant 0 : i32
    %dma_start3A_2 = arith.constant 0 : i32
    %dma_start3A_3 = tpu.memref_slice %arg7[%dma_start3A, %dma_start3A_2] : memref<80x125xi32, #tpu.memory_space<vmem>> -> memref<1x125xi32, #tpu.memory_space<vmem>>
    %dma_start3A_4 = tpu.memref_squeeze %dma_start3A_3 : memref<1x125xi32, #tpu.memory_space<vmem>> -> memref<125xi32, #tpu.memory_space<vmem>>
    %dma_start3A_5 = arith.constant 0 : i32
    %dma_start3A_6 = arith.constant 0 : i32
    %dma_start3A_7 = tpu.memref_slice %arg2[%dma_start3A_5, %dma_start3A_6] : memref<10000x64xbf16, #tpu.memory_space<hbm>> -> memref<10000x64xbf16, #tpu.memory_space<hbm>>
    tpu.enqueue_indirect_dma source(%dma_start3A_7 : memref<10000x64xbf16, #tpu.memory_space<hbm>>) target(%arg9 : memref<125x64xbf16, #tpu.memory_space<vmem>>) offsets(%dma_start3A_4 : memref<125xi32, #tpu.memory_space<vmem>>) semaphore(%arg18 : memref<!tpu.dma_semaphore, #tpu.memory_space<semaphore_mem>>)
    %dma_start3A_8 = arith.constant 1 : i32
    %dma_start3A_9 = arith.constant 0 : i32
    %dma_start3A_10 = tpu.memref_slice %arg7[%dma_start3A_8, %dma_start3A_9] : memref<80x125xi32, #tpu.memory_space<vmem>> -> memref<1x125xi32, #tpu.memory_space<vmem>>
    %dma_start3A_11 = tpu.memref_squeeze %dma_start3A_10 : memref<1x125xi32, #tpu.memory_space<vmem>> -> memref<125xi32, #tpu.memory_space<vmem>>
    %dma_start3A_12 = arith.constant 0 : i32
    %dma_start3A_13 = arith.constant 0 : i32
    %dma_start3A_14 = tpu.memref_slice %arg2[%dma_start3A_12, %dma_start3A_13] : memref<10000x64xbf16, #tpu.memory_space<hbm>> -> memref<10000x64xbf16, #tpu.memory_space<hbm>>
    tpu.enqueue_indirect_dma source(%dma_start3A_14 : memref<10000x64xbf16, #tpu.memory_space<hbm>>) target(%arg10 : memref<125x64xbf16, #tpu.memory_space<vmem>>) offsets(%dma_start3A_11 : memref<125xi32, #tpu.memory_space<vmem>>) semaphore(%arg19 : memref<!tpu.dma_semaphore, #tpu.memory_space<semaphore_mem>>)
    %dma_start3A_15 = arith.constant 2 : i32
    %dma_start3A_16 = arith.constant 0 : i32
    %dma_start3A_17 = tpu.memref_slice %arg7[%dma_start3A_15, %dma_start3A_16] : memref<80x125xi32, #tpu.memory_space<vmem>> -> memref<1x125xi32, #tpu.memory_space<vmem>>
    %dma_start3A_18 = tpu.memref_squeeze %dma_start3A_17 : memref<1x125xi32, #tpu.memory_space<vmem>> -> memref<125xi32, #tpu.memory_space<vmem>>
    %dma_start3A_19 = arith.constant 0 : i32
    %dma_start3A_20 = arith.constant 0 : i32
    %dma_start3A_21 = tpu.memref_slice %arg2[%dma_start3A_19, %dma_start3A_20] : memref<10000x64xbf16, #tpu.memory_space<hbm>> -> memref<10000x64xbf16, #tpu.memory_space<hbm>>
    tpu.enqueue_indirect_dma source(%dma_start3A_21 : memref<10000x64xbf16, #tpu.memory_space<hbm>>) target(%arg11 : memref<125x64xbf16, #tpu.memory_space<vmem>>) offsets(%dma_start3A_18 : memref<125xi32, #tpu.memory_space<vmem>>) semaphore(%arg20 : memref<!tpu.dma_semaphore, #tpu.memory_space<semaphore_mem>>)
    %dma_start3A_22 = arith.constant 3 : i32
    %dma_start3A_23 = arith.constant 0 : i32
    %dma_start3A_24 = tpu.memref_slice %arg7[%dma_start3A_22, %dma_start3A_23] : memref<80x125xi32, #tpu.memory_space<vmem>> -> memref<1x125xi32, #tpu.memory_space<vmem>>
    %dma_start3A_25 = tpu.memref_squeeze %dma_start3A_24 : memref<1x125xi32, #tpu.memory_space<vmem>> -> memref<125xi32, #tpu.memory_space<vmem>>
    %dma_start3A_26 = arith.constant 0 : i32
    %dma_start3A_27 = arith.constant 0 : i32
    %dma_start3A_28 = tpu.memref_slice %arg2[%dma_start3A_26, %dma_start3A_27] : memref<10000x64xbf16, #tpu.memory_space<hbm>> -> memref<10000x64xbf16, #tpu.memory_space<hbm>>
    tpu.enqueue_indirect_dma source(%dma_start3A_28 : memref<10000x64xbf16, #tpu.memory_space<hbm>>) target(%arg12 : memref<125x64xbf16, #tpu.memory_space<vmem>>) offsets(%dma_start3A_25 : memref<125xi32, #tpu.memory_space<vmem>>) semaphore(%arg21 : memref<!tpu.dma_semaphore, #tpu.memory_space<semaphore_mem>>)
    %dma_start3A_29 = arith.constant 4 : i32
    %dma_start3A_30 = arith.constant 0 : i32
    %dma_start3A_31 = tpu.memref_slice %arg7[%dma_start3A_29, %dma_start3A_30] : memref<80x125xi32, #tpu.memory_space<vmem>> -> memref<1x125xi32, #tpu.memory_space<vmem>>
    %dma_start3A_32 = tpu.memref_squeeze %dma_start3A_31 : memref<1x125xi32, #tpu.memory_space<vmem>> -> memref<125xi32, #tpu.memory_space<vmem>>
    %dma_start3A_33 = arith.constant 0 : i32
    %dma_start3A_34 = arith.constant 0 : i32
    %dma_start3A_35 = tpu.memref_slice %arg2[%dma_start3A_33, %dma_start3A_34] : memref<10000x64xbf16, #tpu.memory_space<hbm>> -> memref<10000x64xbf16, #tpu.memory_space<hbm>>
    tpu.enqueue_indirect_dma source(%dma_start3A_35 : memref<10000x64xbf16, #tpu.memory_space<hbm>>) target(%arg13 : memref<125x64xbf16, #tpu.memory_space<vmem>>) offsets(%dma_start3A_32 : memref<125xi32, #tpu.memory_space<vmem>>) semaphore(%arg22 : memref<!tpu.dma_semaphore, #tpu.memory_space<semaphore_mem>>)
    %dma_start3A_36 = arith.constant 5 : i32
    %dma_start3A_37 = arith.constant 0 : i32
    %dma_start3A_38 = tpu.memref_slice %arg7[%dma_start3A_36, %dma_start3A_37] : memref<80x125xi32, #tpu.memory_space<vmem>> -> memref<1x125xi32, #tpu.memory_space<vmem>>
    %dma_start3A_39 = tpu.memref_squeeze %dma_start3A_38 : memref<1x125xi32, #tpu.memory_space<vmem>> -> memref<125xi32, #tpu.memory_space<vmem>>
    %dma_start3A_40 = arith.constant 0 : i32
    %dma_start3A_41 = arith.constant 0 : i32
    %dma_start3A_42 = tpu.memref_slice %arg2[%dma_start3A_40, %dma_start3A_41] : memref<10000x64xbf16, #tpu.memory_space<hbm>> -> memref<10000x64xbf16, #tpu.memory_space<hbm>>
    tpu.enqueue_indirect_dma source(%dma_start3A_42 : memref<10000x64xbf16, #tpu.memory_space<hbm>>) target(%arg14 : memref<125x64xbf16, #tpu.memory_space<vmem>>) offsets(%dma_start3A_39 : memref<125xi32, #tpu.memory_space<vmem>>) semaphore(%arg23 : memref<!tpu.dma_semaphore, #tpu.memory_space<semaphore_mem>>)
    %dma_start3A_43 = arith.constant 6 : i32
    %dma_start3A_44 = arith.constant 0 : i32
    %dma_start3A_45 = tpu.memref_slice %arg7[%dma_start3A_43, %dma_start3A_44] : memref<80x125xi32, #tpu.memory_space<vmem>> -> memref<1x125xi32, #tpu.memory_space<vmem>>
    %dma_start3A_46 = tpu.memref_squeeze %dma_start3A_45 : memref<1x125xi32, #tpu.memory_space<vmem>> -> memref<125xi32, #tpu.memory_space<vmem>>
    %dma_start3A_47 = arith.constant 0 : i32
    %dma_start3A_48 = arith.constant 0 : i32
    %dma_start3A_49 = tpu.memref_slice %arg2[%dma_start3A_47, %dma_start3A_48] : memref<10000x64xbf16, #tpu.memory_space<hbm>> -> memref<10000x64xbf16, #tpu.memory_space<hbm>>
    tpu.enqueue_indirect_dma source(%dma_start3A_49 : memref<10000x64xbf16, #tpu.memory_space<hbm>>) target(%arg15 : memref<125x64xbf16, #tpu.memory_space<vmem>>) offsets(%dma_start3A_46 : memref<125xi32, #tpu.memory_space<vmem>>) semaphore(%arg24 : memref<!tpu.dma_semaphore, #tpu.memory_space<semaphore_mem>>)
    %dma_start3A_50 = arith.constant 7 : i32
    %dma_start3A_51 = arith.constant 0 : i32
    %dma_start3A_52 = tpu.memref_slice %arg7[%dma_start3A_50, %dma_start3A_51] : memref<80x125xi32, #tpu.memory_space<vmem>> -> memref<1x125xi32, #tpu.memory_space<vmem>>
    %dma_start3A_53 = tpu.memref_squeeze %dma_start3A_52 : memref<1x125xi32, #tpu.memory_space<vmem>> -> memref<125xi32, #tpu.memory_space<vmem>>
    %dma_start3A_54 = arith.constant 0 : i32
    %dma_start3A_55 = arith.constant 0 : i32
    %dma_start3A_56 = tpu.memref_slice %arg2[%dma_start3A_54, %dma_start3A_55] : memref<10000x64xbf16, #tpu.memory_space<hbm>> -> memref<10000x64xbf16, #tpu.memory_space<hbm>>
    tpu.enqueue_indirect_dma source(%dma_start3A_56 : memref<10000x64xbf16, #tpu.memory_space<hbm>>) target(%arg16 : memref<125x64xbf16, #tpu.memory_space<vmem>>) offsets(%dma_start3A_53 : memref<125xi32, #tpu.memory_space<vmem>>) semaphore(%arg25 : memref<!tpu.dma_semaphore, #tpu.memory_space<semaphore_mem>>)
    %scan3A = arith.constant 0 : i32
    %scan3A_57 = arith.constant 0 : i32
    %scan3A_58 = arith.constant 10 : i32
    %scan3A_59 = arith.addi %scan3A_57, %scan3A_58 : i32
    %scan3A_60 = arith.constant 1 : i32
    scf.for %scan3A_63 = %scan3A_57 to %scan3A_59 step %scan3A_60  : i32 {
      %mul3A_64 = arith.constant 8 : i32
      %mul3A_65 = arith.muli %mul3A_64, %scan3A_63 : i32
      %add3A_66 = arith.constant 0 : i32
      %add3A_67 = arith.addi %mul3A_65, %add3A_66 : i32
      %dma_wait3A = arith.constant 0 : i32
      %dma_wait3A_68 = tpu.memref_slice %arg7[%add3A_67, %dma_wait3A] : memref<80x125xi32, #tpu.memory_space<vmem>> -> memref<1x125xi32, #tpu.memory_space<vmem>>
      %dma_wait3A_69 = tpu.memref_squeeze %dma_wait3A_68 : memref<1x125xi32, #tpu.memory_space<vmem>> -> memref<125xi32, #tpu.memory_space<vmem>>
      %dma_wait3A_70 = arith.constant 0 : i32
      %dma_wait3A_71 = arith.constant 0 : i32
      %dma_wait3A_72 = tpu.memref_slice %arg2[%dma_wait3A_70, %dma_wait3A_71] : memref<10000x64xbf16, #tpu.memory_space<hbm>> -> memref<10000x64xbf16, #tpu.memory_space<hbm>>
      tpu.wait_indirect_dma semaphore(%arg18 : memref<!tpu.dma_semaphore, #tpu.memory_space<semaphore_mem>>) src(%dma_wait3A_72 : memref<10000x64xbf16, #tpu.memory_space<hbm>>) dst(%arg9 : memref<125x64xbf16, #tpu.memory_space<vmem>>)
      "tpu.region"() ({
        %run_scoped3A = tpu.sem_alloc : memref<!tpu.dma_semaphore, #tpu.memory_space<semaphore_mem>>
        %dma_start3A_196 = arith.constant 0 : i32
        %dma_start3A_197 = tpu.memref_slice %arg8[%add3A_67, %dma_start3A_196] : memref<80x125xi32, #tpu.memory_space<vmem>> -> memref<1x125xi32, #tpu.memory_space<vmem>>
        %dma_start3A_198 = tpu.memref_squeeze %dma_start3A_197 : memref<1x125xi32, #tpu.memory_space<vmem>> -> memref<125xi32, #tpu.memory_space<vmem>>
        %dma_start3A_199 = arith.constant 0 : i32
        %dma_start3A_200 = arith.constant 0 : i32
        %dma_start3A_201 = tpu.memref_slice %arg17[%dma_start3A_199, %dma_start3A_200] : memref<10112x64xbf16, #tpu.memory_space<vmem_shared>> -> memref<10112x64xbf16, #tpu.memory_space<vmem_shared>>
        tpu.enqueue_indirect_dma source(%arg9 : memref<125x64xbf16, #tpu.memory_space<vmem>>) target(%dma_start3A_201 : memref<10112x64xbf16, #tpu.memory_space<vmem_shared>>) offsets(%dma_start3A_198 : memref<125xi32, #tpu.memory_space<vmem>>) semaphore(%run_scoped3A : memref<!tpu.dma_semaphore, #tpu.memory_space<semaphore_mem>>) {add = true}
        %dma_wait3A_202 = arith.constant 0 : i32
        %dma_wait3A_203 = tpu.memref_slice %arg8[%add3A_67, %dma_wait3A_202] : memref<80x125xi32, #tpu.memory_space<vmem>> -> memref<1x125xi32, #tpu.memory_space<vmem>>
        %dma_wait3A_204 = tpu.memref_squeeze %dma_wait3A_203 : memref<1x125xi32, #tpu.memory_space<vmem>> -> memref<125xi32, #tpu.memory_space<vmem>>
        %dma_wait3A_205 = arith.constant 0 : i32
        %dma_wait3A_206 = arith.constant 0 : i32
        %dma_wait3A_207 = tpu.memref_slice %arg17[%dma_wait3A_205, %dma_wait3A_206] : memref<10112x64xbf16, #tpu.memory_space<vmem_shared>> -> memref<10112x64xbf16, #tpu.memory_space<vmem_shared>>
        tpu.wait_indirect_dma semaphore(%run_scoped3A : memref<!tpu.dma_semaphore, #tpu.memory_space<semaphore_mem>>) src(%arg9 : memref<125x64xbf16, #tpu.memory_space<vmem>>) dst(%dma_wait3A_207 : memref<10112x64xbf16, #tpu.memory_space<vmem_shared>>)
        tpu.yield
      }) : () -> ()
      %add3A_73 = arith.constant 8 : i32
      %add3A_74 = arith.addi %add3A_67, %add3A_73 : i32
      %lt3A = arith.constant 80 : i32
      %lt3A_75 = arith.cmpi slt, %add3A_74, %lt3A : i32
      %convert_element_type3A = arith.extui %lt3A_75 : i1 to i32
      %cond3A = arith.constant 0 : i32
      %cond3A_76 = arith.cmpi ne, %convert_element_type3A, %cond3A : i32
      scf.if %cond3A_76 {
        %add3A_196 = arith.constant 8 : i32
        %add3A_197 = arith.addi %add3A_67, %add3A_196 : i32
        %dma_start3A_198 = arith.constant 0 : i32
        %dma_start3A_199 = tpu.memref_slice %arg7[%add3A_197, %dma_start3A_198] : memref<80x125xi32, #tpu.memory_space<vmem>> -> memref<1x125xi32, #tpu.memory_space<vmem>>
        %dma_start3A_200 = tpu.memref_squeeze %dma_start3A_199 : memref<1x125xi32, #tpu.memory_space<vmem>> -> memref<125xi32, #tpu.memory_space<vmem>>
        %dma_start3A_201 = arith.constant 0 : i32
        %dma_start3A_202 = arith.constant 0 : i32
        %dma_start3A_203 = tpu.memref_slice %arg2[%dma_start3A_201, %dma_start3A_202] : memref<10000x64xbf16, #tpu.memory_space<hbm>> -> memref<10000x64xbf16, #tpu.memory_space<hbm>>
        tpu.enqueue_indirect_dma source(%dma_start3A_203 : memref<10000x64xbf16, #tpu.memory_space<hbm>>) target(%arg9 : memref<125x64xbf16, #tpu.memory_space<vmem>>) offsets(%dma_start3A_200 : memref<125xi32, #tpu.memory_space<vmem>>) semaphore(%arg18 : memref<!tpu.dma_semaphore, #tpu.memory_space<semaphore_mem>>)
      } else {
      }
      %mul3A_77 = arith.constant 8 : i32
      %mul3A_78 = arith.muli %mul3A_77, %scan3A_63 : i32
      %add3A_79 = arith.constant 1 : i32
      %add3A_80 = arith.addi %mul3A_78, %add3A_79 : i32
      %dma_wait3A_81 = arith.constant 0 : i32
      %dma_wait3A_82 = tpu.memref_slice %arg7[%add3A_80, %dma_wait3A_81] : memref<80x125xi32, #tpu.memory_space<vmem>> -> memref<1x125xi32, #tpu.memory_space<vmem>>
      %dma_wait3A_83 = tpu.memref_squeeze %dma_wait3A_82 : memref<1x125xi32, #tpu.memory_space<vmem>> -> memref<125xi32, #tpu.memory_space<vmem>>
      %dma_wait3A_84 = arith.constant 0 : i32
      %dma_wait3A_85 = arith.constant 0 : i32
      %dma_wait3A_86 = tpu.memref_slice %arg2[%dma_wait3A_84, %dma_wait3A_85] : memref<10000x64xbf16, #tpu.memory_space<hbm>> -> memref<10000x64xbf16, #tpu.memory_space<hbm>>
      tpu.wait_indirect_dma semaphore(%arg19 : memref<!tpu.dma_semaphore, #tpu.memory_space<semaphore_mem>>) src(%dma_wait3A_86 : memref<10000x64xbf16, #tpu.memory_space<hbm>>) dst(%arg10 : memref<125x64xbf16, #tpu.memory_space<vmem>>)
      "tpu.region"() ({
        %run_scoped3A = tpu.sem_alloc : memref<!tpu.dma_semaphore, #tpu.memory_space<semaphore_mem>>
        %dma_start3A_196 = arith.constant 0 : i32
        %dma_start3A_197 = tpu.memref_slice %arg8[%add3A_80, %dma_start3A_196] : memref<80x125xi32, #tpu.memory_space<vmem>> -> memref<1x125xi32, #tpu.memory_space<vmem>>
        %dma_start3A_198 = tpu.memref_squeeze %dma_start3A_197 : memref<1x125xi32, #tpu.memory_space<vmem>> -> memref<125xi32, #tpu.memory_space<vmem>>
        %dma_start3A_199 = arith.constant 0 : i32
        %dma_start3A_200 = arith.constant 0 : i32
        %dma_start3A_201 = tpu.memref_slice %arg17[%dma_start3A_199, %dma_start3A_200] : memref<10112x64xbf16, #tpu.memory_space<vmem_shared>> -> memref<10112x64xbf16, #tpu.memory_space<vmem_shared>>
        tpu.enqueue_indirect_dma source(%arg10 : memref<125x64xbf16, #tpu.memory_space<vmem>>) target(%dma_start3A_201 : memref<10112x64xbf16, #tpu.memory_space<vmem_shared>>) offsets(%dma_start3A_198 : memref<125xi32, #tpu.memory_space<vmem>>) semaphore(%run_scoped3A : memref<!tpu.dma_semaphore, #tpu.memory_space<semaphore_mem>>) {add = true}
        %dma_wait3A_202 = arith.constant 0 : i32
        %dma_wait3A_203 = tpu.memref_slice %arg8[%add3A_80, %dma_wait3A_202] : memref<80x125xi32, #tpu.memory_space<vmem>> -> memref<1x125xi32, #tpu.memory_space<vmem>>
        %dma_wait3A_204 = tpu.memref_squeeze %dma_wait3A_203 : memref<1x125xi32, #tpu.memory_space<vmem>> -> memref<125xi32, #tpu.memory_space<vmem>>
        %dma_wait3A_205 = arith.constant 0 : i32
        %dma_wait3A_206 = arith.constant 0 : i32
        %dma_wait3A_207 = tpu.memref_slice %arg17[%dma_wait3A_205, %dma_wait3A_206] : memref<10112x64xbf16, #tpu.memory_space<vmem_shared>> -> memref<10112x64xbf16, #tpu.memory_space<vmem_shared>>
        tpu.wait_indirect_dma semaphore(%run_scoped3A : memref<!tpu.dma_semaphore, #tpu.memory_space<semaphore_mem>>) src(%arg10 : memref<125x64xbf16, #tpu.memory_space<vmem>>) dst(%dma_wait3A_207 : memref<10112x64xbf16, #tpu.memory_space<vmem_shared>>)
        tpu.yield
      }) : () -> ()
      %add3A_87 = arith.constant 8 : i32
      %add3A_88 = arith.addi %add3A_80, %add3A_87 : i32
      %lt3A_89 = arith.constant 80 : i32
      %lt3A_90 = arith.cmpi slt, %add3A_88, %lt3A_89 : i32
      %convert_element_type3A_91 = arith.extui %lt3A_90 : i1 to i32
      %cond3A_92 = arith.constant 0 : i32
      %cond3A_93 = arith.cmpi ne, %convert_element_type3A_91, %cond3A_92 : i32
      scf.if %cond3A_93 {
        %add3A_196 = arith.constant 8 : i32
        %add3A_197 = arith.addi %add3A_80, %add3A_196 : i32
        %dma_start3A_198 = arith.constant 0 : i32
        %dma_start3A_199 = tpu.memref_slice %arg7[%add3A_197, %dma_start3A_198] : memref<80x125xi32, #tpu.memory_space<vmem>> -> memref<1x125xi32, #tpu.memory_space<vmem>>
        %dma_start3A_200 = tpu.memref_squeeze %dma_start3A_199 : memref<1x125xi32, #tpu.memory_space<vmem>> -> memref<125xi32, #tpu.memory_space<vmem>>
        %dma_start3A_201 = arith.constant 0 : i32
        %dma_start3A_202 = arith.constant 0 : i32
        %dma_start3A_203 = tpu.memref_slice %arg2[%dma_start3A_201, %dma_start3A_202] : memref<10000x64xbf16, #tpu.memory_space<hbm>> -> memref<10000x64xbf16, #tpu.memory_space<hbm>>
        tpu.enqueue_indirect_dma source(%dma_start3A_203 : memref<10000x64xbf16, #tpu.memory_space<hbm>>) target(%arg10 : memref<125x64xbf16, #tpu.memory_space<vmem>>) offsets(%dma_start3A_200 : memref<125xi32, #tpu.memory_space<vmem>>) semaphore(%arg19 : memref<!tpu.dma_semaphore, #tpu.memory_space<semaphore_mem>>)
      } else {
      }
      %mul3A_94 = arith.constant 8 : i32
      %mul3A_95 = arith.muli %mul3A_94, %scan3A_63 : i32
      %add3A_96 = arith.constant 2 : i32
      %add3A_97 = arith.addi %mul3A_95, %add3A_96 : i32
      %dma_wait3A_98 = arith.constant 0 : i32
      %dma_wait3A_99 = tpu.memref_slice %arg7[%add3A_97, %dma_wait3A_98] : memref<80x125xi32, #tpu.memory_space<vmem>> -> memref<1x125xi32, #tpu.memory_space<vmem>>
      %dma_wait3A_100 = tpu.memref_squeeze %dma_wait3A_99 : memref<1x125xi32, #tpu.memory_space<vmem>> -> memref<125xi32, #tpu.memory_space<vmem>>
      %dma_wait3A_101 = arith.constant 0 : i32
      %dma_wait3A_102 = arith.constant 0 : i32
      %dma_wait3A_103 = tpu.memref_slice %arg2[%dma_wait3A_101, %dma_wait3A_102] : memref<10000x64xbf16, #tpu.memory_space<hbm>> -> memref<10000x64xbf16, #tpu.memory_space<hbm>>
      tpu.wait_indirect_dma semaphore(%arg20 : memref<!tpu.dma_semaphore, #tpu.memory_space<semaphore_mem>>) src(%dma_wait3A_103 : memref<10000x64xbf16, #tpu.memory_space<hbm>>) dst(%arg11 : memref<125x64xbf16, #tpu.memory_space<vmem>>)
      "tpu.region"() ({
        %run_scoped3A = tpu.sem_alloc : memref<!tpu.dma_semaphore, #tpu.memory_space<semaphore_mem>>
        %dma_start3A_196 = arith.constant 0 : i32
        %dma_start3A_197 = tpu.memref_slice %arg8[%add3A_97, %dma_start3A_196] : memref<80x125xi32, #tpu.memory_space<vmem>> -> memref<1x125xi32, #tpu.memory_space<vmem>>
        %dma_start3A_198 = tpu.memref_squeeze %dma_start3A_197 : memref<1x125xi32, #tpu.memory_space<vmem>> -> memref<125xi32, #tpu.memory_space<vmem>>
        %dma_start3A_199 = arith.constant 0 : i32
        %dma_start3A_200 = arith.constant 0 : i32
        %dma_start3A_201 = tpu.memref_slice %arg17[%dma_start3A_199, %dma_start3A_200] : memref<10112x64xbf16, #tpu.memory_space<vmem_shared>> -> memref<10112x64xbf16, #tpu.memory_space<vmem_shared>>
        tpu.enqueue_indirect_dma source(%arg11 : memref<125x64xbf16, #tpu.memory_space<vmem>>) target(%dma_start3A_201 : memref<10112x64xbf16, #tpu.memory_space<vmem_shared>>) offsets(%dma_start3A_198 : memref<125xi32, #tpu.memory_space<vmem>>) semaphore(%run_scoped3A : memref<!tpu.dma_semaphore, #tpu.memory_space<semaphore_mem>>) {add = true}
        %dma_wait3A_202 = arith.constant 0 : i32
        %dma_wait3A_203 = tpu.memref_slice %arg8[%add3A_97, %dma_wait3A_202] : memref<80x125xi32, #tpu.memory_space<vmem>> -> memref<1x125xi32, #tpu.memory_space<vmem>>
        %dma_wait3A_204 = tpu.memref_squeeze %dma_wait3A_203 : memref<1x125xi32, #tpu.memory_space<vmem>> -> memref<125xi32, #tpu.memory_space<vmem>>
        %dma_wait3A_205 = arith.constant 0 : i32
        %dma_wait3A_206 = arith.constant 0 : i32
        %dma_wait3A_207 = tpu.memref_slice %arg17[%dma_wait3A_205, %dma_wait3A_206] : memref<10112x64xbf16, #tpu.memory_space<vmem_shared>> -> memref<10112x64xbf16, #tpu.memory_space<vmem_shared>>
        tpu.wait_indirect_dma semaphore(%run_scoped3A : memref<!tpu.dma_semaphore, #tpu.memory_space<semaphore_mem>>) src(%arg11 : memref<125x64xbf16, #tpu.memory_space<vmem>>) dst(%dma_wait3A_207 : memref<10112x64xbf16, #tpu.memory_space<vmem_shared>>)
        tpu.yield
      }) : () -> ()
      %add3A_104 = arith.constant 8 : i32
      %add3A_105 = arith.addi %add3A_97, %add3A_104 : i32
      %lt3A_106 = arith.constant 80 : i32
      %lt3A_107 = arith.cmpi slt, %add3A_105, %lt3A_106 : i32
      %convert_element_type3A_108 = arith.extui %lt3A_107 : i1 to i32
      %cond3A_109 = arith.constant 0 : i32
      %cond3A_110 = arith.cmpi ne, %convert_element_type3A_108, %cond3A_109 : i32
      scf.if %cond3A_110 {
        %add3A_196 = arith.constant 8 : i32
        %add3A_197 = arith.addi %add3A_97, %add3A_196 : i32
        %dma_start3A_198 = arith.constant 0 : i32
        %dma_start3A_199 = tpu.memref_slice %arg7[%add3A_197, %dma_start3A_198] : memref<80x125xi32, #tpu.memory_space<vmem>> -> memref<1x125xi32, #tpu.memory_space<vmem>>
        %dma_start3A_200 = tpu.memref_squeeze %dma_start3A_199 : memref<1x125xi32, #tpu.memory_space<vmem>> -> memref<125xi32, #tpu.memory_space<vmem>>
        %dma_start3A_201 = arith.constant 0 : i32
        %dma_start3A_202 = arith.constant 0 : i32
        %dma_start3A_203 = tpu.memref_slice %arg2[%dma_start3A_201, %dma_start3A_202] : memref<10000x64xbf16, #tpu.memory_space<hbm>> -> memref<10000x64xbf16, #tpu.memory_space<hbm>>
        tpu.enqueue_indirect_dma source(%dma_start3A_203 : memref<10000x64xbf16, #tpu.memory_space<hbm>>) target(%arg11 : memref<125x64xbf16, #tpu.memory_space<vmem>>) offsets(%dma_start3A_200 : memref<125xi32, #tpu.memory_space<vmem>>) semaphore(%arg20 : memref<!tpu.dma_semaphore, #tpu.memory_space<semaphore_mem>>)
      } else {
      }
      %mul3A_111 = arith.constant 8 : i32
      %mul3A_112 = arith.muli %mul3A_111, %scan3A_63 : i32
      %add3A_113 = arith.constant 3 : i32
      %add3A_114 = arith.addi %mul3A_112, %add3A_113 : i32
      %dma_wait3A_115 = arith.constant 0 : i32
      %dma_wait3A_116 = tpu.memref_slice %arg7[%add3A_114, %dma_wait3A_115] : memref<80x125xi32, #tpu.memory_space<vmem>> -> memref<1x125xi32, #tpu.memory_space<vmem>>
      %dma_wait3A_117 = tpu.memref_squeeze %dma_wait3A_116 : memref<1x125xi32, #tpu.memory_space<vmem>> -> memref<125xi32, #tpu.memory_space<vmem>>
      %dma_wait3A_118 = arith.constant 0 : i32
      %dma_wait3A_119 = arith.constant 0 : i32
      %dma_wait3A_120 = tpu.memref_slice %arg2[%dma_wait3A_118, %dma_wait3A_119] : memref<10000x64xbf16, #tpu.memory_space<hbm>> -> memref<10000x64xbf16, #tpu.memory_space<hbm>>
      tpu.wait_indirect_dma semaphore(%arg21 : memref<!tpu.dma_semaphore, #tpu.memory_space<semaphore_mem>>) src(%dma_wait3A_120 : memref<10000x64xbf16, #tpu.memory_space<hbm>>) dst(%arg12 : memref<125x64xbf16, #tpu.memory_space<vmem>>)
      "tpu.region"() ({
        %run_scoped3A = tpu.sem_alloc : memref<!tpu.dma_semaphore, #tpu.memory_space<semaphore_mem>>
        %dma_start3A_196 = arith.constant 0 : i32
        %dma_start3A_197 = tpu.memref_slice %arg8[%add3A_114, %dma_start3A_196] : memref<80x125xi32, #tpu.memory_space<vmem>> -> memref<1x125xi32, #tpu.memory_space<vmem>>
        %dma_start3A_198 = tpu.memref_squeeze %dma_start3A_197 : memref<1x125xi32, #tpu.memory_space<vmem>> -> memref<125xi32, #tpu.memory_space<vmem>>
        %dma_start3A_199 = arith.constant 0 : i32
        %dma_start3A_200 = arith.constant 0 : i32
        %dma_start3A_201 = tpu.memref_slice %arg17[%dma_start3A_199, %dma_start3A_200] : memref<10112x64xbf16, #tpu.memory_space<vmem_shared>> -> memref<10112x64xbf16, #tpu.memory_space<vmem_shared>>
        tpu.enqueue_indirect_dma source(%arg12 : memref<125x64xbf16, #tpu.memory_space<vmem>>) target(%dma_start3A_201 : memref<10112x64xbf16, #tpu.memory_space<vmem_shared>>) offsets(%dma_start3A_198 : memref<125xi32, #tpu.memory_space<vmem>>) semaphore(%run_scoped3A : memref<!tpu.dma_semaphore, #tpu.memory_space<semaphore_mem>>) {add = true}
        %dma_wait3A_202 = arith.constant 0 : i32
        %dma_wait3A_203 = tpu.memref_slice %arg8[%add3A_114, %dma_wait3A_202] : memref<80x125xi32, #tpu.memory_space<vmem>> -> memref<1x125xi32, #tpu.memory_space<vmem>>
        %dma_wait3A_204 = tpu.memref_squeeze %dma_wait3A_203 : memref<1x125xi32, #tpu.memory_space<vmem>> -> memref<125xi32, #tpu.memory_space<vmem>>
        %dma_wait3A_205 = arith.constant 0 : i32
        %dma_wait3A_206 = arith.constant 0 : i32
        %dma_wait3A_207 = tpu.memref_slice %arg17[%dma_wait3A_205, %dma_wait3A_206] : memref<10112x64xbf16, #tpu.memory_space<vmem_shared>> -> memref<10112x64xbf16, #tpu.memory_space<vmem_shared>>
        tpu.wait_indirect_dma semaphore(%run_scoped3A : memref<!tpu.dma_semaphore, #tpu.memory_space<semaphore_mem>>) src(%arg12 : memref<125x64xbf16, #tpu.memory_space<vmem>>) dst(%dma_wait3A_207 : memref<10112x64xbf16, #tpu.memory_space<vmem_shared>>)
        tpu.yield
      }) : () -> ()
      %add3A_121 = arith.constant 8 : i32
      %add3A_122 = arith.addi %add3A_114, %add3A_121 : i32
      %lt3A_123 = arith.constant 80 : i32
      %lt3A_124 = arith.cmpi slt, %add3A_122, %lt3A_123 : i32
      %convert_element_type3A_125 = arith.extui %lt3A_124 : i1 to i32
      %cond3A_126 = arith.constant 0 : i32
      %cond3A_127 = arith.cmpi ne, %convert_element_type3A_125, %cond3A_126 : i32
      scf.if %cond3A_127 {
        %add3A_196 = arith.constant 8 : i32
        %add3A_197 = arith.addi %add3A_114, %add3A_196 : i32
        %dma_start3A_198 = arith.constant 0 : i32
        %dma_start3A_199 = tpu.memref_slice %arg7[%add3A_197, %dma_start3A_198] : memref<80x125xi32, #tpu.memory_space<vmem>> -> memref<1x125xi32, #tpu.memory_space<vmem>>
        %dma_start3A_200 = tpu.memref_squeeze %dma_start3A_199 : memref<1x125xi32, #tpu.memory_space<vmem>> -> memref<125xi32, #tpu.memory_space<vmem>>
        %dma_start3A_201 = arith.constant 0 : i32
        %dma_start3A_202 = arith.constant 0 : i32
        %dma_start3A_203 = tpu.memref_slice %arg2[%dma_start3A_201, %dma_start3A_202] : memref<10000x64xbf16, #tpu.memory_space<hbm>> -> memref<10000x64xbf16, #tpu.memory_space<hbm>>
        tpu.enqueue_indirect_dma source(%dma_start3A_203 : memref<10000x64xbf16, #tpu.memory_space<hbm>>) target(%arg12 : memref<125x64xbf16, #tpu.memory_space<vmem>>) offsets(%dma_start3A_200 : memref<125xi32, #tpu.memory_space<vmem>>) semaphore(%arg21 : memref<!tpu.dma_semaphore, #tpu.memory_space<semaphore_mem>>)
      } else {
      }
      %mul3A_128 = arith.constant 8 : i32
      %mul3A_129 = arith.muli %mul3A_128, %scan3A_63 : i32
      %add3A_130 = arith.constant 4 : i32
      %add3A_131 = arith.addi %mul3A_129, %add3A_130 : i32
      %dma_wait3A_132 = arith.constant 0 : i32
      %dma_wait3A_133 = tpu.memref_slice %arg7[%add3A_131, %dma_wait3A_132] : memref<80x125xi32, #tpu.memory_space<vmem>> -> memref<1x125xi32, #tpu.memory_space<vmem>>
      %dma_wait3A_134 = tpu.memref_squeeze %dma_wait3A_133 : memref<1x125xi32, #tpu.memory_space<vmem>> -> memref<125xi32, #tpu.memory_space<vmem>>
      %dma_wait3A_135 = arith.constant 0 : i32
      %dma_wait3A_136 = arith.constant 0 : i32
      %dma_wait3A_137 = tpu.memref_slice %arg2[%dma_wait3A_135, %dma_wait3A_136] : memref<10000x64xbf16, #tpu.memory_space<hbm>> -> memref<10000x64xbf16, #tpu.memory_space<hbm>>
      tpu.wait_indirect_dma semaphore(%arg22 : memref<!tpu.dma_semaphore, #tpu.memory_space<semaphore_mem>>) src(%dma_wait3A_137 : memref<10000x64xbf16, #tpu.memory_space<hbm>>) dst(%arg13 : memref<125x64xbf16, #tpu.memory_space<vmem>>)
      "tpu.region"() ({
        %run_scoped3A = tpu.sem_alloc : memref<!tpu.dma_semaphore, #tpu.memory_space<semaphore_mem>>
        %dma_start3A_196 = arith.constant 0 : i32
        %dma_start3A_197 = tpu.memref_slice %arg8[%add3A_131, %dma_start3A_196] : memref<80x125xi32, #tpu.memory_space<vmem>> -> memref<1x125xi32, #tpu.memory_space<vmem>>
        %dma_start3A_198 = tpu.memref_squeeze %dma_start3A_197 : memref<1x125xi32, #tpu.memory_space<vmem>> -> memref<125xi32, #tpu.memory_space<vmem>>
        %dma_start3A_199 = arith.constant 0 : i32
        %dma_start3A_200 = arith.constant 0 : i32
        %dma_start3A_201 = tpu.memref_slice %arg17[%dma_start3A_199, %dma_start3A_200] : memref<10112x64xbf16, #tpu.memory_space<vmem_shared>> -> memref<10112x64xbf16, #tpu.memory_space<vmem_shared>>
        tpu.enqueue_indirect_dma source(%arg13 : memref<125x64xbf16, #tpu.memory_space<vmem>>) target(%dma_start3A_201 : memref<10112x64xbf16, #tpu.memory_space<vmem_shared>>) offsets(%dma_start3A_198 : memref<125xi32, #tpu.memory_space<vmem>>) semaphore(%run_scoped3A : memref<!tpu.dma_semaphore, #tpu.memory_space<semaphore_mem>>) {add = true}
        %dma_wait3A_202 = arith.constant 0 : i32
        %dma_wait3A_203 = tpu.memref_slice %arg8[%add3A_131, %dma_wait3A_202] : memref<80x125xi32, #tpu.memory_space<vmem>> -> memref<1x125xi32, #tpu.memory_space<vmem>>
        %dma_wait3A_204 = tpu.memref_squeeze %dma_wait3A_203 : memref<1x125xi32, #tpu.memory_space<vmem>> -> memref<125xi32, #tpu.memory_space<vmem>>
        %dma_wait3A_205 = arith.constant 0 : i32
        %dma_wait3A_206 = arith.constant 0 : i32
        %dma_wait3A_207 = tpu.memref_slice %arg17[%dma_wait3A_205, %dma_wait3A_206] : memref<10112x64xbf16, #tpu.memory_space<vmem_shared>> -> memref<10112x64xbf16, #tpu.memory_space<vmem_shared>>
        tpu.wait_indirect_dma semaphore(%run_scoped3A : memref<!tpu.dma_semaphore, #tpu.memory_space<semaphore_mem>>) src(%arg13 : memref<125x64xbf16, #tpu.memory_space<vmem>>) dst(%dma_wait3A_207 : memref<10112x64xbf16, #tpu.memory_space<vmem_shared>>)
        tpu.yield
      }) : () -> ()
      %add3A_138 = arith.constant 8 : i32
      %add3A_139 = arith.addi %add3A_131, %add3A_138 : i32
      %lt3A_140 = arith.constant 80 : i32
      %lt3A_141 = arith.cmpi slt, %add3A_139, %lt3A_140 : i32
      %convert_element_type3A_142 = arith.extui %lt3A_141 : i1 to i32
      %cond3A_143 = arith.constant 0 : i32
      %cond3A_144 = arith.cmpi ne, %convert_element_type3A_142, %cond3A_143 : i32
      scf.if %cond3A_144 {
        %add3A_196 = arith.constant 8 : i32
        %add3A_197 = arith.addi %add3A_131, %add3A_196 : i32
        %dma_start3A_198 = arith.constant 0 : i32
        %dma_start3A_199 = tpu.memref_slice %arg7[%add3A_197, %dma_start3A_198] : memref<80x125xi32, #tpu.memory_space<vmem>> -> memref<1x125xi32, #tpu.memory_space<vmem>>
        %dma_start3A_200 = tpu.memref_squeeze %dma_start3A_199 : memref<1x125xi32, #tpu.memory_space<vmem>> -> memref<125xi32, #tpu.memory_space<vmem>>
        %dma_start3A_201 = arith.constant 0 : i32
        %dma_start3A_202 = arith.constant 0 : i32
        %dma_start3A_203 = tpu.memref_slice %arg2[%dma_start3A_201, %dma_start3A_202] : memref<10000x64xbf16, #tpu.memory_space<hbm>> -> memref<10000x64xbf16, #tpu.memory_space<hbm>>
        tpu.enqueue_indirect_dma source(%dma_start3A_203 : memref<10000x64xbf16, #tpu.memory_space<hbm>>) target(%arg13 : memref<125x64xbf16, #tpu.memory_space<vmem>>) offsets(%dma_start3A_200 : memref<125xi32, #tpu.memory_space<vmem>>) semaphore(%arg22 : memref<!tpu.dma_semaphore, #tpu.memory_space<semaphore_mem>>)
      } else {
      }
      %mul3A_145 = arith.constant 8 : i32
      %mul3A_146 = arith.muli %mul3A_145, %scan3A_63 : i32
      %add3A_147 = arith.constant 5 : i32
      %add3A_148 = arith.addi %mul3A_146, %add3A_147 : i32
      %dma_wait3A_149 = arith.constant 0 : i32
      %dma_wait3A_150 = tpu.memref_slice %arg7[%add3A_148, %dma_wait3A_149] : memref<80x125xi32, #tpu.memory_space<vmem>> -> memref<1x125xi32, #tpu.memory_space<vmem>>
      %dma_wait3A_151 = tpu.memref_squeeze %dma_wait3A_150 : memref<1x125xi32, #tpu.memory_space<vmem>> -> memref<125xi32, #tpu.memory_space<vmem>>
      %dma_wait3A_152 = arith.constant 0 : i32
      %dma_wait3A_153 = arith.constant 0 : i32
      %dma_wait3A_154 = tpu.memref_slice %arg2[%dma_wait3A_152, %dma_wait3A_153] : memref<10000x64xbf16, #tpu.memory_space<hbm>> -> memref<10000x64xbf16, #tpu.memory_space<hbm>>
      tpu.wait_indirect_dma semaphore(%arg23 : memref<!tpu.dma_semaphore, #tpu.memory_space<semaphore_mem>>) src(%dma_wait3A_154 : memref<10000x64xbf16, #tpu.memory_space<hbm>>) dst(%arg14 : memref<125x64xbf16, #tpu.memory_space<vmem>>)
      "tpu.region"() ({
        %run_scoped3A = tpu.sem_alloc : memref<!tpu.dma_semaphore, #tpu.memory_space<semaphore_mem>>
        %dma_start3A_196 = arith.constant 0 : i32
        %dma_start3A_197 = tpu.memref_slice %arg8[%add3A_148, %dma_start3A_196] : memref<80x125xi32, #tpu.memory_space<vmem>> -> memref<1x125xi32, #tpu.memory_space<vmem>>
        %dma_start3A_198 = tpu.memref_squeeze %dma_start3A_197 : memref<1x125xi32, #tpu.memory_space<vmem>> -> memref<125xi32, #tpu.memory_space<vmem>>
        %dma_start3A_199 = arith.constant 0 : i32
        %dma_start3A_200 = arith.constant 0 : i32
        %dma_start3A_201 = tpu.memref_slice %arg17[%dma_start3A_199, %dma_start3A_200] : memref<10112x64xbf16, #tpu.memory_space<vmem_shared>> -> memref<10112x64xbf16, #tpu.memory_space<vmem_shared>>
        tpu.enqueue_indirect_dma source(%arg14 : memref<125x64xbf16, #tpu.memory_space<vmem>>) target(%dma_start3A_201 : memref<10112x64xbf16, #tpu.memory_space<vmem_shared>>) offsets(%dma_start3A_198 : memref<125xi32, #tpu.memory_space<vmem>>) semaphore(%run_scoped3A : memref<!tpu.dma_semaphore, #tpu.memory_space<semaphore_mem>>) {add = true}
        %dma_wait3A_202 = arith.constant 0 : i32
        %dma_wait3A_203 = tpu.memref_slice %arg8[%add3A_148, %dma_wait3A_202] : memref<80x125xi32, #tpu.memory_space<vmem>> -> memref<1x125xi32, #tpu.memory_space<vmem>>
        %dma_wait3A_204 = tpu.memref_squeeze %dma_wait3A_203 : memref<1x125xi32, #tpu.memory_space<vmem>> -> memref<125xi32, #tpu.memory_space<vmem>>
        %dma_wait3A_205 = arith.constant 0 : i32
        %dma_wait3A_206 = arith.constant 0 : i32
        %dma_wait3A_207 = tpu.memref_slice %arg17[%dma_wait3A_205, %dma_wait3A_206] : memref<10112x64xbf16, #tpu.memory_space<vmem_shared>> -> memref<10112x64xbf16, #tpu.memory_space<vmem_shared>>
        tpu.wait_indirect_dma semaphore(%run_scoped3A : memref<!tpu.dma_semaphore, #tpu.memory_space<semaphore_mem>>) src(%arg14 : memref<125x64xbf16, #tpu.memory_space<vmem>>) dst(%dma_wait3A_207 : memref<10112x64xbf16, #tpu.memory_space<vmem_shared>>)
        tpu.yield
      }) : () -> ()
      %add3A_155 = arith.constant 8 : i32
      %add3A_156 = arith.addi %add3A_148, %add3A_155 : i32
      %lt3A_157 = arith.constant 80 : i32
      %lt3A_158 = arith.cmpi slt, %add3A_156, %lt3A_157 : i32
      %convert_element_type3A_159 = arith.extui %lt3A_158 : i1 to i32
      %cond3A_160 = arith.constant 0 : i32
      %cond3A_161 = arith.cmpi ne, %convert_element_type3A_159, %cond3A_160 : i32
      scf.if %cond3A_161 {
        %add3A_196 = arith.constant 8 : i32
        %add3A_197 = arith.addi %add3A_148, %add3A_196 : i32
        %dma_start3A_198 = arith.constant 0 : i32
        %dma_start3A_199 = tpu.memref_slice %arg7[%add3A_197, %dma_start3A_198] : memref<80x125xi32, #tpu.memory_space<vmem>> -> memref<1x125xi32, #tpu.memory_space<vmem>>
        %dma_start3A_200 = tpu.memref_squeeze %dma_start3A_199 : memref<1x125xi32, #tpu.memory_space<vmem>> -> memref<125xi32, #tpu.memory_space<vmem>>
        %dma_start3A_201 = arith.constant 0 : i32
        %dma_start3A_202 = arith.constant 0 : i32
        %dma_start3A_203 = tpu.memref_slice %arg2[%dma_start3A_201, %dma_start3A_202] : memref<10000x64xbf16, #tpu.memory_space<hbm>> -> memref<10000x64xbf16, #tpu.memory_space<hbm>>
        tpu.enqueue_indirect_dma source(%dma_start3A_203 : memref<10000x64xbf16, #tpu.memory_space<hbm>>) target(%arg14 : memref<125x64xbf16, #tpu.memory_space<vmem>>) offsets(%dma_start3A_200 : memref<125xi32, #tpu.memory_space<vmem>>) semaphore(%arg23 : memref<!tpu.dma_semaphore, #tpu.memory_space<semaphore_mem>>)
      } else {
      }
      %mul3A_162 = arith.constant 8 : i32
      %mul3A_163 = arith.muli %mul3A_162, %scan3A_63 : i32
      %add3A_164 = arith.constant 6 : i32
      %add3A_165 = arith.addi %mul3A_163, %add3A_164 : i32
      %dma_wait3A_166 = arith.constant 0 : i32
      %dma_wait3A_167 = tpu.memref_slice %arg7[%add3A_165, %dma_wait3A_166] : memref<80x125xi32, #tpu.memory_space<vmem>> -> memref<1x125xi32, #tpu.memory_space<vmem>>
      %dma_wait3A_168 = tpu.memref_squeeze %dma_wait3A_167 : memref<1x125xi32, #tpu.memory_space<vmem>> -> memref<125xi32, #tpu.memory_space<vmem>>
      %dma_wait3A_169 = arith.constant 0 : i32
      %dma_wait3A_170 = arith.constant 0 : i32
      %dma_wait3A_171 = tpu.memref_slice %arg2[%dma_wait3A_169, %dma_wait3A_170] : memref<10000x64xbf16, #tpu.memory_space<hbm>> -> memref<10000x64xbf16, #tpu.memory_space<hbm>>
      tpu.wait_indirect_dma semaphore(%arg24 : memref<!tpu.dma_semaphore, #tpu.memory_space<semaphore_mem>>) src(%dma_wait3A_171 : memref<10000x64xbf16, #tpu.memory_space<hbm>>) dst(%arg15 : memref<125x64xbf16, #tpu.memory_space<vmem>>)
      "tpu.region"() ({
        %run_scoped3A = tpu.sem_alloc : memref<!tpu.dma_semaphore, #tpu.memory_space<semaphore_mem>>
        %dma_start3A_196 = arith.constant 0 : i32
        %dma_start3A_197 = tpu.memref_slice %arg8[%add3A_165, %dma_start3A_196] : memref<80x125xi32, #tpu.memory_space<vmem>> -> memref<1x125xi32, #tpu.memory_space<vmem>>
        %dma_start3A_198 = tpu.memref_squeeze %dma_start3A_197 : memref<1x125xi32, #tpu.memory_space<vmem>> -> memref<125xi32, #tpu.memory_space<vmem>>
        %dma_start3A_199 = arith.constant 0 : i32
        %dma_start3A_200 = arith.constant 0 : i32
        %dma_start3A_201 = tpu.memref_slice %arg17[%dma_start3A_199, %dma_start3A_200] : memref<10112x64xbf16, #tpu.memory_space<vmem_shared>> -> memref<10112x64xbf16, #tpu.memory_space<vmem_shared>>
        tpu.enqueue_indirect_dma source(%arg15 : memref<125x64xbf16, #tpu.memory_space<vmem>>) target(%dma_start3A_201 : memref<10112x64xbf16, #tpu.memory_space<vmem_shared>>) offsets(%dma_start3A_198 : memref<125xi32, #tpu.memory_space<vmem>>) semaphore(%run_scoped3A : memref<!tpu.dma_semaphore, #tpu.memory_space<semaphore_mem>>) {add = true}
        %dma_wait3A_202 = arith.constant 0 : i32
        %dma_wait3A_203 = tpu.memref_slice %arg8[%add3A_165, %dma_wait3A_202] : memref<80x125xi32, #tpu.memory_space<vmem>> -> memref<1x125xi32, #tpu.memory_space<vmem>>
        %dma_wait3A_204 = tpu.memref_squeeze %dma_wait3A_203 : memref<1x125xi32, #tpu.memory_space<vmem>> -> memref<125xi32, #tpu.memory_space<vmem>>
        %dma_wait3A_205 = arith.constant 0 : i32
        %dma_wait3A_206 = arith.constant 0 : i32
        %dma_wait3A_207 = tpu.memref_slice %arg17[%dma_wait3A_205, %dma_wait3A_206] : memref<10112x64xbf16, #tpu.memory_space<vmem_shared>> -> memref<10112x64xbf16, #tpu.memory_space<vmem_shared>>
        tpu.wait_indirect_dma semaphore(%run_scoped3A : memref<!tpu.dma_semaphore, #tpu.memory_space<semaphore_mem>>) src(%arg15 : memref<125x64xbf16, #tpu.memory_space<vmem>>) dst(%dma_wait3A_207 : memref<10112x64xbf16, #tpu.memory_space<vmem_shared>>)
        tpu.yield
      }) : () -> ()
      %add3A_172 = arith.constant 8 : i32
      %add3A_173 = arith.addi %add3A_165, %add3A_172 : i32
      %lt3A_174 = arith.constant 80 : i32
      %lt3A_175 = arith.cmpi slt, %add3A_173, %lt3A_174 : i32
      %convert_element_type3A_176 = arith.extui %lt3A_175 : i1 to i32
      %cond3A_177 = arith.constant 0 : i32
      %cond3A_178 = arith.cmpi ne, %convert_element_type3A_176, %cond3A_177 : i32
      scf.if %cond3A_178 {
        %add3A_196 = arith.constant 8 : i32
        %add3A_197 = arith.addi %add3A_165, %add3A_196 : i32
        %dma_start3A_198 = arith.constant 0 : i32
        %dma_start3A_199 = tpu.memref_slice %arg7[%add3A_197, %dma_start3A_198] : memref<80x125xi32, #tpu.memory_space<vmem>> -> memref<1x125xi32, #tpu.memory_space<vmem>>
        %dma_start3A_200 = tpu.memref_squeeze %dma_start3A_199 : memref<1x125xi32, #tpu.memory_space<vmem>> -> memref<125xi32, #tpu.memory_space<vmem>>
        %dma_start3A_201 = arith.constant 0 : i32
        %dma_start3A_202 = arith.constant 0 : i32
        %dma_start3A_203 = tpu.memref_slice %arg2[%dma_start3A_201, %dma_start3A_202] : memref<10000x64xbf16, #tpu.memory_space<hbm>> -> memref<10000x64xbf16, #tpu.memory_space<hbm>>
        tpu.enqueue_indirect_dma source(%dma_start3A_203 : memref<10000x64xbf16, #tpu.memory_space<hbm>>) target(%arg15 : memref<125x64xbf16, #tpu.memory_space<vmem>>) offsets(%dma_start3A_200 : memref<125xi32, #tpu.memory_space<vmem>>) semaphore(%arg24 : memref<!tpu.dma_semaphore, #tpu.memory_space<semaphore_mem>>)
      } else {
      }
      %mul3A_179 = arith.constant 8 : i32
      %mul3A_180 = arith.muli %mul3A_179, %scan3A_63 : i32
      %add3A_181 = arith.constant 7 : i32
      %add3A_182 = arith.addi %mul3A_180, %add3A_181 : i32
      %dma_wait3A_183 = arith.constant 0 : i32
      %dma_wait3A_184 = tpu.memref_slice %arg7[%add3A_182, %dma_wait3A_183] : memref<80x125xi32, #tpu.memory_space<vmem>> -> memref<1x125xi32, #tpu.memory_space<vmem>>
      %dma_wait3A_185 = tpu.memref_squeeze %dma_wait3A_184 : memref<1x125xi32, #tpu.memory_space<vmem>> -> memref<125xi32, #tpu.memory_space<vmem>>
      %dma_wait3A_186 = arith.constant 0 : i32
      %dma_wait3A_187 = arith.constant 0 : i32
      %dma_wait3A_188 = tpu.memref_slice %arg2[%dma_wait3A_186, %dma_wait3A_187] : memref<10000x64xbf16, #tpu.memory_space<hbm>> -> memref<10000x64xbf16, #tpu.memory_space<hbm>>
      tpu.wait_indirect_dma semaphore(%arg25 : memref<!tpu.dma_semaphore, #tpu.memory_space<semaphore_mem>>) src(%dma_wait3A_188 : memref<10000x64xbf16, #tpu.memory_space<hbm>>) dst(%arg16 : memref<125x64xbf16, #tpu.memory_space<vmem>>)
      "tpu.region"() ({
        %run_scoped3A = tpu.sem_alloc : memref<!tpu.dma_semaphore, #tpu.memory_space<semaphore_mem>>
        %dma_start3A_196 = arith.constant 0 : i32
        %dma_start3A_197 = tpu.memref_slice %arg8[%add3A_182, %dma_start3A_196] : memref<80x125xi32, #tpu.memory_space<vmem>> -> memref<1x125xi32, #tpu.memory_space<vmem>>
        %dma_start3A_198 = tpu.memref_squeeze %dma_start3A_197 : memref<1x125xi32, #tpu.memory_space<vmem>> -> memref<125xi32, #tpu.memory_space<vmem>>
        %dma_start3A_199 = arith.constant 0 : i32
        %dma_start3A_200 = arith.constant 0 : i32
        %dma_start3A_201 = tpu.memref_slice %arg17[%dma_start3A_199, %dma_start3A_200] : memref<10112x64xbf16, #tpu.memory_space<vmem_shared>> -> memref<10112x64xbf16, #tpu.memory_space<vmem_shared>>
        tpu.enqueue_indirect_dma source(%arg16 : memref<125x64xbf16, #tpu.memory_space<vmem>>) target(%dma_start3A_201 : memref<10112x64xbf16, #tpu.memory_space<vmem_shared>>) offsets(%dma_start3A_198 : memref<125xi32, #tpu.memory_space<vmem>>) semaphore(%run_scoped3A : memref<!tpu.dma_semaphore, #tpu.memory_space<semaphore_mem>>) {add = true}
        %dma_wait3A_202 = arith.constant 0 : i32
        %dma_wait3A_203 = tpu.memref_slice %arg8[%add3A_182, %dma_wait3A_202] : memref<80x125xi32, #tpu.memory_space<vmem>> -> memref<1x125xi32, #tpu.memory_space<vmem>>
        %dma_wait3A_204 = tpu.memref_squeeze %dma_wait3A_203 : memref<1x125xi32, #tpu.memory_space<vmem>> -> memref<125xi32, #tpu.memory_space<vmem>>
        %dma_wait3A_205 = arith.constant 0 : i32
        %dma_wait3A_206 = arith.constant 0 : i32
        %dma_wait3A_207 = tpu.memref_slice %arg17[%dma_wait3A_205, %dma_wait3A_206] : memref<10112x64xbf16, #tpu.memory_space<vmem_shared>> -> memref<10112x64xbf16, #tpu.memory_space<vmem_shared>>
        tpu.wait_indirect_dma semaphore(%run_scoped3A : memref<!tpu.dma_semaphore, #tpu.memory_space<semaphore_mem>>) src(%arg16 : memref<125x64xbf16, #tpu.memory_space<vmem>>) dst(%dma_wait3A_207 : memref<10112x64xbf16, #tpu.memory_space<vmem_shared>>)
        tpu.yield
      }) : () -> ()
      %add3A_189 = arith.constant 8 : i32
      %add3A_190 = arith.addi %add3A_182, %add3A_189 : i32
      %lt3A_191 = arith.constant 80 : i32
      %lt3A_192 = arith.cmpi slt, %add3A_190, %lt3A_191 : i32
      %convert_element_type3A_193 = arith.extui %lt3A_192 : i1 to i32
      %cond3A_194 = arith.constant 0 : i32
      %cond3A_195 = arith.cmpi ne, %convert_element_type3A_193, %cond3A_194 : i32
      scf.if %cond3A_195 {
        %add3A_196 = arith.constant 8 : i32
        %add3A_197 = arith.addi %add3A_182, %add3A_196 : i32
        %dma_start3A_198 = arith.constant 0 : i32
        %dma_start3A_199 = tpu.memref_slice %arg7[%add3A_197, %dma_start3A_198] : memref<80x125xi32, #tpu.memory_space<vmem>> -> memref<1x125xi32, #tpu.memory_space<vmem>>
        %dma_start3A_200 = tpu.memref_squeeze %dma_start3A_199 : memref<1x125xi32, #tpu.memory_space<vmem>> -> memref<125xi32, #tpu.memory_space<vmem>>
        %dma_start3A_201 = arith.constant 0 : i32
        %dma_start3A_202 = arith.constant 0 : i32
        %dma_start3A_203 = tpu.memref_slice %arg2[%dma_start3A_201, %dma_start3A_202] : memref<10000x64xbf16, #tpu.memory_space<hbm>> -> memref<10000x64xbf16, #tpu.memory_space<hbm>>
        tpu.enqueue_indirect_dma source(%dma_start3A_203 : memref<10000x64xbf16, #tpu.memory_space<hbm>>) target(%arg16 : memref<125x64xbf16, #tpu.memory_space<vmem>>) offsets(%dma_start3A_200 : memref<125xi32, #tpu.memory_space<vmem>>) semaphore(%arg25 : memref<!tpu.dma_semaphore, #tpu.memory_space<semaphore_mem>>)
      } else {
      }
    }
    %scan3A_61 = arith.constant 10 : i32
    %barrier3A_62 = arith.constant 0 : index
    tpu.barrier barrier_id(%barrier3A_62)
    "tpu.region"() ({
      %run_scoped3A = tpu.sem_alloc : memref<!tpu.dma_semaphore, #tpu.memory_space<semaphore_mem>>
      %dma_start3A_63 = arith.constant 0 : i32
      %dma_start3A_64 = tpu.memref_slice %arg6[%mul3A_1, %dma_start3A_63] : memref<10112x64xbf16, #tpu.memory_space<hbm>> -> memref<632x64xbf16, #tpu.memory_space<hbm>>
      %dma_start3A_65 = arith.constant 0 : i32
      %dma_start3A_66 = tpu.memref_slice %arg17[%mul3A_1, %dma_start3A_65] : memref<10112x64xbf16, #tpu.memory_space<vmem_shared>> -> memref<632x64xbf16, #tpu.memory_space<vmem_shared>>
      tpu.enqueue_dma source(%dma_start3A_66 : memref<632x64xbf16, #tpu.memory_space<vmem_shared>>) target(%dma_start3A_64 : memref<632x64xbf16, #tpu.memory_space<hbm>>) target_semaphore(%run_scoped3A : memref<!tpu.dma_semaphore, #tpu.memory_space<semaphore_mem>>)
      %dma_wait3A = arith.constant 0 : i32
      %dma_wait3A_67 = tpu.memref_slice %arg6[%mul3A_1, %dma_wait3A] : memref<10112x64xbf16, #tpu.memory_space<hbm>> -> memref<632x64xbf16, #tpu.memory_space<hbm>>
      %dma_wait3A_68 = arith.constant 0 : i32
      %dma_wait3A_69 = tpu.memref_slice %arg17[%mul3A_1, %dma_wait3A_68] : memref<10112x64xbf16, #tpu.memory_space<vmem_shared>> -> memref<632x64xbf16, #tpu.memory_space<vmem_shared>>
      tpu.wait_dma2 semaphore(%run_scoped3A : memref<!tpu.dma_semaphore, #tpu.memory_space<semaphore_mem>>) src(%dma_wait3A_69 : memref<632x64xbf16, #tpu.memory_space<vmem_shared>>) dst(%dma_wait3A_67 : memref<632x64xbf16, #tpu.memory_space<hbm>>)
      tpu.yield
    }) : () -> ()
    return
  }
}

#map = affine_map<(d0, d1) -> (0, 0)>
#map1 = affine_map<(d0, d1) -> (0, 0, 0)>
module attributes {stable_mosaic.version = 14 : i64} {
  func.func @scatter_kernel(%arg0: i32, %arg1: i32, %arg2: memref<10000x64xbf16, #tpu.memory_space<hbm>>, %arg3: memref<32x80x125xi32, #tpu.memory_space<hbm>>, %arg4: memref<32x80x125xi32, #tpu.memory_space<hbm>>, %arg5: memref<10112x64xbf16, #tpu.memory_space<hbm>>, %arg6: memref<10112x64xbf16, #tpu.memory_space<hbm>>, %arg7: memref<80x125xi32, #tpu.memory_space<vmem>>, %arg8: memref<80x125xi32, #tpu.memory_space<vmem>>, %arg9: memref<125x64xbf16, #tpu.memory_space<vmem>>, %arg10: memref<125x64xbf16, #tpu.memory_space<vmem>>, %arg11: memref<125x64xbf16, #tpu.memory_space<vmem>>, %arg12: memref<125x64xbf16, #tpu.memory_space<vmem>>, %arg13: memref<125x64xbf16, #tpu.memory_space<vmem>>, %arg14: memref<125x64xbf16, #tpu.memory_space<vmem>>, %arg15: memref<125x64xbf16, #tpu.memory_space<vmem>>, %arg16: memref<125x64xbf16, #tpu.memory_space<vmem>>, %arg17: memref<10112x64xbf16, #tpu.memory_space<vmem_shared>>, %arg18: memref<!tpu.dma_semaphore, #tpu.memory_space<semaphore_mem>>, %arg19: memref<!tpu.dma_semaphore, #tpu.memory_space<semaphore_mem>>, %arg20: memref<!tpu.dma_semaphore, #tpu.memory_space<semaphore_mem>>, %arg21: memref<!tpu.dma_semaphore, #tpu.memory_space<semaphore_mem>>, %arg22: memref<!tpu.dma_semaphore, #tpu.memory_space<semaphore_mem>>, %arg23: memref<!tpu.dma_semaphore, #tpu.memory_space<semaphore_mem>>, %arg24: memref<!tpu.dma_semaphore, #tpu.memory_space<semaphore_mem>>, %arg25: memref<!tpu.dma_semaphore, #tpu.memory_space<semaphore_mem>>) attributes {dimension_semantics = [#tpu.dimension_semantics<core_parallel>, #tpu.dimension_semantics<subcore_parallel>], iteration_bounds = array<i64: 1, 16>, scalar_prefetch = 0 : i64, scratch_operands = 19 : i64, tpu.core_type = #tpu.core_type<sc_vector_subcore>, window_params = [{transform_indices = #map}, {transform_indices = #map1}, {transform_indices = #map1}, {transform_indices = #map}, {transform_indices = #map}]} {
    %add3A = arith.constant 16 : i32
    %add3A_0 = arith.addi %add3A, %arg1 : i32
    "tpu.region"() ({
      %run_scoped3A = tpu.sem_alloc : memref<!tpu.dma_semaphore, #tpu.memory_space<semaphore_mem>>
      %dma_start3A_63 = arith.constant 0 : i32
      %dma_start3A_64 = arith.constant 0 : i32
      %dma_start3A_65 = tpu.memref_slice %arg3[%add3A_0, %dma_start3A_63, %dma_start3A_64] : memref<32x80x125xi32, #tpu.memory_space<hbm>> -> memref<1x80x125xi32, #tpu.memory_space<hbm>>
      %dma_start3A_66 = tpu.memref_squeeze %dma_start3A_65 : memref<1x80x125xi32, #tpu.memory_space<hbm>> -> memref<80x125xi32, #tpu.memory_space<hbm>>
      %dma_start3A_67 = arith.constant 0 : i32
      %dma_start3A_68 = arith.constant 0 : i32
      %dma_start3A_69 = tpu.memref_slice %arg3[%add3A_0, %dma_start3A_67, %dma_start3A_68] : memref<32x80x125xi32, #tpu.memory_space<hbm>> -> memref<1x80x125xi32, #tpu.memory_space<hbm>>
      %dma_start3A_70 = tpu.memref_squeeze %dma_start3A_69 : memref<1x80x125xi32, #tpu.memory_space<hbm>> -> memref<80x125xi32, #tpu.memory_space<hbm>>
      tpu.enqueue_dma source(%dma_start3A_70 : memref<80x125xi32, #tpu.memory_space<hbm>>) target(%arg7 : memref<80x125xi32, #tpu.memory_space<vmem>>) target_semaphore(%run_scoped3A : memref<!tpu.dma_semaphore, #tpu.memory_space<semaphore_mem>>)
      %dma_wait3A = arith.constant 0 : i32
      %dma_wait3A_71 = arith.constant 0 : i32
      %dma_wait3A_72 = tpu.memref_slice %arg3[%add3A_0, %dma_wait3A, %dma_wait3A_71] : memref<32x80x125xi32, #tpu.memory_space<hbm>> -> memref<1x80x125xi32, #tpu.memory_space<hbm>>
      %dma_wait3A_73 = tpu.memref_squeeze %dma_wait3A_72 : memref<1x80x125xi32, #tpu.memory_space<hbm>> -> memref<80x125xi32, #tpu.memory_space<hbm>>
      %dma_wait3A_74 = arith.constant 0 : i32
      %dma_wait3A_75 = arith.constant 0 : i32
      %dma_wait3A_76 = tpu.memref_slice %arg3[%add3A_0, %dma_wait3A_74, %dma_wait3A_75] : memref<32x80x125xi32, #tpu.memory_space<hbm>> -> memref<1x80x125xi32, #tpu.memory_space<hbm>>
      %dma_wait3A_77 = tpu.memref_squeeze %dma_wait3A_76 : memref<1x80x125xi32, #tpu.memory_space<hbm>> -> memref<80x125xi32, #tpu.memory_space<hbm>>
      tpu.wait_dma2 semaphore(%run_scoped3A : memref<!tpu.dma_semaphore, #tpu.memory_space<semaphore_mem>>) src(%dma_wait3A_77 : memref<80x125xi32, #tpu.memory_space<hbm>>) dst(%arg7 : memref<80x125xi32, #tpu.memory_space<vmem>>)
      tpu.yield
    }) : () -> ()
    "tpu.region"() ({
      %run_scoped3A = tpu.sem_alloc : memref<!tpu.dma_semaphore, #tpu.memory_space<semaphore_mem>>
      %dma_start3A_63 = arith.constant 0 : i32
      %dma_start3A_64 = arith.constant 0 : i32
      %dma_start3A_65 = tpu.memref_slice %arg4[%add3A_0, %dma_start3A_63, %dma_start3A_64] : memref<32x80x125xi32, #tpu.memory_space<hbm>> -> memref<1x80x125xi32, #tpu.memory_space<hbm>>
      %dma_start3A_66 = tpu.memref_squeeze %dma_start3A_65 : memref<1x80x125xi32, #tpu.memory_space<hbm>> -> memref<80x125xi32, #tpu.memory_space<hbm>>
      %dma_start3A_67 = arith.constant 0 : i32
      %dma_start3A_68 = arith.constant 0 : i32
      %dma_start3A_69 = tpu.memref_slice %arg4[%add3A_0, %dma_start3A_67, %dma_start3A_68] : memref<32x80x125xi32, #tpu.memory_space<hbm>> -> memref<1x80x125xi32, #tpu.memory_space<hbm>>
      %dma_start3A_70 = tpu.memref_squeeze %dma_start3A_69 : memref<1x80x125xi32, #tpu.memory_space<hbm>> -> memref<80x125xi32, #tpu.memory_space<hbm>>
      tpu.enqueue_dma source(%dma_start3A_70 : memref<80x125xi32, #tpu.memory_space<hbm>>) target(%arg8 : memref<80x125xi32, #tpu.memory_space<vmem>>) target_semaphore(%run_scoped3A : memref<!tpu.dma_semaphore, #tpu.memory_space<semaphore_mem>>)
      %dma_wait3A = arith.constant 0 : i32
      %dma_wait3A_71 = arith.constant 0 : i32
      %dma_wait3A_72 = tpu.memref_slice %arg4[%add3A_0, %dma_wait3A, %dma_wait3A_71] : memref<32x80x125xi32, #tpu.memory_space<hbm>> -> memref<1x80x125xi32, #tpu.memory_space<hbm>>
      %dma_wait3A_73 = tpu.memref_squeeze %dma_wait3A_72 : memref<1x80x125xi32, #tpu.memory_space<hbm>> -> memref<80x125xi32, #tpu.memory_space<hbm>>
      %dma_wait3A_74 = arith.constant 0 : i32
      %dma_wait3A_75 = arith.constant 0 : i32
      %dma_wait3A_76 = tpu.memref_slice %arg4[%add3A_0, %dma_wait3A_74, %dma_wait3A_75] : memref<32x80x125xi32, #tpu.memory_space<hbm>> -> memref<1x80x125xi32, #tpu.memory_space<hbm>>
      %dma_wait3A_77 = tpu.memref_squeeze %dma_wait3A_76 : memref<1x80x125xi32, #tpu.memory_space<hbm>> -> memref<80x125xi32, #tpu.memory_space<hbm>>
      tpu.wait_dma2 semaphore(%run_scoped3A : memref<!tpu.dma_semaphore, #tpu.memory_space<semaphore_mem>>) src(%dma_wait3A_77 : memref<80x125xi32, #tpu.memory_space<hbm>>) dst(%arg8 : memref<80x125xi32, #tpu.memory_space<vmem>>)
      tpu.yield
    }) : () -> ()
    %mul3A = arith.constant 632 : i32
    %mul3A_1 = arith.muli %arg1, %mul3A : i32
    "tpu.region"() ({
      %run_scoped3A = tpu.sem_alloc : memref<!tpu.dma_semaphore, #tpu.memory_space<semaphore_mem>>
      %dma_start3A_63 = arith.constant 0 : i32
      %dma_start3A_64 = tpu.memref_slice %arg17[%mul3A_1, %dma_start3A_63] : memref<10112x64xbf16, #tpu.memory_space<vmem_shared>> -> memref<632x64xbf16, #tpu.memory_space<vmem_shared>>
      %dma_start3A_65 = arith.constant 0 : i32
      %dma_start3A_66 = tpu.memref_slice %arg5[%mul3A_1, %dma_start3A_65] : memref<10112x64xbf16, #tpu.memory_space<hbm>> -> memref<632x64xbf16, #tpu.memory_space<hbm>>
      tpu.enqueue_dma source(%dma_start3A_66 : memref<632x64xbf16, #tpu.memory_space<hbm>>) target(%dma_start3A_64 : memref<632x64xbf16, #tpu.memory_space<vmem_shared>>) target_semaphore(%run_scoped3A : memref<!tpu.dma_semaphore, #tpu.memory_space<semaphore_mem>>)
      %dma_wait3A = arith.constant 0 : i32
      %dma_wait3A_67 = tpu.memref_slice %arg17[%mul3A_1, %dma_wait3A] : memref<10112x64xbf16, #tpu.memory_space<vmem_shared>> -> memref<632x64xbf16, #tpu.memory_space<vmem_shared>>
      %dma_wait3A_68 = arith.constant 0 : i32
      %dma_wait3A_69 = tpu.memref_slice %arg5[%mul3A_1, %dma_wait3A_68] : memref<10112x64xbf16, #tpu.memory_space<hbm>> -> memref<632x64xbf16, #tpu.memory_space<hbm>>
      tpu.wait_dma2 semaphore(%run_scoped3A : memref<!tpu.dma_semaphore, #tpu.memory_space<semaphore_mem>>) src(%dma_wait3A_69 : memref<632x64xbf16, #tpu.memory_space<hbm>>) dst(%dma_wait3A_67 : memref<632x64xbf16, #tpu.memory_space<vmem_shared>>)
      tpu.yield
    }) : () -> ()
    %barrier3A = arith.constant 0 : index
    tpu.barrier barrier_id(%barrier3A)
    %dma_start3A = arith.constant 0 : i32
    %dma_start3A_2 = arith.constant 0 : i32
    %dma_start3A_3 = tpu.memref_slice %arg7[%dma_start3A, %dma_start3A_2] : memref<80x125xi32, #tpu.memory_space<vmem>> -> memref<1x125xi32, #tpu.memory_space<vmem>>
    %dma_start3A_4 = tpu.memref_squeeze %dma_start3A_3 : memref<1x125xi32, #tpu.memory_space<vmem>> -> memref<125xi32, #tpu.memory_space<vmem>>
    %dma_start3A_5 = arith.constant 0 : i32
    %dma_start3A_6 = arith.constant 0 : i32
    %dma_start3A_7 = tpu.memref_slice %arg2[%dma_start3A_5, %dma_start3A_6] : memref<10000x64xbf16, #tpu.memory_space<hbm>> -> memref<10000x64xbf16, #tpu.memory_space<hbm>>
    tpu.enqueue_indirect_dma source(%dma_start3A_7 : memref<10000x64xbf16, #tpu.memory_space<hbm>>) target(%arg9 : memref<125x64xbf16, #tpu.memory_space<vmem>>) offsets(%dma_start3A_4 : memref<125xi32, #tpu.memory_space<vmem>>) semaphore(%arg18 : memref<!tpu.dma_semaphore, #tpu.memory_space<semaphore_mem>>)
    %dma_start3A_8 = arith.constant 1 : i32
    %dma_start3A_9 = arith.constant 0 : i32
    %dma_start3A_10 = tpu.memref_slice %arg7[%dma_start3A_8, %dma_start3A_9] : memref<80x125xi32, #tpu.memory_space<vmem>> -> memref<1x125xi32, #tpu.memory_space<vmem>>
    %dma_start3A_11 = tpu.memref_squeeze %dma_start3A_10 : memref<1x125xi32, #tpu.memory_space<vmem>> -> memref<125xi32, #tpu.memory_space<vmem>>
    %dma_start3A_12 = arith.constant 0 : i32
    %dma_start3A_13 = arith.constant 0 : i32
    %dma_start3A_14 = tpu.memref_slice %arg2[%dma_start3A_12, %dma_start3A_13] : memref<10000x64xbf16, #tpu.memory_space<hbm>> -> memref<10000x64xbf16, #tpu.memory_space<hbm>>
    tpu.enqueue_indirect_dma source(%dma_start3A_14 : memref<10000x64xbf16, #tpu.memory_space<hbm>>) target(%arg10 : memref<125x64xbf16, #tpu.memory_space<vmem>>) offsets(%dma_start3A_11 : memref<125xi32, #tpu.memory_space<vmem>>) semaphore(%arg19 : memref<!tpu.dma_semaphore, #tpu.memory_space<semaphore_mem>>)
    %dma_start3A_15 = arith.constant 2 : i32
    %dma_start3A_16 = arith.constant 0 : i32
    %dma_start3A_17 = tpu.memref_slice %arg7[%dma_start3A_15, %dma_start3A_16] : memref<80x125xi32, #tpu.memory_space<vmem>> -> memref<1x125xi32, #tpu.memory_space<vmem>>
    %dma_start3A_18 = tpu.memref_squeeze %dma_start3A_17 : memref<1x125xi32, #tpu.memory_space<vmem>> -> memref<125xi32, #tpu.memory_space<vmem>>
    %dma_start3A_19 = arith.constant 0 : i32
    %dma_start3A_20 = arith.constant 0 : i32
    %dma_start3A_21 = tpu.memref_slice %arg2[%dma_start3A_19, %dma_start3A_20] : memref<10000x64xbf16, #tpu.memory_space<hbm>> -> memref<10000x64xbf16, #tpu.memory_space<hbm>>
    tpu.enqueue_indirect_dma source(%dma_start3A_21 : memref<10000x64xbf16, #tpu.memory_space<hbm>>) target(%arg11 : memref<125x64xbf16, #tpu.memory_space<vmem>>) offsets(%dma_start3A_18 : memref<125xi32, #tpu.memory_space<vmem>>) semaphore(%arg20 : memref<!tpu.dma_semaphore, #tpu.memory_space<semaphore_mem>>)
    %dma_start3A_22 = arith.constant 3 : i32
    %dma_start3A_23 = arith.constant 0 : i32
    %dma_start3A_24 = tpu.memref_slice %arg7[%dma_start3A_22, %dma_start3A_23] : memref<80x125xi32, #tpu.memory_space<vmem>> -> memref<1x125xi32, #tpu.memory_space<vmem>>
    %dma_start3A_25 = tpu.memref_squeeze %dma_start3A_24 : memref<1x125xi32, #tpu.memory_space<vmem>> -> memref<125xi32, #tpu.memory_space<vmem>>
    %dma_start3A_26 = arith.constant 0 : i32
    %dma_start3A_27 = arith.constant 0 : i32
    %dma_start3A_28 = tpu.memref_slice %arg2[%dma_start3A_26, %dma_start3A_27] : memref<10000x64xbf16, #tpu.memory_space<hbm>> -> memref<10000x64xbf16, #tpu.memory_space<hbm>>
    tpu.enqueue_indirect_dma source(%dma_start3A_28 : memref<10000x64xbf16, #tpu.memory_space<hbm>>) target(%arg12 : memref<125x64xbf16, #tpu.memory_space<vmem>>) offsets(%dma_start3A_25 : memref<125xi32, #tpu.memory_space<vmem>>) semaphore(%arg21 : memref<!tpu.dma_semaphore, #tpu.memory_space<semaphore_mem>>)
    %dma_start3A_29 = arith.constant 4 : i32
    %dma_start3A_30 = arith.constant 0 : i32
    %dma_start3A_31 = tpu.memref_slice %arg7[%dma_start3A_29, %dma_start3A_30] : memref<80x125xi32, #tpu.memory_space<vmem>> -> memref<1x125xi32, #tpu.memory_space<vmem>>
    %dma_start3A_32 = tpu.memref_squeeze %dma_start3A_31 : memref<1x125xi32, #tpu.memory_space<vmem>> -> memref<125xi32, #tpu.memory_space<vmem>>
    %dma_start3A_33 = arith.constant 0 : i32
    %dma_start3A_34 = arith.constant 0 : i32
    %dma_start3A_35 = tpu.memref_slice %arg2[%dma_start3A_33, %dma_start3A_34] : memref<10000x64xbf16, #tpu.memory_space<hbm>> -> memref<10000x64xbf16, #tpu.memory_space<hbm>>
    tpu.enqueue_indirect_dma source(%dma_start3A_35 : memref<10000x64xbf16, #tpu.memory_space<hbm>>) target(%arg13 : memref<125x64xbf16, #tpu.memory_space<vmem>>) offsets(%dma_start3A_32 : memref<125xi32, #tpu.memory_space<vmem>>) semaphore(%arg22 : memref<!tpu.dma_semaphore, #tpu.memory_space<semaphore_mem>>)
    %dma_start3A_36 = arith.constant 5 : i32
    %dma_start3A_37 = arith.constant 0 : i32
    %dma_start3A_38 = tpu.memref_slice %arg7[%dma_start3A_36, %dma_start3A_37] : memref<80x125xi32, #tpu.memory_space<vmem>> -> memref<1x125xi32, #tpu.memory_space<vmem>>
    %dma_start3A_39 = tpu.memref_squeeze %dma_start3A_38 : memref<1x125xi32, #tpu.memory_space<vmem>> -> memref<125xi32, #tpu.memory_space<vmem>>
    %dma_start3A_40 = arith.constant 0 : i32
    %dma_start3A_41 = arith.constant 0 : i32
    %dma_start3A_42 = tpu.memref_slice %arg2[%dma_start3A_40, %dma_start3A_41] : memref<10000x64xbf16, #tpu.memory_space<hbm>> -> memref<10000x64xbf16, #tpu.memory_space<hbm>>
    tpu.enqueue_indirect_dma source(%dma_start3A_42 : memref<10000x64xbf16, #tpu.memory_space<hbm>>) target(%arg14 : memref<125x64xbf16, #tpu.memory_space<vmem>>) offsets(%dma_start3A_39 : memref<125xi32, #tpu.memory_space<vmem>>) semaphore(%arg23 : memref<!tpu.dma_semaphore, #tpu.memory_space<semaphore_mem>>)
    %dma_start3A_43 = arith.constant 6 : i32
    %dma_start3A_44 = arith.constant 0 : i32
    %dma_start3A_45 = tpu.memref_slice %arg7[%dma_start3A_43, %dma_start3A_44] : memref<80x125xi32, #tpu.memory_space<vmem>> -> memref<1x125xi32, #tpu.memory_space<vmem>>
    %dma_start3A_46 = tpu.memref_squeeze %dma_start3A_45 : memref<1x125xi32, #tpu.memory_space<vmem>> -> memref<125xi32, #tpu.memory_space<vmem>>
    %dma_start3A_47 = arith.constant 0 : i32
    %dma_start3A_48 = arith.constant 0 : i32
    %dma_start3A_49 = tpu.memref_slice %arg2[%dma_start3A_47, %dma_start3A_48] : memref<10000x64xbf16, #tpu.memory_space<hbm>> -> memref<10000x64xbf16, #tpu.memory_space<hbm>>
    tpu.enqueue_indirect_dma source(%dma_start3A_49 : memref<10000x64xbf16, #tpu.memory_space<hbm>>) target(%arg15 : memref<125x64xbf16, #tpu.memory_space<vmem>>) offsets(%dma_start3A_46 : memref<125xi32, #tpu.memory_space<vmem>>) semaphore(%arg24 : memref<!tpu.dma_semaphore, #tpu.memory_space<semaphore_mem>>)
    %dma_start3A_50 = arith.constant 7 : i32
    %dma_start3A_51 = arith.constant 0 : i32
    %dma_start3A_52 = tpu.memref_slice %arg7[%dma_start3A_50, %dma_start3A_51] : memref<80x125xi32, #tpu.memory_space<vmem>> -> memref<1x125xi32, #tpu.memory_space<vmem>>
    %dma_start3A_53 = tpu.memref_squeeze %dma_start3A_52 : memref<1x125xi32, #tpu.memory_space<vmem>> -> memref<125xi32, #tpu.memory_space<vmem>>
    %dma_start3A_54 = arith.constant 0 : i32
    %dma_start3A_55 = arith.constant 0 : i32
    %dma_start3A_56 = tpu.memref_slice %arg2[%dma_start3A_54, %dma_start3A_55] : memref<10000x64xbf16, #tpu.memory_space<hbm>> -> memref<10000x64xbf16, #tpu.memory_space<hbm>>
    tpu.enqueue_indirect_dma source(%dma_start3A_56 : memref<10000x64xbf16, #tpu.memory_space<hbm>>) target(%arg16 : memref<125x64xbf16, #tpu.memory_space<vmem>>) offsets(%dma_start3A_53 : memref<125xi32, #tpu.memory_space<vmem>>) semaphore(%arg25 : memref<!tpu.dma_semaphore, #tpu.memory_space<semaphore_mem>>)
    %scan3A = arith.constant 0 : i32
    %scan3A_57 = arith.constant 0 : i32
    %scan3A_58 = arith.constant 10 : i32
    %scan3A_59 = arith.addi %scan3A_57, %scan3A_58 : i32
    %scan3A_60 = arith.constant 1 : i32
    scf.for %scan3A_63 = %scan3A_57 to %scan3A_59 step %scan3A_60  : i32 {
      %mul3A_64 = arith.constant 8 : i32
      %mul3A_65 = arith.muli %mul3A_64, %scan3A_63 : i32
      %add3A_66 = arith.constant 0 : i32
      %add3A_67 = arith.addi %mul3A_65, %add3A_66 : i32
      %dma_wait3A = arith.constant 0 : i32
      %dma_wait3A_68 = tpu.memref_slice %arg7[%add3A_67, %dma_wait3A] : memref<80x125xi32, #tpu.memory_space<vmem>> -> memref<1x125xi32, #tpu.memory_space<vmem>>
      %dma_wait3A_69 = tpu.memref_squeeze %dma_wait3A_68 : memref<1x125xi32, #tpu.memory_space<vmem>> -> memref<125xi32, #tpu.memory_space<vmem>>
      %dma_wait3A_70 = arith.constant 0 : i32
      %dma_wait3A_71 = arith.constant 0 : i32
      %dma_wait3A_72 = tpu.memref_slice %arg2[%dma_wait3A_70, %dma_wait3A_71] : memref<10000x64xbf16, #tpu.memory_space<hbm>> -> memref<10000x64xbf16, #tpu.memory_space<hbm>>
      tpu.wait_indirect_dma semaphore(%arg18 : memref<!tpu.dma_semaphore, #tpu.memory_space<semaphore_mem>>) src(%dma_wait3A_72 : memref<10000x64xbf16, #tpu.memory_space<hbm>>) dst(%arg9 : memref<125x64xbf16, #tpu.memory_space<vmem>>)
      "tpu.region"() ({
        %run_scoped3A = tpu.sem_alloc : memref<!tpu.dma_semaphore, #tpu.memory_space<semaphore_mem>>
        %dma_start3A_196 = arith.constant 0 : i32
        %dma_start3A_197 = tpu.memref_slice %arg8[%add3A_67, %dma_start3A_196] : memref<80x125xi32, #tpu.memory_space<vmem>> -> memref<1x125xi32, #tpu.memory_space<vmem>>
        %dma_start3A_198 = tpu.memref_squeeze %dma_start3A_197 : memref<1x125xi32, #tpu.memory_space<vmem>> -> memref<125xi32, #tpu.memory_space<vmem>>
        %dma_start3A_199 = arith.constant 0 : i32
        %dma_start3A_200 = arith.constant 0 : i32
        %dma_start3A_201 = tpu.memref_slice %arg17[%dma_start3A_199, %dma_start3A_200] : memref<10112x64xbf16, #tpu.memory_space<vmem_shared>> -> memref<10112x64xbf16, #tpu.memory_space<vmem_shared>>
        tpu.enqueue_indirect_dma source(%arg9 : memref<125x64xbf16, #tpu.memory_space<vmem>>) target(%dma_start3A_201 : memref<10112x64xbf16, #tpu.memory_space<vmem_shared>>) offsets(%dma_start3A_198 : memref<125xi32, #tpu.memory_space<vmem>>) semaphore(%run_scoped3A : memref<!tpu.dma_semaphore, #tpu.memory_space<semaphore_mem>>) {add = true}
        %dma_wait3A_202 = arith.constant 0 : i32
        %dma_wait3A_203 = tpu.memref_slice %arg8[%add3A_67, %dma_wait3A_202] : memref<80x125xi32, #tpu.memory_space<vmem>> -> memref<1x125xi32, #tpu.memory_space<vmem>>
        %dma_wait3A_204 = tpu.memref_squeeze %dma_wait3A_203 : memref<1x125xi32, #tpu.memory_space<vmem>> -> memref<125xi32, #tpu.memory_space<vmem>>
        %dma_wait3A_205 = arith.constant 0 : i32
        %dma_wait3A_206 = arith.constant 0 : i32
        %dma_wait3A_207 = tpu.memref_slice %arg17[%dma_wait3A_205, %dma_wait3A_206] : memref<10112x64xbf16, #tpu.memory_space<vmem_shared>> -> memref<10112x64xbf16, #tpu.memory_space<vmem_shared>>
        tpu.wait_indirect_dma semaphore(%run_scoped3A : memref<!tpu.dma_semaphore, #tpu.memory_space<semaphore_mem>>) src(%arg9 : memref<125x64xbf16, #tpu.memory_space<vmem>>) dst(%dma_wait3A_207 : memref<10112x64xbf16, #tpu.memory_space<vmem_shared>>)
        tpu.yield
      }) : () -> ()
      %add3A_73 = arith.constant 8 : i32
      %add3A_74 = arith.addi %add3A_67, %add3A_73 : i32
      %lt3A = arith.constant 80 : i32
      %lt3A_75 = arith.cmpi slt, %add3A_74, %lt3A : i32
      %convert_element_type3A = arith.extui %lt3A_75 : i1 to i32
      %cond3A = arith.constant 0 : i32
      %cond3A_76 = arith.cmpi ne, %convert_element_type3A, %cond3A : i32
      scf.if %cond3A_76 {
        %add3A_196 = arith.constant 8 : i32
        %add3A_197 = arith.addi %add3A_67, %add3A_196 : i32
        %dma_start3A_198 = arith.constant 0 : i32
        %dma_start3A_199 = tpu.memref_slice %arg7[%add3A_197, %dma_start3A_198] : memref<80x125xi32, #tpu.memory_space<vmem>> -> memref<1x125xi32, #tpu.memory_space<vmem>>
        %dma_start3A_200 = tpu.memref_squeeze %dma_start3A_199 : memref<1x125xi32, #tpu.memory_space<vmem>> -> memref<125xi32, #tpu.memory_space<vmem>>
        %dma_start3A_201 = arith.constant 0 : i32
        %dma_start3A_202 = arith.constant 0 : i32
        %dma_start3A_203 = tpu.memref_slice %arg2[%dma_start3A_201, %dma_start3A_202] : memref<10000x64xbf16, #tpu.memory_space<hbm>> -> memref<10000x64xbf16, #tpu.memory_space<hbm>>
        tpu.enqueue_indirect_dma source(%dma_start3A_203 : memref<10000x64xbf16, #tpu.memory_space<hbm>>) target(%arg9 : memref<125x64xbf16, #tpu.memory_space<vmem>>) offsets(%dma_start3A_200 : memref<125xi32, #tpu.memory_space<vmem>>) semaphore(%arg18 : memref<!tpu.dma_semaphore, #tpu.memory_space<semaphore_mem>>)
      } else {
      }
      %mul3A_77 = arith.constant 8 : i32
      %mul3A_78 = arith.muli %mul3A_77, %scan3A_63 : i32
      %add3A_79 = arith.constant 1 : i32
      %add3A_80 = arith.addi %mul3A_78, %add3A_79 : i32
      %dma_wait3A_81 = arith.constant 0 : i32
      %dma_wait3A_82 = tpu.memref_slice %arg7[%add3A_80, %dma_wait3A_81] : memref<80x125xi32, #tpu.memory_space<vmem>> -> memref<1x125xi32, #tpu.memory_space<vmem>>
      %dma_wait3A_83 = tpu.memref_squeeze %dma_wait3A_82 : memref<1x125xi32, #tpu.memory_space<vmem>> -> memref<125xi32, #tpu.memory_space<vmem>>
      %dma_wait3A_84 = arith.constant 0 : i32
      %dma_wait3A_85 = arith.constant 0 : i32
      %dma_wait3A_86 = tpu.memref_slice %arg2[%dma_wait3A_84, %dma_wait3A_85] : memref<10000x64xbf16, #tpu.memory_space<hbm>> -> memref<10000x64xbf16, #tpu.memory_space<hbm>>
      tpu.wait_indirect_dma semaphore(%arg19 : memref<!tpu.dma_semaphore, #tpu.memory_space<semaphore_mem>>) src(%dma_wait3A_86 : memref<10000x64xbf16, #tpu.memory_space<hbm>>) dst(%arg10 : memref<125x64xbf16, #tpu.memory_space<vmem>>)
      "tpu.region"() ({
        %run_scoped3A = tpu.sem_alloc : memref<!tpu.dma_semaphore, #tpu.memory_space<semaphore_mem>>
        %dma_start3A_196 = arith.constant 0 : i32
        %dma_start3A_197 = tpu.memref_slice %arg8[%add3A_80, %dma_start3A_196] : memref<80x125xi32, #tpu.memory_space<vmem>> -> memref<1x125xi32, #tpu.memory_space<vmem>>
        %dma_start3A_198 = tpu.memref_squeeze %dma_start3A_197 : memref<1x125xi32, #tpu.memory_space<vmem>> -> memref<125xi32, #tpu.memory_space<vmem>>
        %dma_start3A_199 = arith.constant 0 : i32
        %dma_start3A_200 = arith.constant 0 : i32
        %dma_start3A_201 = tpu.memref_slice %arg17[%dma_start3A_199, %dma_start3A_200] : memref<10112x64xbf16, #tpu.memory_space<vmem_shared>> -> memref<10112x64xbf16, #tpu.memory_space<vmem_shared>>
        tpu.enqueue_indirect_dma source(%arg10 : memref<125x64xbf16, #tpu.memory_space<vmem>>) target(%dma_start3A_201 : memref<10112x64xbf16, #tpu.memory_space<vmem_shared>>) offsets(%dma_start3A_198 : memref<125xi32, #tpu.memory_space<vmem>>) semaphore(%run_scoped3A : memref<!tpu.dma_semaphore, #tpu.memory_space<semaphore_mem>>) {add = true}
        %dma_wait3A_202 = arith.constant 0 : i32
        %dma_wait3A_203 = tpu.memref_slice %arg8[%add3A_80, %dma_wait3A_202] : memref<80x125xi32, #tpu.memory_space<vmem>> -> memref<1x125xi32, #tpu.memory_space<vmem>>
        %dma_wait3A_204 = tpu.memref_squeeze %dma_wait3A_203 : memref<1x125xi32, #tpu.memory_space<vmem>> -> memref<125xi32, #tpu.memory_space<vmem>>
        %dma_wait3A_205 = arith.constant 0 : i32
        %dma_wait3A_206 = arith.constant 0 : i32
        %dma_wait3A_207 = tpu.memref_slice %arg17[%dma_wait3A_205, %dma_wait3A_206] : memref<10112x64xbf16, #tpu.memory_space<vmem_shared>> -> memref<10112x64xbf16, #tpu.memory_space<vmem_shared>>
        tpu.wait_indirect_dma semaphore(%run_scoped3A : memref<!tpu.dma_semaphore, #tpu.memory_space<semaphore_mem>>) src(%arg10 : memref<125x64xbf16, #tpu.memory_space<vmem>>) dst(%dma_wait3A_207 : memref<10112x64xbf16, #tpu.memory_space<vmem_shared>>)
        tpu.yield
      }) : () -> ()
      %add3A_87 = arith.constant 8 : i32
      %add3A_88 = arith.addi %add3A_80, %add3A_87 : i32
      %lt3A_89 = arith.constant 80 : i32
      %lt3A_90 = arith.cmpi slt, %add3A_88, %lt3A_89 : i32
      %convert_element_type3A_91 = arith.extui %lt3A_90 : i1 to i32
      %cond3A_92 = arith.constant 0 : i32
      %cond3A_93 = arith.cmpi ne, %convert_element_type3A_91, %cond3A_92 : i32
      scf.if %cond3A_93 {
        %add3A_196 = arith.constant 8 : i32
        %add3A_197 = arith.addi %add3A_80, %add3A_196 : i32
        %dma_start3A_198 = arith.constant 0 : i32
        %dma_start3A_199 = tpu.memref_slice %arg7[%add3A_197, %dma_start3A_198] : memref<80x125xi32, #tpu.memory_space<vmem>> -> memref<1x125xi32, #tpu.memory_space<vmem>>
        %dma_start3A_200 = tpu.memref_squeeze %dma_start3A_199 : memref<1x125xi32, #tpu.memory_space<vmem>> -> memref<125xi32, #tpu.memory_space<vmem>>
        %dma_start3A_201 = arith.constant 0 : i32
        %dma_start3A_202 = arith.constant 0 : i32
        %dma_start3A_203 = tpu.memref_slice %arg2[%dma_start3A_201, %dma_start3A_202] : memref<10000x64xbf16, #tpu.memory_space<hbm>> -> memref<10000x64xbf16, #tpu.memory_space<hbm>>
        tpu.enqueue_indirect_dma source(%dma_start3A_203 : memref<10000x64xbf16, #tpu.memory_space<hbm>>) target(%arg10 : memref<125x64xbf16, #tpu.memory_space<vmem>>) offsets(%dma_start3A_200 : memref<125xi32, #tpu.memory_space<vmem>>) semaphore(%arg19 : memref<!tpu.dma_semaphore, #tpu.memory_space<semaphore_mem>>)
      } else {
      }
      %mul3A_94 = arith.constant 8 : i32
      %mul3A_95 = arith.muli %mul3A_94, %scan3A_63 : i32
      %add3A_96 = arith.constant 2 : i32
      %add3A_97 = arith.addi %mul3A_95, %add3A_96 : i32
      %dma_wait3A_98 = arith.constant 0 : i32
      %dma_wait3A_99 = tpu.memref_slice %arg7[%add3A_97, %dma_wait3A_98] : memref<80x125xi32, #tpu.memory_space<vmem>> -> memref<1x125xi32, #tpu.memory_space<vmem>>
      %dma_wait3A_100 = tpu.memref_squeeze %dma_wait3A_99 : memref<1x125xi32, #tpu.memory_space<vmem>> -> memref<125xi32, #tpu.memory_space<vmem>>
      %dma_wait3A_101 = arith.constant 0 : i32
      %dma_wait3A_102 = arith.constant 0 : i32
      %dma_wait3A_103 = tpu.memref_slice %arg2[%dma_wait3A_101, %dma_wait3A_102] : memref<10000x64xbf16, #tpu.memory_space<hbm>> -> memref<10000x64xbf16, #tpu.memory_space<hbm>>
      tpu.wait_indirect_dma semaphore(%arg20 : memref<!tpu.dma_semaphore, #tpu.memory_space<semaphore_mem>>) src(%dma_wait3A_103 : memref<10000x64xbf16, #tpu.memory_space<hbm>>) dst(%arg11 : memref<125x64xbf16, #tpu.memory_space<vmem>>)
      "tpu.region"() ({
        %run_scoped3A = tpu.sem_alloc : memref<!tpu.dma_semaphore, #tpu.memory_space<semaphore_mem>>
        %dma_start3A_196 = arith.constant 0 : i32
        %dma_start3A_197 = tpu.memref_slice %arg8[%add3A_97, %dma_start3A_196] : memref<80x125xi32, #tpu.memory_space<vmem>> -> memref<1x125xi32, #tpu.memory_space<vmem>>
        %dma_start3A_198 = tpu.memref_squeeze %dma_start3A_197 : memref<1x125xi32, #tpu.memory_space<vmem>> -> memref<125xi32, #tpu.memory_space<vmem>>
        %dma_start3A_199 = arith.constant 0 : i32
        %dma_start3A_200 = arith.constant 0 : i32
        %dma_start3A_201 = tpu.memref_slice %arg17[%dma_start3A_199, %dma_start3A_200] : memref<10112x64xbf16, #tpu.memory_space<vmem_shared>> -> memref<10112x64xbf16, #tpu.memory_space<vmem_shared>>
        tpu.enqueue_indirect_dma source(%arg11 : memref<125x64xbf16, #tpu.memory_space<vmem>>) target(%dma_start3A_201 : memref<10112x64xbf16, #tpu.memory_space<vmem_shared>>) offsets(%dma_start3A_198 : memref<125xi32, #tpu.memory_space<vmem>>) semaphore(%run_scoped3A : memref<!tpu.dma_semaphore, #tpu.memory_space<semaphore_mem>>) {add = true}
        %dma_wait3A_202 = arith.constant 0 : i32
        %dma_wait3A_203 = tpu.memref_slice %arg8[%add3A_97, %dma_wait3A_202] : memref<80x125xi32, #tpu.memory_space<vmem>> -> memref<1x125xi32, #tpu.memory_space<vmem>>
        %dma_wait3A_204 = tpu.memref_squeeze %dma_wait3A_203 : memref<1x125xi32, #tpu.memory_space<vmem>> -> memref<125xi32, #tpu.memory_space<vmem>>
        %dma_wait3A_205 = arith.constant 0 : i32
        %dma_wait3A_206 = arith.constant 0 : i32
        %dma_wait3A_207 = tpu.memref_slice %arg17[%dma_wait3A_205, %dma_wait3A_206] : memref<10112x64xbf16, #tpu.memory_space<vmem_shared>> -> memref<10112x64xbf16, #tpu.memory_space<vmem_shared>>
        tpu.wait_indirect_dma semaphore(%run_scoped3A : memref<!tpu.dma_semaphore, #tpu.memory_space<semaphore_mem>>) src(%arg11 : memref<125x64xbf16, #tpu.memory_space<vmem>>) dst(%dma_wait3A_207 : memref<10112x64xbf16, #tpu.memory_space<vmem_shared>>)
        tpu.yield
      }) : () -> ()
      %add3A_104 = arith.constant 8 : i32
      %add3A_105 = arith.addi %add3A_97, %add3A_104 : i32
      %lt3A_106 = arith.constant 80 : i32
      %lt3A_107 = arith.cmpi slt, %add3A_105, %lt3A_106 : i32
      %convert_element_type3A_108 = arith.extui %lt3A_107 : i1 to i32
      %cond3A_109 = arith.constant 0 : i32
      %cond3A_110 = arith.cmpi ne, %convert_element_type3A_108, %cond3A_109 : i32
      scf.if %cond3A_110 {
        %add3A_196 = arith.constant 8 : i32
        %add3A_197 = arith.addi %add3A_97, %add3A_196 : i32
        %dma_start3A_198 = arith.constant 0 : i32
        %dma_start3A_199 = tpu.memref_slice %arg7[%add3A_197, %dma_start3A_198] : memref<80x125xi32, #tpu.memory_space<vmem>> -> memref<1x125xi32, #tpu.memory_space<vmem>>
        %dma_start3A_200 = tpu.memref_squeeze %dma_start3A_199 : memref<1x125xi32, #tpu.memory_space<vmem>> -> memref<125xi32, #tpu.memory_space<vmem>>
        %dma_start3A_201 = arith.constant 0 : i32
        %dma_start3A_202 = arith.constant 0 : i32
        %dma_start3A_203 = tpu.memref_slice %arg2[%dma_start3A_201, %dma_start3A_202] : memref<10000x64xbf16, #tpu.memory_space<hbm>> -> memref<10000x64xbf16, #tpu.memory_space<hbm>>
        tpu.enqueue_indirect_dma source(%dma_start3A_203 : memref<10000x64xbf16, #tpu.memory_space<hbm>>) target(%arg11 : memref<125x64xbf16, #tpu.memory_space<vmem>>) offsets(%dma_start3A_200 : memref<125xi32, #tpu.memory_space<vmem>>) semaphore(%arg20 : memref<!tpu.dma_semaphore, #tpu.memory_space<semaphore_mem>>)
      } else {
      }
      %mul3A_111 = arith.constant 8 : i32
      %mul3A_112 = arith.muli %mul3A_111, %scan3A_63 : i32
      %add3A_113 = arith.constant 3 : i32
      %add3A_114 = arith.addi %mul3A_112, %add3A_113 : i32
      %dma_wait3A_115 = arith.constant 0 : i32
      %dma_wait3A_116 = tpu.memref_slice %arg7[%add3A_114, %dma_wait3A_115] : memref<80x125xi32, #tpu.memory_space<vmem>> -> memref<1x125xi32, #tpu.memory_space<vmem>>
      %dma_wait3A_117 = tpu.memref_squeeze %dma_wait3A_116 : memref<1x125xi32, #tpu.memory_space<vmem>> -> memref<125xi32, #tpu.memory_space<vmem>>
      %dma_wait3A_118 = arith.constant 0 : i32
      %dma_wait3A_119 = arith.constant 0 : i32
      %dma_wait3A_120 = tpu.memref_slice %arg2[%dma_wait3A_118, %dma_wait3A_119] : memref<10000x64xbf16, #tpu.memory_space<hbm>> -> memref<10000x64xbf16, #tpu.memory_space<hbm>>
      tpu.wait_indirect_dma semaphore(%arg21 : memref<!tpu.dma_semaphore, #tpu.memory_space<semaphore_mem>>) src(%dma_wait3A_120 : memref<10000x64xbf16, #tpu.memory_space<hbm>>) dst(%arg12 : memref<125x64xbf16, #tpu.memory_space<vmem>>)
      "tpu.region"() ({
        %run_scoped3A = tpu.sem_alloc : memref<!tpu.dma_semaphore, #tpu.memory_space<semaphore_mem>>
        %dma_start3A_196 = arith.constant 0 : i32
        %dma_start3A_197 = tpu.memref_slice %arg8[%add3A_114, %dma_start3A_196] : memref<80x125xi32, #tpu.memory_space<vmem>> -> memref<1x125xi32, #tpu.memory_space<vmem>>
        %dma_start3A_198 = tpu.memref_squeeze %dma_start3A_197 : memref<1x125xi32, #tpu.memory_space<vmem>> -> memref<125xi32, #tpu.memory_space<vmem>>
        %dma_start3A_199 = arith.constant 0 : i32
        %dma_start3A_200 = arith.constant 0 : i32
        %dma_start3A_201 = tpu.memref_slice %arg17[%dma_start3A_199, %dma_start3A_200] : memref<10112x64xbf16, #tpu.memory_space<vmem_shared>> -> memref<10112x64xbf16, #tpu.memory_space<vmem_shared>>
        tpu.enqueue_indirect_dma source(%arg12 : memref<125x64xbf16, #tpu.memory_space<vmem>>) target(%dma_start3A_201 : memref<10112x64xbf16, #tpu.memory_space<vmem_shared>>) offsets(%dma_start3A_198 : memref<125xi32, #tpu.memory_space<vmem>>) semaphore(%run_scoped3A : memref<!tpu.dma_semaphore, #tpu.memory_space<semaphore_mem>>) {add = true}
        %dma_wait3A_202 = arith.constant 0 : i32
        %dma_wait3A_203 = tpu.memref_slice %arg8[%add3A_114, %dma_wait3A_202] : memref<80x125xi32, #tpu.memory_space<vmem>> -> memref<1x125xi32, #tpu.memory_space<vmem>>
        %dma_wait3A_204 = tpu.memref_squeeze %dma_wait3A_203 : memref<1x125xi32, #tpu.memory_space<vmem>> -> memref<125xi32, #tpu.memory_space<vmem>>
        %dma_wait3A_205 = arith.constant 0 : i32
        %dma_wait3A_206 = arith.constant 0 : i32
        %dma_wait3A_207 = tpu.memref_slice %arg17[%dma_wait3A_205, %dma_wait3A_206] : memref<10112x64xbf16, #tpu.memory_space<vmem_shared>> -> memref<10112x64xbf16, #tpu.memory_space<vmem_shared>>
        tpu.wait_indirect_dma semaphore(%run_scoped3A : memref<!tpu.dma_semaphore, #tpu.memory_space<semaphore_mem>>) src(%arg12 : memref<125x64xbf16, #tpu.memory_space<vmem>>) dst(%dma_wait3A_207 : memref<10112x64xbf16, #tpu.memory_space<vmem_shared>>)
        tpu.yield
      }) : () -> ()
      %add3A_121 = arith.constant 8 : i32
      %add3A_122 = arith.addi %add3A_114, %add3A_121 : i32
      %lt3A_123 = arith.constant 80 : i32
      %lt3A_124 = arith.cmpi slt, %add3A_122, %lt3A_123 : i32
      %convert_element_type3A_125 = arith.extui %lt3A_124 : i1 to i32
      %cond3A_126 = arith.constant 0 : i32
      %cond3A_127 = arith.cmpi ne, %convert_element_type3A_125, %cond3A_126 : i32
      scf.if %cond3A_127 {
        %add3A_196 = arith.constant 8 : i32
        %add3A_197 = arith.addi %add3A_114, %add3A_196 : i32
        %dma_start3A_198 = arith.constant 0 : i32
        %dma_start3A_199 = tpu.memref_slice %arg7[%add3A_197, %dma_start3A_198] : memref<80x125xi32, #tpu.memory_space<vmem>> -> memref<1x125xi32, #tpu.memory_space<vmem>>
        %dma_start3A_200 = tpu.memref_squeeze %dma_start3A_199 : memref<1x125xi32, #tpu.memory_space<vmem>> -> memref<125xi32, #tpu.memory_space<vmem>>
        %dma_start3A_201 = arith.constant 0 : i32
        %dma_start3A_202 = arith.constant 0 : i32
        %dma_start3A_203 = tpu.memref_slice %arg2[%dma_start3A_201, %dma_start3A_202] : memref<10000x64xbf16, #tpu.memory_space<hbm>> -> memref<10000x64xbf16, #tpu.memory_space<hbm>>
        tpu.enqueue_indirect_dma source(%dma_start3A_203 : memref<10000x64xbf16, #tpu.memory_space<hbm>>) target(%arg12 : memref<125x64xbf16, #tpu.memory_space<vmem>>) offsets(%dma_start3A_200 : memref<125xi32, #tpu.memory_space<vmem>>) semaphore(%arg21 : memref<!tpu.dma_semaphore, #tpu.memory_space<semaphore_mem>>)
      } else {
      }
      %mul3A_128 = arith.constant 8 : i32
      %mul3A_129 = arith.muli %mul3A_128, %scan3A_63 : i32
      %add3A_130 = arith.constant 4 : i32
      %add3A_131 = arith.addi %mul3A_129, %add3A_130 : i32
      %dma_wait3A_132 = arith.constant 0 : i32
      %dma_wait3A_133 = tpu.memref_slice %arg7[%add3A_131, %dma_wait3A_132] : memref<80x125xi32, #tpu.memory_space<vmem>> -> memref<1x125xi32, #tpu.memory_space<vmem>>
      %dma_wait3A_134 = tpu.memref_squeeze %dma_wait3A_133 : memref<1x125xi32, #tpu.memory_space<vmem>> -> memref<125xi32, #tpu.memory_space<vmem>>
      %dma_wait3A_135 = arith.constant 0 : i32
      %dma_wait3A_136 = arith.constant 0 : i32
      %dma_wait3A_137 = tpu.memref_slice %arg2[%dma_wait3A_135, %dma_wait3A_136] : memref<10000x64xbf16, #tpu.memory_space<hbm>> -> memref<10000x64xbf16, #tpu.memory_space<hbm>>
      tpu.wait_indirect_dma semaphore(%arg22 : memref<!tpu.dma_semaphore, #tpu.memory_space<semaphore_mem>>) src(%dma_wait3A_137 : memref<10000x64xbf16, #tpu.memory_space<hbm>>) dst(%arg13 : memref<125x64xbf16, #tpu.memory_space<vmem>>)
      "tpu.region"() ({
        %run_scoped3A = tpu.sem_alloc : memref<!tpu.dma_semaphore, #tpu.memory_space<semaphore_mem>>
        %dma_start3A_196 = arith.constant 0 : i32
        %dma_start3A_197 = tpu.memref_slice %arg8[%add3A_131, %dma_start3A_196] : memref<80x125xi32, #tpu.memory_space<vmem>> -> memref<1x125xi32, #tpu.memory_space<vmem>>
        %dma_start3A_198 = tpu.memref_squeeze %dma_start3A_197 : memref<1x125xi32, #tpu.memory_space<vmem>> -> memref<125xi32, #tpu.memory_space<vmem>>
        %dma_start3A_199 = arith.constant 0 : i32
        %dma_start3A_200 = arith.constant 0 : i32
        %dma_start3A_201 = tpu.memref_slice %arg17[%dma_start3A_199, %dma_start3A_200] : memref<10112x64xbf16, #tpu.memory_space<vmem_shared>> -> memref<10112x64xbf16, #tpu.memory_space<vmem_shared>>
        tpu.enqueue_indirect_dma source(%arg13 : memref<125x64xbf16, #tpu.memory_space<vmem>>) target(%dma_start3A_201 : memref<10112x64xbf16, #tpu.memory_space<vmem_shared>>) offsets(%dma_start3A_198 : memref<125xi32, #tpu.memory_space<vmem>>) semaphore(%run_scoped3A : memref<!tpu.dma_semaphore, #tpu.memory_space<semaphore_mem>>) {add = true}
        %dma_wait3A_202 = arith.constant 0 : i32
        %dma_wait3A_203 = tpu.memref_slice %arg8[%add3A_131, %dma_wait3A_202] : memref<80x125xi32, #tpu.memory_space<vmem>> -> memref<1x125xi32, #tpu.memory_space<vmem>>
        %dma_wait3A_204 = tpu.memref_squeeze %dma_wait3A_203 : memref<1x125xi32, #tpu.memory_space<vmem>> -> memref<125xi32, #tpu.memory_space<vmem>>
        %dma_wait3A_205 = arith.constant 0 : i32
        %dma_wait3A_206 = arith.constant 0 : i32
        %dma_wait3A_207 = tpu.memref_slice %arg17[%dma_wait3A_205, %dma_wait3A_206] : memref<10112x64xbf16, #tpu.memory_space<vmem_shared>> -> memref<10112x64xbf16, #tpu.memory_space<vmem_shared>>
        tpu.wait_indirect_dma semaphore(%run_scoped3A : memref<!tpu.dma_semaphore, #tpu.memory_space<semaphore_mem>>) src(%arg13 : memref<125x64xbf16, #tpu.memory_space<vmem>>) dst(%dma_wait3A_207 : memref<10112x64xbf16, #tpu.memory_space<vmem_shared>>)
        tpu.yield
      }) : () -> ()
      %add3A_138 = arith.constant 8 : i32
      %add3A_139 = arith.addi %add3A_131, %add3A_138 : i32
      %lt3A_140 = arith.constant 80 : i32
      %lt3A_141 = arith.cmpi slt, %add3A_139, %lt3A_140 : i32
      %convert_element_type3A_142 = arith.extui %lt3A_141 : i1 to i32
      %cond3A_143 = arith.constant 0 : i32
      %cond3A_144 = arith.cmpi ne, %convert_element_type3A_142, %cond3A_143 : i32
      scf.if %cond3A_144 {
        %add3A_196 = arith.constant 8 : i32
        %add3A_197 = arith.addi %add3A_131, %add3A_196 : i32
        %dma_start3A_198 = arith.constant 0 : i32
        %dma_start3A_199 = tpu.memref_slice %arg7[%add3A_197, %dma_start3A_198] : memref<80x125xi32, #tpu.memory_space<vmem>> -> memref<1x125xi32, #tpu.memory_space<vmem>>
        %dma_start3A_200 = tpu.memref_squeeze %dma_start3A_199 : memref<1x125xi32, #tpu.memory_space<vmem>> -> memref<125xi32, #tpu.memory_space<vmem>>
        %dma_start3A_201 = arith.constant 0 : i32
        %dma_start3A_202 = arith.constant 0 : i32
        %dma_start3A_203 = tpu.memref_slice %arg2[%dma_start3A_201, %dma_start3A_202] : memref<10000x64xbf16, #tpu.memory_space<hbm>> -> memref<10000x64xbf16, #tpu.memory_space<hbm>>
        tpu.enqueue_indirect_dma source(%dma_start3A_203 : memref<10000x64xbf16, #tpu.memory_space<hbm>>) target(%arg13 : memref<125x64xbf16, #tpu.memory_space<vmem>>) offsets(%dma_start3A_200 : memref<125xi32, #tpu.memory_space<vmem>>) semaphore(%arg22 : memref<!tpu.dma_semaphore, #tpu.memory_space<semaphore_mem>>)
      } else {
      }
      %mul3A_145 = arith.constant 8 : i32
      %mul3A_146 = arith.muli %mul3A_145, %scan3A_63 : i32
      %add3A_147 = arith.constant 5 : i32
      %add3A_148 = arith.addi %mul3A_146, %add3A_147 : i32
      %dma_wait3A_149 = arith.constant 0 : i32
      %dma_wait3A_150 = tpu.memref_slice %arg7[%add3A_148, %dma_wait3A_149] : memref<80x125xi32, #tpu.memory_space<vmem>> -> memref<1x125xi32, #tpu.memory_space<vmem>>
      %dma_wait3A_151 = tpu.memref_squeeze %dma_wait3A_150 : memref<1x125xi32, #tpu.memory_space<vmem>> -> memref<125xi32, #tpu.memory_space<vmem>>
      %dma_wait3A_152 = arith.constant 0 : i32
      %dma_wait3A_153 = arith.constant 0 : i32
      %dma_wait3A_154 = tpu.memref_slice %arg2[%dma_wait3A_152, %dma_wait3A_153] : memref<10000x64xbf16, #tpu.memory_space<hbm>> -> memref<10000x64xbf16, #tpu.memory_space<hbm>>
      tpu.wait_indirect_dma semaphore(%arg23 : memref<!tpu.dma_semaphore, #tpu.memory_space<semaphore_mem>>) src(%dma_wait3A_154 : memref<10000x64xbf16, #tpu.memory_space<hbm>>) dst(%arg14 : memref<125x64xbf16, #tpu.memory_space<vmem>>)
      "tpu.region"() ({
        %run_scoped3A = tpu.sem_alloc : memref<!tpu.dma_semaphore, #tpu.memory_space<semaphore_mem>>
        %dma_start3A_196 = arith.constant 0 : i32
        %dma_start3A_197 = tpu.memref_slice %arg8[%add3A_148, %dma_start3A_196] : memref<80x125xi32, #tpu.memory_space<vmem>> -> memref<1x125xi32, #tpu.memory_space<vmem>>
        %dma_start3A_198 = tpu.memref_squeeze %dma_start3A_197 : memref<1x125xi32, #tpu.memory_space<vmem>> -> memref<125xi32, #tpu.memory_space<vmem>>
        %dma_start3A_199 = arith.constant 0 : i32
        %dma_start3A_200 = arith.constant 0 : i32
        %dma_start3A_201 = tpu.memref_slice %arg17[%dma_start3A_199, %dma_start3A_200] : memref<10112x64xbf16, #tpu.memory_space<vmem_shared>> -> memref<10112x64xbf16, #tpu.memory_space<vmem_shared>>
        tpu.enqueue_indirect_dma source(%arg14 : memref<125x64xbf16, #tpu.memory_space<vmem>>) target(%dma_start3A_201 : memref<10112x64xbf16, #tpu.memory_space<vmem_shared>>) offsets(%dma_start3A_198 : memref<125xi32, #tpu.memory_space<vmem>>) semaphore(%run_scoped3A : memref<!tpu.dma_semaphore, #tpu.memory_space<semaphore_mem>>) {add = true}
        %dma_wait3A_202 = arith.constant 0 : i32
        %dma_wait3A_203 = tpu.memref_slice %arg8[%add3A_148, %dma_wait3A_202] : memref<80x125xi32, #tpu.memory_space<vmem>> -> memref<1x125xi32, #tpu.memory_space<vmem>>
        %dma_wait3A_204 = tpu.memref_squeeze %dma_wait3A_203 : memref<1x125xi32, #tpu.memory_space<vmem>> -> memref<125xi32, #tpu.memory_space<vmem>>
        %dma_wait3A_205 = arith.constant 0 : i32
        %dma_wait3A_206 = arith.constant 0 : i32
        %dma_wait3A_207 = tpu.memref_slice %arg17[%dma_wait3A_205, %dma_wait3A_206] : memref<10112x64xbf16, #tpu.memory_space<vmem_shared>> -> memref<10112x64xbf16, #tpu.memory_space<vmem_shared>>
        tpu.wait_indirect_dma semaphore(%run_scoped3A : memref<!tpu.dma_semaphore, #tpu.memory_space<semaphore_mem>>) src(%arg14 : memref<125x64xbf16, #tpu.memory_space<vmem>>) dst(%dma_wait3A_207 : memref<10112x64xbf16, #tpu.memory_space<vmem_shared>>)
        tpu.yield
      }) : () -> ()
      %add3A_155 = arith.constant 8 : i32
      %add3A_156 = arith.addi %add3A_148, %add3A_155 : i32
      %lt3A_157 = arith.constant 80 : i32
      %lt3A_158 = arith.cmpi slt, %add3A_156, %lt3A_157 : i32
      %convert_element_type3A_159 = arith.extui %lt3A_158 : i1 to i32
      %cond3A_160 = arith.constant 0 : i32
      %cond3A_161 = arith.cmpi ne, %convert_element_type3A_159, %cond3A_160 : i32
      scf.if %cond3A_161 {
        %add3A_196 = arith.constant 8 : i32
        %add3A_197 = arith.addi %add3A_148, %add3A_196 : i32
        %dma_start3A_198 = arith.constant 0 : i32
        %dma_start3A_199 = tpu.memref_slice %arg7[%add3A_197, %dma_start3A_198] : memref<80x125xi32, #tpu.memory_space<vmem>> -> memref<1x125xi32, #tpu.memory_space<vmem>>
        %dma_start3A_200 = tpu.memref_squeeze %dma_start3A_199 : memref<1x125xi32, #tpu.memory_space<vmem>> -> memref<125xi32, #tpu.memory_space<vmem>>
        %dma_start3A_201 = arith.constant 0 : i32
        %dma_start3A_202 = arith.constant 0 : i32
        %dma_start3A_203 = tpu.memref_slice %arg2[%dma_start3A_201, %dma_start3A_202] : memref<10000x64xbf16, #tpu.memory_space<hbm>> -> memref<10000x64xbf16, #tpu.memory_space<hbm>>
        tpu.enqueue_indirect_dma source(%dma_start3A_203 : memref<10000x64xbf16, #tpu.memory_space<hbm>>) target(%arg14 : memref<125x64xbf16, #tpu.memory_space<vmem>>) offsets(%dma_start3A_200 : memref<125xi32, #tpu.memory_space<vmem>>) semaphore(%arg23 : memref<!tpu.dma_semaphore, #tpu.memory_space<semaphore_mem>>)
      } else {
      }
      %mul3A_162 = arith.constant 8 : i32
      %mul3A_163 = arith.muli %mul3A_162, %scan3A_63 : i32
      %add3A_164 = arith.constant 6 : i32
      %add3A_165 = arith.addi %mul3A_163, %add3A_164 : i32
      %dma_wait3A_166 = arith.constant 0 : i32
      %dma_wait3A_167 = tpu.memref_slice %arg7[%add3A_165, %dma_wait3A_166] : memref<80x125xi32, #tpu.memory_space<vmem>> -> memref<1x125xi32, #tpu.memory_space<vmem>>
      %dma_wait3A_168 = tpu.memref_squeeze %dma_wait3A_167 : memref<1x125xi32, #tpu.memory_space<vmem>> -> memref<125xi32, #tpu.memory_space<vmem>>
      %dma_wait3A_169 = arith.constant 0 : i32
      %dma_wait3A_170 = arith.constant 0 : i32
      %dma_wait3A_171 = tpu.memref_slice %arg2[%dma_wait3A_169, %dma_wait3A_170] : memref<10000x64xbf16, #tpu.memory_space<hbm>> -> memref<10000x64xbf16, #tpu.memory_space<hbm>>
      tpu.wait_indirect_dma semaphore(%arg24 : memref<!tpu.dma_semaphore, #tpu.memory_space<semaphore_mem>>) src(%dma_wait3A_171 : memref<10000x64xbf16, #tpu.memory_space<hbm>>) dst(%arg15 : memref<125x64xbf16, #tpu.memory_space<vmem>>)
      "tpu.region"() ({
        %run_scoped3A = tpu.sem_alloc : memref<!tpu.dma_semaphore, #tpu.memory_space<semaphore_mem>>
        %dma_start3A_196 = arith.constant 0 : i32
        %dma_start3A_197 = tpu.memref_slice %arg8[%add3A_165, %dma_start3A_196] : memref<80x125xi32, #tpu.memory_space<vmem>> -> memref<1x125xi32, #tpu.memory_space<vmem>>
        %dma_start3A_198 = tpu.memref_squeeze %dma_start3A_197 : memref<1x125xi32, #tpu.memory_space<vmem>> -> memref<125xi32, #tpu.memory_space<vmem>>
        %dma_start3A_199 = arith.constant 0 : i32
        %dma_start3A_200 = arith.constant 0 : i32
        %dma_start3A_201 = tpu.memref_slice %arg17[%dma_start3A_199, %dma_start3A_200] : memref<10112x64xbf16, #tpu.memory_space<vmem_shared>> -> memref<10112x64xbf16, #tpu.memory_space<vmem_shared>>
        tpu.enqueue_indirect_dma source(%arg15 : memref<125x64xbf16, #tpu.memory_space<vmem>>) target(%dma_start3A_201 : memref<10112x64xbf16, #tpu.memory_space<vmem_shared>>) offsets(%dma_start3A_198 : memref<125xi32, #tpu.memory_space<vmem>>) semaphore(%run_scoped3A : memref<!tpu.dma_semaphore, #tpu.memory_space<semaphore_mem>>) {add = true}
        %dma_wait3A_202 = arith.constant 0 : i32
        %dma_wait3A_203 = tpu.memref_slice %arg8[%add3A_165, %dma_wait3A_202] : memref<80x125xi32, #tpu.memory_space<vmem>> -> memref<1x125xi32, #tpu.memory_space<vmem>>
        %dma_wait3A_204 = tpu.memref_squeeze %dma_wait3A_203 : memref<1x125xi32, #tpu.memory_space<vmem>> -> memref<125xi32, #tpu.memory_space<vmem>>
        %dma_wait3A_205 = arith.constant 0 : i32
        %dma_wait3A_206 = arith.constant 0 : i32
        %dma_wait3A_207 = tpu.memref_slice %arg17[%dma_wait3A_205, %dma_wait3A_206] : memref<10112x64xbf16, #tpu.memory_space<vmem_shared>> -> memref<10112x64xbf16, #tpu.memory_space<vmem_shared>>
        tpu.wait_indirect_dma semaphore(%run_scoped3A : memref<!tpu.dma_semaphore, #tpu.memory_space<semaphore_mem>>) src(%arg15 : memref<125x64xbf16, #tpu.memory_space<vmem>>) dst(%dma_wait3A_207 : memref<10112x64xbf16, #tpu.memory_space<vmem_shared>>)
        tpu.yield
      }) : () -> ()
      %add3A_172 = arith.constant 8 : i32
      %add3A_173 = arith.addi %add3A_165, %add3A_172 : i32
      %lt3A_174 = arith.constant 80 : i32
      %lt3A_175 = arith.cmpi slt, %add3A_173, %lt3A_174 : i32
      %convert_element_type3A_176 = arith.extui %lt3A_175 : i1 to i32
      %cond3A_177 = arith.constant 0 : i32
      %cond3A_178 = arith.cmpi ne, %convert_element_type3A_176, %cond3A_177 : i32
      scf.if %cond3A_178 {
        %add3A_196 = arith.constant 8 : i32
        %add3A_197 = arith.addi %add3A_165, %add3A_196 : i32
        %dma_start3A_198 = arith.constant 0 : i32
        %dma_start3A_199 = tpu.memref_slice %arg7[%add3A_197, %dma_start3A_198] : memref<80x125xi32, #tpu.memory_space<vmem>> -> memref<1x125xi32, #tpu.memory_space<vmem>>
        %dma_start3A_200 = tpu.memref_squeeze %dma_start3A_199 : memref<1x125xi32, #tpu.memory_space<vmem>> -> memref<125xi32, #tpu.memory_space<vmem>>
        %dma_start3A_201 = arith.constant 0 : i32
        %dma_start3A_202 = arith.constant 0 : i32
        %dma_start3A_203 = tpu.memref_slice %arg2[%dma_start3A_201, %dma_start3A_202] : memref<10000x64xbf16, #tpu.memory_space<hbm>> -> memref<10000x64xbf16, #tpu.memory_space<hbm>>
        tpu.enqueue_indirect_dma source(%dma_start3A_203 : memref<10000x64xbf16, #tpu.memory_space<hbm>>) target(%arg15 : memref<125x64xbf16, #tpu.memory_space<vmem>>) offsets(%dma_start3A_200 : memref<125xi32, #tpu.memory_space<vmem>>) semaphore(%arg24 : memref<!tpu.dma_semaphore, #tpu.memory_space<semaphore_mem>>)
      } else {
      }
      %mul3A_179 = arith.constant 8 : i32
      %mul3A_180 = arith.muli %mul3A_179, %scan3A_63 : i32
      %add3A_181 = arith.constant 7 : i32
      %add3A_182 = arith.addi %mul3A_180, %add3A_181 : i32
      %dma_wait3A_183 = arith.constant 0 : i32
      %dma_wait3A_184 = tpu.memref_slice %arg7[%add3A_182, %dma_wait3A_183] : memref<80x125xi32, #tpu.memory_space<vmem>> -> memref<1x125xi32, #tpu.memory_space<vmem>>
      %dma_wait3A_185 = tpu.memref_squeeze %dma_wait3A_184 : memref<1x125xi32, #tpu.memory_space<vmem>> -> memref<125xi32, #tpu.memory_space<vmem>>
      %dma_wait3A_186 = arith.constant 0 : i32
      %dma_wait3A_187 = arith.constant 0 : i32
      %dma_wait3A_188 = tpu.memref_slice %arg2[%dma_wait3A_186, %dma_wait3A_187] : memref<10000x64xbf16, #tpu.memory_space<hbm>> -> memref<10000x64xbf16, #tpu.memory_space<hbm>>
      tpu.wait_indirect_dma semaphore(%arg25 : memref<!tpu.dma_semaphore, #tpu.memory_space<semaphore_mem>>) src(%dma_wait3A_188 : memref<10000x64xbf16, #tpu.memory_space<hbm>>) dst(%arg16 : memref<125x64xbf16, #tpu.memory_space<vmem>>)
      "tpu.region"() ({
        %run_scoped3A = tpu.sem_alloc : memref<!tpu.dma_semaphore, #tpu.memory_space<semaphore_mem>>
        %dma_start3A_196 = arith.constant 0 : i32
        %dma_start3A_197 = tpu.memref_slice %arg8[%add3A_182, %dma_start3A_196] : memref<80x125xi32, #tpu.memory_space<vmem>> -> memref<1x125xi32, #tpu.memory_space<vmem>>
        %dma_start3A_198 = tpu.memref_squeeze %dma_start3A_197 : memref<1x125xi32, #tpu.memory_space<vmem>> -> memref<125xi32, #tpu.memory_space<vmem>>
        %dma_start3A_199 = arith.constant 0 : i32
        %dma_start3A_200 = arith.constant 0 : i32
        %dma_start3A_201 = tpu.memref_slice %arg17[%dma_start3A_199, %dma_start3A_200] : memref<10112x64xbf16, #tpu.memory_space<vmem_shared>> -> memref<10112x64xbf16, #tpu.memory_space<vmem_shared>>
        tpu.enqueue_indirect_dma source(%arg16 : memref<125x64xbf16, #tpu.memory_space<vmem>>) target(%dma_start3A_201 : memref<10112x64xbf16, #tpu.memory_space<vmem_shared>>) offsets(%dma_start3A_198 : memref<125xi32, #tpu.memory_space<vmem>>) semaphore(%run_scoped3A : memref<!tpu.dma_semaphore, #tpu.memory_space<semaphore_mem>>) {add = true}
        %dma_wait3A_202 = arith.constant 0 : i32
        %dma_wait3A_203 = tpu.memref_slice %arg8[%add3A_182, %dma_wait3A_202] : memref<80x125xi32, #tpu.memory_space<vmem>> -> memref<1x125xi32, #tpu.memory_space<vmem>>
        %dma_wait3A_204 = tpu.memref_squeeze %dma_wait3A_203 : memref<1x125xi32, #tpu.memory_space<vmem>> -> memref<125xi32, #tpu.memory_space<vmem>>
        %dma_wait3A_205 = arith.constant 0 : i32
        %dma_wait3A_206 = arith.constant 0 : i32
        %dma_wait3A_207 = tpu.memref_slice %arg17[%dma_wait3A_205, %dma_wait3A_206] : memref<10112x64xbf16, #tpu.memory_space<vmem_shared>> -> memref<10112x64xbf16, #tpu.memory_space<vmem_shared>>
        tpu.wait_indirect_dma semaphore(%run_scoped3A : memref<!tpu.dma_semaphore, #tpu.memory_space<semaphore_mem>>) src(%arg16 : memref<125x64xbf16, #tpu.memory_space<vmem>>) dst(%dma_wait3A_207 : memref<10112x64xbf16, #tpu.memory_space<vmem_shared>>)
        tpu.yield
      }) : () -> ()
      %add3A_189 = arith.constant 8 : i32
      %add3A_190 = arith.addi %add3A_182, %add3A_189 : i32
      %lt3A_191 = arith.constant 80 : i32
      %lt3A_192 = arith.cmpi slt, %add3A_190, %lt3A_191 : i32
      %convert_element_type3A_193 = arith.extui %lt3A_192 : i1 to i32
      %cond3A_194 = arith.constant 0 : i32
      %cond3A_195 = arith.cmpi ne, %convert_element_type3A_193, %cond3A_194 : i32
      scf.if %cond3A_195 {
        %add3A_196 = arith.constant 8 : i32
        %add3A_197 = arith.addi %add3A_182, %add3A_196 : i32
        %dma_start3A_198 = arith.constant 0 : i32
        %dma_start3A_199 = tpu.memref_slice %arg7[%add3A_197, %dma_start3A_198] : memref<80x125xi32, #tpu.memory_space<vmem>> -> memref<1x125xi32, #tpu.memory_space<vmem>>
        %dma_start3A_200 = tpu.memref_squeeze %dma_start3A_199 : memref<1x125xi32, #tpu.memory_space<vmem>> -> memref<125xi32, #tpu.memory_space<vmem>>
        %dma_start3A_201 = arith.constant 0 : i32
        %dma_start3A_202 = arith.constant 0 : i32
        %dma_start3A_203 = tpu.memref_slice %arg2[%dma_start3A_201, %dma_start3A_202] : memref<10000x64xbf16, #tpu.memory_space<hbm>> -> memref<10000x64xbf16, #tpu.memory_space<hbm>>
        tpu.enqueue_indirect_dma source(%dma_start3A_203 : memref<10000x64xbf16, #tpu.memory_space<hbm>>) target(%arg16 : memref<125x64xbf16, #tpu.memory_space<vmem>>) offsets(%dma_start3A_200 : memref<125xi32, #tpu.memory_space<vmem>>) semaphore(%arg25 : memref<!tpu.dma_semaphore, #tpu.memory_space<semaphore_mem>>)
      } else {
      }
    }
    %scan3A_61 = arith.constant 10 : i32
    %barrier3A_62 = arith.constant 0 : index
    tpu.barrier barrier_id(%barrier3A_62)
    "tpu.region"() ({
      %run_scoped3A = tpu.sem_alloc : memref<!tpu.dma_semaphore, #tpu.memory_space<semaphore_mem>>
      %dma_start3A_63 = arith.constant 0 : i32
      %dma_start3A_64 = tpu.memref_slice %arg6[%mul3A_1, %dma_start3A_63] : memref<10112x64xbf16, #tpu.memory_space<hbm>> -> memref<632x64xbf16, #tpu.memory_space<hbm>>
      %dma_start3A_65 = arith.constant 0 : i32
      %dma_start3A_66 = tpu.memref_slice %arg17[%mul3A_1, %dma_start3A_65] : memref<10112x64xbf16, #tpu.memory_space<vmem_shared>> -> memref<632x64xbf16, #tpu.memory_space<vmem_shared>>
      tpu.enqueue_dma source(%dma_start3A_66 : memref<632x64xbf16, #tpu.memory_space<vmem_shared>>) target(%dma_start3A_64 : memref<632x64xbf16, #tpu.memory_space<hbm>>) target_semaphore(%run_scoped3A : memref<!tpu.dma_semaphore, #tpu.memory_space<semaphore_mem>>)
      %dma_wait3A = arith.constant 0 : i32
      %dma_wait3A_67 = tpu.memref_slice %arg6[%mul3A_1, %dma_wait3A] : memref<10112x64xbf16, #tpu.memory_space<hbm>> -> memref<632x64xbf16, #tpu.memory_space<hbm>>
      %dma_wait3A_68 = arith.constant 0 : i32
      %dma_wait3A_69 = tpu.memref_slice %arg17[%mul3A_1, %dma_wait3A_68] : memref<10112x64xbf16, #tpu.memory_space<vmem_shared>> -> memref<632x64xbf16, #tpu.memory_space<vmem_shared>>
      tpu.wait_dma2 semaphore(%run_scoped3A : memref<!tpu.dma_semaphore, #tpu.memory_space<semaphore_mem>>) src(%dma_wait3A_69 : memref<632x64xbf16, #tpu.memory_space<vmem_shared>>) dst(%dma_wait3A_67 : memref<632x64xbf16, #tpu.memory_space<hbm>>)
      tpu.yield
    }) : () -> ()
    return
  }
}

#map = affine_map<(d0, d1) -> (0, 0)>
#map1 = affine_map<(d0, d1) -> (0, 0, 0)>
module attributes {stable_mosaic.version = 14 : i64} {
  func.func @scatter_kernel(%arg0: i32, %arg1: i32, %arg2: memref<10000x64xbf16, #tpu.memory_space<hbm>>, %arg3: memref<32x80x125xi32, #tpu.memory_space<hbm>>, %arg4: memref<32x80x125xi32, #tpu.memory_space<hbm>>, %arg5: memref<10112x64xbf16, #tpu.memory_space<hbm>>, %arg6: memref<10112x64xbf16, #tpu.memory_space<hbm>>, %arg7: memref<80x125xi32, #tpu.memory_space<vmem>>, %arg8: memref<80x125xi32, #tpu.memory_space<vmem>>, %arg9: memref<125x64xbf16, #tpu.memory_space<vmem>>, %arg10: memref<125x64xbf16, #tpu.memory_space<vmem>>, %arg11: memref<125x64xbf16, #tpu.memory_space<vmem>>, %arg12: memref<125x64xbf16, #tpu.memory_space<vmem>>, %arg13: memref<125x64xbf16, #tpu.memory_space<vmem>>, %arg14: memref<125x64xbf16, #tpu.memory_space<vmem>>, %arg15: memref<125x64xbf16, #tpu.memory_space<vmem>>, %arg16: memref<125x64xbf16, #tpu.memory_space<vmem>>, %arg17: memref<10112x64xbf16, #tpu.memory_space<vmem_shared>>, %arg18: memref<!tpu.dma_semaphore, #tpu.memory_space<semaphore_mem>>, %arg19: memref<!tpu.dma_semaphore, #tpu.memory_space<semaphore_mem>>, %arg20: memref<!tpu.dma_semaphore, #tpu.memory_space<semaphore_mem>>, %arg21: memref<!tpu.dma_semaphore, #tpu.memory_space<semaphore_mem>>, %arg22: memref<!tpu.dma_semaphore, #tpu.memory_space<semaphore_mem>>, %arg23: memref<!tpu.dma_semaphore, #tpu.memory_space<semaphore_mem>>, %arg24: memref<!tpu.dma_semaphore, #tpu.memory_space<semaphore_mem>>, %arg25: memref<!tpu.dma_semaphore, #tpu.memory_space<semaphore_mem>>) attributes {dimension_semantics = [#tpu.dimension_semantics<core_parallel>, #tpu.dimension_semantics<subcore_parallel>], iteration_bounds = array<i64: 1, 16>, scalar_prefetch = 0 : i64, scratch_operands = 19 : i64, tpu.core_type = #tpu.core_type<sc_vector_subcore>, window_params = [{transform_indices = #map}, {transform_indices = #map1}, {transform_indices = #map1}, {transform_indices = #map}, {transform_indices = #map}]} {
    %add3A = arith.constant 0 : i32
    %add3A_0 = arith.addi %add3A, %arg1 : i32
    "tpu.region"() ({
      %run_scoped3A = tpu.sem_alloc : memref<!tpu.dma_semaphore, #tpu.memory_space<semaphore_mem>>
      %dma_start3A_63 = arith.constant 0 : i32
      %dma_start3A_64 = arith.constant 0 : i32
      %dma_start3A_65 = tpu.memref_slice %arg3[%add3A_0, %dma_start3A_63, %dma_start3A_64] : memref<32x80x125xi32, #tpu.memory_space<hbm>> -> memref<1x80x125xi32, #tpu.memory_space<hbm>>
      %dma_start3A_66 = tpu.memref_squeeze %dma_start3A_65 : memref<1x80x125xi32, #tpu.memory_space<hbm>> -> memref<80x125xi32, #tpu.memory_space<hbm>>
      %dma_start3A_67 = arith.constant 0 : i32
      %dma_start3A_68 = arith.constant 0 : i32
      %dma_start3A_69 = tpu.memref_slice %arg3[%add3A_0, %dma_start3A_67, %dma_start3A_68] : memref<32x80x125xi32, #tpu.memory_space<hbm>> -> memref<1x80x125xi32, #tpu.memory_space<hbm>>
      %dma_start3A_70 = tpu.memref_squeeze %dma_start3A_69 : memref<1x80x125xi32, #tpu.memory_space<hbm>> -> memref<80x125xi32, #tpu.memory_space<hbm>>
      tpu.enqueue_dma source(%dma_start3A_70 : memref<80x125xi32, #tpu.memory_space<hbm>>) target(%arg7 : memref<80x125xi32, #tpu.memory_space<vmem>>) target_semaphore(%run_scoped3A : memref<!tpu.dma_semaphore, #tpu.memory_space<semaphore_mem>>)
      %dma_wait3A = arith.constant 0 : i32
      %dma_wait3A_71 = arith.constant 0 : i32
      %dma_wait3A_72 = tpu.memref_slice %arg3[%add3A_0, %dma_wait3A, %dma_wait3A_71] : memref<32x80x125xi32, #tpu.memory_space<hbm>> -> memref<1x80x125xi32, #tpu.memory_space<hbm>>
      %dma_wait3A_73 = tpu.memref_squeeze %dma_wait3A_72 : memref<1x80x125xi32, #tpu.memory_space<hbm>> -> memref<80x125xi32, #tpu.memory_space<hbm>>
      %dma_wait3A_74 = arith.constant 0 : i32
      %dma_wait3A_75 = arith.constant 0 : i32
      %dma_wait3A_76 = tpu.memref_slice %arg3[%add3A_0, %dma_wait3A_74, %dma_wait3A_75] : memref<32x80x125xi32, #tpu.memory_space<hbm>> -> memref<1x80x125xi32, #tpu.memory_space<hbm>>
      %dma_wait3A_77 = tpu.memref_squeeze %dma_wait3A_76 : memref<1x80x125xi32, #tpu.memory_space<hbm>> -> memref<80x125xi32, #tpu.memory_space<hbm>>
      tpu.wait_dma2 semaphore(%run_scoped3A : memref<!tpu.dma_semaphore, #tpu.memory_space<semaphore_mem>>) src(%dma_wait3A_77 : memref<80x125xi32, #tpu.memory_space<hbm>>) dst(%arg7 : memref<80x125xi32, #tpu.memory_space<vmem>>)
      tpu.yield
    }) : () -> ()
    "tpu.region"() ({
      %run_scoped3A = tpu.sem_alloc : memref<!tpu.dma_semaphore, #tpu.memory_space<semaphore_mem>>
      %dma_start3A_63 = arith.constant 0 : i32
      %dma_start3A_64 = arith.constant 0 : i32
      %dma_start3A_65 = tpu.memref_slice %arg4[%add3A_0, %dma_start3A_63, %dma_start3A_64] : memref<32x80x125xi32, #tpu.memory_space<hbm>> -> memref<1x80x125xi32, #tpu.memory_space<hbm>>
      %dma_start3A_66 = tpu.memref_squeeze %dma_start3A_65 : memref<1x80x125xi32, #tpu.memory_space<hbm>> -> memref<80x125xi32, #tpu.memory_space<hbm>>
      %dma_start3A_67 = arith.constant 0 : i32
      %dma_start3A_68 = arith.constant 0 : i32
      %dma_start3A_69 = tpu.memref_slice %arg4[%add3A_0, %dma_start3A_67, %dma_start3A_68] : memref<32x80x125xi32, #tpu.memory_space<hbm>> -> memref<1x80x125xi32, #tpu.memory_space<hbm>>
      %dma_start3A_70 = tpu.memref_squeeze %dma_start3A_69 : memref<1x80x125xi32, #tpu.memory_space<hbm>> -> memref<80x125xi32, #tpu.memory_space<hbm>>
      tpu.enqueue_dma source(%dma_start3A_70 : memref<80x125xi32, #tpu.memory_space<hbm>>) target(%arg8 : memref<80x125xi32, #tpu.memory_space<vmem>>) target_semaphore(%run_scoped3A : memref<!tpu.dma_semaphore, #tpu.memory_space<semaphore_mem>>)
      %dma_wait3A = arith.constant 0 : i32
      %dma_wait3A_71 = arith.constant 0 : i32
      %dma_wait3A_72 = tpu.memref_slice %arg4[%add3A_0, %dma_wait3A, %dma_wait3A_71] : memref<32x80x125xi32, #tpu.memory_space<hbm>> -> memref<1x80x125xi32, #tpu.memory_space<hbm>>
      %dma_wait3A_73 = tpu.memref_squeeze %dma_wait3A_72 : memref<1x80x125xi32, #tpu.memory_space<hbm>> -> memref<80x125xi32, #tpu.memory_space<hbm>>
      %dma_wait3A_74 = arith.constant 0 : i32
      %dma_wait3A_75 = arith.constant 0 : i32
      %dma_wait3A_76 = tpu.memref_slice %arg4[%add3A_0, %dma_wait3A_74, %dma_wait3A_75] : memref<32x80x125xi32, #tpu.memory_space<hbm>> -> memref<1x80x125xi32, #tpu.memory_space<hbm>>
      %dma_wait3A_77 = tpu.memref_squeeze %dma_wait3A_76 : memref<1x80x125xi32, #tpu.memory_space<hbm>> -> memref<80x125xi32, #tpu.memory_space<hbm>>
      tpu.wait_dma2 semaphore(%run_scoped3A : memref<!tpu.dma_semaphore, #tpu.memory_space<semaphore_mem>>) src(%dma_wait3A_77 : memref<80x125xi32, #tpu.memory_space<hbm>>) dst(%arg8 : memref<80x125xi32, #tpu.memory_space<vmem>>)
      tpu.yield
    }) : () -> ()
    %mul3A = arith.constant 632 : i32
    %mul3A_1 = arith.muli %arg1, %mul3A : i32
    "tpu.region"() ({
      %run_scoped3A = tpu.sem_alloc : memref<!tpu.dma_semaphore, #tpu.memory_space<semaphore_mem>>
      %dma_start3A_63 = arith.constant 0 : i32
      %dma_start3A_64 = tpu.memref_slice %arg17[%mul3A_1, %dma_start3A_63] : memref<10112x64xbf16, #tpu.memory_space<vmem_shared>> -> memref<632x64xbf16, #tpu.memory_space<vmem_shared>>
      %dma_start3A_65 = arith.constant 0 : i32
      %dma_start3A_66 = tpu.memref_slice %arg5[%mul3A_1, %dma_start3A_65] : memref<10112x64xbf16, #tpu.memory_space<hbm>> -> memref<632x64xbf16, #tpu.memory_space<hbm>>
      tpu.enqueue_dma source(%dma_start3A_66 : memref<632x64xbf16, #tpu.memory_space<hbm>>) target(%dma_start3A_64 : memref<632x64xbf16, #tpu.memory_space<vmem_shared>>) target_semaphore(%run_scoped3A : memref<!tpu.dma_semaphore, #tpu.memory_space<semaphore_mem>>)
      %dma_wait3A = arith.constant 0 : i32
      %dma_wait3A_67 = tpu.memref_slice %arg17[%mul3A_1, %dma_wait3A] : memref<10112x64xbf16, #tpu.memory_space<vmem_shared>> -> memref<632x64xbf16, #tpu.memory_space<vmem_shared>>
      %dma_wait3A_68 = arith.constant 0 : i32
      %dma_wait3A_69 = tpu.memref_slice %arg5[%mul3A_1, %dma_wait3A_68] : memref<10112x64xbf16, #tpu.memory_space<hbm>> -> memref<632x64xbf16, #tpu.memory_space<hbm>>
      tpu.wait_dma2 semaphore(%run_scoped3A : memref<!tpu.dma_semaphore, #tpu.memory_space<semaphore_mem>>) src(%dma_wait3A_69 : memref<632x64xbf16, #tpu.memory_space<hbm>>) dst(%dma_wait3A_67 : memref<632x64xbf16, #tpu.memory_space<vmem_shared>>)
      tpu.yield
    }) : () -> ()
    %barrier3A = arith.constant 0 : index
    tpu.barrier barrier_id(%barrier3A)
    %dma_start3A = arith.constant 0 : i32
    %dma_start3A_2 = arith.constant 0 : i32
    %dma_start3A_3 = tpu.memref_slice %arg7[%dma_start3A, %dma_start3A_2] : memref<80x125xi32, #tpu.memory_space<vmem>> -> memref<1x125xi32, #tpu.memory_space<vmem>>
    %dma_start3A_4 = tpu.memref_squeeze %dma_start3A_3 : memref<1x125xi32, #tpu.memory_space<vmem>> -> memref<125xi32, #tpu.memory_space<vmem>>
    %dma_start3A_5 = arith.constant 0 : i32
    %dma_start3A_6 = arith.constant 0 : i32
    %dma_start3A_7 = tpu.memref_slice %arg2[%dma_start3A_5, %dma_start3A_6] : memref<10000x64xbf16, #tpu.memory_space<hbm>> -> memref<10000x64xbf16, #tpu.memory_space<hbm>>
    tpu.enqueue_indirect_dma source(%dma_start3A_7 : memref<10000x64xbf16, #tpu.memory_space<hbm>>) target(%arg9 : memref<125x64xbf16, #tpu.memory_space<vmem>>) offsets(%dma_start3A_4 : memref<125xi32, #tpu.memory_space<vmem>>) semaphore(%arg18 : memref<!tpu.dma_semaphore, #tpu.memory_space<semaphore_mem>>)
    %dma_start3A_8 = arith.constant 1 : i32
    %dma_start3A_9 = arith.constant 0 : i32
    %dma_start3A_10 = tpu.memref_slice %arg7[%dma_start3A_8, %dma_start3A_9] : memref<80x125xi32, #tpu.memory_space<vmem>> -> memref<1x125xi32, #tpu.memory_space<vmem>>
    %dma_start3A_11 = tpu.memref_squeeze %dma_start3A_10 : memref<1x125xi32, #tpu.memory_space<vmem>> -> memref<125xi32, #tpu.memory_space<vmem>>
    %dma_start3A_12 = arith.constant 0 : i32
    %dma_start3A_13 = arith.constant 0 : i32
    %dma_start3A_14 = tpu.memref_slice %arg2[%dma_start3A_12, %dma_start3A_13] : memref<10000x64xbf16, #tpu.memory_space<hbm>> -> memref<10000x64xbf16, #tpu.memory_space<hbm>>
    tpu.enqueue_indirect_dma source(%dma_start3A_14 : memref<10000x64xbf16, #tpu.memory_space<hbm>>) target(%arg10 : memref<125x64xbf16, #tpu.memory_space<vmem>>) offsets(%dma_start3A_11 : memref<125xi32, #tpu.memory_space<vmem>>) semaphore(%arg19 : memref<!tpu.dma_semaphore, #tpu.memory_space<semaphore_mem>>)
    %dma_start3A_15 = arith.constant 2 : i32
    %dma_start3A_16 = arith.constant 0 : i32
    %dma_start3A_17 = tpu.memref_slice %arg7[%dma_start3A_15, %dma_start3A_16] : memref<80x125xi32, #tpu.memory_space<vmem>> -> memref<1x125xi32, #tpu.memory_space<vmem>>
    %dma_start3A_18 = tpu.memref_squeeze %dma_start3A_17 : memref<1x125xi32, #tpu.memory_space<vmem>> -> memref<125xi32, #tpu.memory_space<vmem>>
    %dma_start3A_19 = arith.constant 0 : i32
    %dma_start3A_20 = arith.constant 0 : i32
    %dma_start3A_21 = tpu.memref_slice %arg2[%dma_start3A_19, %dma_start3A_20] : memref<10000x64xbf16, #tpu.memory_space<hbm>> -> memref<10000x64xbf16, #tpu.memory_space<hbm>>
    tpu.enqueue_indirect_dma source(%dma_start3A_21 : memref<10000x64xbf16, #tpu.memory_space<hbm>>) target(%arg11 : memref<125x64xbf16, #tpu.memory_space<vmem>>) offsets(%dma_start3A_18 : memref<125xi32, #tpu.memory_space<vmem>>) semaphore(%arg20 : memref<!tpu.dma_semaphore, #tpu.memory_space<semaphore_mem>>)
    %dma_start3A_22 = arith.constant 3 : i32
    %dma_start3A_23 = arith.constant 0 : i32
    %dma_start3A_24 = tpu.memref_slice %arg7[%dma_start3A_22, %dma_start3A_23] : memref<80x125xi32, #tpu.memory_space<vmem>> -> memref<1x125xi32, #tpu.memory_space<vmem>>
    %dma_start3A_25 = tpu.memref_squeeze %dma_start3A_24 : memref<1x125xi32, #tpu.memory_space<vmem>> -> memref<125xi32, #tpu.memory_space<vmem>>
    %dma_start3A_26 = arith.constant 0 : i32
    %dma_start3A_27 = arith.constant 0 : i32
    %dma_start3A_28 = tpu.memref_slice %arg2[%dma_start3A_26, %dma_start3A_27] : memref<10000x64xbf16, #tpu.memory_space<hbm>> -> memref<10000x64xbf16, #tpu.memory_space<hbm>>
    tpu.enqueue_indirect_dma source(%dma_start3A_28 : memref<10000x64xbf16, #tpu.memory_space<hbm>>) target(%arg12 : memref<125x64xbf16, #tpu.memory_space<vmem>>) offsets(%dma_start3A_25 : memref<125xi32, #tpu.memory_space<vmem>>) semaphore(%arg21 : memref<!tpu.dma_semaphore, #tpu.memory_space<semaphore_mem>>)
    %dma_start3A_29 = arith.constant 4 : i32
    %dma_start3A_30 = arith.constant 0 : i32
    %dma_start3A_31 = tpu.memref_slice %arg7[%dma_start3A_29, %dma_start3A_30] : memref<80x125xi32, #tpu.memory_space<vmem>> -> memref<1x125xi32, #tpu.memory_space<vmem>>
    %dma_start3A_32 = tpu.memref_squeeze %dma_start3A_31 : memref<1x125xi32, #tpu.memory_space<vmem>> -> memref<125xi32, #tpu.memory_space<vmem>>
    %dma_start3A_33 = arith.constant 0 : i32
    %dma_start3A_34 = arith.constant 0 : i32
    %dma_start3A_35 = tpu.memref_slice %arg2[%dma_start3A_33, %dma_start3A_34] : memref<10000x64xbf16, #tpu.memory_space<hbm>> -> memref<10000x64xbf16, #tpu.memory_space<hbm>>
    tpu.enqueue_indirect_dma source(%dma_start3A_35 : memref<10000x64xbf16, #tpu.memory_space<hbm>>) target(%arg13 : memref<125x64xbf16, #tpu.memory_space<vmem>>) offsets(%dma_start3A_32 : memref<125xi32, #tpu.memory_space<vmem>>) semaphore(%arg22 : memref<!tpu.dma_semaphore, #tpu.memory_space<semaphore_mem>>)
    %dma_start3A_36 = arith.constant 5 : i32
    %dma_start3A_37 = arith.constant 0 : i32
    %dma_start3A_38 = tpu.memref_slice %arg7[%dma_start3A_36, %dma_start3A_37] : memref<80x125xi32, #tpu.memory_space<vmem>> -> memref<1x125xi32, #tpu.memory_space<vmem>>
    %dma_start3A_39 = tpu.memref_squeeze %dma_start3A_38 : memref<1x125xi32, #tpu.memory_space<vmem>> -> memref<125xi32, #tpu.memory_space<vmem>>
    %dma_start3A_40 = arith.constant 0 : i32
    %dma_start3A_41 = arith.constant 0 : i32
    %dma_start3A_42 = tpu.memref_slice %arg2[%dma_start3A_40, %dma_start3A_41] : memref<10000x64xbf16, #tpu.memory_space<hbm>> -> memref<10000x64xbf16, #tpu.memory_space<hbm>>
    tpu.enqueue_indirect_dma source(%dma_start3A_42 : memref<10000x64xbf16, #tpu.memory_space<hbm>>) target(%arg14 : memref<125x64xbf16, #tpu.memory_space<vmem>>) offsets(%dma_start3A_39 : memref<125xi32, #tpu.memory_space<vmem>>) semaphore(%arg23 : memref<!tpu.dma_semaphore, #tpu.memory_space<semaphore_mem>>)
    %dma_start3A_43 = arith.constant 6 : i32
    %dma_start3A_44 = arith.constant 0 : i32
    %dma_start3A_45 = tpu.memref_slice %arg7[%dma_start3A_43, %dma_start3A_44] : memref<80x125xi32, #tpu.memory_space<vmem>> -> memref<1x125xi32, #tpu.memory_space<vmem>>
    %dma_start3A_46 = tpu.memref_squeeze %dma_start3A_45 : memref<1x125xi32, #tpu.memory_space<vmem>> -> memref<125xi32, #tpu.memory_space<vmem>>
    %dma_start3A_47 = arith.constant 0 : i32
    %dma_start3A_48 = arith.constant 0 : i32
    %dma_start3A_49 = tpu.memref_slice %arg2[%dma_start3A_47, %dma_start3A_48] : memref<10000x64xbf16, #tpu.memory_space<hbm>> -> memref<10000x64xbf16, #tpu.memory_space<hbm>>
    tpu.enqueue_indirect_dma source(%dma_start3A_49 : memref<10000x64xbf16, #tpu.memory_space<hbm>>) target(%arg15 : memref<125x64xbf16, #tpu.memory_space<vmem>>) offsets(%dma_start3A_46 : memref<125xi32, #tpu.memory_space<vmem>>) semaphore(%arg24 : memref<!tpu.dma_semaphore, #tpu.memory_space<semaphore_mem>>)
    %dma_start3A_50 = arith.constant 7 : i32
    %dma_start3A_51 = arith.constant 0 : i32
    %dma_start3A_52 = tpu.memref_slice %arg7[%dma_start3A_50, %dma_start3A_51] : memref<80x125xi32, #tpu.memory_space<vmem>> -> memref<1x125xi32, #tpu.memory_space<vmem>>
    %dma_start3A_53 = tpu.memref_squeeze %dma_start3A_52 : memref<1x125xi32, #tpu.memory_space<vmem>> -> memref<125xi32, #tpu.memory_space<vmem>>
    %dma_start3A_54 = arith.constant 0 : i32
    %dma_start3A_55 = arith.constant 0 : i32
    %dma_start3A_56 = tpu.memref_slice %arg2[%dma_start3A_54, %dma_start3A_55] : memref<10000x64xbf16, #tpu.memory_space<hbm>> -> memref<10000x64xbf16, #tpu.memory_space<hbm>>
    tpu.enqueue_indirect_dma source(%dma_start3A_56 : memref<10000x64xbf16, #tpu.memory_space<hbm>>) target(%arg16 : memref<125x64xbf16, #tpu.memory_space<vmem>>) offsets(%dma_start3A_53 : memref<125xi32, #tpu.memory_space<vmem>>) semaphore(%arg25 : memref<!tpu.dma_semaphore, #tpu.memory_space<semaphore_mem>>)
    %scan3A = arith.constant 0 : i32
    %scan3A_57 = arith.constant 0 : i32
    %scan3A_58 = arith.constant 10 : i32
    %scan3A_59 = arith.addi %scan3A_57, %scan3A_58 : i32
    %scan3A_60 = arith.constant 1 : i32
    scf.for %scan3A_63 = %scan3A_57 to %scan3A_59 step %scan3A_60  : i32 {
      %mul3A_64 = arith.constant 8 : i32
      %mul3A_65 = arith.muli %mul3A_64, %scan3A_63 : i32
      %add3A_66 = arith.constant 0 : i32
      %add3A_67 = arith.addi %mul3A_65, %add3A_66 : i32
      %dma_wait3A = arith.constant 0 : i32
      %dma_wait3A_68 = tpu.memref_slice %arg7[%add3A_67, %dma_wait3A] : memref<80x125xi32, #tpu.memory_space<vmem>> -> memref<1x125xi32, #tpu.memory_space<vmem>>
      %dma_wait3A_69 = tpu.memref_squeeze %dma_wait3A_68 : memref<1x125xi32, #tpu.memory_space<vmem>> -> memref<125xi32, #tpu.memory_space<vmem>>
      %dma_wait3A_70 = arith.constant 0 : i32
      %dma_wait3A_71 = arith.constant 0 : i32
      %dma_wait3A_72 = tpu.memref_slice %arg2[%dma_wait3A_70, %dma_wait3A_71] : memref<10000x64xbf16, #tpu.memory_space<hbm>> -> memref<10000x64xbf16, #tpu.memory_space<hbm>>
      tpu.wait_indirect_dma semaphore(%arg18 : memref<!tpu.dma_semaphore, #tpu.memory_space<semaphore_mem>>) src(%dma_wait3A_72 : memref<10000x64xbf16, #tpu.memory_space<hbm>>) dst(%arg9 : memref<125x64xbf16, #tpu.memory_space<vmem>>)
      "tpu.region"() ({
        %run_scoped3A = tpu.sem_alloc : memref<!tpu.dma_semaphore, #tpu.memory_space<semaphore_mem>>
        %dma_start3A_196 = arith.constant 0 : i32
        %dma_start3A_197 = tpu.memref_slice %arg8[%add3A_67, %dma_start3A_196] : memref<80x125xi32, #tpu.memory_space<vmem>> -> memref<1x125xi32, #tpu.memory_space<vmem>>
        %dma_start3A_198 = tpu.memref_squeeze %dma_start3A_197 : memref<1x125xi32, #tpu.memory_space<vmem>> -> memref<125xi32, #tpu.memory_space<vmem>>
        %dma_start3A_199 = arith.constant 0 : i32
        %dma_start3A_200 = arith.constant 0 : i32
        %dma_start3A_201 = tpu.memref_slice %arg17[%dma_start3A_199, %dma_start3A_200] : memref<10112x64xbf16, #tpu.memory_space<vmem_shared>> -> memref<10112x64xbf16, #tpu.memory_space<vmem_shared>>
        tpu.enqueue_indirect_dma source(%arg9 : memref<125x64xbf16, #tpu.memory_space<vmem>>) target(%dma_start3A_201 : memref<10112x64xbf16, #tpu.memory_space<vmem_shared>>) offsets(%dma_start3A_198 : memref<125xi32, #tpu.memory_space<vmem>>) semaphore(%run_scoped3A : memref<!tpu.dma_semaphore, #tpu.memory_space<semaphore_mem>>) {add = true}
        %dma_wait3A_202 = arith.constant 0 : i32
        %dma_wait3A_203 = tpu.memref_slice %arg8[%add3A_67, %dma_wait3A_202] : memref<80x125xi32, #tpu.memory_space<vmem>> -> memref<1x125xi32, #tpu.memory_space<vmem>>
        %dma_wait3A_204 = tpu.memref_squeeze %dma_wait3A_203 : memref<1x125xi32, #tpu.memory_space<vmem>> -> memref<125xi32, #tpu.memory_space<vmem>>
        %dma_wait3A_205 = arith.constant 0 : i32
        %dma_wait3A_206 = arith.constant 0 : i32
        %dma_wait3A_207 = tpu.memref_slice %arg17[%dma_wait3A_205, %dma_wait3A_206] : memref<10112x64xbf16, #tpu.memory_space<vmem_shared>> -> memref<10112x64xbf16, #tpu.memory_space<vmem_shared>>
        tpu.wait_indirect_dma semaphore(%run_scoped3A : memref<!tpu.dma_semaphore, #tpu.memory_space<semaphore_mem>>) src(%arg9 : memref<125x64xbf16, #tpu.memory_space<vmem>>) dst(%dma_wait3A_207 : memref<10112x64xbf16, #tpu.memory_space<vmem_shared>>)
        tpu.yield
      }) : () -> ()
      %add3A_73 = arith.constant 8 : i32
      %add3A_74 = arith.addi %add3A_67, %add3A_73 : i32
      %lt3A = arith.constant 80 : i32
      %lt3A_75 = arith.cmpi slt, %add3A_74, %lt3A : i32
      %convert_element_type3A = arith.extui %lt3A_75 : i1 to i32
      %cond3A = arith.constant 0 : i32
      %cond3A_76 = arith.cmpi ne, %convert_element_type3A, %cond3A : i32
      scf.if %cond3A_76 {
        %add3A_196 = arith.constant 8 : i32
        %add3A_197 = arith.addi %add3A_67, %add3A_196 : i32
        %dma_start3A_198 = arith.constant 0 : i32
        %dma_start3A_199 = tpu.memref_slice %arg7[%add3A_197, %dma_start3A_198] : memref<80x125xi32, #tpu.memory_space<vmem>> -> memref<1x125xi32, #tpu.memory_space<vmem>>
        %dma_start3A_200 = tpu.memref_squeeze %dma_start3A_199 : memref<1x125xi32, #tpu.memory_space<vmem>> -> memref<125xi32, #tpu.memory_space<vmem>>
        %dma_start3A_201 = arith.constant 0 : i32
        %dma_start3A_202 = arith.constant 0 : i32
        %dma_start3A_203 = tpu.memref_slice %arg2[%dma_start3A_201, %dma_start3A_202] : memref<10000x64xbf16, #tpu.memory_space<hbm>> -> memref<10000x64xbf16, #tpu.memory_space<hbm>>
        tpu.enqueue_indirect_dma source(%dma_start3A_203 : memref<10000x64xbf16, #tpu.memory_space<hbm>>) target(%arg9 : memref<125x64xbf16, #tpu.memory_space<vmem>>) offsets(%dma_start3A_200 : memref<125xi32, #tpu.memory_space<vmem>>) semaphore(%arg18 : memref<!tpu.dma_semaphore, #tpu.memory_space<semaphore_mem>>)
      } else {
      }
      %mul3A_77 = arith.constant 8 : i32
      %mul3A_78 = arith.muli %mul3A_77, %scan3A_63 : i32
      %add3A_79 = arith.constant 1 : i32
      %add3A_80 = arith.addi %mul3A_78, %add3A_79 : i32
      %dma_wait3A_81 = arith.constant 0 : i32
      %dma_wait3A_82 = tpu.memref_slice %arg7[%add3A_80, %dma_wait3A_81] : memref<80x125xi32, #tpu.memory_space<vmem>> -> memref<1x125xi32, #tpu.memory_space<vmem>>
      %dma_wait3A_83 = tpu.memref_squeeze %dma_wait3A_82 : memref<1x125xi32, #tpu.memory_space<vmem>> -> memref<125xi32, #tpu.memory_space<vmem>>
      %dma_wait3A_84 = arith.constant 0 : i32
      %dma_wait3A_85 = arith.constant 0 : i32
      %dma_wait3A_86 = tpu.memref_slice %arg2[%dma_wait3A_84, %dma_wait3A_85] : memref<10000x64xbf16, #tpu.memory_space<hbm>> -> memref<10000x64xbf16, #tpu.memory_space<hbm>>
      tpu.wait_indirect_dma semaphore(%arg19 : memref<!tpu.dma_semaphore, #tpu.memory_space<semaphore_mem>>) src(%dma_wait3A_86 : memref<10000x64xbf16, #tpu.memory_space<hbm>>) dst(%arg10 : memref<125x64xbf16, #tpu.memory_space<vmem>>)
      "tpu.region"() ({
        %run_scoped3A = tpu.sem_alloc : memref<!tpu.dma_semaphore, #tpu.memory_space<semaphore_mem>>
        %dma_start3A_196 = arith.constant 0 : i32
        %dma_start3A_197 = tpu.memref_slice %arg8[%add3A_80, %dma_start3A_196] : memref<80x125xi32, #tpu.memory_space<vmem>> -> memref<1x125xi32, #tpu.memory_space<vmem>>
        %dma_start3A_198 = tpu.memref_squeeze %dma_start3A_197 : memref<1x125xi32, #tpu.memory_space<vmem>> -> memref<125xi32, #tpu.memory_space<vmem>>
        %dma_start3A_199 = arith.constant 0 : i32
        %dma_start3A_200 = arith.constant 0 : i32
        %dma_start3A_201 = tpu.memref_slice %arg17[%dma_start3A_199, %dma_start3A_200] : memref<10112x64xbf16, #tpu.memory_space<vmem_shared>> -> memref<10112x64xbf16, #tpu.memory_space<vmem_shared>>
        tpu.enqueue_indirect_dma source(%arg10 : memref<125x64xbf16, #tpu.memory_space<vmem>>) target(%dma_start3A_201 : memref<10112x64xbf16, #tpu.memory_space<vmem_shared>>) offsets(%dma_start3A_198 : memref<125xi32, #tpu.memory_space<vmem>>) semaphore(%run_scoped3A : memref<!tpu.dma_semaphore, #tpu.memory_space<semaphore_mem>>) {add = true}
        %dma_wait3A_202 = arith.constant 0 : i32
        %dma_wait3A_203 = tpu.memref_slice %arg8[%add3A_80, %dma_wait3A_202] : memref<80x125xi32, #tpu.memory_space<vmem>> -> memref<1x125xi32, #tpu.memory_space<vmem>>
        %dma_wait3A_204 = tpu.memref_squeeze %dma_wait3A_203 : memref<1x125xi32, #tpu.memory_space<vmem>> -> memref<125xi32, #tpu.memory_space<vmem>>
        %dma_wait3A_205 = arith.constant 0 : i32
        %dma_wait3A_206 = arith.constant 0 : i32
        %dma_wait3A_207 = tpu.memref_slice %arg17[%dma_wait3A_205, %dma_wait3A_206] : memref<10112x64xbf16, #tpu.memory_space<vmem_shared>> -> memref<10112x64xbf16, #tpu.memory_space<vmem_shared>>
        tpu.wait_indirect_dma semaphore(%run_scoped3A : memref<!tpu.dma_semaphore, #tpu.memory_space<semaphore_mem>>) src(%arg10 : memref<125x64xbf16, #tpu.memory_space<vmem>>) dst(%dma_wait3A_207 : memref<10112x64xbf16, #tpu.memory_space<vmem_shared>>)
        tpu.yield
      }) : () -> ()
      %add3A_87 = arith.constant 8 : i32
      %add3A_88 = arith.addi %add3A_80, %add3A_87 : i32
      %lt3A_89 = arith.constant 80 : i32
      %lt3A_90 = arith.cmpi slt, %add3A_88, %lt3A_89 : i32
      %convert_element_type3A_91 = arith.extui %lt3A_90 : i1 to i32
      %cond3A_92 = arith.constant 0 : i32
      %cond3A_93 = arith.cmpi ne, %convert_element_type3A_91, %cond3A_92 : i32
      scf.if %cond3A_93 {
        %add3A_196 = arith.constant 8 : i32
        %add3A_197 = arith.addi %add3A_80, %add3A_196 : i32
        %dma_start3A_198 = arith.constant 0 : i32
        %dma_start3A_199 = tpu.memref_slice %arg7[%add3A_197, %dma_start3A_198] : memref<80x125xi32, #tpu.memory_space<vmem>> -> memref<1x125xi32, #tpu.memory_space<vmem>>
        %dma_start3A_200 = tpu.memref_squeeze %dma_start3A_199 : memref<1x125xi32, #tpu.memory_space<vmem>> -> memref<125xi32, #tpu.memory_space<vmem>>
        %dma_start3A_201 = arith.constant 0 : i32
        %dma_start3A_202 = arith.constant 0 : i32
        %dma_start3A_203 = tpu.memref_slice %arg2[%dma_start3A_201, %dma_start3A_202] : memref<10000x64xbf16, #tpu.memory_space<hbm>> -> memref<10000x64xbf16, #tpu.memory_space<hbm>>
        tpu.enqueue_indirect_dma source(%dma_start3A_203 : memref<10000x64xbf16, #tpu.memory_space<hbm>>) target(%arg10 : memref<125x64xbf16, #tpu.memory_space<vmem>>) offsets(%dma_start3A_200 : memref<125xi32, #tpu.memory_space<vmem>>) semaphore(%arg19 : memref<!tpu.dma_semaphore, #tpu.memory_space<semaphore_mem>>)
      } else {
      }
      %mul3A_94 = arith.constant 8 : i32
      %mul3A_95 = arith.muli %mul3A_94, %scan3A_63 : i32
      %add3A_96 = arith.constant 2 : i32
      %add3A_97 = arith.addi %mul3A_95, %add3A_96 : i32
      %dma_wait3A_98 = arith.constant 0 : i32
      %dma_wait3A_99 = tpu.memref_slice %arg7[%add3A_97, %dma_wait3A_98] : memref<80x125xi32, #tpu.memory_space<vmem>> -> memref<1x125xi32, #tpu.memory_space<vmem>>
      %dma_wait3A_100 = tpu.memref_squeeze %dma_wait3A_99 : memref<1x125xi32, #tpu.memory_space<vmem>> -> memref<125xi32, #tpu.memory_space<vmem>>
      %dma_wait3A_101 = arith.constant 0 : i32
      %dma_wait3A_102 = arith.constant 0 : i32
      %dma_wait3A_103 = tpu.memref_slice %arg2[%dma_wait3A_101, %dma_wait3A_102] : memref<10000x64xbf16, #tpu.memory_space<hbm>> -> memref<10000x64xbf16, #tpu.memory_space<hbm>>
      tpu.wait_indirect_dma semaphore(%arg20 : memref<!tpu.dma_semaphore, #tpu.memory_space<semaphore_mem>>) src(%dma_wait3A_103 : memref<10000x64xbf16, #tpu.memory_space<hbm>>) dst(%arg11 : memref<125x64xbf16, #tpu.memory_space<vmem>>)
      "tpu.region"() ({
        %run_scoped3A = tpu.sem_alloc : memref<!tpu.dma_semaphore, #tpu.memory_space<semaphore_mem>>
        %dma_start3A_196 = arith.constant 0 : i32
        %dma_start3A_197 = tpu.memref_slice %arg8[%add3A_97, %dma_start3A_196] : memref<80x125xi32, #tpu.memory_space<vmem>> -> memref<1x125xi32, #tpu.memory_space<vmem>>
        %dma_start3A_198 = tpu.memref_squeeze %dma_start3A_197 : memref<1x125xi32, #tpu.memory_space<vmem>> -> memref<125xi32, #tpu.memory_space<vmem>>
        %dma_start3A_199 = arith.constant 0 : i32
        %dma_start3A_200 = arith.constant 0 : i32
        %dma_start3A_201 = tpu.memref_slice %arg17[%dma_start3A_199, %dma_start3A_200] : memref<10112x64xbf16, #tpu.memory_space<vmem_shared>> -> memref<10112x64xbf16, #tpu.memory_space<vmem_shared>>
        tpu.enqueue_indirect_dma source(%arg11 : memref<125x64xbf16, #tpu.memory_space<vmem>>) target(%dma_start3A_201 : memref<10112x64xbf16, #tpu.memory_space<vmem_shared>>) offsets(%dma_start3A_198 : memref<125xi32, #tpu.memory_space<vmem>>) semaphore(%run_scoped3A : memref<!tpu.dma_semaphore, #tpu.memory_space<semaphore_mem>>) {add = true}
        %dma_wait3A_202 = arith.constant 0 : i32
        %dma_wait3A_203 = tpu.memref_slice %arg8[%add3A_97, %dma_wait3A_202] : memref<80x125xi32, #tpu.memory_space<vmem>> -> memref<1x125xi32, #tpu.memory_space<vmem>>
        %dma_wait3A_204 = tpu.memref_squeeze %dma_wait3A_203 : memref<1x125xi32, #tpu.memory_space<vmem>> -> memref<125xi32, #tpu.memory_space<vmem>>
        %dma_wait3A_205 = arith.constant 0 : i32
        %dma_wait3A_206 = arith.constant 0 : i32
        %dma_wait3A_207 = tpu.memref_slice %arg17[%dma_wait3A_205, %dma_wait3A_206] : memref<10112x64xbf16, #tpu.memory_space<vmem_shared>> -> memref<10112x64xbf16, #tpu.memory_space<vmem_shared>>
        tpu.wait_indirect_dma semaphore(%run_scoped3A : memref<!tpu.dma_semaphore, #tpu.memory_space<semaphore_mem>>) src(%arg11 : memref<125x64xbf16, #tpu.memory_space<vmem>>) dst(%dma_wait3A_207 : memref<10112x64xbf16, #tpu.memory_space<vmem_shared>>)
        tpu.yield
      }) : () -> ()
      %add3A_104 = arith.constant 8 : i32
      %add3A_105 = arith.addi %add3A_97, %add3A_104 : i32
      %lt3A_106 = arith.constant 80 : i32
      %lt3A_107 = arith.cmpi slt, %add3A_105, %lt3A_106 : i32
      %convert_element_type3A_108 = arith.extui %lt3A_107 : i1 to i32
      %cond3A_109 = arith.constant 0 : i32
      %cond3A_110 = arith.cmpi ne, %convert_element_type3A_108, %cond3A_109 : i32
      scf.if %cond3A_110 {
        %add3A_196 = arith.constant 8 : i32
        %add3A_197 = arith.addi %add3A_97, %add3A_196 : i32
        %dma_start3A_198 = arith.constant 0 : i32
        %dma_start3A_199 = tpu.memref_slice %arg7[%add3A_197, %dma_start3A_198] : memref<80x125xi32, #tpu.memory_space<vmem>> -> memref<1x125xi32, #tpu.memory_space<vmem>>
        %dma_start3A_200 = tpu.memref_squeeze %dma_start3A_199 : memref<1x125xi32, #tpu.memory_space<vmem>> -> memref<125xi32, #tpu.memory_space<vmem>>
        %dma_start3A_201 = arith.constant 0 : i32
        %dma_start3A_202 = arith.constant 0 : i32
        %dma_start3A_203 = tpu.memref_slice %arg2[%dma_start3A_201, %dma_start3A_202] : memref<10000x64xbf16, #tpu.memory_space<hbm>> -> memref<10000x64xbf16, #tpu.memory_space<hbm>>
        tpu.enqueue_indirect_dma source(%dma_start3A_203 : memref<10000x64xbf16, #tpu.memory_space<hbm>>) target(%arg11 : memref<125x64xbf16, #tpu.memory_space<vmem>>) offsets(%dma_start3A_200 : memref<125xi32, #tpu.memory_space<vmem>>) semaphore(%arg20 : memref<!tpu.dma_semaphore, #tpu.memory_space<semaphore_mem>>)
      } else {
      }
      %mul3A_111 = arith.constant 8 : i32
      %mul3A_112 = arith.muli %mul3A_111, %scan3A_63 : i32
      %add3A_113 = arith.constant 3 : i32
      %add3A_114 = arith.addi %mul3A_112, %add3A_113 : i32
      %dma_wait3A_115 = arith.constant 0 : i32
      %dma_wait3A_116 = tpu.memref_slice %arg7[%add3A_114, %dma_wait3A_115] : memref<80x125xi32, #tpu.memory_space<vmem>> -> memref<1x125xi32, #tpu.memory_space<vmem>>
      %dma_wait3A_117 = tpu.memref_squeeze %dma_wait3A_116 : memref<1x125xi32, #tpu.memory_space<vmem>> -> memref<125xi32, #tpu.memory_space<vmem>>
      %dma_wait3A_118 = arith.constant 0 : i32
      %dma_wait3A_119 = arith.constant 0 : i32
      %dma_wait3A_120 = tpu.memref_slice %arg2[%dma_wait3A_118, %dma_wait3A_119] : memref<10000x64xbf16, #tpu.memory_space<hbm>> -> memref<10000x64xbf16, #tpu.memory_space<hbm>>
      tpu.wait_indirect_dma semaphore(%arg21 : memref<!tpu.dma_semaphore, #tpu.memory_space<semaphore_mem>>) src(%dma_wait3A_120 : memref<10000x64xbf16, #tpu.memory_space<hbm>>) dst(%arg12 : memref<125x64xbf16, #tpu.memory_space<vmem>>)
      "tpu.region"() ({
        %run_scoped3A = tpu.sem_alloc : memref<!tpu.dma_semaphore, #tpu.memory_space<semaphore_mem>>
        %dma_start3A_196 = arith.constant 0 : i32
        %dma_start3A_197 = tpu.memref_slice %arg8[%add3A_114, %dma_start3A_196] : memref<80x125xi32, #tpu.memory_space<vmem>> -> memref<1x125xi32, #tpu.memory_space<vmem>>
        %dma_start3A_198 = tpu.memref_squeeze %dma_start3A_197 : memref<1x125xi32, #tpu.memory_space<vmem>> -> memref<125xi32, #tpu.memory_space<vmem>>
        %dma_start3A_199 = arith.constant 0 : i32
        %dma_start3A_200 = arith.constant 0 : i32
        %dma_start3A_201 = tpu.memref_slice %arg17[%dma_start3A_199, %dma_start3A_200] : memref<10112x64xbf16, #tpu.memory_space<vmem_shared>> -> memref<10112x64xbf16, #tpu.memory_space<vmem_shared>>
        tpu.enqueue_indirect_dma source(%arg12 : memref<125x64xbf16, #tpu.memory_space<vmem>>) target(%dma_start3A_201 : memref<10112x64xbf16, #tpu.memory_space<vmem_shared>>) offsets(%dma_start3A_198 : memref<125xi32, #tpu.memory_space<vmem>>) semaphore(%run_scoped3A : memref<!tpu.dma_semaphore, #tpu.memory_space<semaphore_mem>>) {add = true}
        %dma_wait3A_202 = arith.constant 0 : i32
        %dma_wait3A_203 = tpu.memref_slice %arg8[%add3A_114, %dma_wait3A_202] : memref<80x125xi32, #tpu.memory_space<vmem>> -> memref<1x125xi32, #tpu.memory_space<vmem>>
        %dma_wait3A_204 = tpu.memref_squeeze %dma_wait3A_203 : memref<1x125xi32, #tpu.memory_space<vmem>> -> memref<125xi32, #tpu.memory_space<vmem>>
        %dma_wait3A_205 = arith.constant 0 : i32
        %dma_wait3A_206 = arith.constant 0 : i32
        %dma_wait3A_207 = tpu.memref_slice %arg17[%dma_wait3A_205, %dma_wait3A_206] : memref<10112x64xbf16, #tpu.memory_space<vmem_shared>> -> memref<10112x64xbf16, #tpu.memory_space<vmem_shared>>
        tpu.wait_indirect_dma semaphore(%run_scoped3A : memref<!tpu.dma_semaphore, #tpu.memory_space<semaphore_mem>>) src(%arg12 : memref<125x64xbf16, #tpu.memory_space<vmem>>) dst(%dma_wait3A_207 : memref<10112x64xbf16, #tpu.memory_space<vmem_shared>>)
        tpu.yield
      }) : () -> ()
      %add3A_121 = arith.constant 8 : i32
      %add3A_122 = arith.addi %add3A_114, %add3A_121 : i32
      %lt3A_123 = arith.constant 80 : i32
      %lt3A_124 = arith.cmpi slt, %add3A_122, %lt3A_123 : i32
      %convert_element_type3A_125 = arith.extui %lt3A_124 : i1 to i32
      %cond3A_126 = arith.constant 0 : i32
      %cond3A_127 = arith.cmpi ne, %convert_element_type3A_125, %cond3A_126 : i32
      scf.if %cond3A_127 {
        %add3A_196 = arith.constant 8 : i32
        %add3A_197 = arith.addi %add3A_114, %add3A_196 : i32
        %dma_start3A_198 = arith.constant 0 : i32
        %dma_start3A_199 = tpu.memref_slice %arg7[%add3A_197, %dma_start3A_198] : memref<80x125xi32, #tpu.memory_space<vmem>> -> memref<1x125xi32, #tpu.memory_space<vmem>>
        %dma_start3A_200 = tpu.memref_squeeze %dma_start3A_199 : memref<1x125xi32, #tpu.memory_space<vmem>> -> memref<125xi32, #tpu.memory_space<vmem>>
        %dma_start3A_201 = arith.constant 0 : i32
        %dma_start3A_202 = arith.constant 0 : i32
        %dma_start3A_203 = tpu.memref_slice %arg2[%dma_start3A_201, %dma_start3A_202] : memref<10000x64xbf16, #tpu.memory_space<hbm>> -> memref<10000x64xbf16, #tpu.memory_space<hbm>>
        tpu.enqueue_indirect_dma source(%dma_start3A_203 : memref<10000x64xbf16, #tpu.memory_space<hbm>>) target(%arg12 : memref<125x64xbf16, #tpu.memory_space<vmem>>) offsets(%dma_start3A_200 : memref<125xi32, #tpu.memory_space<vmem>>) semaphore(%arg21 : memref<!tpu.dma_semaphore, #tpu.memory_space<semaphore_mem>>)
      } else {
      }
      %mul3A_128 = arith.constant 8 : i32
      %mul3A_129 = arith.muli %mul3A_128, %scan3A_63 : i32
      %add3A_130 = arith.constant 4 : i32
      %add3A_131 = arith.addi %mul3A_129, %add3A_130 : i32
      %dma_wait3A_132 = arith.constant 0 : i32
      %dma_wait3A_133 = tpu.memref_slice %arg7[%add3A_131, %dma_wait3A_132] : memref<80x125xi32, #tpu.memory_space<vmem>> -> memref<1x125xi32, #tpu.memory_space<vmem>>
      %dma_wait3A_134 = tpu.memref_squeeze %dma_wait3A_133 : memref<1x125xi32, #tpu.memory_space<vmem>> -> memref<125xi32, #tpu.memory_space<vmem>>
      %dma_wait3A_135 = arith.constant 0 : i32
      %dma_wait3A_136 = arith.constant 0 : i32
      %dma_wait3A_137 = tpu.memref_slice %arg2[%dma_wait3A_135, %dma_wait3A_136] : memref<10000x64xbf16, #tpu.memory_space<hbm>> -> memref<10000x64xbf16, #tpu.memory_space<hbm>>
      tpu.wait_indirect_dma semaphore(%arg22 : memref<!tpu.dma_semaphore, #tpu.memory_space<semaphore_mem>>) src(%dma_wait3A_137 : memref<10000x64xbf16, #tpu.memory_space<hbm>>) dst(%arg13 : memref<125x64xbf16, #tpu.memory_space<vmem>>)
      "tpu.region"() ({
        %run_scoped3A = tpu.sem_alloc : memref<!tpu.dma_semaphore, #tpu.memory_space<semaphore_mem>>
        %dma_start3A_196 = arith.constant 0 : i32
        %dma_start3A_197 = tpu.memref_slice %arg8[%add3A_131, %dma_start3A_196] : memref<80x125xi32, #tpu.memory_space<vmem>> -> memref<1x125xi32, #tpu.memory_space<vmem>>
        %dma_start3A_198 = tpu.memref_squeeze %dma_start3A_197 : memref<1x125xi32, #tpu.memory_space<vmem>> -> memref<125xi32, #tpu.memory_space<vmem>>
        %dma_start3A_199 = arith.constant 0 : i32
        %dma_start3A_200 = arith.constant 0 : i32
        %dma_start3A_201 = tpu.memref_slice %arg17[%dma_start3A_199, %dma_start3A_200] : memref<10112x64xbf16, #tpu.memory_space<vmem_shared>> -> memref<10112x64xbf16, #tpu.memory_space<vmem_shared>>
        tpu.enqueue_indirect_dma source(%arg13 : memref<125x64xbf16, #tpu.memory_space<vmem>>) target(%dma_start3A_201 : memref<10112x64xbf16, #tpu.memory_space<vmem_shared>>) offsets(%dma_start3A_198 : memref<125xi32, #tpu.memory_space<vmem>>) semaphore(%run_scoped3A : memref<!tpu.dma_semaphore, #tpu.memory_space<semaphore_mem>>) {add = true}
        %dma_wait3A_202 = arith.constant 0 : i32
        %dma_wait3A_203 = tpu.memref_slice %arg8[%add3A_131, %dma_wait3A_202] : memref<80x125xi32, #tpu.memory_space<vmem>> -> memref<1x125xi32, #tpu.memory_space<vmem>>
        %dma_wait3A_204 = tpu.memref_squeeze %dma_wait3A_203 : memref<1x125xi32, #tpu.memory_space<vmem>> -> memref<125xi32, #tpu.memory_space<vmem>>
        %dma_wait3A_205 = arith.constant 0 : i32
        %dma_wait3A_206 = arith.constant 0 : i32
        %dma_wait3A_207 = tpu.memref_slice %arg17[%dma_wait3A_205, %dma_wait3A_206] : memref<10112x64xbf16, #tpu.memory_space<vmem_shared>> -> memref<10112x64xbf16, #tpu.memory_space<vmem_shared>>
        tpu.wait_indirect_dma semaphore(%run_scoped3A : memref<!tpu.dma_semaphore, #tpu.memory_space<semaphore_mem>>) src(%arg13 : memref<125x64xbf16, #tpu.memory_space<vmem>>) dst(%dma_wait3A_207 : memref<10112x64xbf16, #tpu.memory_space<vmem_shared>>)
        tpu.yield
      }) : () -> ()
      %add3A_138 = arith.constant 8 : i32
      %add3A_139 = arith.addi %add3A_131, %add3A_138 : i32
      %lt3A_140 = arith.constant 80 : i32
      %lt3A_141 = arith.cmpi slt, %add3A_139, %lt3A_140 : i32
      %convert_element_type3A_142 = arith.extui %lt3A_141 : i1 to i32
      %cond3A_143 = arith.constant 0 : i32
      %cond3A_144 = arith.cmpi ne, %convert_element_type3A_142, %cond3A_143 : i32
      scf.if %cond3A_144 {
        %add3A_196 = arith.constant 8 : i32
        %add3A_197 = arith.addi %add3A_131, %add3A_196 : i32
        %dma_start3A_198 = arith.constant 0 : i32
        %dma_start3A_199 = tpu.memref_slice %arg7[%add3A_197, %dma_start3A_198] : memref<80x125xi32, #tpu.memory_space<vmem>> -> memref<1x125xi32, #tpu.memory_space<vmem>>
        %dma_start3A_200 = tpu.memref_squeeze %dma_start3A_199 : memref<1x125xi32, #tpu.memory_space<vmem>> -> memref<125xi32, #tpu.memory_space<vmem>>
        %dma_start3A_201 = arith.constant 0 : i32
        %dma_start3A_202 = arith.constant 0 : i32
        %dma_start3A_203 = tpu.memref_slice %arg2[%dma_start3A_201, %dma_start3A_202] : memref<10000x64xbf16, #tpu.memory_space<hbm>> -> memref<10000x64xbf16, #tpu.memory_space<hbm>>
        tpu.enqueue_indirect_dma source(%dma_start3A_203 : memref<10000x64xbf16, #tpu.memory_space<hbm>>) target(%arg13 : memref<125x64xbf16, #tpu.memory_space<vmem>>) offsets(%dma_start3A_200 : memref<125xi32, #tpu.memory_space<vmem>>) semaphore(%arg22 : memref<!tpu.dma_semaphore, #tpu.memory_space<semaphore_mem>>)
      } else {
      }
      %mul3A_145 = arith.constant 8 : i32
      %mul3A_146 = arith.muli %mul3A_145, %scan3A_63 : i32
      %add3A_147 = arith.constant 5 : i32
      %add3A_148 = arith.addi %mul3A_146, %add3A_147 : i32
      %dma_wait3A_149 = arith.constant 0 : i32
      %dma_wait3A_150 = tpu.memref_slice %arg7[%add3A_148, %dma_wait3A_149] : memref<80x125xi32, #tpu.memory_space<vmem>> -> memref<1x125xi32, #tpu.memory_space<vmem>>
      %dma_wait3A_151 = tpu.memref_squeeze %dma_wait3A_150 : memref<1x125xi32, #tpu.memory_space<vmem>> -> memref<125xi32, #tpu.memory_space<vmem>>
      %dma_wait3A_152 = arith.constant 0 : i32
      %dma_wait3A_153 = arith.constant 0 : i32
      %dma_wait3A_154 = tpu.memref_slice %arg2[%dma_wait3A_152, %dma_wait3A_153] : memref<10000x64xbf16, #tpu.memory_space<hbm>> -> memref<10000x64xbf16, #tpu.memory_space<hbm>>
      tpu.wait_indirect_dma semaphore(%arg23 : memref<!tpu.dma_semaphore, #tpu.memory_space<semaphore_mem>>) src(%dma_wait3A_154 : memref<10000x64xbf16, #tpu.memory_space<hbm>>) dst(%arg14 : memref<125x64xbf16, #tpu.memory_space<vmem>>)
      "tpu.region"() ({
        %run_scoped3A = tpu.sem_alloc : memref<!tpu.dma_semaphore, #tpu.memory_space<semaphore_mem>>
        %dma_start3A_196 = arith.constant 0 : i32
        %dma_start3A_197 = tpu.memref_slice %arg8[%add3A_148, %dma_start3A_196] : memref<80x125xi32, #tpu.memory_space<vmem>> -> memref<1x125xi32, #tpu.memory_space<vmem>>
        %dma_start3A_198 = tpu.memref_squeeze %dma_start3A_197 : memref<1x125xi32, #tpu.memory_space<vmem>> -> memref<125xi32, #tpu.memory_space<vmem>>
        %dma_start3A_199 = arith.constant 0 : i32
        %dma_start3A_200 = arith.constant 0 : i32
        %dma_start3A_201 = tpu.memref_slice %arg17[%dma_start3A_199, %dma_start3A_200] : memref<10112x64xbf16, #tpu.memory_space<vmem_shared>> -> memref<10112x64xbf16, #tpu.memory_space<vmem_shared>>
        tpu.enqueue_indirect_dma source(%arg14 : memref<125x64xbf16, #tpu.memory_space<vmem>>) target(%dma_start3A_201 : memref<10112x64xbf16, #tpu.memory_space<vmem_shared>>) offsets(%dma_start3A_198 : memref<125xi32, #tpu.memory_space<vmem>>) semaphore(%run_scoped3A : memref<!tpu.dma_semaphore, #tpu.memory_space<semaphore_mem>>) {add = true}
        %dma_wait3A_202 = arith.constant 0 : i32
        %dma_wait3A_203 = tpu.memref_slice %arg8[%add3A_148, %dma_wait3A_202] : memref<80x125xi32, #tpu.memory_space<vmem>> -> memref<1x125xi32, #tpu.memory_space<vmem>>
        %dma_wait3A_204 = tpu.memref_squeeze %dma_wait3A_203 : memref<1x125xi32, #tpu.memory_space<vmem>> -> memref<125xi32, #tpu.memory_space<vmem>>
        %dma_wait3A_205 = arith.constant 0 : i32
        %dma_wait3A_206 = arith.constant 0 : i32
        %dma_wait3A_207 = tpu.memref_slice %arg17[%dma_wait3A_205, %dma_wait3A_206] : memref<10112x64xbf16, #tpu.memory_space<vmem_shared>> -> memref<10112x64xbf16, #tpu.memory_space<vmem_shared>>
        tpu.wait_indirect_dma semaphore(%run_scoped3A : memref<!tpu.dma_semaphore, #tpu.memory_space<semaphore_mem>>) src(%arg14 : memref<125x64xbf16, #tpu.memory_space<vmem>>) dst(%dma_wait3A_207 : memref<10112x64xbf16, #tpu.memory_space<vmem_shared>>)
        tpu.yield
      }) : () -> ()
      %add3A_155 = arith.constant 8 : i32
      %add3A_156 = arith.addi %add3A_148, %add3A_155 : i32
      %lt3A_157 = arith.constant 80 : i32
      %lt3A_158 = arith.cmpi slt, %add3A_156, %lt3A_157 : i32
      %convert_element_type3A_159 = arith.extui %lt3A_158 : i1 to i32
      %cond3A_160 = arith.constant 0 : i32
      %cond3A_161 = arith.cmpi ne, %convert_element_type3A_159, %cond3A_160 : i32
      scf.if %cond3A_161 {
        %add3A_196 = arith.constant 8 : i32
        %add3A_197 = arith.addi %add3A_148, %add3A_196 : i32
        %dma_start3A_198 = arith.constant 0 : i32
        %dma_start3A_199 = tpu.memref_slice %arg7[%add3A_197, %dma_start3A_198] : memref<80x125xi32, #tpu.memory_space<vmem>> -> memref<1x125xi32, #tpu.memory_space<vmem>>
        %dma_start3A_200 = tpu.memref_squeeze %dma_start3A_199 : memref<1x125xi32, #tpu.memory_space<vmem>> -> memref<125xi32, #tpu.memory_space<vmem>>
        %dma_start3A_201 = arith.constant 0 : i32
        %dma_start3A_202 = arith.constant 0 : i32
        %dma_start3A_203 = tpu.memref_slice %arg2[%dma_start3A_201, %dma_start3A_202] : memref<10000x64xbf16, #tpu.memory_space<hbm>> -> memref<10000x64xbf16, #tpu.memory_space<hbm>>
        tpu.enqueue_indirect_dma source(%dma_start3A_203 : memref<10000x64xbf16, #tpu.memory_space<hbm>>) target(%arg14 : memref<125x64xbf16, #tpu.memory_space<vmem>>) offsets(%dma_start3A_200 : memref<125xi32, #tpu.memory_space<vmem>>) semaphore(%arg23 : memref<!tpu.dma_semaphore, #tpu.memory_space<semaphore_mem>>)
      } else {
      }
      %mul3A_162 = arith.constant 8 : i32
      %mul3A_163 = arith.muli %mul3A_162, %scan3A_63 : i32
      %add3A_164 = arith.constant 6 : i32
      %add3A_165 = arith.addi %mul3A_163, %add3A_164 : i32
      %dma_wait3A_166 = arith.constant 0 : i32
      %dma_wait3A_167 = tpu.memref_slice %arg7[%add3A_165, %dma_wait3A_166] : memref<80x125xi32, #tpu.memory_space<vmem>> -> memref<1x125xi32, #tpu.memory_space<vmem>>
      %dma_wait3A_168 = tpu.memref_squeeze %dma_wait3A_167 : memref<1x125xi32, #tpu.memory_space<vmem>> -> memref<125xi32, #tpu.memory_space<vmem>>
      %dma_wait3A_169 = arith.constant 0 : i32
      %dma_wait3A_170 = arith.constant 0 : i32
      %dma_wait3A_171 = tpu.memref_slice %arg2[%dma_wait3A_169, %dma_wait3A_170] : memref<10000x64xbf16, #tpu.memory_space<hbm>> -> memref<10000x64xbf16, #tpu.memory_space<hbm>>
      tpu.wait_indirect_dma semaphore(%arg24 : memref<!tpu.dma_semaphore, #tpu.memory_space<semaphore_mem>>) src(%dma_wait3A_171 : memref<10000x64xbf16, #tpu.memory_space<hbm>>) dst(%arg15 : memref<125x64xbf16, #tpu.memory_space<vmem>>)
      "tpu.region"() ({
        %run_scoped3A = tpu.sem_alloc : memref<!tpu.dma_semaphore, #tpu.memory_space<semaphore_mem>>
        %dma_start3A_196 = arith.constant 0 : i32
        %dma_start3A_197 = tpu.memref_slice %arg8[%add3A_165, %dma_start3A_196] : memref<80x125xi32, #tpu.memory_space<vmem>> -> memref<1x125xi32, #tpu.memory_space<vmem>>
        %dma_start3A_198 = tpu.memref_squeeze %dma_start3A_197 : memref<1x125xi32, #tpu.memory_space<vmem>> -> memref<125xi32, #tpu.memory_space<vmem>>
        %dma_start3A_199 = arith.constant 0 : i32
        %dma_start3A_200 = arith.constant 0 : i32
        %dma_start3A_201 = tpu.memref_slice %arg17[%dma_start3A_199, %dma_start3A_200] : memref<10112x64xbf16, #tpu.memory_space<vmem_shared>> -> memref<10112x64xbf16, #tpu.memory_space<vmem_shared>>
        tpu.enqueue_indirect_dma source(%arg15 : memref<125x64xbf16, #tpu.memory_space<vmem>>) target(%dma_start3A_201 : memref<10112x64xbf16, #tpu.memory_space<vmem_shared>>) offsets(%dma_start3A_198 : memref<125xi32, #tpu.memory_space<vmem>>) semaphore(%run_scoped3A : memref<!tpu.dma_semaphore, #tpu.memory_space<semaphore_mem>>) {add = true}
        %dma_wait3A_202 = arith.constant 0 : i32
        %dma_wait3A_203 = tpu.memref_slice %arg8[%add3A_165, %dma_wait3A_202] : memref<80x125xi32, #tpu.memory_space<vmem>> -> memref<1x125xi32, #tpu.memory_space<vmem>>
        %dma_wait3A_204 = tpu.memref_squeeze %dma_wait3A_203 : memref<1x125xi32, #tpu.memory_space<vmem>> -> memref<125xi32, #tpu.memory_space<vmem>>
        %dma_wait3A_205 = arith.constant 0 : i32
        %dma_wait3A_206 = arith.constant 0 : i32
        %dma_wait3A_207 = tpu.memref_slice %arg17[%dma_wait3A_205, %dma_wait3A_206] : memref<10112x64xbf16, #tpu.memory_space<vmem_shared>> -> memref<10112x64xbf16, #tpu.memory_space<vmem_shared>>
        tpu.wait_indirect_dma semaphore(%run_scoped3A : memref<!tpu.dma_semaphore, #tpu.memory_space<semaphore_mem>>) src(%arg15 : memref<125x64xbf16, #tpu.memory_space<vmem>>) dst(%dma_wait3A_207 : memref<10112x64xbf16, #tpu.memory_space<vmem_shared>>)
        tpu.yield
      }) : () -> ()
      %add3A_172 = arith.constant 8 : i32
      %add3A_173 = arith.addi %add3A_165, %add3A_172 : i32
      %lt3A_174 = arith.constant 80 : i32
      %lt3A_175 = arith.cmpi slt, %add3A_173, %lt3A_174 : i32
      %convert_element_type3A_176 = arith.extui %lt3A_175 : i1 to i32
      %cond3A_177 = arith.constant 0 : i32
      %cond3A_178 = arith.cmpi ne, %convert_element_type3A_176, %cond3A_177 : i32
      scf.if %cond3A_178 {
        %add3A_196 = arith.constant 8 : i32
        %add3A_197 = arith.addi %add3A_165, %add3A_196 : i32
        %dma_start3A_198 = arith.constant 0 : i32
        %dma_start3A_199 = tpu.memref_slice %arg7[%add3A_197, %dma_start3A_198] : memref<80x125xi32, #tpu.memory_space<vmem>> -> memref<1x125xi32, #tpu.memory_space<vmem>>
        %dma_start3A_200 = tpu.memref_squeeze %dma_start3A_199 : memref<1x125xi32, #tpu.memory_space<vmem>> -> memref<125xi32, #tpu.memory_space<vmem>>
        %dma_start3A_201 = arith.constant 0 : i32
        %dma_start3A_202 = arith.constant 0 : i32
        %dma_start3A_203 = tpu.memref_slice %arg2[%dma_start3A_201, %dma_start3A_202] : memref<10000x64xbf16, #tpu.memory_space<hbm>> -> memref<10000x64xbf16, #tpu.memory_space<hbm>>
        tpu.enqueue_indirect_dma source(%dma_start3A_203 : memref<10000x64xbf16, #tpu.memory_space<hbm>>) target(%arg15 : memref<125x64xbf16, #tpu.memory_space<vmem>>) offsets(%dma_start3A_200 : memref<125xi32, #tpu.memory_space<vmem>>) semaphore(%arg24 : memref<!tpu.dma_semaphore, #tpu.memory_space<semaphore_mem>>)
      } else {
      }
      %mul3A_179 = arith.constant 8 : i32
      %mul3A_180 = arith.muli %mul3A_179, %scan3A_63 : i32
      %add3A_181 = arith.constant 7 : i32
      %add3A_182 = arith.addi %mul3A_180, %add3A_181 : i32
      %dma_wait3A_183 = arith.constant 0 : i32
      %dma_wait3A_184 = tpu.memref_slice %arg7[%add3A_182, %dma_wait3A_183] : memref<80x125xi32, #tpu.memory_space<vmem>> -> memref<1x125xi32, #tpu.memory_space<vmem>>
      %dma_wait3A_185 = tpu.memref_squeeze %dma_wait3A_184 : memref<1x125xi32, #tpu.memory_space<vmem>> -> memref<125xi32, #tpu.memory_space<vmem>>
      %dma_wait3A_186 = arith.constant 0 : i32
      %dma_wait3A_187 = arith.constant 0 : i32
      %dma_wait3A_188 = tpu.memref_slice %arg2[%dma_wait3A_186, %dma_wait3A_187] : memref<10000x64xbf16, #tpu.memory_space<hbm>> -> memref<10000x64xbf16, #tpu.memory_space<hbm>>
      tpu.wait_indirect_dma semaphore(%arg25 : memref<!tpu.dma_semaphore, #tpu.memory_space<semaphore_mem>>) src(%dma_wait3A_188 : memref<10000x64xbf16, #tpu.memory_space<hbm>>) dst(%arg16 : memref<125x64xbf16, #tpu.memory_space<vmem>>)
      "tpu.region"() ({
        %run_scoped3A = tpu.sem_alloc : memref<!tpu.dma_semaphore, #tpu.memory_space<semaphore_mem>>
        %dma_start3A_196 = arith.constant 0 : i32
        %dma_start3A_197 = tpu.memref_slice %arg8[%add3A_182, %dma_start3A_196] : memref<80x125xi32, #tpu.memory_space<vmem>> -> memref<1x125xi32, #tpu.memory_space<vmem>>
        %dma_start3A_198 = tpu.memref_squeeze %dma_start3A_197 : memref<1x125xi32, #tpu.memory_space<vmem>> -> memref<125xi32, #tpu.memory_space<vmem>>
        %dma_start3A_199 = arith.constant 0 : i32
        %dma_start3A_200 = arith.constant 0 : i32
        %dma_start3A_201 = tpu.memref_slice %arg17[%dma_start3A_199, %dma_start3A_200] : memref<10112x64xbf16, #tpu.memory_space<vmem_shared>> -> memref<10112x64xbf16, #tpu.memory_space<vmem_shared>>
        tpu.enqueue_indirect_dma source(%arg16 : memref<125x64xbf16, #tpu.memory_space<vmem>>) target(%dma_start3A_201 : memref<10112x64xbf16, #tpu.memory_space<vmem_shared>>) offsets(%dma_start3A_198 : memref<125xi32, #tpu.memory_space<vmem>>) semaphore(%run_scoped3A : memref<!tpu.dma_semaphore, #tpu.memory_space<semaphore_mem>>) {add = true}
        %dma_wait3A_202 = arith.constant 0 : i32
        %dma_wait3A_203 = tpu.memref_slice %arg8[%add3A_182, %dma_wait3A_202] : memref<80x125xi32, #tpu.memory_space<vmem>> -> memref<1x125xi32, #tpu.memory_space<vmem>>
        %dma_wait3A_204 = tpu.memref_squeeze %dma_wait3A_203 : memref<1x125xi32, #tpu.memory_space<vmem>> -> memref<125xi32, #tpu.memory_space<vmem>>
        %dma_wait3A_205 = arith.constant 0 : i32
        %dma_wait3A_206 = arith.constant 0 : i32
        %dma_wait3A_207 = tpu.memref_slice %arg17[%dma_wait3A_205, %dma_wait3A_206] : memref<10112x64xbf16, #tpu.memory_space<vmem_shared>> -> memref<10112x64xbf16, #tpu.memory_space<vmem_shared>>
        tpu.wait_indirect_dma semaphore(%run_scoped3A : memref<!tpu.dma_semaphore, #tpu.memory_space<semaphore_mem>>) src(%arg16 : memref<125x64xbf16, #tpu.memory_space<vmem>>) dst(%dma_wait3A_207 : memref<10112x64xbf16, #tpu.memory_space<vmem_shared>>)
        tpu.yield
      }) : () -> ()
      %add3A_189 = arith.constant 8 : i32
      %add3A_190 = arith.addi %add3A_182, %add3A_189 : i32
      %lt3A_191 = arith.constant 80 : i32
      %lt3A_192 = arith.cmpi slt, %add3A_190, %lt3A_191 : i32
      %convert_element_type3A_193 = arith.extui %lt3A_192 : i1 to i32
      %cond3A_194 = arith.constant 0 : i32
      %cond3A_195 = arith.cmpi ne, %convert_element_type3A_193, %cond3A_194 : i32
      scf.if %cond3A_195 {
        %add3A_196 = arith.constant 8 : i32
        %add3A_197 = arith.addi %add3A_182, %add3A_196 : i32
        %dma_start3A_198 = arith.constant 0 : i32
        %dma_start3A_199 = tpu.memref_slice %arg7[%add3A_197, %dma_start3A_198] : memref<80x125xi32, #tpu.memory_space<vmem>> -> memref<1x125xi32, #tpu.memory_space<vmem>>
        %dma_start3A_200 = tpu.memref_squeeze %dma_start3A_199 : memref<1x125xi32, #tpu.memory_space<vmem>> -> memref<125xi32, #tpu.memory_space<vmem>>
        %dma_start3A_201 = arith.constant 0 : i32
        %dma_start3A_202 = arith.constant 0 : i32
        %dma_start3A_203 = tpu.memref_slice %arg2[%dma_start3A_201, %dma_start3A_202] : memref<10000x64xbf16, #tpu.memory_space<hbm>> -> memref<10000x64xbf16, #tpu.memory_space<hbm>>
        tpu.enqueue_indirect_dma source(%dma_start3A_203 : memref<10000x64xbf16, #tpu.memory_space<hbm>>) target(%arg16 : memref<125x64xbf16, #tpu.memory_space<vmem>>) offsets(%dma_start3A_200 : memref<125xi32, #tpu.memory_space<vmem>>) semaphore(%arg25 : memref<!tpu.dma_semaphore, #tpu.memory_space<semaphore_mem>>)
      } else {
      }
    }
    %scan3A_61 = arith.constant 10 : i32
    %barrier3A_62 = arith.constant 0 : index
    tpu.barrier barrier_id(%barrier3A_62)
    "tpu.region"() ({
      %run_scoped3A = tpu.sem_alloc : memref<!tpu.dma_semaphore, #tpu.memory_space<semaphore_mem>>
      %dma_start3A_63 = arith.constant 0 : i32
      %dma_start3A_64 = tpu.memref_slice %arg6[%mul3A_1, %dma_start3A_63] : memref<10112x64xbf16, #tpu.memory_space<hbm>> -> memref<632x64xbf16, #tpu.memory_space<hbm>>
      %dma_start3A_65 = arith.constant 0 : i32
      %dma_start3A_66 = tpu.memref_slice %arg17[%mul3A_1, %dma_start3A_65] : memref<10112x64xbf16, #tpu.memory_space<vmem_shared>> -> memref<632x64xbf16, #tpu.memory_space<vmem_shared>>
      tpu.enqueue_dma source(%dma_start3A_66 : memref<632x64xbf16, #tpu.memory_space<vmem_shared>>) target(%dma_start3A_64 : memref<632x64xbf16, #tpu.memory_space<hbm>>) target_semaphore(%run_scoped3A : memref<!tpu.dma_semaphore, #tpu.memory_space<semaphore_mem>>)
      %dma_wait3A = arith.constant 0 : i32
      %dma_wait3A_67 = tpu.memref_slice %arg6[%mul3A_1, %dma_wait3A] : memref<10112x64xbf16, #tpu.memory_space<hbm>> -> memref<632x64xbf16, #tpu.memory_space<hbm>>
      %dma_wait3A_68 = arith.constant 0 : i32
      %dma_wait3A_69 = tpu.memref_slice %arg17[%mul3A_1, %dma_wait3A_68] : memref<10112x64xbf16, #tpu.memory_space<vmem_shared>> -> memref<632x64xbf16, #tpu.memory_space<vmem_shared>>
      tpu.wait_dma2 semaphore(%run_scoped3A : memref<!tpu.dma_semaphore, #tpu.memory_space<semaphore_mem>>) src(%dma_wait3A_69 : memref<632x64xbf16, #tpu.memory_space<vmem_shared>>) dst(%dma_wait3A_67 : memref<632x64xbf16, #tpu.memory_space<hbm>>)
      tpu.yield
    }) : () -> ()
    return
  }
}

module attributes {stable_mosaic.version = 14 : i64} {
  func.func @body(%arg0: memref<10000x128xf32, #tpu.memory_space<vmem>>, %arg1: memref<128x64xf32, #tpu.memory_space<vmem>>, %arg2: memref<10000x64xf32, #tpu.memory_space<vmem>>) attributes {dimension_semantics = [], scalar_prefetch = 0 : i64, scratch_operands = 0 : i64, tpu.core_type = #tpu.core_type<tc>} {
    %get3A = arith.constant 0 : index
    %get3A_0 = arith.constant 0 : index
    %get3A_1 = vector.load %arg0[%get3A, %get3A_0] : memref<10000x128xf32, #tpu.memory_space<vmem>>, vector<10000x128xf32>
    %get3A_2 = arith.constant 0 : index
    %get3A_3 = arith.constant 0 : index
    %get3A_4 = vector.load %arg1[%get3A_2, %get3A_3] : memref<128x64xf32, #tpu.memory_space<vmem>>, vector<128x64xf32>
    %dot_general3A = arith.constant dense<0.000000e+00> : vector<10000x64xf32>
    %dot_general3A_5 = tpu.matmul %get3A_1, %get3A_4, %dot_general3A {dimension_numbers = #tpu.dot_dimension_numbers<[1], [0], [0], [1], [0, 0, 1, 1], [], []>, transpose_lhs_hint = false} : vector<10000x128xf32>, vector<128x64xf32>, vector<10000x64xf32> -> vector<10000x64xf32>
    %swap3A = arith.constant 0 : index
    %swap3A_6 = arith.constant 0 : index
    %swap3A_7 = vector.load %arg2[%swap3A, %swap3A_6] : memref<10000x64xf32, #tpu.memory_space<vmem>>, vector<10000x64xf32>
    tpu.vector_store %arg2[%swap3A, %swap3A_6], %dot_general3A_5 {strides = array<i32>} : memref<10000x64xf32, #tpu.memory_space<vmem>>, vector<10000x64xf32>,
    return
  }
}

module attributes {stable_mosaic.version = 14 : i64} {
  func.func @body(%arg0: memref<10000x64xf32, #tpu.memory_space<vmem>>, %arg1: memref<2x10112x8xf32, #tpu.memory_space<vmem>>, %arg2: memref<10000x1xf32, #tpu.memory_space<vmem>>, %arg3: memref<10000x64xf32, #tpu.memory_space<vmem>>, %arg4: memref<10000x64xbf16, #tpu.memory_space<vmem>>) attributes {dimension_semantics = [], scalar_prefetch = 0 : i64, scratch_operands = 0 : i64, tpu.core_type = #tpu.core_type<tc>} {
    %get3A = arith.constant 0 : index
    %get3A_0 = arith.constant 0 : index
    %get3A_1 = arith.constant 0 : index
    %get3A_2 = vector.load %arg1[%get3A, %get3A_0, %get3A_1] : memref<2x10112x8xf32, #tpu.memory_space<vmem>>, vector<1x10000x1xf32>
    %get3A_3 = vector.shape_cast %get3A_2 : vector<1x10000x1xf32> to vector<10000x1xf32>
    %add3A = arith.constant 1.000000e+00 : f32
    %add3A_4 = vector.broadcast %add3A : f32 to vector<10000x1xf32>
    %add3A_5 = arith.addf %add3A_4, %get3A_3 : vector<10000x1xf32>
    %get3A_6 = arith.constant 1 : index
    %get3A_7 = arith.constant 0 : index
    %get3A_8 = arith.constant 0 : index
    %get3A_9 = vector.load %arg1[%get3A_6, %get3A_7, %get3A_8] : memref<2x10112x8xf32, #tpu.memory_space<vmem>>, vector<1x10000x1xf32>
    %get3A_10 = vector.shape_cast %get3A_9 : vector<1x10000x1xf32> to vector<10000x1xf32>
    %add3A_11 = arith.addf %add3A_5, %get3A_10 : vector<10000x1xf32>
    %rsqrt3A = math.rsqrt %add3A_11 : vector<10000x1xf32>
    %swap3A = arith.constant 0 : index
    %swap3A_12 = arith.constant 0 : index
    %swap3A_13 = vector.load %arg2[%swap3A, %swap3A_12] : memref<10000x1xf32, #tpu.memory_space<vmem>>, vector<10000x1xf32>
    tpu.vector_store %arg2[%swap3A, %swap3A_12], %rsqrt3A {strides = array<i32>} : memref<10000x1xf32, #tpu.memory_space<vmem>>, vector<10000x1xf32>,
    %get3A_14 = arith.constant 0 : index
    %get3A_15 = arith.constant 0 : index
    %get3A_16 = vector.load %arg0[%get3A_14, %get3A_15] : memref<10000x64xf32, #tpu.memory_space<vmem>>, vector<10000x64xf32>
    %mul3A = vector.broadcast %rsqrt3A : vector<10000x1xf32> to vector<10000x64xf32>
    %mul3A_17 = arith.mulf %mul3A, %get3A_16 : vector<10000x64xf32>
    %swap3A_18 = arith.constant 0 : index
    %swap3A_19 = arith.constant 0 : index
    %swap3A_20 = vector.load %arg3[%swap3A_18, %swap3A_19] : memref<10000x64xf32, #tpu.memory_space<vmem>>, vector<10000x64xf32>
    tpu.vector_store %arg3[%swap3A_18, %swap3A_19], %mul3A_17 {strides = array<i32>} : memref<10000x64xf32, #tpu.memory_space<vmem>>, vector<10000x64xf32>,
    %convert_element_type3A = arith.truncf %mul3A_17 : vector<10000x64xf32> to vector<10000x64xbf16>
    %swap3A_21 = arith.constant 0 : index
    %swap3A_22 = arith.constant 0 : index
    %swap3A_23 = vector.load %arg4[%swap3A_21, %swap3A_22] : memref<10000x64xbf16, #tpu.memory_space<vmem>>, vector<10000x64xbf16>
    tpu.vector_store %arg4[%swap3A_21, %swap3A_22], %convert_element_type3A {strides = array<i32>} : memref<10000x64xbf16, #tpu.memory_space<vmem>>, vector<10000x64xbf16>,
    return
  }
}

module attributes {stable_mosaic.version = 14 : i64} {
  func.func @body(%arg0: memref<10112x64xbf16, #tpu.memory_space<vmem>>, %arg1: memref<10112x64xbf16, #tpu.memory_space<vmem>>, %arg2: memref<10000x64xf32, #tpu.memory_space<vmem>>, %arg3: memref<10000x1xf32, #tpu.memory_space<vmem>>, %arg4: memref<1x64xf32, #tpu.memory_space<vmem>>, %arg5: memref<64x64xf32, #tpu.memory_space<vmem>>, %arg6: memref<10000x64xf32, #tpu.memory_space<vmem>>, %arg7: memref<10000x64xbf16, #tpu.memory_space<vmem>>) attributes {dimension_semantics = [], scalar_prefetch = 0 : i64, scratch_operands = 0 : i64, tpu.core_type = #tpu.core_type<tc>} {
    %get3A = arith.constant 0 : index
    %get3A_0 = arith.constant 0 : index
    %get3A_1 = vector.load %arg0[%get3A, %get3A_0] : memref<10112x64xbf16, #tpu.memory_space<vmem>>, vector<10000x64xbf16>
    %get3A_2 = arith.constant 0 : index
    %get3A_3 = arith.constant 0 : index
    %get3A_4 = vector.load %arg1[%get3A_2, %get3A_3] : memref<10112x64xbf16, #tpu.memory_space<vmem>>, vector<10000x64xbf16>
    %add3A = arith.addf %get3A_1, %get3A_4 : vector<10000x64xbf16>
    %convert_element_type3A = arith.extf %add3A : vector<10000x64xbf16> to vector<10000x64xf32>
    %get3A_5 = arith.constant 0 : index
    %get3A_6 = arith.constant 0 : index
    %get3A_7 = vector.load %arg2[%get3A_5, %get3A_6] : memref<10000x64xf32, #tpu.memory_space<vmem>>, vector<10000x64xf32>
    %add3A_8 = arith.addf %convert_element_type3A, %get3A_7 : vector<10000x64xf32>
    %get3A_9 = arith.constant 0 : index
    %get3A_10 = arith.constant 0 : index
    %get3A_11 = vector.load %arg3[%get3A_9, %get3A_10] : memref<10000x1xf32, #tpu.memory_space<vmem>>, vector<10000x1xf32>
    %mul3A = vector.broadcast %get3A_11 : vector<10000x1xf32> to vector<10000x64xf32>
    %mul3A_12 = arith.mulf %mul3A, %add3A_8 : vector<10000x64xf32>
    %get3A_13 = arith.constant 0 : index
    %get3A_14 = arith.constant 0 : index
    %get3A_15 = vector.load %arg4[%get3A_13, %get3A_14] : memref<1x64xf32, #tpu.memory_space<vmem>>, vector<1x64xf32>
    %add3A_16 = vector.broadcast %get3A_15 : vector<1x64xf32> to vector<10000x64xf32>
    %add3A_17 = arith.addf %mul3A_12, %add3A_16 : vector<10000x64xf32>
    %max3A = arith.constant 0.000000e+00 : f32
    %max3A_18 = vector.broadcast %max3A : f32 to vector<10000x64xf32>
    %max3A_19 = arith.maximumf %add3A_17, %max3A_18 : vector<10000x64xf32>
    %get3A_20 = arith.constant 0 : index
    %get3A_21 = arith.constant 0 : index
    %get3A_22 = vector.load %arg5[%get3A_20, %get3A_21] : memref<64x64xf32, #tpu.memory_space<vmem>>, vector<64x64xf32>
    %dot_general3A = arith.constant dense<0.000000e+00> : vector<10000x64xf32>
    %dot_general3A_23 = tpu.matmul %max3A_19, %get3A_22, %dot_general3A {dimension_numbers = #tpu.dot_dimension_numbers<[1], [0], [0], [1], [0, 0, 1, 1], [], []>, transpose_lhs_hint = false} : vector<10000x64xf32>, vector<64x64xf32>, vector<10000x64xf32> -> vector<10000x64xf32>
    %get3A_24 = arith.constant 0 : index
    %get3A_25 = arith.constant 0 : index
    %get3A_26 = vector.load %arg3[%get3A_24, %get3A_25] : memref<10000x1xf32, #tpu.memory_space<vmem>>, vector<10000x1xf32>
    %mul3A_27 = vector.broadcast %get3A_26 : vector<10000x1xf32> to vector<10000x64xf32>
    %mul3A_28 = arith.mulf %mul3A_27, %dot_general3A_23 : vector<10000x64xf32>
    %swap3A = arith.constant 0 : index
    %swap3A_29 = arith.constant 0 : index
    %swap3A_30 = vector.load %arg6[%swap3A, %swap3A_29] : memref<10000x64xf32, #tpu.memory_space<vmem>>, vector<10000x64xf32>
    tpu.vector_store %arg6[%swap3A, %swap3A_29], %mul3A_28 {strides = array<i32>} : memref<10000x64xf32, #tpu.memory_space<vmem>>, vector<10000x64xf32>,
    %convert_element_type3A_31 = arith.truncf %mul3A_28 : vector<10000x64xf32> to vector<10000x64xbf16>
    %swap3A_32 = arith.constant 0 : index
    %swap3A_33 = arith.constant 0 : index
    %swap3A_34 = vector.load %arg7[%swap3A_32, %swap3A_33] : memref<10000x64xbf16, #tpu.memory_space<vmem>>, vector<10000x64xbf16>
    tpu.vector_store %arg7[%swap3A_32, %swap3A_33], %convert_element_type3A_31 {strides = array<i32>} : memref<10000x64xbf16, #tpu.memory_space<vmem>>, vector<10000x64xbf16>,
    return
  }
}

module attributes {stable_mosaic.version = 14 : i64} {
  func.func @body(%arg0: memref<10112x64xbf16, #tpu.memory_space<vmem>>, %arg1: memref<10112x64xbf16, #tpu.memory_space<vmem>>, %arg2: memref<10000x64xf32, #tpu.memory_space<vmem>>, %arg3: memref<10000x1xf32, #tpu.memory_space<vmem>>, %arg4: memref<1x64xf32, #tpu.memory_space<vmem>>, %arg5: memref<64x128xf32, #tpu.memory_space<vmem>>, %arg6: memref<1x128xf32, #tpu.memory_space<vmem>>, %arg7: memref<1x128xf32, #tpu.memory_space<vmem>>) attributes {dimension_semantics = [], scalar_prefetch = 0 : i64, scratch_operands = 0 : i64, tpu.core_type = #tpu.core_type<tc>} {
    %get3A = arith.constant 0 : index
    %get3A_0 = arith.constant 0 : index
    %get3A_1 = vector.load %arg0[%get3A, %get3A_0] : memref<10112x64xbf16, #tpu.memory_space<vmem>>, vector<10000x64xbf16>
    %get3A_2 = arith.constant 0 : index
    %get3A_3 = arith.constant 0 : index
    %get3A_4 = vector.load %arg1[%get3A_2, %get3A_3] : memref<10112x64xbf16, #tpu.memory_space<vmem>>, vector<10000x64xbf16>
    %add3A = arith.addf %get3A_1, %get3A_4 : vector<10000x64xbf16>
    %convert_element_type3A = arith.extf %add3A : vector<10000x64xbf16> to vector<10000x64xf32>
    %get3A_5 = arith.constant 0 : index
    %get3A_6 = arith.constant 0 : index
    %get3A_7 = vector.load %arg2[%get3A_5, %get3A_6] : memref<10000x64xf32, #tpu.memory_space<vmem>>, vector<10000x64xf32>
    %add3A_8 = arith.addf %convert_element_type3A, %get3A_7 : vector<10000x64xf32>
    %get3A_9 = arith.constant 0 : index
    %get3A_10 = arith.constant 0 : index
    %get3A_11 = vector.load %arg3[%get3A_9, %get3A_10] : memref<10000x1xf32, #tpu.memory_space<vmem>>, vector<10000x1xf32>
    %mul3A = vector.broadcast %get3A_11 : vector<10000x1xf32> to vector<10000x64xf32>
    %mul3A_12 = arith.mulf %mul3A, %add3A_8 : vector<10000x64xf32>
    %get3A_13 = arith.constant 0 : index
    %get3A_14 = arith.constant 0 : index
    %get3A_15 = vector.load %arg4[%get3A_13, %get3A_14] : memref<1x64xf32, #tpu.memory_space<vmem>>, vector<1x64xf32>
    %add3A_16 = vector.broadcast %get3A_15 : vector<1x64xf32> to vector<10000x64xf32>
    %add3A_17 = arith.addf %mul3A_12, %add3A_16 : vector<10000x64xf32>
    %max3A = arith.constant 0.000000e+00 : f32
    %max3A_18 = vector.broadcast %max3A : f32 to vector<10000x64xf32>
    %max3A_19 = arith.maximumf %add3A_17, %max3A_18 : vector<10000x64xf32>
    %reduce_sum3A = arith.constant dense<0.000000e+00> : vector<64xf32>
    %reduce_sum3A_20 = vector.multi_reduction <add>, %max3A_19, %reduce_sum3A [0] : vector<10000x64xf32> to vector<64xf32>
    %broadcast_in_dim3A = vector.shape_cast %reduce_sum3A_20 : vector<64xf32> to vector<1x64xf32>
    %mul3A_21 = arith.constant 9.99999974E-5 : f32
    %mul3A_22 = vector.broadcast %mul3A_21 : f32 to vector<1x64xf32>
    %mul3A_23 = arith.mulf %broadcast_in_dim3A, %mul3A_22 : vector<1x64xf32>
    %get3A_24 = arith.constant 0 : index
    %get3A_25 = arith.constant 0 : index
    %get3A_26 = vector.load %arg5[%get3A_24, %get3A_25] : memref<64x128xf32, #tpu.memory_space<vmem>>, vector<64x128xf32>
    %dot_general3A = arith.constant dense<0.000000e+00> : vector<1x128xf32>
    %dot_general3A_27 = tpu.matmul %mul3A_23, %get3A_26, %dot_general3A {dimension_numbers = #tpu.dot_dimension_numbers<[1], [0], [0], [1], [0, 0, 1, 1], [], []>, transpose_lhs_hint = false} : vector<1x64xf32>, vector<64x128xf32>, vector<1x128xf32> -> vector<1x128xf32>
    %get3A_28 = arith.constant 0 : index
    %get3A_29 = arith.constant 0 : index
    %get3A_30 = vector.load %arg6[%get3A_28, %get3A_29] : memref<1x128xf32, #tpu.memory_space<vmem>>, vector<1x128xf32>
    %add3A_31 = arith.addf %dot_general3A_27, %get3A_30 : vector<1x128xf32>
    %max3A_32 = arith.constant 0.000000e+00 : f32
    %max3A_33 = vector.broadcast %max3A_32 : f32 to vector<1x128xf32>
    %max3A_34 = arith.maximumf %add3A_31, %max3A_33 : vector<1x128xf32>
    %swap3A = arith.constant 0 : index
    %swap3A_35 = arith.constant 0 : index
    %swap3A_36 = vector.load %arg7[%swap3A, %swap3A_35] : memref<1x128xf32, #tpu.memory_space<vmem>>, vector<1x128xf32>
    tpu.vector_store %arg7[%swap3A, %swap3A_35], %max3A_34 {strides = array<i32>} : memref<1x128xf32, #tpu.memory_space<vmem>>, vector<1x128xf32>,
    return
  }
}

</mosaic_0001>

<sc_bundles>
// kernel: kernel.14.cloned.1.call-start
scs
__scs_entry_jumppad:
0x0: {  	(pc) =	sbr.rel $0x88, $3  }
0x1: {  	(tag) =	ssettag $0x0;
	lr =	simm.s32 $0x1  }
0x2: {  	[smem:$0x3F97] =	sst lr;
	_ =	strace $0xD0000000  }
0x3: {  	_ = 	snop  }
0x4: {  	_ = 	snop  }
0x5: {  	_ = 	snop  }
0x6: {  	_ = 	snop  }
0x7: {  	_ = 	snop  }
__scs_overlays_trampoline_lowered:
0x8: {  	[smem:$0x3FA6] =	sst s0  }
0x9: {  	[smem:$0x3FA7] =	sst s1  }
0xa: {  	[smem:$0x3FA8] =	sst s2  }
0xb: {  	[smem:$0x3FA9] =	sst s3  }
0xc: {  	[smem:$0x3FAA] =	sst s4  }
0xd: {  	[smem:$0x3FAB] =	sst s5  }
0xe: {  	[smem:$0x3FAC] =	sst s6  }
0xf: {  	[smem:$0x3FAD] =	sst s7  }
0x10: {  	[smem:$0x3FAE] =	sst s8  }
0x11: {  	[smem:$0x3FAF] =	sst s9;
	s0 =	simm.s32 @!p0 $0x0  }
0x12: {  	s1 =	sld [smem:$0x3F95];
	s0 =	simm.s32 @p0 $0x1  }
0x13: {  	[smem:$0x3FB0] =	sst s0;
	s0 =	simm.s32 @!p1 $0x0  }
0x14: {  	s2 =	sld [smem:$0x3F94];
	s0 =	simm.s32 @p1 $0x1  }
0x15: {  	[smem:$0x3FB1] =	sst s0;
	s0 =	simm.s32 @!p2 $0x0  }
0x16: {  	s3 =	sld [smem:$0x3FDB];
	s0 =	simm.s32 @p2 $0x1  }
0x17: {  	s4 =	simm.s32 $0x1BF5;
	[smem:$0x3FB3] =	sst s0  }
0x18: {  	s0 =	sld [smem:$0x3F96];
	_ =	swait.ge [sflag:s4], $0x0  }
0x19: {  	s7 =	sld [smem:$0x3F97]  }
0x1a: {  	s8 =	sadd.s32 $0xFFFFE003, lr  }
0x1b: {  	s9 =	sadd.s32 $0xFFFFFEF7, lr;
	s5 =	simm.s32 $0xFFFFFFFF;
	p2 =	slt.u32 s8, $0xFFFFF086  }
0x1c: {  	p1 =	slt.u32 s9, $0xF7A;
	s5 =	simm.s32 @!p2 $0x0  }
0x1d: {  	s5 =	simm.s32 @p1 $0x1;
	p0 =	seq.s32 s7, s2  }
0x1e: {  	s7 =	smul.u32 @!p0 $0xF7A, s2;
	p2 =	seq.s32 @!p0 s5, $0x0  }
0x1f: {  	s9 =	smul.u32 $0xF7A, s1;
	s8 =	simm.s32 @!p0 $0x1BF5;
	p2 =	por !p2, p0  }
0x20: {  	[sflag:s8] =	ssyncset.s32 @!p0 $0xFFFFF086;
	s6 =	sadd.s32 @!p0 s3, s7;
	s7 =	simm.s32 @!p0 $0x108  }
0x21: {  	s3 =	sadd.s32 s3, s9;
	s6 =	sadd.s32 @!p0 $0x88, s6;
	s7 =	simm.s32 @p2 $0x1082  }
0x22: {  	[simem:s7], [sflag:s8] =	dma.local @!p0 [hbm:s6], $0xF7A  }
0x23: {  	s9 =	sor.u32 $0xD0000000, s2;
	s6 =	simm.s32 $0x108;
	_ =	swait.ge @!p0 [sflag:s8], $0x0  }
0x24: {  	s3 =	sadd.s32 $0x88, s3;
	s6 =	simm.s32 @!p1 $0x1082;
	[sflag:s4] =	ssyncset.s32 $0xFFFFF086  }
0x25: {  	[simem:s6], [sflag:s4] =	dma.local [hbm:s3], $0xF7A  }
0x26: {  	[smem:$0x3F97] =	sst s1;
	(tag) =	ssettag s2;
	_ =	strace s9  }
0x27: {  	s1 =	sld [smem:$0x3FA7]  }
0x28: {  	s2 =	sld [smem:$0x3FA8]  }
0x29: {  	s4 =	sld [smem:$0x3FAA]  }
0x2a: {  	p0 =	seq.s32 s5, $0x0;
	s5 =	sld [smem:$0x3FAB]  }
0x2b: {  	s6 =	sld [smem:$0x3FAC]  }
0x2c: {  	s7 =	sld [smem:$0x3FAD]  }
0x2d: {  	s3 =	simm.s32 $0x108;
	s8 =	sld [smem:$0x3FAE]  }
0x2e: {  	s3 =	simm.s32 @!p0 $0x1082;
	s9 =	sld [smem:$0x3FAF]  }
0x2f: {  	lr =	sadd.s32 s0, s3;
	s0 =	sld [smem:$0x3FA6]  }
0x30: {  	s3 =	sld [smem:$0x3FA9]  }
0x31: {  	[smem:$0x3FB2] =	sst s10  }
0x32: {  	s10 =	sld [smem:$0x3FB0];
	_ =	sdelay $0x3  }
0x33: {  	p0 =	seq.s32 s10, $0x1;
	s10 =	sld [smem:$0x3FB2];
	_ =	sdelay $0x3  }
0x34: {  	[smem:$0x3FB2] =	sst s10  }
0x35: {  	s10 =	sld [smem:$0x3FB1];
	_ =	sdelay $0x3  }
0x36: {  	p1 =	seq.s32 s10, $0x1;
	s10 =	sld [smem:$0x3FB2];
	_ =	sdelay $0x3  }
0x37: {  	[smem:$0x3FB2] =	sst s10  }
0x38: {  	s10 =	sld [smem:$0x3FB3]  }
0x39: {  	_ = 	snop;
	(pc) =	sbr.ind lr, $3  }
0x3a: {  	_ = 	snop  }
0x3b: {  	_ = 	snop  }
0x3c: {  	p2 =	seq.s32 s10, $0x1;
	s10 =	sld [smem:$0x3FB2]  }
0x3d: {  	_ =	shalt  }
0x3e: {  	_ =	shalt  }
0x3f: {  	_ =	shalt  }
0x40: {  	_ =	shalt  }
0x41: {  	_ =	shalt  }
0x42: {  	_ =	shalt  }
0x43: {  	_ =	shalt  }
0x44: {  	_ =	shalt  }
0x45: {  	_ =	shalt  }
0x46: {  	_ =	shalt  }
0x47: {  	_ =	shalt  }
0x48: {  	_ =	shalt  }
0x49: {  	_ =	shalt  }
0x4a: {  	_ =	shalt  }
0x4b: {  	_ =	shalt  }
0x4c: {  	_ =	shalt  }
0x4d: {  	_ =	shalt  }
0x4e: {  	_ =	shalt  }
0x4f: {  	_ =	shalt  }
0x50: {  	_ =	shalt  }
0x51: {  	_ =	shalt  }
0x52: {  	_ =	shalt  }
0x53: {  	_ =	shalt  }
0x54: {  	_ =	shalt  }
0x55: {  	_ =	shalt  }
0x56: {  	_ =	shalt  }
0x57: {  	_ =	shalt  }
0x58: {  	_ =	shalt  }
0x59: {  	_ =	shalt  }
0x5a: {  	_ =	shalt  }
0x5b: {  	_ =	shalt  }
0x5c: {  	_ =	shalt  }
0x5d: {  	_ =	shalt  }
0x5e: {  	_ =	shalt  }
0x5f: {  	_ =	shalt  }
0x60: {  	_ =	shalt  }
0x61: {  	_ =	shalt  }
0x62: {  	_ =	shalt  }
0x63: {  	_ =	shalt  }
0x64: {  	_ =	shalt  }
0x65: {  	_ =	shalt  }
0x66: {  	_ =	shalt  }
0x67: {  	_ =	shalt  }
0x68: {  	_ =	shalt  }
0x69: {  	_ =	shalt  }
0x6a: {  	_ =	shalt  }
0x6b: {  	_ =	shalt  }
0x6c: {  	_ =	shalt  }
0x6d: {  	_ =	shalt  }
0x6e: {  	_ =	shalt  }
0x6f: {  	_ =	shalt  }
0x70: {  	_ =	shalt  }
0x71: {  	_ =	shalt  }
0x72: {  	_ =	shalt  }
0x73: {  	_ =	shalt  }
0x74: {  	_ =	shalt  }
0x75: {  	_ =	shalt  }
0x76: {  	_ =	shalt  }
0x77: {  	_ =	shalt  }
0x78: {  	_ =	shalt  }
0x79: {  	_ =	shalt  }
0x7a: {  	_ =	shalt  }
0x7b: {  	_ =	shalt  }
0x7c: {  	_ =	shalt  }
0x7d: {  	_ =	shalt  }
0x7e: {  	_ =	shalt  }
0x7f: {  	_ =	shalt  }
0x80: {  	_ =	shalt  }
0x81: {  	_ =	shalt  }
0x82: {  	_ =	shalt  }
0x83: {  	_ =	shalt  }
0x84: {  	_ =	shalt  }
0x85: {  	_ =	shalt  }
0x86: {  	_ =	shalt  }
0x87: {  	_ =	shalt  }
.Lfunc_end0:
.L_simem_size_0:
called_computation_lowered:
.L_overlay_start_0:
0x88: {  	s2 =	sld [smem:$0x3FD9]  }
0x89: {  	s3 =	sld [smem:$0x3FFE];
	_ =	sdelay $0x1  }
0x8a: {  	s1 =	srdreg.scid  }
0x8b: {  	s0 =	sand.u32 $0x1, s1  }
0x8c: {  	s16 =	sshll.u32 s0, $0xA;
	s2 =	sadd.s32 s3, s2  }
0x8d: {  	s2 =	sadd.s32 s2, s16  }
0x8e: {  	[smem:$0x3FBE] =	sst s2  }
0x8f: {  	_ = 	snop  }
0x90: {  	(tm) =	ssettm $0x1  }
0x91: {  	s17 =	sld [smem:$0x3FFB];
	_ =	sdelay $0x3  }
0x92: {  	_ =	strace s17  }
0x93: {  	s2 =	sld [smem:$0x3FFC];
	_ =	sdelay $0x3  }
0x94: {  	_ =	strace s2  }
0x95: {  	s2 =	sld [smem:$0x3FFD];
	_ =	sdelay $0x3  }
0x96: {  	_ =	strace s2  }
0x97: {  	_ =	strace $0x8FFFFFFF  }
0x98: {  	s18 =	sld [smem:$0x3FDB];
	_ =	sdelay $0x1  }
0x99: {  	s19 =	simm.s32 $_scs_section_size  }
0x9a: {  	s4 =	simm.s32 $_size__tile_overlayer_lowered;
	s5 =	simm.s32 $_tile_overlayer_lowered  }
0x9b: {  	s22 =	simm.s32 $0x1BFF;
	s21 =	sshll.u32 s5, $0x1;
	s2 =	sadd.s32 s19, s18  }
0x9c: {  	s6 =	simm.s32 $0x0;
	s20 =	sshll.u32 s4, $0x1;
	s4 =	sadd.s32 s21, s2  }
0x9d: {  	[timem:s6], [sflag:s22] =	dma.local [hbm:s4], s20  }
0x9e: {  	_ =	swait.ge [sflag:s22], s20  }
0x9f: {  	s3 =	ssub.s32 $0x0, s20;
	[sflag:s22] =	ssyncset.done $0x0  }
0xa0: {  	[sflag:s22] =	ssyncadd.s32 s3;
	_ =	sdelay $0x1  }
0xa1: {  	s23 =	simm.s32 $0x1B8B  }
0xa2: {  	_ =	swait.ge [sflag:s23], $0x1  }
0xa3: {  	[sflag:s23] =	ssyncset.done $0x0  }
0xa4: {  	s25 =	simm.s32 $0x1B8E;
	s24 =	sld [smem:$0x3FFE];
	[sflag:s23] =	ssyncadd.s32 $0xFFFFFFFF  }
0xa5: {  	s26 =	simm.s32 $execute0_lowered;
	[smem:$0x3FD2] =	sst s25  }
0xa6: {  	s4 =	sshll.u32 s26, $0x1;
	_ =	strace $0x80000046;
	[dreg:$0x1] =	wrdreg $0xFFFFFFFF  }
0xa7: {  	s28 =	simm.s32 $_size_execute0_lowered;
	s2 =	sadd.s32 s2, s4;
	[dreg:$0x0] =	wrdreg $0x0  }
0xa8: {  	s4 =	sshll.u32 s28, $0x1;
	[dreg:$0x2] =	wrdreg s2  }
0xa9: {  	[dreg:$0x3] =	wrdreg s4  }
0xaa: {  	[dreg:$0x4] =	wrdreg $0xC0  }
0xab: {  	_ =	task [dreg:s6], $0x5FFFF  }
0xac: {  	[dreg:$0x1] =	wrdreg $0xFFFFFFFF  }
0xad: {  	[dreg:$0x0] =	wrdreg $0x60  }
0xae: {  	[dreg:$0x2] =	wrdreg s24  }
0xaf: {  	[dreg:$0x3] =	wrdreg $0x2BE80  }
0xb0: {  	[dreg:$0x4] =	wrdreg $0x9  }
0xb1: {  	_ =	task.clear_ibuf [dreg:s6], $0x5FFFF;
	_ =	strace $0x90000046  }
0xb2: {  	s29 =	simm.s32 $0x9;
	_ =	strace $0x80000048  }
0xb3: {  	_ =	swait.ge [sflag:s29], $0x1  }
0xb4: {  	[sflag:s29] =	ssyncadd.s32 $0xFFFFFFFF  }
0xb5: {  	_ =	strace $0x90000048  }
0xb6: {  	_ =	sfence  }
0xb7: {  	s30 =	sld [smem:$0x0];
	_ =	sdelay $0x2  }
0xb8: {  	s31 =	sshll.u32 s1, $0xD;
	s1 =	sshrl.u32 s1, $0x2  }
0xb9: {  	s3 =	sand.u32 $0x4000, s31;
	s1 =	sadd.s32 s1, s30  }
0xba: {  	s0 =	sor.u32 s3, s0;
	s1 =	sshll.u32 s1, $0x11  }
0xbb: {  	s0 =	sor.u32 s1, s0  }
0xbc: {  	s0 =	sadd.s32 $0x8F2B, s0  }
0xbd: {  	[sflag:s0] =	ssyncadd.remote.s32 $0x1  }
0xbe: {  	_ =	sfence.sel $0xFFFF  }
0xbf: {  	[dreg:$0x0] =	wrdreg $0xFFFFFFFF;
	(pc) =	sbr.abs _section_cstart, $3  }
0xc0: {  	[dreg:$0x1] =	wrdreg $0xFFFFFFFF  }
0xc1: {  	_ =	task.clear_ibuf [dreg:s6], $0x2FFFF;
	_ =	strace $0x9FFFFFFF  }
0xc2: {  	(tm) =	ssettm $0x7FFFFFFF  }
0xc3: {  	_ =	shalt  }
tec
execute0_lowered:
.L_overlay_start_1:
0x0: {  	(tag) =	ssettag $0x1  }
0x1: {  	s6 =	rddreg [dreg:$0x0]  }
0x2: {  	s0 =	srdreg.scid;
	s2 =	rddreg [dreg:$0x1]  }
0x3: {  	s3 =	simm.s32 $0x0;
	s5 =	sand.u32 $0x1, s0;
	s0 =	stileid.u32  }
0x4: {  	s13 =	simm.s32 $0x7D;
	s14 =	simm.s32 $0x0;
	s7 =	smul.u32 $0x13C0, s0  }
0x5: {  	[smem:$0x7FF] =	sst s3;
	s1 =	sshll.u32 s5, $0x4;
	s8 =	smul.u32 $0x13C00, s5  }
0x6: {  	s5 =	ssub.s32 $0x2, s5;
	s31 =	sshll.u32 s0, $0x6;
	s1 =	sor.u32 s0, s1  }
0x7: {  	s11 =	sshrl.u32 s5, $0x1;
	s4 =	smul.u32 $0x500, s1;
	s1 =	rddreg [dreg:$0x2]  }
0x8: {  	_ =	strace $0x80000047;
	s8 =	sadd.s32 s7, s8;
	s10 =	sshrl.u32 s7, $0x3  }
0x9: {  	s11 =	ssub.s32 s5, s11;
	s12 =	sadd.s32 s7, s2;
	s8 =	sshrl.u32 s8, $0x3  }
0xa: {  	s10 =	sadd.s32 s10, s6;
	s12 =	sshrl.u32 s12, $0x3;
	s9 =	sadd.s32 s4, s6  }
0xb: {  	s4 =	sadd.s32 $0x10400, s6;
	s8 =	sadd.s32 s8, s6;
	s6 =	sadd.s32 $0xDC00, s10  }
0xc: {  	s10 =	simm.s32 $0x2800;
	s5 =	sadd.s32 $0x3C00, s9;
	s7 =	sadd.s32 $0x10600, s8  }
0xd: {  	s8 =	smax.u32 s11, $0x1;
	s9 =	simm.s32 $0x1;
	s11 =	sor.u32 $0x1C01, s31  }
.LBB2_1:
0xe: {  	[tilespmem:s3], [sflag:$0x1] =	stream.linear.gather [hbm4b:s5+s3], $0x2800, $0x38;
	[tilespmem:$0x3FA8] =	vst v63  }
0xf: {  	_ =	swait.ge [sflag:s9], $0x2800  }
0x10: {  	[sflag:s9] =	ssyncset.done $0x0  }
0x11: {  	[sflag:s9] =	ssyncadd.s32 $0xFFFFD800  }
0x12: {  	[tilespmem:s10], [sflag:$0x1] =	stream.linear.gather [hbm4b:s4+s3], $0x3E8, $0x38;
	[tilespmem:$0x3FA8] =	vst v63  }
0x13: {  	_ =	swait.ge [sflag:s9], $0x3E8  }
0x14: {  	[sflag:s9] =	ssyncset.done $0x0  }
0x15: {  	[sflag:s9] =	ssyncadd.s32 $0xFFFFFC18  }
0x16: {  	[spmem:s12], [sflag:s11] =	dma.local [hbm:s6], $0x278  }
0x17: {  	_ =	swait.ge [sflag:s9], $0x278  }
0x18: {  	[sflag:s9] =	ssyncset.done $0x0  }
0x19: {  	[sflag:s9] =	ssyncadd.s32 $0xFFFFFD88  }
0x1a: {  	s15 =	simm.s32 $0x0;
	[bflag:$0x0] =	sbarrier.arrive $0xFFFF  }
0x1b: {  	[spmem:s2] =	stream.indirect.scatter.add.f32 [tilespmem:s10], [sflag:$0x1], $0x8, s15, s13, $0xb8;
	[tilespmem:$0x3FA8] =	vst v63  }
0x1c: {  	_ =	swait.ge [sflag:s9], $0x3E8  }
0x1d: {  	s15 =	simm.s32 $0x200;
	[sflag:s9] =	ssyncset.done $0x0  }
.LBB2_2:
0x1e: {  	s16 =	sshra.s32 s15, $0x2;
	[sflag:s9] =	ssyncadd.s32 $0xFFFFFC18;
	p0 =	sne.s32 s15, $0x9E00  }
0x1f: {  	[spmem:s2] =	stream.indirect.scatter.add.f32 [tilespmem:s10], [sflag:$0x1], $0x8, s16, s13, $0xb8;
	[tilespmem:$0x3FA8] =	vst v63  }
.Ltmp0:
0x20: {  	_ = 	snop;
	(pc) =	sbr.rel @p0 .LBB2_2-.Ltmp0, $4  }
0x21: {  	_ = 	snop  }
0x22: {  	s15 =	sadd.s32 $0x200, s15  }
0x23: {  	_ =	swait.ge [sflag:s9], $0x3E8  }
0x24: {  	[sflag:s9] =	ssyncset.done $0x0  }
0x25: {  	s14 =	sadd.s32 $0x1, s14  }
0x26: {  	[sflag:s9] =	ssyncadd.s32 $0xFFFFFC18;
	p0 =	sne.s32 s14, s8  }
.Ltmp1:
0x27: {  	[bflag:$0x0] =	sbarrier.arrive $0xFFFF;
	(pc) =	sbr.rel @p0 .LBB2_1-.Ltmp1, $4  }
0x28: {  	[hbm:s7], [sflag:s11] =	dma.local [spmem:s12], $0x278  }
0x29: {  	_ =	swait.ge [sflag:s9], $0x278  }
0x2a: {  	[sflag:s9] =	ssyncset.done $0x0  }
0x2b: {  	[sflag:s9] =	ssyncadd.s32 $0xFFFFFD88  }
0x2c: {  	_ =	sfence.sel $0x180000  }
0x2d: {  	[bflag:$0x0] =	sbarrier.arrive $0xFFFF  }
0x2e: {  	p0 =	sne.s32 s0, $0x0;
	_ =	strace $0x90000047  }
0x2f: {  	s0 =	sadd.s32 @!p0 $0x100000, s1;
	[bflag:$0x2] =	sbarrier.arrive $0xFFFF  }
0x30: {  	[sflag:s0] =	ssyncadd.tile.s32 @!p0 $0x1;
	_ =	shalt  }
.Lfunc_end2:
_tile_overlayer_lowered:
.L_overlay_start_2:
0x31: {  	(tag) =	ssettag $0x2  }
0x32: {  	s0 =	rddreg [dreg:$0x0];
	s2 =	stileid.u32  }
0x33: {  	s1 =	rddreg [dreg:$0x1];
	p0 =	sne.s32 s2, $0x0  }
0x34: {  	s3 =	rddreg [dreg:$0x2];
	[bflag:$0x3] =	sbarrier.arrive $0xFFFF;
	s2 =	simm.s32 @!p0 $0x1C01  }
0x35: {  	[timem:s3], [sflag:s2] =	dma.local @!p0 [hbm:s0], s1  }
0x36: {  	s0 =	simm.s32 @!p0 $0x1  }
0x37: {  	_ =	swait.ge @!p0 [sflag:s0], s1  }
0x38: {  	s1 =	ssub.s32 @!p0 $0x0, s1;
	[sflag:s0] =	ssyncset.done @!p0 $0x0  }
0x39: {  	[sflag:s0] =	ssyncadd.s32 @!p0 s1  }
0x3a: {  	[bflag:$0x3] =	sbarrier.arrive $0xFFFF  }
0x3b: {  	_ =	shalt  }

// kernel: kernel.17.cloned.1.call-start
scs
__scs_entry_jumppad:
0x0: {  	(pc) =	sbr.rel $0x88, $3  }
0x1: {  	(tag) =	ssettag $0x0;
	lr =	simm.s32 $0x1  }
0x2: {  	[smem:$0x3F97] =	sst lr;
	_ =	strace $0xD0000000  }
0x3: {  	_ = 	snop  }
0x4: {  	_ = 	snop  }
0x5: {  	_ = 	snop  }
0x6: {  	_ = 	snop  }
0x7: {  	_ = 	snop  }
__scs_overlays_trampoline_lowered:
0x8: {  	[smem:$0x3FA6] =	sst s0  }
0x9: {  	[smem:$0x3FA7] =	sst s1  }
0xa: {  	[smem:$0x3FA8] =	sst s2  }
0xb: {  	[smem:$0x3FA9] =	sst s3  }
0xc: {  	[smem:$0x3FAA] =	sst s4  }
0xd: {  	[smem:$0x3FAB] =	sst s5  }
0xe: {  	[smem:$0x3FAC] =	sst s6  }
0xf: {  	[smem:$0x3FAD] =	sst s7  }
0x10: {  	[smem:$0x3FAE] =	sst s8  }
0x11: {  	[smem:$0x3FAF] =	sst s9;
	s0 =	simm.s32 @!p0 $0x0  }
0x12: {  	s1 =	sld [smem:$0x3F95];
	s0 =	simm.s32 @p0 $0x1  }
0x13: {  	[smem:$0x3FB0] =	sst s0;
	s0 =	simm.s32 @!p1 $0x0  }
0x14: {  	s2 =	sld [smem:$0x3F94];
	s0 =	simm.s32 @p1 $0x1  }
0x15: {  	[smem:$0x3FB1] =	sst s0;
	s0 =	simm.s32 @!p2 $0x0  }
0x16: {  	s3 =	sld [smem:$0x3FDB];
	s0 =	simm.s32 @p2 $0x1  }
0x17: {  	s4 =	simm.s32 $0x1BF5;
	[smem:$0x3FB3] =	sst s0  }
0x18: {  	s0 =	sld [smem:$0x3F96];
	_ =	swait.ge [sflag:s4], $0x0  }
0x19: {  	s7 =	sld [smem:$0x3F97]  }
0x1a: {  	s8 =	sadd.s32 $0xFFFFE003, lr  }
0x1b: {  	s9 =	sadd.s32 $0xFFFFFEF7, lr;
	s5 =	simm.s32 $0xFFFFFFFF;
	p2 =	slt.u32 s8, $0xFFFFF086  }
0x1c: {  	p1 =	slt.u32 s9, $0xF7A;
	s5 =	simm.s32 @!p2 $0x0  }
0x1d: {  	s5 =	simm.s32 @p1 $0x1;
	p0 =	seq.s32 s7, s2  }
0x1e: {  	s7 =	smul.u32 @!p0 $0xF7A, s2;
	p2 =	seq.s32 @!p0 s5, $0x0  }
0x1f: {  	s9 =	smul.u32 $0xF7A, s1;
	s8 =	simm.s32 @!p0 $0x1BF5;
	p2 =	por !p2, p0  }
0x20: {  	[sflag:s8] =	ssyncset.s32 @!p0 $0xFFFFF086;
	s6 =	sadd.s32 @!p0 s3, s7;
	s7 =	simm.s32 @!p0 $0x108  }
0x21: {  	s3 =	sadd.s32 s3, s9;
	s6 =	sadd.s32 @!p0 $0x88, s6;
	s7 =	simm.s32 @p2 $0x1082  }
0x22: {  	[simem:s7], [sflag:s8] =	dma.local @!p0 [hbm:s6], $0xF7A  }
0x23: {  	s9 =	sor.u32 $0xD0000000, s2;
	s6 =	simm.s32 $0x108;
	_ =	swait.ge @!p0 [sflag:s8], $0x0  }
0x24: {  	s3 =	sadd.s32 $0x88, s3;
	s6 =	simm.s32 @!p1 $0x1082;
	[sflag:s4] =	ssyncset.s32 $0xFFFFF086  }
0x25: {  	[simem:s6], [sflag:s4] =	dma.local [hbm:s3], $0xF7A  }
0x26: {  	[smem:$0x3F97] =	sst s1;
	(tag) =	ssettag s2;
	_ =	strace s9  }
0x27: {  	s1 =	sld [smem:$0x3FA7]  }
0x28: {  	s2 =	sld [smem:$0x3FA8]  }
0x29: {  	s4 =	sld [smem:$0x3FAA]  }
0x2a: {  	p0 =	seq.s32 s5, $0x0;
	s5 =	sld [smem:$0x3FAB]  }
0x2b: {  	s6 =	sld [smem:$0x3FAC]  }
0x2c: {  	s7 =	sld [smem:$0x3FAD]  }
0x2d: {  	s3 =	simm.s32 $0x108;
	s8 =	sld [smem:$0x3FAE]  }
0x2e: {  	s3 =	simm.s32 @!p0 $0x1082;
	s9 =	sld [smem:$0x3FAF]  }
0x2f: {  	lr =	sadd.s32 s0, s3;
	s0 =	sld [smem:$0x3FA6]  }
0x30: {  	s3 =	sld [smem:$0x3FA9]  }
0x31: {  	[smem:$0x3FB2] =	sst s10  }
0x32: {  	s10 =	sld [smem:$0x3FB0];
	_ =	sdelay $0x3  }
0x33: {  	p0 =	seq.s32 s10, $0x1;
	s10 =	sld [smem:$0x3FB2];
	_ =	sdelay $0x3  }
0x34: {  	[smem:$0x3FB2] =	sst s10  }
0x35: {  	s10 =	sld [smem:$0x3FB1];
	_ =	sdelay $0x3  }
0x36: {  	p1 =	seq.s32 s10, $0x1;
	s10 =	sld [smem:$0x3FB2];
	_ =	sdelay $0x3  }
0x37: {  	[smem:$0x3FB2] =	sst s10  }
0x38: {  	s10 =	sld [smem:$0x3FB3]  }
0x39: {  	_ = 	snop;
	(pc) =	sbr.ind lr, $3  }
0x3a: {  	_ = 	snop  }
0x3b: {  	_ = 	snop  }
0x3c: {  	p2 =	seq.s32 s10, $0x1;
	s10 =	sld [smem:$0x3FB2]  }
0x3d: {  	_ =	shalt  }
0x3e: {  	_ =	shalt  }
0x3f: {  	_ =	shalt  }
0x40: {  	_ =	shalt  }
0x41: {  	_ =	shalt  }
0x42: {  	_ =	shalt  }
0x43: {  	_ =	shalt  }
0x44: {  	_ =	shalt  }
0x45: {  	_ =	shalt  }
0x46: {  	_ =	shalt  }
0x47: {  	_ =	shalt  }
0x48: {  	_ =	shalt  }
0x49: {  	_ =	shalt  }
0x4a: {  	_ =	shalt  }
0x4b: {  	_ =	shalt  }
0x4c: {  	_ =	shalt  }
0x4d: {  	_ =	shalt  }
0x4e: {  	_ =	shalt  }
0x4f: {  	_ =	shalt  }
0x50: {  	_ =	shalt  }
0x51: {  	_ =	shalt  }
0x52: {  	_ =	shalt  }
0x53: {  	_ =	shalt  }
0x54: {  	_ =	shalt  }
0x55: {  	_ =	shalt  }
0x56: {  	_ =	shalt  }
0x57: {  	_ =	shalt  }
0x58: {  	_ =	shalt  }
0x59: {  	_ =	shalt  }
0x5a: {  	_ =	shalt  }
0x5b: {  	_ =	shalt  }
0x5c: {  	_ =	shalt  }
0x5d: {  	_ =	shalt  }
0x5e: {  	_ =	shalt  }
0x5f: {  	_ =	shalt  }
0x60: {  	_ =	shalt  }
0x61: {  	_ =	shalt  }
0x62: {  	_ =	shalt  }
0x63: {  	_ =	shalt  }
0x64: {  	_ =	shalt  }
0x65: {  	_ =	shalt  }
0x66: {  	_ =	shalt  }
0x67: {  	_ =	shalt  }
0x68: {  	_ =	shalt  }
0x69: {  	_ =	shalt  }
0x6a: {  	_ =	shalt  }
0x6b: {  	_ =	shalt  }
0x6c: {  	_ =	shalt  }
0x6d: {  	_ =	shalt  }
0x6e: {  	_ =	shalt  }
0x6f: {  	_ =	shalt  }
0x70: {  	_ =	shalt  }
0x71: {  	_ =	shalt  }
0x72: {  	_ =	shalt  }
0x73: {  	_ =	shalt  }
0x74: {  	_ =	shalt  }
0x75: {  	_ =	shalt  }
0x76: {  	_ =	shalt  }
0x77: {  	_ =	shalt  }
0x78: {  	_ =	shalt  }
0x79: {  	_ =	shalt  }
0x7a: {  	_ =	shalt  }
0x7b: {  	_ =	shalt  }
0x7c: {  	_ =	shalt  }
0x7d: {  	_ =	shalt  }
0x7e: {  	_ =	shalt  }
0x7f: {  	_ =	shalt  }
0x80: {  	_ =	shalt  }
0x81: {  	_ =	shalt  }
0x82: {  	_ =	shalt  }
0x83: {  	_ =	shalt  }
0x84: {  	_ =	shalt  }
0x85: {  	_ =	shalt  }
0x86: {  	_ =	shalt  }
0x87: {  	_ =	shalt  }
.Lfunc_end0:
.L_simem_size_0:
called_computation.1_lowered:
.L_overlay_start_0:
0x88: {  	s0 =	sld [smem:$0x3FD9]  }
0x89: {  	s1 =	sld [smem:$0x3FFE];
	_ =	sdelay $0x3  }
0x8a: {  	s0 =	sadd.s32 s1, s0  }
0x8b: {  	[smem:$0x3FBE] =	sst s0  }
0x8c: {  	_ = 	snop  }
0x8d: {  	(tm) =	ssettm $0x1  }
0x8e: {  	s15 =	sld [smem:$0x3FFB];
	_ =	sdelay $0x3  }
0x8f: {  	_ =	strace s15  }
0x90: {  	s0 =	sld [smem:$0x3FFC];
	_ =	sdelay $0x3  }
0x91: {  	_ =	strace s0  }
0x92: {  	s0 =	sld [smem:$0x3FFD];
	_ =	sdelay $0x3  }
0x93: {  	_ =	strace s0  }
0x94: {  	_ =	strace $0x8FFFFFFF  }
0x95: {  	s16 =	sld [smem:$0x3FDB];
	_ =	sdelay $0x1  }
0x96: {  	s17 =	simm.s32 $_scs_section_size  }
0x97: {  	s2 =	simm.s32 $_size__tile_overlayer_lowered;
	s3 =	simm.s32 $_tile_overlayer_lowered  }
0x98: {  	s20 =	simm.s32 $0x1BFF;
	s19 =	sshll.u32 s3, $0x1;
	s0 =	sadd.s32 s17, s16  }
0x99: {  	s4 =	simm.s32 $0x0;
	s18 =	sshll.u32 s2, $0x1;
	s2 =	sadd.s32 s19, s0  }
0x9a: {  	[timem:s4], [sflag:s20] =	dma.local [hbm:s2], s18  }
0x9b: {  	_ =	swait.ge [sflag:s20], s18  }
0x9c: {  	s1 =	ssub.s32 $0x0, s18;
	[sflag:s20] =	ssyncset.done $0x0  }
0x9d: {  	[sflag:s20] =	ssyncadd.s32 s1;
	_ =	sdelay $0x1  }
0x9e: {  	s21 =	simm.s32 $0x1B8B  }
0x9f: {  	_ =	swait.ge [sflag:s21], $0x1  }
0xa0: {  	[sflag:s21] =	ssyncset.done $0x0  }
0xa1: {  	s23 =	simm.s32 $0x1B8E;
	s22 =	sld [smem:$0x3FFE];
	[sflag:s21] =	ssyncadd.s32 $0xFFFFFFFF  }
0xa2: {  	s24 =	simm.s32 $execute0_lowered;
	[smem:$0x3FD2] =	sst s23  }
0xa3: {  	s2 =	sshll.u32 s24, $0x1;
	_ =	strace $0x8000004C;
	[dreg:$0x1] =	wrdreg $0xFFFFFFFF  }
0xa4: {  	s25 =	simm.s32 $_size_execute0_lowered;
	s0 =	sadd.s32 s0, s2;
	[dreg:$0x0] =	wrdreg $0x0  }
0xa5: {  	s2 =	sshll.u32 s25, $0x1;
	[dreg:$0x2] =	wrdreg s0  }
0xa6: {  	[dreg:$0x3] =	wrdreg s2  }
0xa7: {  	[dreg:$0x4] =	wrdreg $0xC0  }
0xa8: {  	_ =	task [dreg:s4], $0x5FFFF  }
0xa9: {  	[dreg:$0x1] =	wrdreg $0xFFFFFFFF  }
0xaa: {  	[dreg:$0x0] =	wrdreg $0x60  }
0xab: {  	[dreg:$0x2] =	wrdreg s22  }
0xac: {  	[dreg:$0x3] =	wrdreg $0xCD000  }
0xad: {  	[dreg:$0x4] =	wrdreg $0x9  }
0xae: {  	_ =	task.clear_ibuf [dreg:s4], $0x5FFFF;
	_ =	strace $0x9000004C  }
0xaf: {  	s26 =	simm.s32 $0x9;
	_ =	strace $0x8000004E  }
0xb0: {  	_ =	swait.ge [sflag:s26], $0x1  }
0xb1: {  	[sflag:s26] =	ssyncadd.s32 $0xFFFFFFFF  }
0xb2: {  	_ =	strace $0x9000004E  }
0xb3: {  	_ =	sfence  }
0xb4: {  	s28 =	sld [smem:$0x0];
	_ =	sdelay $0x1  }
0xb5: {  	s29 =	srdreg.scid  }
0xb6: {  	s30 =	sshll.u32 s29, $0xD;
	s31 =	sshrl.u32 s29, $0x2  }
0xb7: {  	s1 =	sand.u32 $0x1, s29;
	s2 =	sand.u32 $0x4000, s30;
	s0 =	sadd.s32 s31, s28  }
0xb8: {  	s1 =	sor.u32 s2, s1;
	s0 =	sshll.u32 s0, $0x11  }
0xb9: {  	s0 =	sor.u32 s0, s1  }
0xba: {  	s0 =	sadd.s32 $0x8F2B, s0  }
0xbb: {  	[sflag:s0] =	ssyncadd.remote.s32 $0x1  }
0xbc: {  	_ =	sfence.sel $0xFFFF  }
0xbd: {  	[dreg:$0x0] =	wrdreg $0xFFFFFFFF;
	(pc) =	sbr.abs _section_cstart, $3  }
0xbe: {  	[dreg:$0x1] =	wrdreg $0xFFFFFFFF  }
0xbf: {  	_ =	task.clear_ibuf [dreg:s4], $0x2FFFF;
	_ =	strace $0x9FFFFFFF  }
0xc0: {  	(tm) =	ssettm $0x7FFFFFFF  }
0xc1: {  	_ =	shalt  }
tec
execute0_lowered:
.L_overlay_start_1:
0x0: {  	(tag) =	ssettag $0x1  }
0x1: {  	s12 =	rddreg [dreg:$0x0];
	s0 =	stileid.u32  }
0x2: {  	s2 =	rddreg [dreg:$0x1];
	s3 =	smul.u32 $0x500, s0  }
0x3: {  	s1 =	rddreg [dreg:$0x2];
	s4 =	simm.s32 $0x0  }
0x4: {  	[smem:$0x7FF] =	sst s4;
	s6 =	sadd.s32 s3, s12  }
0x5: {  	s5 =	simm.s32 $0x9;
	_ =	strace $0x8000004D;
	s3 =	sadd.s32 $0x15600, s6  }
0x6: {  	[tilespmem:s4], [sflag:$0x9] =	stream.linear.gather [hbm4b:s3+s4], $0x2800, $0x38;
	[tilespmem:$0x11C00] =	vst v63  }
0x7: {  	s7 =	smul.u32 $0x9E00, s0;
	_ =	swait.ge [sflag:s5], $0x2800  }
0x8: {  	s8 =	simm.s32 $0x2800;
	s25 =	sshll.u32 s0, $0x6;
	[sflag:s5] =	ssyncset.done $0x0  }
0x9: {  	s6 =	sadd.s32 $0x3C00, s6;
	s3 =	sshrl.u32 s7, $0x4;
	[sflag:s5] =	ssyncadd.s32 $0xFFFFD800  }
0xa: {  	[tilespmem:s8], [sflag:$0x9] =	stream.linear.gather [hbm4b:s6+s4], $0x2800, $0x38;
	[tilespmem:$0x11C00] =	vst v63  }
0xb: {  	s7 =	sshrl.u32 s7, $0x1;
	s23 =	sadd.s32 s3, s12;
	_ =	swait.ge [sflag:s5], $0x2800  }
0xc: {  	s7 =	sadd.s32 s7, s2;
	s24 =	sadd.s32 $0x1F600, s23;
	[sflag:s5] =	ssyncset.done $0x0  }
0xd: {  	s7 =	sshrl.u32 s7, $0x3;
	s6 =	sor.u32 $0x1C09, s25;
	[sflag:s5] =	ssyncadd.s32 $0xFFFFD800  }
0xe: {  	[spmem:s7], [sflag:s6] =	dma.local [hbm:s24], $0x9E0  }
0xf: {  	_ =	swait.ge [sflag:s5], $0x9E0  }
0x10: {  	[sflag:s5] =	ssyncset.done $0x0  }
0x11: {  	s9 =	simm.s32 $0x7D;
	[sflag:s5] =	ssyncadd.s32 $0xFFFFF620  }
0x12: {  	s10 =	simm.s32 $0x5000;
	s8 =	sadd.s32 $0x50600, s12;
	[bflag:$0x0] =	sbarrier.arrive $0xFFFF  }
0x13: {  	[tilespmem:s10], [sflag:$0x1] =	stream.indirect.gather [hbm4b:s8+s9], $0x20, s4, s9, $0xb8;
	[tilespmem:$0x11C00] =	vst v63  }
0x14: {  	s11 =	simm.s32 $0x80;
	s13 =	simm.s32 $0x5FA0  }
0x15: {  	[tilespmem:s13], [sflag:$0x2] =	stream.indirect.gather [hbm4b:s8+s9], $0x20, s11, s9, $0xb8;
	[tilespmem:$0x11C00] =	vst v63  }
0x16: {  	s26 =	simm.s32 $0x100;
	s11 =	simm.s32 $0x6F40  }
0x17: {  	[tilespmem:s11], [sflag:$0x3] =	stream.indirect.gather [hbm4b:s8+s9], $0x20, s26, s9, $0xb8;
	[tilespmem:$0x11C00] =	vst v63  }
0x18: {  	s28 =	simm.s32 $0x180;
	s14 =	simm.s32 $0x7EE0  }
0x19: {  	[tilespmem:s14], [sflag:$0x4] =	stream.indirect.gather [hbm4b:s8+s9], $0x20, s28, s9, $0xb8;
	[tilespmem:$0x11C00] =	vst v63  }
0x1a: {  	s29 =	simm.s32 $0x200;
	s13 =	simm.s32 $0x8E80  }
0x1b: {  	[tilespmem:s13], [sflag:$0x5] =	stream.indirect.gather [hbm4b:s8+s9], $0x20, s29, s9, $0xb8;
	[tilespmem:$0x11C00] =	vst v63  }
0x1c: {  	s30 =	simm.s32 $0x280;
	s15 =	simm.s32 $0x9E20;
	s31 =	simm.s32 $0x300  }
0x1d: {  	[tilespmem:s15], [sflag:$0x6] =	stream.indirect.gather [hbm4b:s8+s9], $0x20, s30, s9, $0xb8;
	[tilespmem:$0x11C00] =	vst v63  }
0x1e: {  	s16 =	simm.s32 $0x380;
	s17 =	simm.s32 $0x3;
	s14 =	simm.s32 $0xADC0  }
0x1f: {  	[tilespmem:s14], [sflag:$0x7] =	stream.indirect.gather [hbm4b:s8+s9], $0x20, s31, s9, $0xb8;
	[tilespmem:$0x11C00] =	vst v63  }
0x20: {  	s18 =	simm.s32 $0x5;
	s19 =	simm.s32 $0x7;
	s15 =	simm.s32 $0xBD60  }
0x21: {  	[tilespmem:s15], [sflag:$0x8] =	stream.indirect.gather [hbm4b:s8+s9], $0x20, s16, s9, $0xb8;
	[tilespmem:$0x11C00] =	vst v63  }
0x22: {  	s20 =	simm.s32 $0x8;
	s12 =	sadd.s32 $0x64200, s12;
	s16 =	simm.s32 $0x1  }
.LBB2_1:
0x23: {  	_ =	swait.ge [sflag:s16], $0xFA0  }
0x24: {  	s21 =	sshra.s32 s4, $0x2;
	[sflag:s16] =	ssyncset.done $0x0  }
0x25: {  	s22 =	sadd.s32 $0x2800, s21;
	[sflag:s16] =	ssyncadd.s32 $0xFFFFF060  }
0x26: {  	[spmem:s2] =	stream.indirect.scatter.add.bf16 [tilespmem:s10], [sflag:$0x9], $0x20, s22, s9, $0xb8;
	[tilespmem:$0x11C00] =	vst v63  }
0x27: {  	_ =	swait.ge [sflag:s5], $0xFA0  }
0x28: {  	p0 =	seq.s32 s4, $0x9000;
	[sflag:s5] =	ssyncset.done $0x0  }
0x29: {  	s22 =	simm.s32 @p0 $0x2;
	[sflag:s5] =	ssyncadd.s32 $0xFFFFF060  }
0x2a: {  	s24 =	sshra.s32 @p0 s4, $0x2;
	_ =	swait.ge @p0 [sflag:s22], $0xFA0  }
0x2b: {  	s25 =	simm.s32 @p0 $0x7D;
	s23 =	simm.s32 @p0 $0x5FA0;
	[sflag:s22] =	ssyncset.done @p0 $0x0  }
0x2c: {  	s26 =	simm.s32 @p0 $0x9;
	[sflag:s22] =	ssyncadd.s32 @p0 $0xFFFFF060;
	s22 =	sadd.s32 @p0 $0x2880, s24  }
0x2d: {  	[spmem:s2] =	stream.indirect.scatter.add.bf16 @p0 [tilespmem:s23], [sflag:$0x9], $0x20, s22, s25, $0xb8;
	[tilespmem:$0x11C00] =	vst v63  }
0x2e: {  	_ =	swait.ge @p0 [sflag:s26], $0xFA0  }
0x2f: {  	s29 =	simm.s32 @!p0 $0x5000;
	s22 =	sshra.s32 @!p0 s4, $0x2;
	[sflag:s26] =	ssyncset.done @p0 $0x0  }
0x30: {  	s23 =	simm.s32 @!p0 $0x7D;
	s28 =	sadd.s32 @!p0 $0x400, s22;
	[sflag:s26] =	ssyncadd.s32 @p0 $0xFFFFF060  }
0x31: {  	[tilespmem:s29], [sflag:$0x1] =	stream.indirect.gather @!p0 [hbm4b:s8+s23], $0x20, s28, s23, $0xb8;
	[tilespmem:$0x11C00] =	vst v63  }
0x32: {  	s28 =	simm.s32 @!p0 $0x2  }
0x33: {  	_ =	swait.ge @!p0 [sflag:s28], $0xFA0  }
0x34: {  	[sflag:s28] =	ssyncset.done @!p0 $0x0  }
0x35: {  	s29 =	simm.s32 @!p0 $0x5FA0;
	[sflag:s28] =	ssyncadd.s32 @!p0 $0xFFFFF060;
	s28 =	sadd.s32 @!p0 $0x2880, s22  }
0x36: {  	[spmem:s2] =	stream.indirect.scatter.add.bf16 @!p0 [tilespmem:s29], [sflag:$0x9], $0x20, s28, s23, $0xb8;
	[tilespmem:$0x11C00] =	vst v63  }
0x37: {  	s28 =	simm.s32 @!p0 $0x9  }
0x38: {  	_ =	swait.ge @!p0 [sflag:s28], $0xFA0  }
0x39: {  	[sflag:s28] =	ssyncset.done @!p0 $0x0  }
0x3a: {  	s30 =	sadd.s32 @!p0 $0x480, s22;
	[sflag:s28] =	ssyncadd.s32 @!p0 $0xFFFFF060  }
0x3b: {  	[tilespmem:s29], [sflag:$0x2] =	stream.indirect.gather @!p0 [hbm4b:s8+s23], $0x20, s30, s23, $0xb8;
	[tilespmem:$0x11C00] =	vst v63  }
0x3c: {  	_ =	swait.ge [sflag:s17], $0xFA0  }
0x3d: {  	[sflag:s17] =	ssyncset.done $0x0  }
0x3e: {  	s31 =	sadd.s32 $0x2900, s21;
	[sflag:s17] =	ssyncadd.s32 $0xFFFFF060  }
0x3f: {  	[spmem:s2] =	stream.indirect.scatter.add.bf16 [tilespmem:s11], [sflag:$0x9], $0x20, s31, s9, $0xb8;
	[tilespmem:$0x11C00] =	vst v63  }
0x40: {  	_ =	swait.ge [sflag:s5], $0xFA0  }
0x41: {  	[sflag:s5] =	ssyncset.done $0x0  }
0x42: {  	s29 =	simm.s32 @p0 $0x4;
	[sflag:s5] =	ssyncadd.s32 $0xFFFFF060  }
0x43: {  	_ =	swait.ge @p0 [sflag:s29], $0xFA0  }
0x44: {  	[sflag:s29] =	ssyncset.done @p0 $0x0  }
0x45: {  	s30 =	simm.s32 @p0 $0x7EE0;
	[sflag:s29] =	ssyncadd.s32 @p0 $0xFFFFF060;
	s29 =	sadd.s32 @p0 $0x2980, s24  }
0x46: {  	[spmem:s2] =	stream.indirect.scatter.add.bf16 @p0 [tilespmem:s30], [sflag:$0x9], $0x20, s29, s25, $0xb8;
	[tilespmem:$0x11C00] =	vst v63  }
0x47: {  	_ =	swait.ge @p0 [sflag:s26], $0xFA0  }
0x48: {  	[sflag:s26] =	ssyncset.done @p0 $0x0  }
0x49: {  	s29 =	sadd.s32 @!p0 $0x500, s22;
	s30 =	simm.s32 @!p0 $0x6F40;
	[sflag:s26] =	ssyncadd.s32 @p0 $0xFFFFF060  }
0x4a: {  	[tilespmem:s30], [sflag:$0x3] =	stream.indirect.gather @!p0 [hbm4b:s8+s23], $0x20, s29, s23, $0xb8;
	[tilespmem:$0x11C00] =	vst v63  }
0x4b: {  	s29 =	simm.s32 @!p0 $0x4  }
0x4c: {  	_ =	swait.ge @!p0 [sflag:s29], $0xFA0  }
0x4d: {  	[sflag:s29] =	ssyncset.done @!p0 $0x0  }
0x4e: {  	s30 =	simm.s32 @!p0 $0x7EE0;
	[sflag:s29] =	ssyncadd.s32 @!p0 $0xFFFFF060;
	s29 =	sadd.s32 @!p0 $0x2980, s22  }
0x4f: {  	[spmem:s2] =	stream.indirect.scatter.add.bf16 @!p0 [tilespmem:s30], [sflag:$0x9], $0x20, s29, s23, $0xb8;
	[tilespmem:$0x11C00] =	vst v63  }
0x50: {  	_ =	swait.ge @!p0 [sflag:s28], $0xFA0  }
0x51: {  	[sflag:s28] =	ssyncset.done @!p0 $0x0  }
0x52: {  	s29 =	sadd.s32 @!p0 $0x580, s22;
	[sflag:s28] =	ssyncadd.s32 @!p0 $0xFFFFF060  }
0x53: {  	[tilespmem:s30], [sflag:$0x4] =	stream.indirect.gather @!p0 [hbm4b:s8+s23], $0x20, s29, s23, $0xb8;
	[tilespmem:$0x11C00] =	vst v63  }
0x54: {  	_ =	swait.ge [sflag:s18], $0xFA0  }
0x55: {  	[sflag:s18] =	ssyncset.done $0x0  }
0x56: {  	s30 =	sadd.s32 $0x2A00, s21;
	[sflag:s18] =	ssyncadd.s32 $0xFFFFF060  }
0x57: {  	[spmem:s2] =	stream.indirect.scatter.add.bf16 [tilespmem:s13], [sflag:$0x9], $0x20, s30, s9, $0xb8;
	[tilespmem:$0x11C00] =	vst v63  }
0x58: {  	_ =	swait.ge [sflag:s5], $0xFA0  }
0x59: {  	[sflag:s5] =	ssyncset.done $0x0  }
0x5a: {  	s29 =	simm.s32 @p0 $0x6;
	[sflag:s5] =	ssyncadd.s32 $0xFFFFF060  }
0x5b: {  	_ =	swait.ge @p0 [sflag:s29], $0xFA0  }
0x5c: {  	[sflag:s29] =	ssyncset.done @p0 $0x0  }
0x5d: {  	s24 =	sadd.s32 @p0 $0x2A80, s24;
	[sflag:s29] =	ssyncadd.s32 @p0 $0xFFFFF060;
	s29 =	simm.s32 @p0 $0x9E20  }
0x5e: {  	[spmem:s2] =	stream.indirect.scatter.add.bf16 @p0 [tilespmem:s29], [sflag:$0x9], $0x20, s24, s25, $0xb8;
	[tilespmem:$0x11C00] =	vst v63  }
0x5f: {  	_ =	swait.ge @p0 [sflag:s26], $0xFA0  }
0x60: {  	[sflag:s26] =	ssyncset.done @p0 $0x0  }
0x61: {  	s24 =	sadd.s32 @!p0 $0x600, s22;
	s25 =	simm.s32 @!p0 $0x8E80;
	[sflag:s26] =	ssyncadd.s32 @p0 $0xFFFFF060  }
0x62: {  	[tilespmem:s25], [sflag:$0x5] =	stream.indirect.gather @!p0 [hbm4b:s8+s23], $0x20, s24, s23, $0xb8;
	[tilespmem:$0x11C00] =	vst v63  }
0x63: {  	s24 =	simm.s32 @!p0 $0x6  }
0x64: {  	_ =	swait.ge @!p0 [sflag:s24], $0xFA0  }
0x65: {  	[sflag:s24] =	ssyncset.done @!p0 $0x0  }
0x66: {  	s25 =	simm.s32 @!p0 $0x9E20;
	[sflag:s24] =	ssyncadd.s32 @!p0 $0xFFFFF060;
	s24 =	sadd.s32 @!p0 $0x2A80, s22  }
0x67: {  	[spmem:s2] =	stream.indirect.scatter.add.bf16 @!p0 [tilespmem:s25], [sflag:$0x9], $0x20, s24, s23, $0xb8;
	[tilespmem:$0x11C00] =	vst v63  }
0x68: {  	_ =	swait.ge @!p0 [sflag:s28], $0xFA0  }
0x69: {  	[sflag:s28] =	ssyncset.done @!p0 $0x0  }
0x6a: {  	s22 =	sadd.s32 @!p0 $0x680, s22;
	[sflag:s28] =	ssyncadd.s32 @!p0 $0xFFFFF060  }
0x6b: {  	[tilespmem:s25], [sflag:$0x6] =	stream.indirect.gather @!p0 [hbm4b:s8+s23], $0x20, s22, s23, $0xb8;
	[tilespmem:$0x11C00] =	vst v63  }
0x6c: {  	_ =	swait.ge [sflag:s19], $0xFA0  }
0x6d: {  	[sflag:s19] =	ssyncset.done $0x0  }
.Ltmp0:
0x6e: {  	s31 =	sadd.s32 $0x2B00, s21;
	[sflag:s19] =	ssyncadd.s32 $0xFFFFF060;
	(pc) =	sbr.rel @p0 .LBB2_3-.Ltmp0, $4  }
0x6f: {  	[spmem:s2] =	stream.indirect.scatter.add.bf16 [tilespmem:s14], [sflag:$0x9], $0x20, s31, s9, $0xb8;
	[tilespmem:$0x11C00] =	vst v63  }
0x70: {  	_ =	swait.ge [sflag:s5], $0xFA0  }
0x71: {  	[sflag:s5] =	ssyncset.done $0x0  }
0x72: {  	[sflag:s5] =	ssyncadd.s32 $0xFFFFF060  }
0x73: {  	s22 =	sadd.s32 $0x700, s21  }
0x74: {  	[tilespmem:s14], [sflag:$0x7] =	stream.indirect.gather [hbm4b:s8+s9], $0x20, s22, s9, $0xb8;
	[tilespmem:$0x11C00] =	vst v63  }
0x75: {  	_ =	swait.ge [sflag:s20], $0xFA0  }
0x76: {  	[sflag:s20] =	ssyncset.done $0x0  }
0x77: {  	s30 =	sadd.s32 $0x2B80, s21;
	[sflag:s20] =	ssyncadd.s32 $0xFFFFF060  }
0x78: {  	[spmem:s2] =	stream.indirect.scatter.add.bf16 [tilespmem:s15], [sflag:$0x9], $0x20, s30, s9, $0xb8;
	[tilespmem:$0x11C00] =	vst v63  }
.Ltmp1:
0x79: {  	_ = 	snop;
	(pc) =	sbr.rel .LBB2_1-.Ltmp1, $4  }
0x7a: {  	_ =	swait.ge [sflag:s5], $0xFA0  }
0x7b: {  	[sflag:s5] =	ssyncset.done $0x0  }
0x7c: {  	s31 =	sadd.s32 $0x780, s21;
	s4 =	sadd.s32 $0x1000, s4;
	[sflag:s5] =	ssyncadd.s32 $0xFFFFF060  }
0x7d: {  	[tilespmem:s15], [sflag:$0x8] =	stream.indirect.gather [hbm4b:s8+s9], $0x20, s31, s9, $0xb8;
	[tilespmem:$0x11C00] =	vst v63  }
.LBB2_3:
0x7e: {  	s4 =	simm.s32 $0x8  }
0x7f: {  	_ =	swait.ge [sflag:s4], $0xFA0  }
0x80: {  	s30 =	sadd.s32 $0x2B80, s21;
	s5 =	simm.s32 $0x7D;
	[sflag:s4] =	ssyncset.done $0x0  }
0x81: {  	s8 =	simm.s32 $0xBD60;
	s31 =	simm.s32 $0x9;
	[sflag:s4] =	ssyncadd.s32 $0xFFFFF060  }
0x82: {  	[spmem:s2] =	stream.indirect.scatter.add.bf16 [tilespmem:s8], [sflag:$0x9], $0x20, s30, s5, $0xb8;
	[tilespmem:$0x11C00] =	vst v63  }
0x83: {  	_ =	swait.ge [sflag:s31], $0xFA0  }
0x84: {  	[sflag:s31] =	ssyncset.done $0x0  }
0x85: {  	[sflag:s31] =	ssyncadd.s32 $0xFFFFF060  }
0x86: {  	s3 =	sadd.s32 s12, s3;
	[bflag:$0x0] =	sbarrier.arrive $0xFFFF  }
0x87: {  	[hbm:s3], [sflag:s6] =	dma.local [spmem:s7], $0x9E0  }
0x88: {  	_ =	swait.ge [sflag:s31], $0x9E0  }
0x89: {  	[sflag:s31] =	ssyncset.done $0x0  }
0x8a: {  	[sflag:s31] =	ssyncadd.s32 $0xFFFFF620  }
0x8b: {  	_ =	sfence.sel $0x180000  }
0x8c: {  	[bflag:$0x0] =	sbarrier.arrive $0xFFFF  }
0x8d: {  	p0 =	sne.s32 s0, $0x0;
	_ =	strace $0x9000004D  }
0x8e: {  	s0 =	sadd.s32 @!p0 $0x100000, s1;
	[bflag:$0x2] =	sbarrier.arrive $0xFFFF  }
0x8f: {  	[sflag:s0] =	ssyncadd.tile.s32 @!p0 $0x1;
	_ =	shalt  }
.Lfunc_end2:
_tile_overlayer_lowered:
.L_overlay_start_2:
0x90: {  	(tag) =	ssettag $0x2  }
0x91: {  	s0 =	rddreg [dreg:$0x0];
	s2 =	stileid.u32  }
0x92: {  	s1 =	rddreg [dreg:$0x1];
	p0 =	sne.s32 s2, $0x0  }
0x93: {  	s3 =	rddreg [dreg:$0x2];
	[bflag:$0x3] =	sbarrier.arrive $0xFFFF;
	s2 =	simm.s32 @!p0 $0x1C09  }
0x94: {  	[timem:s3], [sflag:s2] =	dma.local @!p0 [hbm:s0], s1  }
0x95: {  	s0 =	simm.s32 @!p0 $0x9  }
0x96: {  	_ =	swait.ge @!p0 [sflag:s0], s1  }
0x97: {  	s1 =	ssub.s32 @!p0 $0x0, s1;
	[sflag:s0] =	ssyncset.done @!p0 $0x0  }
0x98: {  	[sflag:s0] =	ssyncadd.s32 @!p0 s1  }
0x99: {  	[bflag:$0x3] =	sbarrier.arrive $0xFFFF  }
0x9a: {  	_ =	shalt  }

// kernel: kernel.20.cloned.1.call-start
scs
__scs_entry_jumppad:
0x0: {  	(pc) =	sbr.rel $0x88, $3  }
0x1: {  	(tag) =	ssettag $0x0;
	lr =	simm.s32 $0x1  }
0x2: {  	[smem:$0x3F97] =	sst lr;
	_ =	strace $0xD0000000  }
0x3: {  	_ = 	snop  }
0x4: {  	_ = 	snop  }
0x5: {  	_ = 	snop  }
0x6: {  	_ = 	snop  }
0x7: {  	_ = 	snop  }
__scs_overlays_trampoline_lowered:
0x8: {  	[smem:$0x3FA6] =	sst s0  }
0x9: {  	[smem:$0x3FA7] =	sst s1  }
0xa: {  	[smem:$0x3FA8] =	sst s2  }
0xb: {  	[smem:$0x3FA9] =	sst s3  }
0xc: {  	[smem:$0x3FAA] =	sst s4  }
0xd: {  	[smem:$0x3FAB] =	sst s5  }
0xe: {  	[smem:$0x3FAC] =	sst s6  }
0xf: {  	[smem:$0x3FAD] =	sst s7  }
0x10: {  	[smem:$0x3FAE] =	sst s8  }
0x11: {  	[smem:$0x3FAF] =	sst s9;
	s0 =	simm.s32 @!p0 $0x0  }
0x12: {  	s1 =	sld [smem:$0x3F95];
	s0 =	simm.s32 @p0 $0x1  }
0x13: {  	[smem:$0x3FB0] =	sst s0;
	s0 =	simm.s32 @!p1 $0x0  }
0x14: {  	s2 =	sld [smem:$0x3F94];
	s0 =	simm.s32 @p1 $0x1  }
0x15: {  	[smem:$0x3FB1] =	sst s0;
	s0 =	simm.s32 @!p2 $0x0  }
0x16: {  	s3 =	sld [smem:$0x3FDB];
	s0 =	simm.s32 @p2 $0x1  }
0x17: {  	s4 =	simm.s32 $0x1BF5;
	[smem:$0x3FB3] =	sst s0  }
0x18: {  	s0 =	sld [smem:$0x3F96];
	_ =	swait.ge [sflag:s4], $0x0  }
0x19: {  	s7 =	sld [smem:$0x3F97]  }
0x1a: {  	s8 =	sadd.s32 $0xFFFFE003, lr  }
0x1b: {  	s9 =	sadd.s32 $0xFFFFFEF7, lr;
	s5 =	simm.s32 $0xFFFFFFFF;
	p2 =	slt.u32 s8, $0xFFFFF086  }
0x1c: {  	p1 =	slt.u32 s9, $0xF7A;
	s5 =	simm.s32 @!p2 $0x0  }
0x1d: {  	s5 =	simm.s32 @p1 $0x1;
	p0 =	seq.s32 s7, s2  }
0x1e: {  	s7 =	smul.u32 @!p0 $0xF7A, s2;
	p2 =	seq.s32 @!p0 s5, $0x0  }
0x1f: {  	s9 =	smul.u32 $0xF7A, s1;
	s8 =	simm.s32 @!p0 $0x1BF5;
	p2 =	por !p2, p0  }
0x20: {  	[sflag:s8] =	ssyncset.s32 @!p0 $0xFFFFF086;
	s6 =	sadd.s32 @!p0 s3, s7;
	s7 =	simm.s32 @!p0 $0x108  }
0x21: {  	s3 =	sadd.s32 s3, s9;
	s6 =	sadd.s32 @!p0 $0x88, s6;
	s7 =	simm.s32 @p2 $0x1082  }
0x22: {  	[simem:s7], [sflag:s8] =	dma.local @!p0 [hbm:s6], $0xF7A  }
0x23: {  	s9 =	sor.u32 $0xD0000000, s2;
	s6 =	simm.s32 $0x108;
	_ =	swait.ge @!p0 [sflag:s8], $0x0  }
0x24: {  	s3 =	sadd.s32 $0x88, s3;
	s6 =	simm.s32 @!p1 $0x1082;
	[sflag:s4] =	ssyncset.s32 $0xFFFFF086  }
0x25: {  	[simem:s6], [sflag:s4] =	dma.local [hbm:s3], $0xF7A  }
0x26: {  	[smem:$0x3F97] =	sst s1;
	(tag) =	ssettag s2;
	_ =	strace s9  }
0x27: {  	s1 =	sld [smem:$0x3FA7]  }
0x28: {  	s2 =	sld [smem:$0x3FA8]  }
0x29: {  	s4 =	sld [smem:$0x3FAA]  }
0x2a: {  	p0 =	seq.s32 s5, $0x0;
	s5 =	sld [smem:$0x3FAB]  }
0x2b: {  	s6 =	sld [smem:$0x3FAC]  }
0x2c: {  	s7 =	sld [smem:$0x3FAD]  }
0x2d: {  	s3 =	simm.s32 $0x108;
	s8 =	sld [smem:$0x3FAE]  }
0x2e: {  	s3 =	simm.s32 @!p0 $0x1082;
	s9 =	sld [smem:$0x3FAF]  }
0x2f: {  	lr =	sadd.s32 s0, s3;
	s0 =	sld [smem:$0x3FA6]  }
0x30: {  	s3 =	sld [smem:$0x3FA9]  }
0x31: {  	[smem:$0x3FB2] =	sst s10  }
0x32: {  	s10 =	sld [smem:$0x3FB0];
	_ =	sdelay $0x3  }
0x33: {  	p0 =	seq.s32 s10, $0x1;
	s10 =	sld [smem:$0x3FB2];
	_ =	sdelay $0x3  }
0x34: {  	[smem:$0x3FB2] =	sst s10  }
0x35: {  	s10 =	sld [smem:$0x3FB1];
	_ =	sdelay $0x3  }
0x36: {  	p1 =	seq.s32 s10, $0x1;
	s10 =	sld [smem:$0x3FB2];
	_ =	sdelay $0x3  }
0x37: {  	[smem:$0x3FB2] =	sst s10  }
0x38: {  	s10 =	sld [smem:$0x3FB3]  }
0x39: {  	_ = 	snop;
	(pc) =	sbr.ind lr, $3  }
0x3a: {  	_ = 	snop  }
0x3b: {  	_ = 	snop  }
0x3c: {  	p2 =	seq.s32 s10, $0x1;
	s10 =	sld [smem:$0x3FB2]  }
0x3d: {  	_ =	shalt  }
0x3e: {  	_ =	shalt  }
0x3f: {  	_ =	shalt  }
0x40: {  	_ =	shalt  }
0x41: {  	_ =	shalt  }
0x42: {  	_ =	shalt  }
0x43: {  	_ =	shalt  }
0x44: {  	_ =	shalt  }
0x45: {  	_ =	shalt  }
0x46: {  	_ =	shalt  }
0x47: {  	_ =	shalt  }
0x48: {  	_ =	shalt  }
0x49: {  	_ =	shalt  }
0x4a: {  	_ =	shalt  }
0x4b: {  	_ =	shalt  }
0x4c: {  	_ =	shalt  }
0x4d: {  	_ =	shalt  }
0x4e: {  	_ =	shalt  }
0x4f: {  	_ =	shalt  }
0x50: {  	_ =	shalt  }
0x51: {  	_ =	shalt  }
0x52: {  	_ =	shalt  }
0x53: {  	_ =	shalt  }
0x54: {  	_ =	shalt  }
0x55: {  	_ =	shalt  }
0x56: {  	_ =	shalt  }
0x57: {  	_ =	shalt  }
0x58: {  	_ =	shalt  }
0x59: {  	_ =	shalt  }
0x5a: {  	_ =	shalt  }
0x5b: {  	_ =	shalt  }
0x5c: {  	_ =	shalt  }
0x5d: {  	_ =	shalt  }
0x5e: {  	_ =	shalt  }
0x5f: {  	_ =	shalt  }
0x60: {  	_ =	shalt  }
0x61: {  	_ =	shalt  }
0x62: {  	_ =	shalt  }
0x63: {  	_ =	shalt  }
0x64: {  	_ =	shalt  }
0x65: {  	_ =	shalt  }
0x66: {  	_ =	shalt  }
0x67: {  	_ =	shalt  }
0x68: {  	_ =	shalt  }
0x69: {  	_ =	shalt  }
0x6a: {  	_ =	shalt  }
0x6b: {  	_ =	shalt  }
0x6c: {  	_ =	shalt  }
0x6d: {  	_ =	shalt  }
0x6e: {  	_ =	shalt  }
0x6f: {  	_ =	shalt  }
0x70: {  	_ =	shalt  }
0x71: {  	_ =	shalt  }
0x72: {  	_ =	shalt  }
0x73: {  	_ =	shalt  }
0x74: {  	_ =	shalt  }
0x75: {  	_ =	shalt  }
0x76: {  	_ =	shalt  }
0x77: {  	_ =	shalt  }
0x78: {  	_ =	shalt  }
0x79: {  	_ =	shalt  }
0x7a: {  	_ =	shalt  }
0x7b: {  	_ =	shalt  }
0x7c: {  	_ =	shalt  }
0x7d: {  	_ =	shalt  }
0x7e: {  	_ =	shalt  }
0x7f: {  	_ =	shalt  }
0x80: {  	_ =	shalt  }
0x81: {  	_ =	shalt  }
0x82: {  	_ =	shalt  }
0x83: {  	_ =	shalt  }
0x84: {  	_ =	shalt  }
0x85: {  	_ =	shalt  }
0x86: {  	_ =	shalt  }
0x87: {  	_ =	shalt  }
.Lfunc_end0:
.L_simem_size_0:
called_computation.2_lowered:
.L_overlay_start_0:
0x88: {  	s0 =	sld [smem:$0x3FD9]  }
0x89: {  	s1 =	sld [smem:$0x3FFE];
	_ =	sdelay $0x3  }
0x8a: {  	s0 =	sadd.s32 s1, s0  }
0x8b: {  	[smem:$0x3FBE] =	sst s0  }
0x8c: {  	_ = 	snop  }
0x8d: {  	(tm) =	ssettm $0x1  }
0x8e: {  	s15 =	sld [smem:$0x3FFB];
	_ =	sdelay $0x3  }
0x8f: {  	_ =	strace s15  }
0x90: {  	s0 =	sld [smem:$0x3FFC];
	_ =	sdelay $0x3  }
0x91: {  	_ =	strace s0  }
0x92: {  	s0 =	sld [smem:$0x3FFD];
	_ =	sdelay $0x3  }
0x93: {  	_ =	strace s0  }
0x94: {  	_ =	strace $0x8FFFFFFF  }
0x95: {  	s16 =	sld [smem:$0x3FDB];
	_ =	sdelay $0x1  }
0x96: {  	s17 =	simm.s32 $_scs_section_size  }
0x97: {  	s2 =	simm.s32 $_size__tile_overlayer_lowered;
	s3 =	simm.s32 $_tile_overlayer_lowered  }
0x98: {  	s20 =	simm.s32 $0x1BFF;
	s19 =	sshll.u32 s3, $0x1;
	s0 =	sadd.s32 s17, s16  }
0x99: {  	s4 =	simm.s32 $0x0;
	s18 =	sshll.u32 s2, $0x1;
	s2 =	sadd.s32 s19, s0  }
0x9a: {  	[timem:s4], [sflag:s20] =	dma.local [hbm:s2], s18  }
0x9b: {  	_ =	swait.ge [sflag:s20], s18  }
0x9c: {  	s1 =	ssub.s32 $0x0, s18;
	[sflag:s20] =	ssyncset.done $0x0  }
0x9d: {  	[sflag:s20] =	ssyncadd.s32 s1;
	_ =	sdelay $0x1  }
0x9e: {  	s21 =	simm.s32 $0x1B8B  }
0x9f: {  	_ =	swait.ge [sflag:s21], $0x1  }
0xa0: {  	[sflag:s21] =	ssyncset.done $0x0  }
0xa1: {  	s23 =	simm.s32 $0x1B8E;
	s22 =	sld [smem:$0x3FFE];
	[sflag:s21] =	ssyncadd.s32 $0xFFFFFFFF  }
0xa2: {  	s24 =	simm.s32 $execute0_lowered;
	[smem:$0x3FD2] =	sst s23  }
0xa3: {  	s2 =	sshll.u32 s24, $0x1;
	_ =	strace $0x80000049;
	[dreg:$0x1] =	wrdreg $0xFFFFFFFF  }
0xa4: {  	s25 =	simm.s32 $_size_execute0_lowered;
	s0 =	sadd.s32 s0, s2;
	[dreg:$0x0] =	wrdreg $0x0  }
0xa5: {  	s2 =	sshll.u32 s25, $0x1;
	[dreg:$0x2] =	wrdreg s0  }
0xa6: {  	[dreg:$0x3] =	wrdreg s2  }
0xa7: {  	[dreg:$0x4] =	wrdreg $0xC0  }
0xa8: {  	_ =	task [dreg:s4], $0x5FFFF  }
0xa9: {  	[dreg:$0x1] =	wrdreg $0xFFFFFFFF  }
0xaa: {  	[dreg:$0x0] =	wrdreg $0x60  }
0xab: {  	[dreg:$0x2] =	wrdreg s22  }
0xac: {  	[dreg:$0x3] =	wrdreg $0xCD000  }
0xad: {  	[dreg:$0x4] =	wrdreg $0xA  }
0xae: {  	_ =	task.clear_ibuf [dreg:s4], $0x5FFFF;
	_ =	strace $0x90000049  }
0xaf: {  	s26 =	simm.s32 $0xA;
	_ =	strace $0x8000004B  }
0xb0: {  	_ =	swait.ge [sflag:s26], $0x1  }
0xb1: {  	[sflag:s26] =	ssyncadd.s32 $0xFFFFFFFF  }
0xb2: {  	_ =	strace $0x9000004B  }
0xb3: {  	_ =	sfence  }
0xb4: {  	s28 =	sld [smem:$0x0];
	_ =	sdelay $0x1  }
0xb5: {  	s29 =	srdreg.scid  }
0xb6: {  	s30 =	sshll.u32 s29, $0xD;
	s31 =	sshrl.u32 s29, $0x2  }
0xb7: {  	s1 =	sand.u32 $0x1, s29;
	s2 =	sand.u32 $0x4000, s30;
	s0 =	sadd.s32 s31, s28  }
0xb8: {  	s1 =	sor.u32 s2, s1;
	s0 =	sshll.u32 s0, $0x11  }
0xb9: {  	s0 =	sor.u32 s0, s1  }
0xba: {  	s0 =	sadd.s32 $0x8F2B, s0  }
0xbb: {  	[sflag:s0] =	ssyncadd.remote.s32 $0x1  }
0xbc: {  	_ =	sfence.sel $0xFFFF  }
0xbd: {  	[dreg:$0x0] =	wrdreg $0xFFFFFFFF;
	(pc) =	sbr.abs _section_cstart, $3  }
0xbe: {  	[dreg:$0x1] =	wrdreg $0xFFFFFFFF  }
0xbf: {  	_ =	task.clear_ibuf [dreg:s4], $0x2FFFF;
	_ =	strace $0x9FFFFFFF  }
0xc0: {  	(tm) =	ssettm $0x7FFFFFFF  }
0xc1: {  	_ =	shalt  }
tec
execute0_lowered:
.L_overlay_start_1:
0x0: {  	(tag) =	ssettag $0x1  }
0x1: {  	s0 =	stileid.u32  }
0x2: {  	s12 =	rddreg [dreg:$0x0];
	s3 =	smul.u32 $0x2800, s0  }
0x3: {  	s2 =	rddreg [dreg:$0x1]  }
0x4: {  	s1 =	rddreg [dreg:$0x2];
	s4 =	simm.s32 $0x0;
	s3 =	sshrl.u32 s3, $0x3  }
0x5: {  	[smem:$0x7FF] =	sst s4;
	s6 =	sadd.s32 s12, s3  }
0x6: {  	s5 =	simm.s32 $0x9;
	_ =	strace $0x8000004A;
	s3 =	sadd.s32 $0x1A600, s6  }
0x7: {  	[tilespmem:s4], [sflag:$0x9] =	stream.linear.gather [hbm4b:s3+s4], $0x2800, $0x38;
	[tilespmem:$0x11C00] =	vst v63  }
0x8: {  	s7 =	smul.u32 $0x9E00, s0;
	_ =	swait.ge [sflag:s5], $0x2800  }
0x9: {  	s8 =	simm.s32 $0x2800;
	s25 =	sshll.u32 s0, $0x6;
	[sflag:s5] =	ssyncset.done $0x0  }
0xa: {  	s6 =	sadd.s32 $0x8C00, s6;
	s3 =	sshrl.u32 s7, $0x4;
	[sflag:s5] =	ssyncadd.s32 $0xFFFFD800  }
0xb: {  	[tilespmem:s8], [sflag:$0x9] =	stream.linear.gather [hbm4b:s6+s4], $0x2800, $0x38;
	[tilespmem:$0x11C00] =	vst v63  }
0xc: {  	s7 =	sshrl.u32 s7, $0x1;
	s23 =	sadd.s32 s3, s12;
	_ =	swait.ge [sflag:s5], $0x2800  }
0xd: {  	s7 =	sadd.s32 s7, s2;
	s24 =	sadd.s32 $0x1F600, s23;
	[sflag:s5] =	ssyncset.done $0x0  }
0xe: {  	s7 =	sshrl.u32 s7, $0x3;
	s6 =	sor.u32 $0x1C09, s25;
	[sflag:s5] =	ssyncadd.s32 $0xFFFFD800  }
0xf: {  	[spmem:s7], [sflag:s6] =	dma.local [hbm:s24], $0x9E0  }
0x10: {  	_ =	swait.ge [sflag:s5], $0x9E0  }
0x11: {  	[sflag:s5] =	ssyncset.done $0x0  }
0x12: {  	s9 =	simm.s32 $0x7D;
	[sflag:s5] =	ssyncadd.s32 $0xFFFFF620  }
0x13: {  	s10 =	simm.s32 $0x5000;
	s8 =	sadd.s32 $0x50600, s12;
	[bflag:$0x0] =	sbarrier.arrive $0xFFFF  }
0x14: {  	[tilespmem:s10], [sflag:$0x1] =	stream.indirect.gather [hbm4b:s8+s9], $0x20, s4, s9, $0xb8;
	[tilespmem:$0x11C00] =	vst v63  }
0x15: {  	s11 =	simm.s32 $0x80;
	s13 =	simm.s32 $0x5FA0  }
0x16: {  	[tilespmem:s13], [sflag:$0x2] =	stream.indirect.gather [hbm4b:s8+s9], $0x20, s11, s9, $0xb8;
	[tilespmem:$0x11C00] =	vst v63  }
0x17: {  	s26 =	simm.s32 $0x100;
	s11 =	simm.s32 $0x6F40  }
0x18: {  	[tilespmem:s11], [sflag:$0x3] =	stream.indirect.gather [hbm4b:s8+s9], $0x20, s26, s9, $0xb8;
	[tilespmem:$0x11C00] =	vst v63  }
0x19: {  	s28 =	simm.s32 $0x180;
	s14 =	simm.s32 $0x7EE0  }
0x1a: {  	[tilespmem:s14], [sflag:$0x4] =	stream.indirect.gather [hbm4b:s8+s9], $0x20, s28, s9, $0xb8;
	[tilespmem:$0x11C00] =	vst v63  }
0x1b: {  	s29 =	simm.s32 $0x200;
	s13 =	simm.s32 $0x8E80  }
0x1c: {  	[tilespmem:s13], [sflag:$0x5] =	stream.indirect.gather [hbm4b:s8+s9], $0x20, s29, s9, $0xb8;
	[tilespmem:$0x11C00] =	vst v63  }
0x1d: {  	s30 =	simm.s32 $0x280;
	s15 =	simm.s32 $0x9E20;
	s31 =	simm.s32 $0x300  }
0x1e: {  	[tilespmem:s15], [sflag:$0x6] =	stream.indirect.gather [hbm4b:s8+s9], $0x20, s30, s9, $0xb8;
	[tilespmem:$0x11C00] =	vst v63  }
0x1f: {  	s16 =	simm.s32 $0x380;
	s17 =	simm.s32 $0x3;
	s14 =	simm.s32 $0xADC0  }
0x20: {  	[tilespmem:s14], [sflag:$0x7] =	stream.indirect.gather [hbm4b:s8+s9], $0x20, s31, s9, $0xb8;
	[tilespmem:$0x11C00] =	vst v63  }
0x21: {  	s18 =	simm.s32 $0x5;
	s19 =	simm.s32 $0x7;
	s15 =	simm.s32 $0xBD60  }
0x22: {  	[tilespmem:s15], [sflag:$0x8] =	stream.indirect.gather [hbm4b:s8+s9], $0x20, s16, s9, $0xb8;
	[tilespmem:$0x11C00] =	vst v63  }
0x23: {  	s20 =	simm.s32 $0x8;
	s12 =	sadd.s32 $0x5A400, s12;
	s16 =	simm.s32 $0x1  }
.LBB2_1:
0x24: {  	_ =	swait.ge [sflag:s16], $0xFA0  }
0x25: {  	s21 =	sshra.s32 s4, $0x2;
	[sflag:s16] =	ssyncset.done $0x0  }
0x26: {  	s22 =	sadd.s32 $0x2800, s21;
	[sflag:s16] =	ssyncadd.s32 $0xFFFFF060  }
0x27: {  	[spmem:s2] =	stream.indirect.scatter.add.bf16 [tilespmem:s10], [sflag:$0x9], $0x20, s22, s9, $0xb8;
	[tilespmem:$0x11C00] =	vst v63  }
0x28: {  	_ =	swait.ge [sflag:s5], $0xFA0  }
0x29: {  	p0 =	seq.s32 s4, $0x9000;
	[sflag:s5] =	ssyncset.done $0x0  }
0x2a: {  	s22 =	simm.s32 @p0 $0x2;
	[sflag:s5] =	ssyncadd.s32 $0xFFFFF060  }
0x2b: {  	s24 =	sshra.s32 @p0 s4, $0x2;
	_ =	swait.ge @p0 [sflag:s22], $0xFA0  }
0x2c: {  	s25 =	simm.s32 @p0 $0x7D;
	s23 =	simm.s32 @p0 $0x5FA0;
	[sflag:s22] =	ssyncset.done @p0 $0x0  }
0x2d: {  	s26 =	simm.s32 @p0 $0x9;
	[sflag:s22] =	ssyncadd.s32 @p0 $0xFFFFF060;
	s22 =	sadd.s32 @p0 $0x2880, s24  }
0x2e: {  	[spmem:s2] =	stream.indirect.scatter.add.bf16 @p0 [tilespmem:s23], [sflag:$0x9], $0x20, s22, s25, $0xb8;
	[tilespmem:$0x11C00] =	vst v63  }
0x2f: {  	_ =	swait.ge @p0 [sflag:s26], $0xFA0  }
0x30: {  	s29 =	simm.s32 @!p0 $0x5000;
	s22 =	sshra.s32 @!p0 s4, $0x2;
	[sflag:s26] =	ssyncset.done @p0 $0x0  }
0x31: {  	s23 =	simm.s32 @!p0 $0x7D;
	s28 =	sadd.s32 @!p0 $0x400, s22;
	[sflag:s26] =	ssyncadd.s32 @p0 $0xFFFFF060  }
0x32: {  	[tilespmem:s29], [sflag:$0x1] =	stream.indirect.gather @!p0 [hbm4b:s8+s23], $0x20, s28, s23, $0xb8;
	[tilespmem:$0x11C00] =	vst v63  }
0x33: {  	s28 =	simm.s32 @!p0 $0x2  }
0x34: {  	_ =	swait.ge @!p0 [sflag:s28], $0xFA0  }
0x35: {  	[sflag:s28] =	ssyncset.done @!p0 $0x0  }
0x36: {  	s29 =	simm.s32 @!p0 $0x5FA0;
	[sflag:s28] =	ssyncadd.s32 @!p0 $0xFFFFF060;
	s28 =	sadd.s32 @!p0 $0x2880, s22  }
0x37: {  	[spmem:s2] =	stream.indirect.scatter.add.bf16 @!p0 [tilespmem:s29], [sflag:$0x9], $0x20, s28, s23, $0xb8;
	[tilespmem:$0x11C00] =	vst v63  }
0x38: {  	s28 =	simm.s32 @!p0 $0x9  }
0x39: {  	_ =	swait.ge @!p0 [sflag:s28], $0xFA0  }
0x3a: {  	[sflag:s28] =	ssyncset.done @!p0 $0x0  }
0x3b: {  	s30 =	sadd.s32 @!p0 $0x480, s22;
	[sflag:s28] =	ssyncadd.s32 @!p0 $0xFFFFF060  }
0x3c: {  	[tilespmem:s29], [sflag:$0x2] =	stream.indirect.gather @!p0 [hbm4b:s8+s23], $0x20, s30, s23, $0xb8;
	[tilespmem:$0x11C00] =	vst v63  }
0x3d: {  	_ =	swait.ge [sflag:s17], $0xFA0  }
0x3e: {  	[sflag:s17] =	ssyncset.done $0x0  }
0x3f: {  	s31 =	sadd.s32 $0x2900, s21;
	[sflag:s17] =	ssyncadd.s32 $0xFFFFF060  }
0x40: {  	[spmem:s2] =	stream.indirect.scatter.add.bf16 [tilespmem:s11], [sflag:$0x9], $0x20, s31, s9, $0xb8;
	[tilespmem:$0x11C00] =	vst v63  }
0x41: {  	_ =	swait.ge [sflag:s5], $0xFA0  }
0x42: {  	[sflag:s5] =	ssyncset.done $0x0  }
0x43: {  	s29 =	simm.s32 @p0 $0x4;
	[sflag:s5] =	ssyncadd.s32 $0xFFFFF060  }
0x44: {  	_ =	swait.ge @p0 [sflag:s29], $0xFA0  }
0x45: {  	[sflag:s29] =	ssyncset.done @p0 $0x0  }
0x46: {  	s30 =	simm.s32 @p0 $0x7EE0;
	[sflag:s29] =	ssyncadd.s32 @p0 $0xFFFFF060;
	s29 =	sadd.s32 @p0 $0x2980, s24  }
0x47: {  	[spmem:s2] =	stream.indirect.scatter.add.bf16 @p0 [tilespmem:s30], [sflag:$0x9], $0x20, s29, s25, $0xb8;
	[tilespmem:$0x11C00] =	vst v63  }
0x48: {  	_ =	swait.ge @p0 [sflag:s26], $0xFA0  }
0x49: {  	[sflag:s26] =	ssyncset.done @p0 $0x0  }
0x4a: {  	s29 =	sadd.s32 @!p0 $0x500, s22;
	s30 =	simm.s32 @!p0 $0x6F40;
	[sflag:s26] =	ssyncadd.s32 @p0 $0xFFFFF060  }
0x4b: {  	[tilespmem:s30], [sflag:$0x3] =	stream.indirect.gather @!p0 [hbm4b:s8+s23], $0x20, s29, s23, $0xb8;
	[tilespmem:$0x11C00] =	vst v63  }
0x4c: {  	s29 =	simm.s32 @!p0 $0x4  }
0x4d: {  	_ =	swait.ge @!p0 [sflag:s29], $0xFA0  }
0x4e: {  	[sflag:s29] =	ssyncset.done @!p0 $0x0  }
0x4f: {  	s30 =	simm.s32 @!p0 $0x7EE0;
	[sflag:s29] =	ssyncadd.s32 @!p0 $0xFFFFF060;
	s29 =	sadd.s32 @!p0 $0x2980, s22  }
0x50: {  	[spmem:s2] =	stream.indirect.scatter.add.bf16 @!p0 [tilespmem:s30], [sflag:$0x9], $0x20, s29, s23, $0xb8;
	[tilespmem:$0x11C00] =	vst v63  }
0x51: {  	_ =	swait.ge @!p0 [sflag:s28], $0xFA0  }
0x52: {  	[sflag:s28] =	ssyncset.done @!p0 $0x0  }
0x53: {  	s29 =	sadd.s32 @!p0 $0x580, s22;
	[sflag:s28] =	ssyncadd.s32 @!p0 $0xFFFFF060  }
0x54: {  	[tilespmem:s30], [sflag:$0x4] =	stream.indirect.gather @!p0 [hbm4b:s8+s23], $0x20, s29, s23, $0xb8;
	[tilespmem:$0x11C00] =	vst v63  }
0x55: {  	_ =	swait.ge [sflag:s18], $0xFA0  }
0x56: {  	[sflag:s18] =	ssyncset.done $0x0  }
0x57: {  	s30 =	sadd.s32 $0x2A00, s21;
	[sflag:s18] =	ssyncadd.s32 $0xFFFFF060  }
0x58: {  	[spmem:s2] =	stream.indirect.scatter.add.bf16 [tilespmem:s13], [sflag:$0x9], $0x20, s30, s9, $0xb8;
	[tilespmem:$0x11C00] =	vst v63  }
0x59: {  	_ =	swait.ge [sflag:s5], $0xFA0  }
0x5a: {  	[sflag:s5] =	ssyncset.done $0x0  }
0x5b: {  	s29 =	simm.s32 @p0 $0x6;
	[sflag:s5] =	ssyncadd.s32 $0xFFFFF060  }
0x5c: {  	_ =	swait.ge @p0 [sflag:s29], $0xFA0  }
0x5d: {  	[sflag:s29] =	ssyncset.done @p0 $0x0  }
0x5e: {  	s24 =	sadd.s32 @p0 $0x2A80, s24;
	[sflag:s29] =	ssyncadd.s32 @p0 $0xFFFFF060;
	s29 =	simm.s32 @p0 $0x9E20  }
0x5f: {  	[spmem:s2] =	stream.indirect.scatter.add.bf16 @p0 [tilespmem:s29], [sflag:$0x9], $0x20, s24, s25, $0xb8;
	[tilespmem:$0x11C00] =	vst v63  }
0x60: {  	_ =	swait.ge @p0 [sflag:s26], $0xFA0  }
0x61: {  	[sflag:s26] =	ssyncset.done @p0 $0x0  }
0x62: {  	s24 =	sadd.s32 @!p0 $0x600, s22;
	s25 =	simm.s32 @!p0 $0x8E80;
	[sflag:s26] =	ssyncadd.s32 @p0 $0xFFFFF060  }
0x63: {  	[tilespmem:s25], [sflag:$0x5] =	stream.indirect.gather @!p0 [hbm4b:s8+s23], $0x20, s24, s23, $0xb8;
	[tilespmem:$0x11C00] =	vst v63  }
0x64: {  	s24 =	simm.s32 @!p0 $0x6  }
0x65: {  	_ =	swait.ge @!p0 [sflag:s24], $0xFA0  }
0x66: {  	[sflag:s24] =	ssyncset.done @!p0 $0x0  }
0x67: {  	s25 =	simm.s32 @!p0 $0x9E20;
	[sflag:s24] =	ssyncadd.s32 @!p0 $0xFFFFF060;
	s24 =	sadd.s32 @!p0 $0x2A80, s22  }
0x68: {  	[spmem:s2] =	stream.indirect.scatter.add.bf16 @!p0 [tilespmem:s25], [sflag:$0x9], $0x20, s24, s23, $0xb8;
	[tilespmem:$0x11C00] =	vst v63  }
0x69: {  	_ =	swait.ge @!p0 [sflag:s28], $0xFA0  }
0x6a: {  	[sflag:s28] =	ssyncset.done @!p0 $0x0  }
0x6b: {  	s22 =	sadd.s32 @!p0 $0x680, s22;
	[sflag:s28] =	ssyncadd.s32 @!p0 $0xFFFFF060  }
0x6c: {  	[tilespmem:s25], [sflag:$0x6] =	stream.indirect.gather @!p0 [hbm4b:s8+s23], $0x20, s22, s23, $0xb8;
	[tilespmem:$0x11C00] =	vst v63  }
0x6d: {  	_ =	swait.ge [sflag:s19], $0xFA0  }
0x6e: {  	[sflag:s19] =	ssyncset.done $0x0  }
.Ltmp0:
0x6f: {  	s31 =	sadd.s32 $0x2B00, s21;
	[sflag:s19] =	ssyncadd.s32 $0xFFFFF060;
	(pc) =	sbr.rel @p0 .LBB2_3-.Ltmp0, $4  }
0x70: {  	[spmem:s2] =	stream.indirect.scatter.add.bf16 [tilespmem:s14], [sflag:$0x9], $0x20, s31, s9, $0xb8;
	[tilespmem:$0x11C00] =	vst v63  }
0x71: {  	_ =	swait.ge [sflag:s5], $0xFA0  }
0x72: {  	[sflag:s5] =	ssyncset.done $0x0  }
0x73: {  	[sflag:s5] =	ssyncadd.s32 $0xFFFFF060  }
0x74: {  	s22 =	sadd.s32 $0x700, s21  }
0x75: {  	[tilespmem:s14], [sflag:$0x7] =	stream.indirect.gather [hbm4b:s8+s9], $0x20, s22, s9, $0xb8;
	[tilespmem:$0x11C00] =	vst v63  }
0x76: {  	_ =	swait.ge [sflag:s20], $0xFA0  }
0x77: {  	[sflag:s20] =	ssyncset.done $0x0  }
0x78: {  	s30 =	sadd.s32 $0x2B80, s21;
	[sflag:s20] =	ssyncadd.s32 $0xFFFFF060  }
0x79: {  	[spmem:s2] =	stream.indirect.scatter.add.bf16 [tilespmem:s15], [sflag:$0x9], $0x20, s30, s9, $0xb8;
	[tilespmem:$0x11C00] =	vst v63  }
.Ltmp1:
0x7a: {  	_ = 	snop;
	(pc) =	sbr.rel .LBB2_1-.Ltmp1, $4  }
0x7b: {  	_ =	swait.ge [sflag:s5], $0xFA0  }
0x7c: {  	[sflag:s5] =	ssyncset.done $0x0  }
0x7d: {  	s31 =	sadd.s32 $0x780, s21;
	s4 =	sadd.s32 $0x1000, s4;
	[sflag:s5] =	ssyncadd.s32 $0xFFFFF060  }
0x7e: {  	[tilespmem:s15], [sflag:$0x8] =	stream.indirect.gather [hbm4b:s8+s9], $0x20, s31, s9, $0xb8;
	[tilespmem:$0x11C00] =	vst v63  }
.LBB2_3:
0x7f: {  	s4 =	simm.s32 $0x8  }
0x80: {  	_ =	swait.ge [sflag:s4], $0xFA0  }
0x81: {  	s30 =	sadd.s32 $0x2B80, s21;
	s5 =	simm.s32 $0x7D;
	[sflag:s4] =	ssyncset.done $0x0  }
0x82: {  	s8 =	simm.s32 $0xBD60;
	s31 =	simm.s32 $0x9;
	[sflag:s4] =	ssyncadd.s32 $0xFFFFF060  }
0x83: {  	[spmem:s2] =	stream.indirect.scatter.add.bf16 [tilespmem:s8], [sflag:$0x9], $0x20, s30, s5, $0xb8;
	[tilespmem:$0x11C00] =	vst v63  }
0x84: {  	_ =	swait.ge [sflag:s31], $0xFA0  }
0x85: {  	[sflag:s31] =	ssyncset.done $0x0  }
0x86: {  	[sflag:s31] =	ssyncadd.s32 $0xFFFFF060  }
0x87: {  	s3 =	sadd.s32 s12, s3;
	[bflag:$0x0] =	sbarrier.arrive $0xFFFF  }
0x88: {  	[hbm:s3], [sflag:s6] =	dma.local [spmem:s7], $0x9E0  }
0x89: {  	_ =	swait.ge [sflag:s31], $0x9E0  }
0x8a: {  	[sflag:s31] =	ssyncset.done $0x0  }
0x8b: {  	[sflag:s31] =	ssyncadd.s32 $0xFFFFF620  }
0x8c: {  	_ =	sfence.sel $0x180000  }
0x8d: {  	[bflag:$0x0] =	sbarrier.arrive $0xFFFF  }
0x8e: {  	p0 =	sne.s32 s0, $0x0;
	_ =	strace $0x9000004A  }
0x8f: {  	s0 =	sadd.s32 @!p0 $0x100000, s1;
	[bflag:$0x2] =	sbarrier.arrive $0xFFFF  }
0x90: {  	[sflag:s0] =	ssyncadd.tile.s32 @!p0 $0x1;
	_ =	shalt  }
.Lfunc_end2:
_tile_overlayer_lowered:
.L_overlay_start_2:
0x91: {  	(tag) =	ssettag $0x2  }
0x92: {  	s0 =	rddreg [dreg:$0x0];
	s2 =	stileid.u32  }
0x93: {  	s1 =	rddreg [dreg:$0x1];
	p0 =	sne.s32 s2, $0x0  }
0x94: {  	s3 =	rddreg [dreg:$0x2];
	[bflag:$0x3] =	sbarrier.arrive $0xFFFF;
	s2 =	simm.s32 @!p0 $0x1C09  }
0x95: {  	[timem:s3], [sflag:s2] =	dma.local @!p0 [hbm:s0], s1  }
0x96: {  	s0 =	simm.s32 @!p0 $0x9  }
0x97: {  	_ =	swait.ge @!p0 [sflag:s0], s1  }
0x98: {  	s1 =	ssub.s32 @!p0 $0x0, s1;
	[sflag:s0] =	ssyncset.done @!p0 $0x0  }
0x99: {  	[sflag:s0] =	ssyncadd.s32 @!p0 s1  }
0x9a: {  	[bflag:$0x3] =	sbarrier.arrive $0xFFFF  }
0x9b: {  	_ =	shalt  }

// kernel: kernel.23.cloned.1.call-start
scs
__scs_entry_jumppad:
0x0: {  	(pc) =	sbr.rel $0x88, $3  }
0x1: {  	(tag) =	ssettag $0x0;
	lr =	simm.s32 $0x1  }
0x2: {  	[smem:$0x3F97] =	sst lr;
	_ =	strace $0xD0000000  }
0x3: {  	_ = 	snop  }
0x4: {  	_ = 	snop  }
0x5: {  	_ = 	snop  }
0x6: {  	_ = 	snop  }
0x7: {  	_ = 	snop  }
__scs_overlays_trampoline_lowered:
0x8: {  	[smem:$0x3FA6] =	sst s0  }
0x9: {  	[smem:$0x3FA7] =	sst s1  }
0xa: {  	[smem:$0x3FA8] =	sst s2  }
0xb: {  	[smem:$0x3FA9] =	sst s3  }
0xc: {  	[smem:$0x3FAA] =	sst s4  }
0xd: {  	[smem:$0x3FAB] =	sst s5  }
0xe: {  	[smem:$0x3FAC] =	sst s6  }
0xf: {  	[smem:$0x3FAD] =	sst s7  }
0x10: {  	[smem:$0x3FAE] =	sst s8  }
0x11: {  	[smem:$0x3FAF] =	sst s9;
	s0 =	simm.s32 @!p0 $0x0  }
0x12: {  	s1 =	sld [smem:$0x3F95];
	s0 =	simm.s32 @p0 $0x1  }
0x13: {  	[smem:$0x3FB0] =	sst s0;
	s0 =	simm.s32 @!p1 $0x0  }
0x14: {  	s2 =	sld [smem:$0x3F94];
	s0 =	simm.s32 @p1 $0x1  }
0x15: {  	[smem:$0x3FB1] =	sst s0;
	s0 =	simm.s32 @!p2 $0x0  }
0x16: {  	s3 =	sld [smem:$0x3FDB];
	s0 =	simm.s32 @p2 $0x1  }
0x17: {  	s4 =	simm.s32 $0x1BF5;
	[smem:$0x3FB3] =	sst s0  }
0x18: {  	s0 =	sld [smem:$0x3F96];
	_ =	swait.ge [sflag:s4], $0x0  }
0x19: {  	s7 =	sld [smem:$0x3F97]  }
0x1a: {  	s8 =	sadd.s32 $0xFFFFE003, lr  }
0x1b: {  	s9 =	sadd.s32 $0xFFFFFEF7, lr;
	s5 =	simm.s32 $0xFFFFFFFF;
	p2 =	slt.u32 s8, $0xFFFFF086  }
0x1c: {  	p1 =	slt.u32 s9, $0xF7A;
	s5 =	simm.s32 @!p2 $0x0  }
0x1d: {  	s5 =	simm.s32 @p1 $0x1;
	p0 =	seq.s32 s7, s2  }
0x1e: {  	s7 =	smul.u32 @!p0 $0xF7A, s2;
	p2 =	seq.s32 @!p0 s5, $0x0  }
0x1f: {  	s9 =	smul.u32 $0xF7A, s1;
	s8 =	simm.s32 @!p0 $0x1BF5;
	p2 =	por !p2, p0  }
0x20: {  	[sflag:s8] =	ssyncset.s32 @!p0 $0xFFFFF086;
	s6 =	sadd.s32 @!p0 s3, s7;
	s7 =	simm.s32 @!p0 $0x108  }
0x21: {  	s3 =	sadd.s32 s3, s9;
	s6 =	sadd.s32 @!p0 $0x88, s6;
	s7 =	simm.s32 @p2 $0x1082  }
0x22: {  	[simem:s7], [sflag:s8] =	dma.local @!p0 [hbm:s6], $0xF7A  }
0x23: {  	s9 =	sor.u32 $0xD0000000, s2;
	s6 =	simm.s32 $0x108;
	_ =	swait.ge @!p0 [sflag:s8], $0x0  }
0x24: {  	s3 =	sadd.s32 $0x88, s3;
	s6 =	simm.s32 @!p1 $0x1082;
	[sflag:s4] =	ssyncset.s32 $0xFFFFF086  }
0x25: {  	[simem:s6], [sflag:s4] =	dma.local [hbm:s3], $0xF7A  }
0x26: {  	[smem:$0x3F97] =	sst s1;
	(tag) =	ssettag s2;
	_ =	strace s9  }
0x27: {  	s1 =	sld [smem:$0x3FA7]  }
0x28: {  	s2 =	sld [smem:$0x3FA8]  }
0x29: {  	s4 =	sld [smem:$0x3FAA]  }
0x2a: {  	p0 =	seq.s32 s5, $0x0;
	s5 =	sld [smem:$0x3FAB]  }
0x2b: {  	s6 =	sld [smem:$0x3FAC]  }
0x2c: {  	s7 =	sld [smem:$0x3FAD]  }
0x2d: {  	s3 =	simm.s32 $0x108;
	s8 =	sld [smem:$0x3FAE]  }
0x2e: {  	s3 =	simm.s32 @!p0 $0x1082;
	s9 =	sld [smem:$0x3FAF]  }
0x2f: {  	lr =	sadd.s32 s0, s3;
	s0 =	sld [smem:$0x3FA6]  }
0x30: {  	s3 =	sld [smem:$0x3FA9]  }
0x31: {  	[smem:$0x3FB2] =	sst s10  }
0x32: {  	s10 =	sld [smem:$0x3FB0];
	_ =	sdelay $0x3  }
0x33: {  	p0 =	seq.s32 s10, $0x1;
	s10 =	sld [smem:$0x3FB2];
	_ =	sdelay $0x3  }
0x34: {  	[smem:$0x3FB2] =	sst s10  }
0x35: {  	s10 =	sld [smem:$0x3FB1];
	_ =	sdelay $0x3  }
0x36: {  	p1 =	seq.s32 s10, $0x1;
	s10 =	sld [smem:$0x3FB2];
	_ =	sdelay $0x3  }
0x37: {  	[smem:$0x3FB2] =	sst s10  }
0x38: {  	s10 =	sld [smem:$0x3FB3]  }
0x39: {  	_ = 	snop;
	(pc) =	sbr.ind lr, $3  }
0x3a: {  	_ = 	snop  }
0x3b: {  	_ = 	snop  }
0x3c: {  	p2 =	seq.s32 s10, $0x1;
	s10 =	sld [smem:$0x3FB2]  }
0x3d: {  	_ =	shalt  }
0x3e: {  	_ =	shalt  }
0x3f: {  	_ =	shalt  }
0x40: {  	_ =	shalt  }
0x41: {  	_ =	shalt  }
0x42: {  	_ =	shalt  }
0x43: {  	_ =	shalt  }
0x44: {  	_ =	shalt  }
0x45: {  	_ =	shalt  }
0x46: {  	_ =	shalt  }
0x47: {  	_ =	shalt  }
0x48: {  	_ =	shalt  }
0x49: {  	_ =	shalt  }
0x4a: {  	_ =	shalt  }
0x4b: {  	_ =	shalt  }
0x4c: {  	_ =	shalt  }
0x4d: {  	_ =	shalt  }
0x4e: {  	_ =	shalt  }
0x4f: {  	_ =	shalt  }
0x50: {  	_ =	shalt  }
0x51: {  	_ =	shalt  }
0x52: {  	_ =	shalt  }
0x53: {  	_ =	shalt  }
0x54: {  	_ =	shalt  }
0x55: {  	_ =	shalt  }
0x56: {  	_ =	shalt  }
0x57: {  	_ =	shalt  }
0x58: {  	_ =	shalt  }
0x59: {  	_ =	shalt  }
0x5a: {  	_ =	shalt  }
0x5b: {  	_ =	shalt  }
0x5c: {  	_ =	shalt  }
0x5d: {  	_ =	shalt  }
0x5e: {  	_ =	shalt  }
0x5f: {  	_ =	shalt  }
0x60: {  	_ =	shalt  }
0x61: {  	_ =	shalt  }
0x62: {  	_ =	shalt  }
0x63: {  	_ =	shalt  }
0x64: {  	_ =	shalt  }
0x65: {  	_ =	shalt  }
0x66: {  	_ =	shalt  }
0x67: {  	_ =	shalt  }
0x68: {  	_ =	shalt  }
0x69: {  	_ =	shalt  }
0x6a: {  	_ =	shalt  }
0x6b: {  	_ =	shalt  }
0x6c: {  	_ =	shalt  }
0x6d: {  	_ =	shalt  }
0x6e: {  	_ =	shalt  }
0x6f: {  	_ =	shalt  }
0x70: {  	_ =	shalt  }
0x71: {  	_ =	shalt  }
0x72: {  	_ =	shalt  }
0x73: {  	_ =	shalt  }
0x74: {  	_ =	shalt  }
0x75: {  	_ =	shalt  }
0x76: {  	_ =	shalt  }
0x77: {  	_ =	shalt  }
0x78: {  	_ =	shalt  }
0x79: {  	_ =	shalt  }
0x7a: {  	_ =	shalt  }
0x7b: {  	_ =	shalt  }
0x7c: {  	_ =	shalt  }
0x7d: {  	_ =	shalt  }
0x7e: {  	_ =	shalt  }
0x7f: {  	_ =	shalt  }
0x80: {  	_ =	shalt  }
0x81: {  	_ =	shalt  }
0x82: {  	_ =	shalt  }
0x83: {  	_ =	shalt  }
0x84: {  	_ =	shalt  }
0x85: {  	_ =	shalt  }
0x86: {  	_ =	shalt  }
0x87: {  	_ =	shalt  }
.Lfunc_end0:
.L_simem_size_0:
called_computation.3_lowered:
.L_overlay_start_0:
0x88: {  	s0 =	sld [smem:$0x3FD9]  }
0x89: {  	s1 =	sld [smem:$0x3FFE];
	_ =	sdelay $0x3  }
0x8a: {  	s0 =	sadd.s32 s1, s0  }
0x8b: {  	[smem:$0x3FBE] =	sst s0  }
0x8c: {  	_ = 	snop  }
0x8d: {  	(tm) =	ssettm $0x1  }
0x8e: {  	s15 =	sld [smem:$0x3FFB];
	_ =	sdelay $0x3  }
0x8f: {  	_ =	strace s15  }
0x90: {  	s0 =	sld [smem:$0x3FFC];
	_ =	sdelay $0x3  }
0x91: {  	_ =	strace s0  }
0x92: {  	s0 =	sld [smem:$0x3FFD];
	_ =	sdelay $0x3  }
0x93: {  	_ =	strace s0  }
0x94: {  	_ =	strace $0x8FFFFFFF  }
0x95: {  	s16 =	sld [smem:$0x3FDB];
	_ =	sdelay $0x1  }
0x96: {  	s17 =	simm.s32 $_scs_section_size  }
0x97: {  	s2 =	simm.s32 $_size__tile_overlayer_lowered;
	s3 =	simm.s32 $_tile_overlayer_lowered  }
0x98: {  	s20 =	simm.s32 $0x1BFF;
	s19 =	sshll.u32 s3, $0x1;
	s0 =	sadd.s32 s17, s16  }
0x99: {  	s4 =	simm.s32 $0x0;
	s18 =	sshll.u32 s2, $0x1;
	s2 =	sadd.s32 s19, s0  }
0x9a: {  	[timem:s4], [sflag:s20] =	dma.local [hbm:s2], s18  }
0x9b: {  	_ =	swait.ge [sflag:s20], s18  }
0x9c: {  	s1 =	ssub.s32 $0x0, s18;
	[sflag:s20] =	ssyncset.done $0x0  }
0x9d: {  	[sflag:s20] =	ssyncadd.s32 s1;
	_ =	sdelay $0x1  }
0x9e: {  	s21 =	simm.s32 $0x1B8B  }
0x9f: {  	_ =	swait.ge [sflag:s21], $0x1  }
0xa0: {  	[sflag:s21] =	ssyncset.done $0x0  }
0xa1: {  	s23 =	simm.s32 $0x1B8E;
	s22 =	sld [smem:$0x3FFE];
	[sflag:s21] =	ssyncadd.s32 $0xFFFFFFFF  }
0xa2: {  	s24 =	simm.s32 $execute0_lowered;
	[smem:$0x3FD2] =	sst s23  }
0xa3: {  	s2 =	sshll.u32 s24, $0x1;
	_ =	strace $0x80000052;
	[dreg:$0x1] =	wrdreg $0xFFFFFFFF  }
0xa4: {  	s25 =	simm.s32 $_size_execute0_lowered;
	s0 =	sadd.s32 s0, s2;
	[dreg:$0x0] =	wrdreg $0x0  }
0xa5: {  	s2 =	sshll.u32 s25, $0x1;
	[dreg:$0x2] =	wrdreg s0  }
0xa6: {  	[dreg:$0x3] =	wrdreg s2  }
0xa7: {  	[dreg:$0x4] =	wrdreg $0xC0  }
0xa8: {  	_ =	task [dreg:s4], $0x5FFFF  }
0xa9: {  	[dreg:$0x1] =	wrdreg $0xFFFFFFFF  }
0xaa: {  	[dreg:$0x0] =	wrdreg $0x60  }
0xab: {  	[dreg:$0x2] =	wrdreg s22  }
0xac: {  	[dreg:$0x3] =	wrdreg $0xCD000  }
0xad: {  	[dreg:$0x4] =	wrdreg $0x9  }
0xae: {  	_ =	task.clear_ibuf [dreg:s4], $0x5FFFF;
	_ =	strace $0x90000052  }
0xaf: {  	s26 =	simm.s32 $0x9;
	_ =	strace $0x80000054  }
0xb0: {  	_ =	swait.ge [sflag:s26], $0x1  }
0xb1: {  	[sflag:s26] =	ssyncadd.s32 $0xFFFFFFFF  }
0xb2: {  	_ =	strace $0x90000054  }
0xb3: {  	_ =	sfence  }
0xb4: {  	s28 =	sld [smem:$0x0];
	_ =	sdelay $0x1  }
0xb5: {  	s29 =	srdreg.scid  }
0xb6: {  	s30 =	sshll.u32 s29, $0xD;
	s31 =	sshrl.u32 s29, $0x2  }
0xb7: {  	s1 =	sand.u32 $0x1, s29;
	s2 =	sand.u32 $0x4000, s30;
	s0 =	sadd.s32 s31, s28  }
0xb8: {  	s1 =	sor.u32 s2, s1;
	s0 =	sshll.u32 s0, $0x11  }
0xb9: {  	s0 =	sor.u32 s0, s1  }
0xba: {  	s0 =	sadd.s32 $0x8F2B, s0  }
0xbb: {  	[sflag:s0] =	ssyncadd.remote.s32 $0x1  }
0xbc: {  	_ =	sfence.sel $0xFFFF  }
0xbd: {  	[dreg:$0x0] =	wrdreg $0xFFFFFFFF;
	(pc) =	sbr.abs _section_cstart, $3  }
0xbe: {  	[dreg:$0x1] =	wrdreg $0xFFFFFFFF  }
0xbf: {  	_ =	task.clear_ibuf [dreg:s4], $0x2FFFF;
	_ =	strace $0x9FFFFFFF  }
0xc0: {  	(tm) =	ssettm $0x7FFFFFFF  }
0xc1: {  	_ =	shalt  }
tec
execute0_lowered:
.L_overlay_start_1:
0x0: {  	(tag) =	ssettag $0x1  }
0x1: {  	s12 =	rddreg [dreg:$0x0];
	s0 =	stileid.u32  }
0x2: {  	s2 =	rddreg [dreg:$0x1];
	s3 =	smul.u32 $0x500, s0  }
0x3: {  	s1 =	rddreg [dreg:$0x2];
	s4 =	simm.s32 $0x0  }
0x4: {  	[smem:$0x7FF] =	sst s4;
	s6 =	sadd.s32 s3, s12  }
0x5: {  	s5 =	simm.s32 $0x9;
	_ =	strace $0x80000053;
	s3 =	sadd.s32 $0x15600, s6  }
0x6: {  	[tilespmem:s4], [sflag:$0x9] =	stream.linear.gather [hbm4b:s3+s4], $0x2800, $0x38;
	[tilespmem:$0x11C00] =	vst v63  }
0x7: {  	s7 =	smul.u32 $0x9E00, s0;
	_ =	swait.ge [sflag:s5], $0x2800  }
0x8: {  	s8 =	simm.s32 $0x2800;
	s25 =	sshll.u32 s0, $0x6;
	[sflag:s5] =	ssyncset.done $0x0  }
0x9: {  	s6 =	sadd.s32 $0x3C00, s6;
	s3 =	sshrl.u32 s7, $0x4;
	[sflag:s5] =	ssyncadd.s32 $0xFFFFD800  }
0xa: {  	[tilespmem:s8], [sflag:$0x9] =	stream.linear.gather [hbm4b:s6+s4], $0x2800, $0x38;
	[tilespmem:$0x11C00] =	vst v63  }
0xb: {  	s7 =	sshrl.u32 s7, $0x1;
	s23 =	sadd.s32 s3, s12;
	_ =	swait.ge [sflag:s5], $0x2800  }
0xc: {  	s7 =	sadd.s32 s7, s2;
	s24 =	sadd.s32 $0x1F600, s23;
	[sflag:s5] =	ssyncset.done $0x0  }
0xd: {  	s7 =	sshrl.u32 s7, $0x3;
	s6 =	sor.u32 $0x1C09, s25;
	[sflag:s5] =	ssyncadd.s32 $0xFFFFD800  }
0xe: {  	[spmem:s7], [sflag:s6] =	dma.local [hbm:s24], $0x9E0  }
0xf: {  	_ =	swait.ge [sflag:s5], $0x9E0  }
0x10: {  	[sflag:s5] =	ssyncset.done $0x0  }
0x11: {  	s9 =	simm.s32 $0x7D;
	[sflag:s5] =	ssyncadd.s32 $0xFFFFF620  }
0x12: {  	s10 =	simm.s32 $0x5000;
	s8 =	sadd.s32 $0x50600, s12;
	[bflag:$0x0] =	sbarrier.arrive $0xFFFF  }
0x13: {  	[tilespmem:s10], [sflag:$0x1] =	stream.indirect.gather [hbm4b:s8+s9], $0x20, s4, s9, $0xb8;
	[tilespmem:$0x11C00] =	vst v63  }
0x14: {  	s11 =	simm.s32 $0x80;
	s13 =	simm.s32 $0x5FA0  }
0x15: {  	[tilespmem:s13], [sflag:$0x2] =	stream.indirect.gather [hbm4b:s8+s9], $0x20, s11, s9, $0xb8;
	[tilespmem:$0x11C00] =	vst v63  }
0x16: {  	s26 =	simm.s32 $0x100;
	s11 =	simm.s32 $0x6F40  }
0x17: {  	[tilespmem:s11], [sflag:$0x3] =	stream.indirect.gather [hbm4b:s8+s9], $0x20, s26, s9, $0xb8;
	[tilespmem:$0x11C00] =	vst v63  }
0x18: {  	s28 =	simm.s32 $0x180;
	s14 =	simm.s32 $0x7EE0  }
0x19: {  	[tilespmem:s14], [sflag:$0x4] =	stream.indirect.gather [hbm4b:s8+s9], $0x20, s28, s9, $0xb8;
	[tilespmem:$0x11C00] =	vst v63  }
0x1a: {  	s29 =	simm.s32 $0x200;
	s13 =	simm.s32 $0x8E80  }
0x1b: {  	[tilespmem:s13], [sflag:$0x5] =	stream.indirect.gather [hbm4b:s8+s9], $0x20, s29, s9, $0xb8;
	[tilespmem:$0x11C00] =	vst v63  }
0x1c: {  	s30 =	simm.s32 $0x280;
	s15 =	simm.s32 $0x9E20;
	s31 =	simm.s32 $0x300  }
0x1d: {  	[tilespmem:s15], [sflag:$0x6] =	stream.indirect.gather [hbm4b:s8+s9], $0x20, s30, s9, $0xb8;
	[tilespmem:$0x11C00] =	vst v63  }
0x1e: {  	s16 =	simm.s32 $0x380;
	s17 =	simm.s32 $0x3;
	s14 =	simm.s32 $0xADC0  }
0x1f: {  	[tilespmem:s14], [sflag:$0x7] =	stream.indirect.gather [hbm4b:s8+s9], $0x20, s31, s9, $0xb8;
	[tilespmem:$0x11C00] =	vst v63  }
0x20: {  	s18 =	simm.s32 $0x5;
	s19 =	simm.s32 $0x7;
	s15 =	simm.s32 $0xBD60  }
0x21: {  	[tilespmem:s15], [sflag:$0x8] =	stream.indirect.gather [hbm4b:s8+s9], $0x20, s16, s9, $0xb8;
	[tilespmem:$0x11C00] =	vst v63  }
0x22: {  	s20 =	simm.s32 $0x8;
	s12 =	sadd.s32 $0x64200, s12;
	s16 =	simm.s32 $0x1  }
.LBB2_1:
0x23: {  	_ =	swait.ge [sflag:s16], $0xFA0  }
0x24: {  	s21 =	sshra.s32 s4, $0x2;
	[sflag:s16] =	ssyncset.done $0x0  }
0x25: {  	s22 =	sadd.s32 $0x2800, s21;
	[sflag:s16] =	ssyncadd.s32 $0xFFFFF060  }
0x26: {  	[spmem:s2] =	stream.indirect.scatter.add.bf16 [tilespmem:s10], [sflag:$0x9], $0x20, s22, s9, $0xb8;
	[tilespmem:$0x11C00] =	vst v63  }
0x27: {  	_ =	swait.ge [sflag:s5], $0xFA0  }
0x28: {  	p0 =	seq.s32 s4, $0x9000;
	[sflag:s5] =	ssyncset.done $0x0  }
0x29: {  	s22 =	simm.s32 @p0 $0x2;
	[sflag:s5] =	ssyncadd.s32 $0xFFFFF060  }
0x2a: {  	s24 =	sshra.s32 @p0 s4, $0x2;
	_ =	swait.ge @p0 [sflag:s22], $0xFA0  }
0x2b: {  	s25 =	simm.s32 @p0 $0x7D;
	s23 =	simm.s32 @p0 $0x5FA0;
	[sflag:s22] =	ssyncset.done @p0 $0x0  }
0x2c: {  	s26 =	simm.s32 @p0 $0x9;
	[sflag:s22] =	ssyncadd.s32 @p0 $0xFFFFF060;
	s22 =	sadd.s32 @p0 $0x2880, s24  }
0x2d: {  	[spmem:s2] =	stream.indirect.scatter.add.bf16 @p0 [tilespmem:s23], [sflag:$0x9], $0x20, s22, s25, $0xb8;
	[tilespmem:$0x11C00] =	vst v63  }
0x2e: {  	_ =	swait.ge @p0 [sflag:s26], $0xFA0  }
0x2f: {  	s29 =	simm.s32 @!p0 $0x5000;
	s22 =	sshra.s32 @!p0 s4, $0x2;
	[sflag:s26] =	ssyncset.done @p0 $0x0  }
0x30: {  	s23 =	simm.s32 @!p0 $0x7D;
	s28 =	sadd.s32 @!p0 $0x400, s22;
	[sflag:s26] =	ssyncadd.s32 @p0 $0xFFFFF060  }
0x31: {  	[tilespmem:s29], [sflag:$0x1] =	stream.indirect.gather @!p0 [hbm4b:s8+s23], $0x20, s28, s23, $0xb8;
	[tilespmem:$0x11C00] =	vst v63  }
0x32: {  	s28 =	simm.s32 @!p0 $0x2  }
0x33: {  	_ =	swait.ge @!p0 [sflag:s28], $0xFA0  }
0x34: {  	[sflag:s28] =	ssyncset.done @!p0 $0x0  }
0x35: {  	s29 =	simm.s32 @!p0 $0x5FA0;
	[sflag:s28] =	ssyncadd.s32 @!p0 $0xFFFFF060;
	s28 =	sadd.s32 @!p0 $0x2880, s22  }
0x36: {  	[spmem:s2] =	stream.indirect.scatter.add.bf16 @!p0 [tilespmem:s29], [sflag:$0x9], $0x20, s28, s23, $0xb8;
	[tilespmem:$0x11C00] =	vst v63  }
0x37: {  	s28 =	simm.s32 @!p0 $0x9  }
0x38: {  	_ =	swait.ge @!p0 [sflag:s28], $0xFA0  }
0x39: {  	[sflag:s28] =	ssyncset.done @!p0 $0x0  }
0x3a: {  	s30 =	sadd.s32 @!p0 $0x480, s22;
	[sflag:s28] =	ssyncadd.s32 @!p0 $0xFFFFF060  }
0x3b: {  	[tilespmem:s29], [sflag:$0x2] =	stream.indirect.gather @!p0 [hbm4b:s8+s23], $0x20, s30, s23, $0xb8;
	[tilespmem:$0x11C00] =	vst v63  }
0x3c: {  	_ =	swait.ge [sflag:s17], $0xFA0  }
0x3d: {  	[sflag:s17] =	ssyncset.done $0x0  }
0x3e: {  	s31 =	sadd.s32 $0x2900, s21;
	[sflag:s17] =	ssyncadd.s32 $0xFFFFF060  }
0x3f: {  	[spmem:s2] =	stream.indirect.scatter.add.bf16 [tilespmem:s11], [sflag:$0x9], $0x20, s31, s9, $0xb8;
	[tilespmem:$0x11C00] =	vst v63  }
0x40: {  	_ =	swait.ge [sflag:s5], $0xFA0  }
0x41: {  	[sflag:s5] =	ssyncset.done $0x0  }
0x42: {  	s29 =	simm.s32 @p0 $0x4;
	[sflag:s5] =	ssyncadd.s32 $0xFFFFF060  }
0x43: {  	_ =	swait.ge @p0 [sflag:s29], $0xFA0  }
0x44: {  	[sflag:s29] =	ssyncset.done @p0 $0x0  }
0x45: {  	s30 =	simm.s32 @p0 $0x7EE0;
	[sflag:s29] =	ssyncadd.s32 @p0 $0xFFFFF060;
	s29 =	sadd.s32 @p0 $0x2980, s24  }
0x46: {  	[spmem:s2] =	stream.indirect.scatter.add.bf16 @p0 [tilespmem:s30], [sflag:$0x9], $0x20, s29, s25, $0xb8;
	[tilespmem:$0x11C00] =	vst v63  }
0x47: {  	_ =	swait.ge @p0 [sflag:s26], $0xFA0  }
0x48: {  	[sflag:s26] =	ssyncset.done @p0 $0x0  }
0x49: {  	s29 =	sadd.s32 @!p0 $0x500, s22;
	s30 =	simm.s32 @!p0 $0x6F40;
	[sflag:s26] =	ssyncadd.s32 @p0 $0xFFFFF060  }
0x4a: {  	[tilespmem:s30], [sflag:$0x3] =	stream.indirect.gather @!p0 [hbm4b:s8+s23], $0x20, s29, s23, $0xb8;
	[tilespmem:$0x11C00] =	vst v63  }
0x4b: {  	s29 =	simm.s32 @!p0 $0x4  }
0x4c: {  	_ =	swait.ge @!p0 [sflag:s29], $0xFA0  }
0x4d: {  	[sflag:s29] =	ssyncset.done @!p0 $0x0  }
0x4e: {  	s30 =	simm.s32 @!p0 $0x7EE0;
	[sflag:s29] =	ssyncadd.s32 @!p0 $0xFFFFF060;
	s29 =	sadd.s32 @!p0 $0x2980, s22  }
0x4f: {  	[spmem:s2] =	stream.indirect.scatter.add.bf16 @!p0 [tilespmem:s30], [sflag:$0x9], $0x20, s29, s23, $0xb8;
	[tilespmem:$0x11C00] =	vst v63  }
0x50: {  	_ =	swait.ge @!p0 [sflag:s28], $0xFA0  }
0x51: {  	[sflag:s28] =	ssyncset.done @!p0 $0x0  }
0x52: {  	s29 =	sadd.s32 @!p0 $0x580, s22;
	[sflag:s28] =	ssyncadd.s32 @!p0 $0xFFFFF060  }
0x53: {  	[tilespmem:s30], [sflag:$0x4] =	stream.indirect.gather @!p0 [hbm4b:s8+s23], $0x20, s29, s23, $0xb8;
	[tilespmem:$0x11C00] =	vst v63  }
0x54: {  	_ =	swait.ge [sflag:s18], $0xFA0  }
0x55: {  	[sflag:s18] =	ssyncset.done $0x0  }
0x56: {  	s30 =	sadd.s32 $0x2A00, s21;
	[sflag:s18] =	ssyncadd.s32 $0xFFFFF060  }
0x57: {  	[spmem:s2] =	stream.indirect.scatter.add.bf16 [tilespmem:s13], [sflag:$0x9], $0x20, s30, s9, $0xb8;
	[tilespmem:$0x11C00] =	vst v63  }
0x58: {  	_ =	swait.ge [sflag:s5], $0xFA0  }
0x59: {  	[sflag:s5] =	ssyncset.done $0x0  }
0x5a: {  	s29 =	simm.s32 @p0 $0x6;
	[sflag:s5] =	ssyncadd.s32 $0xFFFFF060  }
0x5b: {  	_ =	swait.ge @p0 [sflag:s29], $0xFA0  }
0x5c: {  	[sflag:s29] =	ssyncset.done @p0 $0x0  }
0x5d: {  	s24 =	sadd.s32 @p0 $0x2A80, s24;
	[sflag:s29] =	ssyncadd.s32 @p0 $0xFFFFF060;
	s29 =	simm.s32 @p0 $0x9E20  }
0x5e: {  	[spmem:s2] =	stream.indirect.scatter.add.bf16 @p0 [tilespmem:s29], [sflag:$0x9], $0x20, s24, s25, $0xb8;
	[tilespmem:$0x11C00] =	vst v63  }
0x5f: {  	_ =	swait.ge @p0 [sflag:s26], $0xFA0  }
0x60: {  	[sflag:s26] =	ssyncset.done @p0 $0x0  }
0x61: {  	s24 =	sadd.s32 @!p0 $0x600, s22;
	s25 =	simm.s32 @!p0 $0x8E80;
	[sflag:s26] =	ssyncadd.s32 @p0 $0xFFFFF060  }
0x62: {  	[tilespmem:s25], [sflag:$0x5] =	stream.indirect.gather @!p0 [hbm4b:s8+s23], $0x20, s24, s23, $0xb8;
	[tilespmem:$0x11C00] =	vst v63  }
0x63: {  	s24 =	simm.s32 @!p0 $0x6  }
0x64: {  	_ =	swait.ge @!p0 [sflag:s24], $0xFA0  }
0x65: {  	[sflag:s24] =	ssyncset.done @!p0 $0x0  }
0x66: {  	s25 =	simm.s32 @!p0 $0x9E20;
	[sflag:s24] =	ssyncadd.s32 @!p0 $0xFFFFF060;
	s24 =	sadd.s32 @!p0 $0x2A80, s22  }
0x67: {  	[spmem:s2] =	stream.indirect.scatter.add.bf16 @!p0 [tilespmem:s25], [sflag:$0x9], $0x20, s24, s23, $0xb8;
	[tilespmem:$0x11C00] =	vst v63  }
0x68: {  	_ =	swait.ge @!p0 [sflag:s28], $0xFA0  }
0x69: {  	[sflag:s28] =	ssyncset.done @!p0 $0x0  }
0x6a: {  	s22 =	sadd.s32 @!p0 $0x680, s22;
	[sflag:s28] =	ssyncadd.s32 @!p0 $0xFFFFF060  }
0x6b: {  	[tilespmem:s25], [sflag:$0x6] =	stream.indirect.gather @!p0 [hbm4b:s8+s23], $0x20, s22, s23, $0xb8;
	[tilespmem:$0x11C00] =	vst v63  }
0x6c: {  	_ =	swait.ge [sflag:s19], $0xFA0  }
0x6d: {  	[sflag:s19] =	ssyncset.done $0x0  }
.Ltmp0:
0x6e: {  	s31 =	sadd.s32 $0x2B00, s21;
	[sflag:s19] =	ssyncadd.s32 $0xFFFFF060;
	(pc) =	sbr.rel @p0 .LBB2_3-.Ltmp0, $4  }
0x6f: {  	[spmem:s2] =	stream.indirect.scatter.add.bf16 [tilespmem:s14], [sflag:$0x9], $0x20, s31, s9, $0xb8;
	[tilespmem:$0x11C00] =	vst v63  }
0x70: {  	_ =	swait.ge [sflag:s5], $0xFA0  }
0x71: {  	[sflag:s5] =	ssyncset.done $0x0  }
0x72: {  	[sflag:s5] =	ssyncadd.s32 $0xFFFFF060  }
0x73: {  	s22 =	sadd.s32 $0x700, s21  }
0x74: {  	[tilespmem:s14], [sflag:$0x7] =	stream.indirect.gather [hbm4b:s8+s9], $0x20, s22, s9, $0xb8;
	[tilespmem:$0x11C00] =	vst v63  }
0x75: {  	_ =	swait.ge [sflag:s20], $0xFA0  }
0x76: {  	[sflag:s20] =	ssyncset.done $0x0  }
0x77: {  	s30 =	sadd.s32 $0x2B80, s21;
	[sflag:s20] =	ssyncadd.s32 $0xFFFFF060  }
0x78: {  	[spmem:s2] =	stream.indirect.scatter.add.bf16 [tilespmem:s15], [sflag:$0x9], $0x20, s30, s9, $0xb8;
	[tilespmem:$0x11C00] =	vst v63  }
.Ltmp1:
0x79: {  	_ = 	snop;
	(pc) =	sbr.rel .LBB2_1-.Ltmp1, $4  }
0x7a: {  	_ =	swait.ge [sflag:s5], $0xFA0  }
0x7b: {  	[sflag:s5] =	ssyncset.done $0x0  }
0x7c: {  	s31 =	sadd.s32 $0x780, s21;
	s4 =	sadd.s32 $0x1000, s4;
	[sflag:s5] =	ssyncadd.s32 $0xFFFFF060  }
0x7d: {  	[tilespmem:s15], [sflag:$0x8] =	stream.indirect.gather [hbm4b:s8+s9], $0x20, s31, s9, $0xb8;
	[tilespmem:$0x11C00] =	vst v63  }
.LBB2_3:
0x7e: {  	s4 =	simm.s32 $0x8  }
0x7f: {  	_ =	swait.ge [sflag:s4], $0xFA0  }
0x80: {  	s30 =	sadd.s32 $0x2B80, s21;
	s5 =	simm.s32 $0x7D;
	[sflag:s4] =	ssyncset.done $0x0  }
0x81: {  	s8 =	simm.s32 $0xBD60;
	s31 =	simm.s32 $0x9;
	[sflag:s4] =	ssyncadd.s32 $0xFFFFF060  }
0x82: {  	[spmem:s2] =	stream.indirect.scatter.add.bf16 [tilespmem:s8], [sflag:$0x9], $0x20, s30, s5, $0xb8;
	[tilespmem:$0x11C00] =	vst v63  }
0x83: {  	_ =	swait.ge [sflag:s31], $0xFA0  }
0x84: {  	[sflag:s31] =	ssyncset.done $0x0  }
0x85: {  	[sflag:s31] =	ssyncadd.s32 $0xFFFFF060  }
0x86: {  	s3 =	sadd.s32 s12, s3;
	[bflag:$0x0] =	sbarrier.arrive $0xFFFF  }
0x87: {  	[hbm:s3], [sflag:s6] =	dma.local [spmem:s7], $0x9E0  }
0x88: {  	_ =	swait.ge [sflag:s31], $0x9E0  }
0x89: {  	[sflag:s31] =	ssyncset.done $0x0  }
0x8a: {  	[sflag:s31] =	ssyncadd.s32 $0xFFFFF620  }
0x8b: {  	_ =	sfence.sel $0x180000  }
0x8c: {  	[bflag:$0x0] =	sbarrier.arrive $0xFFFF  }
0x8d: {  	p0 =	sne.s32 s0, $0x0;
	_ =	strace $0x90000053  }
0x8e: {  	s0 =	sadd.s32 @!p0 $0x100000, s1;
	[bflag:$0x2] =	sbarrier.arrive $0xFFFF  }
0x8f: {  	[sflag:s0] =	ssyncadd.tile.s32 @!p0 $0x1;
	_ =	shalt  }
.Lfunc_end2:
_tile_overlayer_lowered:
.L_overlay_start_2:
0x90: {  	(tag) =	ssettag $0x2  }
0x91: {  	s0 =	rddreg [dreg:$0x0];
	s2 =	stileid.u32  }
0x92: {  	s1 =	rddreg [dreg:$0x1];
	p0 =	sne.s32 s2, $0x0  }
0x93: {  	s3 =	rddreg [dreg:$0x2];
	[bflag:$0x3] =	sbarrier.arrive $0xFFFF;
	s2 =	simm.s32 @!p0 $0x1C09  }
0x94: {  	[timem:s3], [sflag:s2] =	dma.local @!p0 [hbm:s0], s1  }
0x95: {  	s0 =	simm.s32 @!p0 $0x9  }
0x96: {  	_ =	swait.ge @!p0 [sflag:s0], s1  }
0x97: {  	s1 =	ssub.s32 @!p0 $0x0, s1;
	[sflag:s0] =	ssyncset.done @!p0 $0x0  }
0x98: {  	[sflag:s0] =	ssyncadd.s32 @!p0 s1  }
0x99: {  	[bflag:$0x3] =	sbarrier.arrive $0xFFFF  }
0x9a: {  	_ =	shalt  }

// kernel: kernel.26.cloned.1.call-start
scs
__scs_entry_jumppad:
0x0: {  	(pc) =	sbr.rel $0x88, $3  }
0x1: {  	(tag) =	ssettag $0x0;
	lr =	simm.s32 $0x1  }
0x2: {  	[smem:$0x3F97] =	sst lr;
	_ =	strace $0xD0000000  }
0x3: {  	_ = 	snop  }
0x4: {  	_ = 	snop  }
0x5: {  	_ = 	snop  }
0x6: {  	_ = 	snop  }
0x7: {  	_ = 	snop  }
__scs_overlays_trampoline_lowered:
0x8: {  	[smem:$0x3FA6] =	sst s0  }
0x9: {  	[smem:$0x3FA7] =	sst s1  }
0xa: {  	[smem:$0x3FA8] =	sst s2  }
0xb: {  	[smem:$0x3FA9] =	sst s3  }
0xc: {  	[smem:$0x3FAA] =	sst s4  }
0xd: {  	[smem:$0x3FAB] =	sst s5  }
0xe: {  	[smem:$0x3FAC] =	sst s6  }
0xf: {  	[smem:$0x3FAD] =	sst s7  }
0x10: {  	[smem:$0x3FAE] =	sst s8  }
0x11: {  	[smem:$0x3FAF] =	sst s9;
	s0 =	simm.s32 @!p0 $0x0  }
0x12: {  	s1 =	sld [smem:$0x3F95];
	s0 =	simm.s32 @p0 $0x1  }
0x13: {  	[smem:$0x3FB0] =	sst s0;
	s0 =	simm.s32 @!p1 $0x0  }
0x14: {  	s2 =	sld [smem:$0x3F94];
	s0 =	simm.s32 @p1 $0x1  }
0x15: {  	[smem:$0x3FB1] =	sst s0;
	s0 =	simm.s32 @!p2 $0x0  }
0x16: {  	s3 =	sld [smem:$0x3FDB];
	s0 =	simm.s32 @p2 $0x1  }
0x17: {  	s4 =	simm.s32 $0x1BF5;
	[smem:$0x3FB3] =	sst s0  }
0x18: {  	s0 =	sld [smem:$0x3F96];
	_ =	swait.ge [sflag:s4], $0x0  }
0x19: {  	s7 =	sld [smem:$0x3F97]  }
0x1a: {  	s8 =	sadd.s32 $0xFFFFE003, lr  }
0x1b: {  	s9 =	sadd.s32 $0xFFFFFEF7, lr;
	s5 =	simm.s32 $0xFFFFFFFF;
	p2 =	slt.u32 s8, $0xFFFFF086  }
0x1c: {  	p1 =	slt.u32 s9, $0xF7A;
	s5 =	simm.s32 @!p2 $0x0  }
0x1d: {  	s5 =	simm.s32 @p1 $0x1;
	p0 =	seq.s32 s7, s2  }
0x1e: {  	s7 =	smul.u32 @!p0 $0xF7A, s2;
	p2 =	seq.s32 @!p0 s5, $0x0  }
0x1f: {  	s9 =	smul.u32 $0xF7A, s1;
	s8 =	simm.s32 @!p0 $0x1BF5;
	p2 =	por !p2, p0  }
0x20: {  	[sflag:s8] =	ssyncset.s32 @!p0 $0xFFFFF086;
	s6 =	sadd.s32 @!p0 s3, s7;
	s7 =	simm.s32 @!p0 $0x108  }
0x21: {  	s3 =	sadd.s32 s3, s9;
	s6 =	sadd.s32 @!p0 $0x88, s6;
	s7 =	simm.s32 @p2 $0x1082  }
0x22: {  	[simem:s7], [sflag:s8] =	dma.local @!p0 [hbm:s6], $0xF7A  }
0x23: {  	s9 =	sor.u32 $0xD0000000, s2;
	s6 =	simm.s32 $0x108;
	_ =	swait.ge @!p0 [sflag:s8], $0x0  }
0x24: {  	s3 =	sadd.s32 $0x88, s3;
	s6 =	simm.s32 @!p1 $0x1082;
	[sflag:s4] =	ssyncset.s32 $0xFFFFF086  }
0x25: {  	[simem:s6], [sflag:s4] =	dma.local [hbm:s3], $0xF7A  }
0x26: {  	[smem:$0x3F97] =	sst s1;
	(tag) =	ssettag s2;
	_ =	strace s9  }
0x27: {  	s1 =	sld [smem:$0x3FA7]  }
0x28: {  	s2 =	sld [smem:$0x3FA8]  }
0x29: {  	s4 =	sld [smem:$0x3FAA]  }
0x2a: {  	p0 =	seq.s32 s5, $0x0;
	s5 =	sld [smem:$0x3FAB]  }
0x2b: {  	s6 =	sld [smem:$0x3FAC]  }
0x2c: {  	s7 =	sld [smem:$0x3FAD]  }
0x2d: {  	s3 =	simm.s32 $0x108;
	s8 =	sld [smem:$0x3FAE]  }
0x2e: {  	s3 =	simm.s32 @!p0 $0x1082;
	s9 =	sld [smem:$0x3FAF]  }
0x2f: {  	lr =	sadd.s32 s0, s3;
	s0 =	sld [smem:$0x3FA6]  }
0x30: {  	s3 =	sld [smem:$0x3FA9]  }
0x31: {  	[smem:$0x3FB2] =	sst s10  }
0x32: {  	s10 =	sld [smem:$0x3FB0];
	_ =	sdelay $0x3  }
0x33: {  	p0 =	seq.s32 s10, $0x1;
	s10 =	sld [smem:$0x3FB2];
	_ =	sdelay $0x3  }
0x34: {  	[smem:$0x3FB2] =	sst s10  }
0x35: {  	s10 =	sld [smem:$0x3FB1];
	_ =	sdelay $0x3  }
0x36: {  	p1 =	seq.s32 s10, $0x1;
	s10 =	sld [smem:$0x3FB2];
	_ =	sdelay $0x3  }
0x37: {  	[smem:$0x3FB2] =	sst s10  }
0x38: {  	s10 =	sld [smem:$0x3FB3]  }
0x39: {  	_ = 	snop;
	(pc) =	sbr.ind lr, $3  }
0x3a: {  	_ = 	snop  }
0x3b: {  	_ = 	snop  }
0x3c: {  	p2 =	seq.s32 s10, $0x1;
	s10 =	sld [smem:$0x3FB2]  }
0x3d: {  	_ =	shalt  }
0x3e: {  	_ =	shalt  }
0x3f: {  	_ =	shalt  }
0x40: {  	_ =	shalt  }
0x41: {  	_ =	shalt  }
0x42: {  	_ =	shalt  }
0x43: {  	_ =	shalt  }
0x44: {  	_ =	shalt  }
0x45: {  	_ =	shalt  }
0x46: {  	_ =	shalt  }
0x47: {  	_ =	shalt  }
0x48: {  	_ =	shalt  }
0x49: {  	_ =	shalt  }
0x4a: {  	_ =	shalt  }
0x4b: {  	_ =	shalt  }
0x4c: {  	_ =	shalt  }
0x4d: {  	_ =	shalt  }
0x4e: {  	_ =	shalt  }
0x4f: {  	_ =	shalt  }
0x50: {  	_ =	shalt  }
0x51: {  	_ =	shalt  }
0x52: {  	_ =	shalt  }
0x53: {  	_ =	shalt  }
0x54: {  	_ =	shalt  }
0x55: {  	_ =	shalt  }
0x56: {  	_ =	shalt  }
0x57: {  	_ =	shalt  }
0x58: {  	_ =	shalt  }
0x59: {  	_ =	shalt  }
0x5a: {  	_ =	shalt  }
0x5b: {  	_ =	shalt  }
0x5c: {  	_ =	shalt  }
0x5d: {  	_ =	shalt  }
0x5e: {  	_ =	shalt  }
0x5f: {  	_ =	shalt  }
0x60: {  	_ =	shalt  }
0x61: {  	_ =	shalt  }
0x62: {  	_ =	shalt  }
0x63: {  	_ =	shalt  }
0x64: {  	_ =	shalt  }
0x65: {  	_ =	shalt  }
0x66: {  	_ =	shalt  }
0x67: {  	_ =	shalt  }
0x68: {  	_ =	shalt  }
0x69: {  	_ =	shalt  }
0x6a: {  	_ =	shalt  }
0x6b: {  	_ =	shalt  }
0x6c: {  	_ =	shalt  }
0x6d: {  	_ =	shalt  }
0x6e: {  	_ =	shalt  }
0x6f: {  	_ =	shalt  }
0x70: {  	_ =	shalt  }
0x71: {  	_ =	shalt  }
0x72: {  	_ =	shalt  }
0x73: {  	_ =	shalt  }
0x74: {  	_ =	shalt  }
0x75: {  	_ =	shalt  }
0x76: {  	_ =	shalt  }
0x77: {  	_ =	shalt  }
0x78: {  	_ =	shalt  }
0x79: {  	_ =	shalt  }
0x7a: {  	_ =	shalt  }
0x7b: {  	_ =	shalt  }
0x7c: {  	_ =	shalt  }
0x7d: {  	_ =	shalt  }
0x7e: {  	_ =	shalt  }
0x7f: {  	_ =	shalt  }
0x80: {  	_ =	shalt  }
0x81: {  	_ =	shalt  }
0x82: {  	_ =	shalt  }
0x83: {  	_ =	shalt  }
0x84: {  	_ =	shalt  }
0x85: {  	_ =	shalt  }
0x86: {  	_ =	shalt  }
0x87: {  	_ =	shalt  }
.Lfunc_end0:
.L_simem_size_0:
called_computation.4_lowered:
.L_overlay_start_0:
0x88: {  	s0 =	sld [smem:$0x3FD9]  }
0x89: {  	s1 =	sld [smem:$0x3FFE];
	_ =	sdelay $0x3  }
0x8a: {  	s0 =	sadd.s32 s1, s0  }
0x8b: {  	[smem:$0x3FBE] =	sst s0  }
0x8c: {  	_ = 	snop  }
0x8d: {  	(tm) =	ssettm $0x1  }
0x8e: {  	s15 =	sld [smem:$0x3FFB];
	_ =	sdelay $0x3  }
0x8f: {  	_ =	strace s15  }
0x90: {  	s0 =	sld [smem:$0x3FFC];
	_ =	sdelay $0x3  }
0x91: {  	_ =	strace s0  }
0x92: {  	s0 =	sld [smem:$0x3FFD];
	_ =	sdelay $0x3  }
0x93: {  	_ =	strace s0  }
0x94: {  	_ =	strace $0x8FFFFFFF  }
0x95: {  	s16 =	sld [smem:$0x3FDB];
	_ =	sdelay $0x1  }
0x96: {  	s17 =	simm.s32 $_scs_section_size  }
0x97: {  	s2 =	simm.s32 $_size__tile_overlayer_lowered;
	s3 =	simm.s32 $_tile_overlayer_lowered  }
0x98: {  	s20 =	simm.s32 $0x1BFF;
	s19 =	sshll.u32 s3, $0x1;
	s0 =	sadd.s32 s17, s16  }
0x99: {  	s4 =	simm.s32 $0x0;
	s18 =	sshll.u32 s2, $0x1;
	s2 =	sadd.s32 s19, s0  }
0x9a: {  	[timem:s4], [sflag:s20] =	dma.local [hbm:s2], s18  }
0x9b: {  	_ =	swait.ge [sflag:s20], s18  }
0x9c: {  	s1 =	ssub.s32 $0x0, s18;
	[sflag:s20] =	ssyncset.done $0x0  }
0x9d: {  	[sflag:s20] =	ssyncadd.s32 s1;
	_ =	sdelay $0x1  }
0x9e: {  	s21 =	simm.s32 $0x1B8B  }
0x9f: {  	_ =	swait.ge [sflag:s21], $0x1  }
0xa0: {  	[sflag:s21] =	ssyncset.done $0x0  }
0xa1: {  	s23 =	simm.s32 $0x1B8E;
	s22 =	sld [smem:$0x3FFE];
	[sflag:s21] =	ssyncadd.s32 $0xFFFFFFFF  }
0xa2: {  	s24 =	simm.s32 $execute0_lowered;
	[smem:$0x3FD2] =	sst s23  }
0xa3: {  	s2 =	sshll.u32 s24, $0x1;
	_ =	strace $0x8000004F;
	[dreg:$0x1] =	wrdreg $0xFFFFFFFF  }
0xa4: {  	s25 =	simm.s32 $_size_execute0_lowered;
	s0 =	sadd.s32 s0, s2;
	[dreg:$0x0] =	wrdreg $0x0  }
0xa5: {  	s2 =	sshll.u32 s25, $0x1;
	[dreg:$0x2] =	wrdreg s0  }
0xa6: {  	[dreg:$0x3] =	wrdreg s2  }
0xa7: {  	[dreg:$0x4] =	wrdreg $0xC0  }
0xa8: {  	_ =	task [dreg:s4], $0x5FFFF  }
0xa9: {  	[dreg:$0x1] =	wrdreg $0xFFFFFFFF  }
0xaa: {  	[dreg:$0x0] =	wrdreg $0x60  }
0xab: {  	[dreg:$0x2] =	wrdreg s22  }
0xac: {  	[dreg:$0x3] =	wrdreg $0xCD000  }
0xad: {  	[dreg:$0x4] =	wrdreg $0xA  }
0xae: {  	_ =	task.clear_ibuf [dreg:s4], $0x5FFFF;
	_ =	strace $0x9000004F  }
0xaf: {  	s26 =	simm.s32 $0xA;
	_ =	strace $0x80000051  }
0xb0: {  	_ =	swait.ge [sflag:s26], $0x1  }
0xb1: {  	[sflag:s26] =	ssyncadd.s32 $0xFFFFFFFF  }
0xb2: {  	_ =	strace $0x90000051  }
0xb3: {  	_ =	sfence  }
0xb4: {  	s28 =	sld [smem:$0x0];
	_ =	sdelay $0x1  }
0xb5: {  	s29 =	srdreg.scid  }
0xb6: {  	s30 =	sshll.u32 s29, $0xD;
	s31 =	sshrl.u32 s29, $0x2  }
0xb7: {  	s1 =	sand.u32 $0x1, s29;
	s2 =	sand.u32 $0x4000, s30;
	s0 =	sadd.s32 s31, s28  }
0xb8: {  	s1 =	sor.u32 s2, s1;
	s0 =	sshll.u32 s0, $0x11  }
0xb9: {  	s0 =	sor.u32 s0, s1  }
0xba: {  	s0 =	sadd.s32 $0x8F2B, s0  }
0xbb: {  	[sflag:s0] =	ssyncadd.remote.s32 $0x1  }
0xbc: {  	_ =	sfence.sel $0xFFFF  }
0xbd: {  	[dreg:$0x0] =	wrdreg $0xFFFFFFFF;
	(pc) =	sbr.abs _section_cstart, $3  }
0xbe: {  	[dreg:$0x1] =	wrdreg $0xFFFFFFFF  }
0xbf: {  	_ =	task.clear_ibuf [dreg:s4], $0x2FFFF;
	_ =	strace $0x9FFFFFFF  }
0xc0: {  	(tm) =	ssettm $0x7FFFFFFF  }
0xc1: {  	_ =	shalt  }
tec
execute0_lowered:
.L_overlay_start_1:
0x0: {  	(tag) =	ssettag $0x1  }
0x1: {  	s0 =	stileid.u32  }
0x2: {  	s12 =	rddreg [dreg:$0x0];
	s3 =	smul.u32 $0x2800, s0  }
0x3: {  	s2 =	rddreg [dreg:$0x1]  }
0x4: {  	s1 =	rddreg [dreg:$0x2];
	s4 =	simm.s32 $0x0;
	s3 =	sshrl.u32 s3, $0x3  }
0x5: {  	[smem:$0x7FF] =	sst s4;
	s6 =	sadd.s32 s12, s3  }
0x6: {  	s5 =	simm.s32 $0x9;
	_ =	strace $0x80000050;
	s3 =	sadd.s32 $0x1A600, s6  }
0x7: {  	[tilespmem:s4], [sflag:$0x9] =	stream.linear.gather [hbm4b:s3+s4], $0x2800, $0x38;
	[tilespmem:$0x11C00] =	vst v63  }
0x8: {  	s7 =	smul.u32 $0x9E00, s0;
	_ =	swait.ge [sflag:s5], $0x2800  }
0x9: {  	s8 =	simm.s32 $0x2800;
	s25 =	sshll.u32 s0, $0x6;
	[sflag:s5] =	ssyncset.done $0x0  }
0xa: {  	s6 =	sadd.s32 $0x8C00, s6;
	s3 =	sshrl.u32 s7, $0x4;
	[sflag:s5] =	ssyncadd.s32 $0xFFFFD800  }
0xb: {  	[tilespmem:s8], [sflag:$0x9] =	stream.linear.gather [hbm4b:s6+s4], $0x2800, $0x38;
	[tilespmem:$0x11C00] =	vst v63  }
0xc: {  	s7 =	sshrl.u32 s7, $0x1;
	s23 =	sadd.s32 s3, s12;
	_ =	swait.ge [sflag:s5], $0x2800  }
0xd: {  	s7 =	sadd.s32 s7, s2;
	s24 =	sadd.s32 $0x1F600, s23;
	[sflag:s5] =	ssyncset.done $0x0  }
0xe: {  	s7 =	sshrl.u32 s7, $0x3;
	s6 =	sor.u32 $0x1C09, s25;
	[sflag:s5] =	ssyncadd.s32 $0xFFFFD800  }
0xf: {  	[spmem:s7], [sflag:s6] =	dma.local [hbm:s24], $0x9E0  }
0x10: {  	_ =	swait.ge [sflag:s5], $0x9E0  }
0x11: {  	[sflag:s5] =	ssyncset.done $0x0  }
0x12: {  	s9 =	simm.s32 $0x7D;
	[sflag:s5] =	ssyncadd.s32 $0xFFFFF620  }
0x13: {  	s10 =	simm.s32 $0x5000;
	s8 =	sadd.s32 $0x50600, s12;
	[bflag:$0x0] =	sbarrier.arrive $0xFFFF  }
0x14: {  	[tilespmem:s10], [sflag:$0x1] =	stream.indirect.gather [hbm4b:s8+s9], $0x20, s4, s9, $0xb8;
	[tilespmem:$0x11C00] =	vst v63  }
0x15: {  	s11 =	simm.s32 $0x80;
	s13 =	simm.s32 $0x5FA0  }
0x16: {  	[tilespmem:s13], [sflag:$0x2] =	stream.indirect.gather [hbm4b:s8+s9], $0x20, s11, s9, $0xb8;
	[tilespmem:$0x11C00] =	vst v63  }
0x17: {  	s26 =	simm.s32 $0x100;
	s11 =	simm.s32 $0x6F40  }
0x18: {  	[tilespmem:s11], [sflag:$0x3] =	stream.indirect.gather [hbm4b:s8+s9], $0x20, s26, s9, $0xb8;
	[tilespmem:$0x11C00] =	vst v63  }
0x19: {  	s28 =	simm.s32 $0x180;
	s14 =	simm.s32 $0x7EE0  }
0x1a: {  	[tilespmem:s14], [sflag:$0x4] =	stream.indirect.gather [hbm4b:s8+s9], $0x20, s28, s9, $0xb8;
	[tilespmem:$0x11C00] =	vst v63  }
0x1b: {  	s29 =	simm.s32 $0x200;
	s13 =	simm.s32 $0x8E80  }
0x1c: {  	[tilespmem:s13], [sflag:$0x5] =	stream.indirect.gather [hbm4b:s8+s9], $0x20, s29, s9, $0xb8;
	[tilespmem:$0x11C00] =	vst v63  }
0x1d: {  	s30 =	simm.s32 $0x280;
	s15 =	simm.s32 $0x9E20;
	s31 =	simm.s32 $0x300  }
0x1e: {  	[tilespmem:s15], [sflag:$0x6] =	stream.indirect.gather [hbm4b:s8+s9], $0x20, s30, s9, $0xb8;
	[tilespmem:$0x11C00] =	vst v63  }
0x1f: {  	s16 =	simm.s32 $0x380;
	s17 =	simm.s32 $0x3;
	s14 =	simm.s32 $0xADC0  }
0x20: {  	[tilespmem:s14], [sflag:$0x7] =	stream.indirect.gather [hbm4b:s8+s9], $0x20, s31, s9, $0xb8;
	[tilespmem:$0x11C00] =	vst v63  }
0x21: {  	s18 =	simm.s32 $0x5;
	s19 =	simm.s32 $0x7;
	s15 =	simm.s32 $0xBD60  }
0x22: {  	[tilespmem:s15], [sflag:$0x8] =	stream.indirect.gather [hbm4b:s8+s9], $0x20, s16, s9, $0xb8;
	[tilespmem:$0x11C00] =	vst v63  }
0x23: {  	s20 =	simm.s32 $0x8;
	s12 =	sadd.s32 $0x5A400, s12;
	s16 =	simm.s32 $0x1  }
.LBB2_1:
0x24: {  	_ =	swait.ge [sflag:s16], $0xFA0  }
0x25: {  	s21 =	sshra.s32 s4, $0x2;
	[sflag:s16] =	ssyncset.done $0x0  }
0x26: {  	s22 =	sadd.s32 $0x2800, s21;
	[sflag:s16] =	ssyncadd.s32 $0xFFFFF060  }
0x27: {  	[spmem:s2] =	stream.indirect.scatter.add.bf16 [tilespmem:s10], [sflag:$0x9], $0x20, s22, s9, $0xb8;
	[tilespmem:$0x11C00] =	vst v63  }
0x28: {  	_ =	swait.ge [sflag:s5], $0xFA0  }
0x29: {  	p0 =	seq.s32 s4, $0x9000;
	[sflag:s5] =	ssyncset.done $0x0  }
0x2a: {  	s22 =	simm.s32 @p0 $0x2;
	[sflag:s5] =	ssyncadd.s32 $0xFFFFF060  }
0x2b: {  	s24 =	sshra.s32 @p0 s4, $0x2;
	_ =	swait.ge @p0 [sflag:s22], $0xFA0  }
0x2c: {  	s25 =	simm.s32 @p0 $0x7D;
	s23 =	simm.s32 @p0 $0x5FA0;
	[sflag:s22] =	ssyncset.done @p0 $0x0  }
0x2d: {  	s26 =	simm.s32 @p0 $0x9;
	[sflag:s22] =	ssyncadd.s32 @p0 $0xFFFFF060;
	s22 =	sadd.s32 @p0 $0x2880, s24  }
0x2e: {  	[spmem:s2] =	stream.indirect.scatter.add.bf16 @p0 [tilespmem:s23], [sflag:$0x9], $0x20, s22, s25, $0xb8;
	[tilespmem:$0x11C00] =	vst v63  }
0x2f: {  	_ =	swait.ge @p0 [sflag:s26], $0xFA0  }
0x30: {  	s29 =	simm.s32 @!p0 $0x5000;
	s22 =	sshra.s32 @!p0 s4, $0x2;
	[sflag:s26] =	ssyncset.done @p0 $0x0  }
0x31: {  	s23 =	simm.s32 @!p0 $0x7D;
	s28 =	sadd.s32 @!p0 $0x400, s22;
	[sflag:s26] =	ssyncadd.s32 @p0 $0xFFFFF060  }
0x32: {  	[tilespmem:s29], [sflag:$0x1] =	stream.indirect.gather @!p0 [hbm4b:s8+s23], $0x20, s28, s23, $0xb8;
	[tilespmem:$0x11C00] =	vst v63  }
0x33: {  	s28 =	simm.s32 @!p0 $0x2  }
0x34: {  	_ =	swait.ge @!p0 [sflag:s28], $0xFA0  }
0x35: {  	[sflag:s28] =	ssyncset.done @!p0 $0x0  }
0x36: {  	s29 =	simm.s32 @!p0 $0x5FA0;
	[sflag:s28] =	ssyncadd.s32 @!p0 $0xFFFFF060;
	s28 =	sadd.s32 @!p0 $0x2880, s22  }
0x37: {  	[spmem:s2] =	stream.indirect.scatter.add.bf16 @!p0 [tilespmem:s29], [sflag:$0x9], $0x20, s28, s23, $0xb8;
	[tilespmem:$0x11C00] =	vst v63  }
0x38: {  	s28 =	simm.s32 @!p0 $0x9  }
0x39: {  	_ =	swait.ge @!p0 [sflag:s28], $0xFA0  }
0x3a: {  	[sflag:s28] =	ssyncset.done @!p0 $0x0  }
0x3b: {  	s30 =	sadd.s32 @!p0 $0x480, s22;
	[sflag:s28] =	ssyncadd.s32 @!p0 $0xFFFFF060  }
0x3c: {  	[tilespmem:s29], [sflag:$0x2] =	stream.indirect.gather @!p0 [hbm4b:s8+s23], $0x20, s30, s23, $0xb8;
	[tilespmem:$0x11C00] =	vst v63  }
0x3d: {  	_ =	swait.ge [sflag:s17], $0xFA0  }
0x3e: {  	[sflag:s17] =	ssyncset.done $0x0  }
0x3f: {  	s31 =	sadd.s32 $0x2900, s21;
	[sflag:s17] =	ssyncadd.s32 $0xFFFFF060  }
0x40: {  	[spmem:s2] =	stream.indirect.scatter.add.bf16 [tilespmem:s11], [sflag:$0x9], $0x20, s31, s9, $0xb8;
	[tilespmem:$0x11C00] =	vst v63  }
0x41: {  	_ =	swait.ge [sflag:s5], $0xFA0  }
0x42: {  	[sflag:s5] =	ssyncset.done $0x0  }
0x43: {  	s29 =	simm.s32 @p0 $0x4;
	[sflag:s5] =	ssyncadd.s32 $0xFFFFF060  }
0x44: {  	_ =	swait.ge @p0 [sflag:s29], $0xFA0  }
0x45: {  	[sflag:s29] =	ssyncset.done @p0 $0x0  }
0x46: {  	s30 =	simm.s32 @p0 $0x7EE0;
	[sflag:s29] =	ssyncadd.s32 @p0 $0xFFFFF060;
	s29 =	sadd.s32 @p0 $0x2980, s24  }
0x47: {  	[spmem:s2] =	stream.indirect.scatter.add.bf16 @p0 [tilespmem:s30], [sflag:$0x9], $0x20, s29, s25, $0xb8;
	[tilespmem:$0x11C00] =	vst v63  }
0x48: {  	_ =	swait.ge @p0 [sflag:s26], $0xFA0  }
0x49: {  	[sflag:s26] =	ssyncset.done @p0 $0x0  }
0x4a: {  	s29 =	sadd.s32 @!p0 $0x500, s22;
	s30 =	simm.s32 @!p0 $0x6F40;
	[sflag:s26] =	ssyncadd.s32 @p0 $0xFFFFF060  }
0x4b: {  	[tilespmem:s30], [sflag:$0x3] =	stream.indirect.gather @!p0 [hbm4b:s8+s23], $0x20, s29, s23, $0xb8;
	[tilespmem:$0x11C00] =	vst v63  }
0x4c: {  	s29 =	simm.s32 @!p0 $0x4  }
0x4d: {  	_ =	swait.ge @!p0 [sflag:s29], $0xFA0  }
0x4e: {  	[sflag:s29] =	ssyncset.done @!p0 $0x0  }
0x4f: {  	s30 =	simm.s32 @!p0 $0x7EE0;
	[sflag:s29] =	ssyncadd.s32 @!p0 $0xFFFFF060;
	s29 =	sadd.s32 @!p0 $0x2980, s22  }
0x50: {  	[spmem:s2] =	stream.indirect.scatter.add.bf16 @!p0 [tilespmem:s30], [sflag:$0x9], $0x20, s29, s23, $0xb8;
	[tilespmem:$0x11C00] =	vst v63  }
0x51: {  	_ =	swait.ge @!p0 [sflag:s28], $0xFA0  }
0x52: {  	[sflag:s28] =	ssyncset.done @!p0 $0x0  }
0x53: {  	s29 =	sadd.s32 @!p0 $0x580, s22;
	[sflag:s28] =	ssyncadd.s32 @!p0 $0xFFFFF060  }
0x54: {  	[tilespmem:s30], [sflag:$0x4] =	stream.indirect.gather @!p0 [hbm4b:s8+s23], $0x20, s29, s23, $0xb8;
	[tilespmem:$0x11C00] =	vst v63  }
0x55: {  	_ =	swait.ge [sflag:s18], $0xFA0  }
0x56: {  	[sflag:s18] =	ssyncset.done $0x0  }
0x57: {  	s30 =	sadd.s32 $0x2A00, s21;
	[sflag:s18] =	ssyncadd.s32 $0xFFFFF060  }
0x58: {  	[spmem:s2] =	stream.indirect.scatter.add.bf16 [tilespmem:s13], [sflag:$0x9], $0x20, s30, s9, $0xb8;
	[tilespmem:$0x11C00] =	vst v63  }
0x59: {  	_ =	swait.ge [sflag:s5], $0xFA0  }
0x5a: {  	[sflag:s5] =	ssyncset.done $0x0  }
0x5b: {  	s29 =	simm.s32 @p0 $0x6;
	[sflag:s5] =	ssyncadd.s32 $0xFFFFF060  }
0x5c: {  	_ =	swait.ge @p0 [sflag:s29], $0xFA0  }
0x5d: {  	[sflag:s29] =	ssyncset.done @p0 $0x0  }
0x5e: {  	s24 =	sadd.s32 @p0 $0x2A80, s24;
	[sflag:s29] =	ssyncadd.s32 @p0 $0xFFFFF060;
	s29 =	simm.s32 @p0 $0x9E20  }
0x5f: {  	[spmem:s2] =	stream.indirect.scatter.add.bf16 @p0 [tilespmem:s29], [sflag:$0x9], $0x20, s24, s25, $0xb8;
	[tilespmem:$0x11C00] =	vst v63  }
0x60: {  	_ =	swait.ge @p0 [sflag:s26], $0xFA0  }
0x61: {  	[sflag:s26] =	ssyncset.done @p0 $0x0  }
0x62: {  	s24 =	sadd.s32 @!p0 $0x600, s22;
	s25 =	simm.s32 @!p0 $0x8E80;
	[sflag:s26] =	ssyncadd.s32 @p0 $0xFFFFF060  }
0x63: {  	[tilespmem:s25], [sflag:$0x5] =	stream.indirect.gather @!p0 [hbm4b:s8+s23], $0x20, s24, s23, $0xb8;
	[tilespmem:$0x11C00] =	vst v63  }
0x64: {  	s24 =	simm.s32 @!p0 $0x6  }
0x65: {  	_ =	swait.ge @!p0 [sflag:s24], $0xFA0  }
0x66: {  	[sflag:s24] =	ssyncset.done @!p0 $0x0  }
0x67: {  	s25 =	simm.s32 @!p0 $0x9E20;
	[sflag:s24] =	ssyncadd.s32 @!p0 $0xFFFFF060;
	s24 =	sadd.s32 @!p0 $0x2A80, s22  }
0x68: {  	[spmem:s2] =	stream.indirect.scatter.add.bf16 @!p0 [tilespmem:s25], [sflag:$0x9], $0x20, s24, s23, $0xb8;
	[tilespmem:$0x11C00] =	vst v63  }
0x69: {  	_ =	swait.ge @!p0 [sflag:s28], $0xFA0  }
0x6a: {  	[sflag:s28] =	ssyncset.done @!p0 $0x0  }
0x6b: {  	s22 =	sadd.s32 @!p0 $0x680, s22;
	[sflag:s28] =	ssyncadd.s32 @!p0 $0xFFFFF060  }
0x6c: {  	[tilespmem:s25], [sflag:$0x6] =	stream.indirect.gather @!p0 [hbm4b:s8+s23], $0x20, s22, s23, $0xb8;
	[tilespmem:$0x11C00] =	vst v63  }
0x6d: {  	_ =	swait.ge [sflag:s19], $0xFA0  }
0x6e: {  	[sflag:s19] =	ssyncset.done $0x0  }
.Ltmp0:
0x6f: {  	s31 =	sadd.s32 $0x2B00, s21;
	[sflag:s19] =	ssyncadd.s32 $0xFFFFF060;
	(pc) =	sbr.rel @p0 .LBB2_3-.Ltmp0, $4  }
0x70: {  	[spmem:s2] =	stream.indirect.scatter.add.bf16 [tilespmem:s14], [sflag:$0x9], $0x20, s31, s9, $0xb8;
	[tilespmem:$0x11C00] =	vst v63  }
0x71: {  	_ =	swait.ge [sflag:s5], $0xFA0  }
0x72: {  	[sflag:s5] =	ssyncset.done $0x0  }
0x73: {  	[sflag:s5] =	ssyncadd.s32 $0xFFFFF060  }
0x74: {  	s22 =	sadd.s32 $0x700, s21  }
0x75: {  	[tilespmem:s14], [sflag:$0x7] =	stream.indirect.gather [hbm4b:s8+s9], $0x20, s22, s9, $0xb8;
	[tilespmem:$0x11C00] =	vst v63  }
0x76: {  	_ =	swait.ge [sflag:s20], $0xFA0  }
0x77: {  	[sflag:s20] =	ssyncset.done $0x0  }
0x78: {  	s30 =	sadd.s32 $0x2B80, s21;
	[sflag:s20] =	ssyncadd.s32 $0xFFFFF060  }
0x79: {  	[spmem:s2] =	stream.indirect.scatter.add.bf16 [tilespmem:s15], [sflag:$0x9], $0x20, s30, s9, $0xb8;
	[tilespmem:$0x11C00] =	vst v63  }
.Ltmp1:
0x7a: {  	_ = 	snop;
	(pc) =	sbr.rel .LBB2_1-.Ltmp1, $4  }
0x7b: {  	_ =	swait.ge [sflag:s5], $0xFA0  }
0x7c: {  	[sflag:s5] =	ssyncset.done $0x0  }
0x7d: {  	s31 =	sadd.s32 $0x780, s21;
	s4 =	sadd.s32 $0x1000, s4;
	[sflag:s5] =	ssyncadd.s32 $0xFFFFF060  }
0x7e: {  	[tilespmem:s15], [sflag:$0x8] =	stream.indirect.gather [hbm4b:s8+s9], $0x20, s31, s9, $0xb8;
	[tilespmem:$0x11C00] =	vst v63  }
.LBB2_3:
0x7f: {  	s4 =	simm.s32 $0x8  }
0x80: {  	_ =	swait.ge [sflag:s4], $0xFA0  }
0x81: {  	s30 =	sadd.s32 $0x2B80, s21;
	s5 =	simm.s32 $0x7D;
	[sflag:s4] =	ssyncset.done $0x0  }
0x82: {  	s8 =	simm.s32 $0xBD60;
	s31 =	simm.s32 $0x9;
	[sflag:s4] =	ssyncadd.s32 $0xFFFFF060  }
0x83: {  	[spmem:s2] =	stream.indirect.scatter.add.bf16 [tilespmem:s8], [sflag:$0x9], $0x20, s30, s5, $0xb8;
	[tilespmem:$0x11C00] =	vst v63  }
0x84: {  	_ =	swait.ge [sflag:s31], $0xFA0  }
0x85: {  	[sflag:s31] =	ssyncset.done $0x0  }
0x86: {  	[sflag:s31] =	ssyncadd.s32 $0xFFFFF060  }
0x87: {  	s3 =	sadd.s32 s12, s3;
	[bflag:$0x0] =	sbarrier.arrive $0xFFFF  }
0x88: {  	[hbm:s3], [sflag:s6] =	dma.local [spmem:s7], $0x9E0  }
0x89: {  	_ =	swait.ge [sflag:s31], $0x9E0  }
0x8a: {  	[sflag:s31] =	ssyncset.done $0x0  }
0x8b: {  	[sflag:s31] =	ssyncadd.s32 $0xFFFFF620  }
0x8c: {  	_ =	sfence.sel $0x180000  }
0x8d: {  	[bflag:$0x0] =	sbarrier.arrive $0xFFFF  }
0x8e: {  	p0 =	sne.s32 s0, $0x0;
	_ =	strace $0x90000050  }
0x8f: {  	s0 =	sadd.s32 @!p0 $0x100000, s1;
	[bflag:$0x2] =	sbarrier.arrive $0xFFFF  }
0x90: {  	[sflag:s0] =	ssyncadd.tile.s32 @!p0 $0x1;
	_ =	shalt  }
.Lfunc_end2:
_tile_overlayer_lowered:
.L_overlay_start_2:
0x91: {  	(tag) =	ssettag $0x2  }
0x92: {  	s0 =	rddreg [dreg:$0x0];
	s2 =	stileid.u32  }
0x93: {  	s1 =	rddreg [dreg:$0x1];
	p0 =	sne.s32 s2, $0x0  }
0x94: {  	s3 =	rddreg [dreg:$0x2];
	[bflag:$0x3] =	sbarrier.arrive $0xFFFF;
	s2 =	simm.s32 @!p0 $0x1C09  }
0x95: {  	[timem:s3], [sflag:s2] =	dma.local @!p0 [hbm:s0], s1  }
0x96: {  	s0 =	simm.s32 @!p0 $0x9  }
0x97: {  	_ =	swait.ge @!p0 [sflag:s0], s1  }
0x98: {  	s1 =	ssub.s32 @!p0 $0x0, s1;
	[sflag:s0] =	ssyncset.done @!p0 $0x0  }
0x99: {  	[sflag:s0] =	ssyncadd.s32 @!p0 s1  }
0x9a: {  	[bflag:$0x3] =	sbarrier.arrive $0xFFFF  }
0x9b: {  	_ =	shalt  }

// kernel: kernel.29.cloned.1.call-start
scs
__scs_entry_jumppad:
0x0: {  	(pc) =	sbr.rel $0x88, $3  }
0x1: {  	(tag) =	ssettag $0x0;
	lr =	simm.s32 $0x1  }
0x2: {  	[smem:$0x3F97] =	sst lr;
	_ =	strace $0xD0000000  }
0x3: {  	_ = 	snop  }
0x4: {  	_ = 	snop  }
0x5: {  	_ = 	snop  }
0x6: {  	_ = 	snop  }
0x7: {  	_ = 	snop  }
__scs_overlays_trampoline_lowered:
0x8: {  	[smem:$0x3FA6] =	sst s0  }
0x9: {  	[smem:$0x3FA7] =	sst s1  }
0xa: {  	[smem:$0x3FA8] =	sst s2  }
0xb: {  	[smem:$0x3FA9] =	sst s3  }
0xc: {  	[smem:$0x3FAA] =	sst s4  }
0xd: {  	[smem:$0x3FAB] =	sst s5  }
0xe: {  	[smem:$0x3FAC] =	sst s6  }
0xf: {  	[smem:$0x3FAD] =	sst s7  }
0x10: {  	[smem:$0x3FAE] =	sst s8  }
0x11: {  	[smem:$0x3FAF] =	sst s9;
	s0 =	simm.s32 @!p0 $0x0  }
0x12: {  	s1 =	sld [smem:$0x3F95];
	s0 =	simm.s32 @p0 $0x1  }
0x13: {  	[smem:$0x3FB0] =	sst s0;
	s0 =	simm.s32 @!p1 $0x0  }
0x14: {  	s2 =	sld [smem:$0x3F94];
	s0 =	simm.s32 @p1 $0x1  }
0x15: {  	[smem:$0x3FB1] =	sst s0;
	s0 =	simm.s32 @!p2 $0x0  }
0x16: {  	s3 =	sld [smem:$0x3FDB];
	s0 =	simm.s32 @p2 $0x1  }
0x17: {  	s4 =	simm.s32 $0x1BF5;
	[smem:$0x3FB3] =	sst s0  }
0x18: {  	s0 =	sld [smem:$0x3F96];
	_ =	swait.ge [sflag:s4], $0x0  }
0x19: {  	s7 =	sld [smem:$0x3F97]  }
0x1a: {  	s8 =	sadd.s32 $0xFFFFE003, lr  }
0x1b: {  	s9 =	sadd.s32 $0xFFFFFEF7, lr;
	s5 =	simm.s32 $0xFFFFFFFF;
	p2 =	slt.u32 s8, $0xFFFFF086  }
0x1c: {  	p1 =	slt.u32 s9, $0xF7A;
	s5 =	simm.s32 @!p2 $0x0  }
0x1d: {  	s5 =	simm.s32 @p1 $0x1;
	p0 =	seq.s32 s7, s2  }
0x1e: {  	s7 =	smul.u32 @!p0 $0xF7A, s2;
	p2 =	seq.s32 @!p0 s5, $0x0  }
0x1f: {  	s9 =	smul.u32 $0xF7A, s1;
	s8 =	simm.s32 @!p0 $0x1BF5;
	p2 =	por !p2, p0  }
0x20: {  	[sflag:s8] =	ssyncset.s32 @!p0 $0xFFFFF086;
	s6 =	sadd.s32 @!p0 s3, s7;
	s7 =	simm.s32 @!p0 $0x108  }
0x21: {  	s3 =	sadd.s32 s3, s9;
	s6 =	sadd.s32 @!p0 $0x88, s6;
	s7 =	simm.s32 @p2 $0x1082  }
0x22: {  	[simem:s7], [sflag:s8] =	dma.local @!p0 [hbm:s6], $0xF7A  }
0x23: {  	s9 =	sor.u32 $0xD0000000, s2;
	s6 =	simm.s32 $0x108;
	_ =	swait.ge @!p0 [sflag:s8], $0x0  }
0x24: {  	s3 =	sadd.s32 $0x88, s3;
	s6 =	simm.s32 @!p1 $0x1082;
	[sflag:s4] =	ssyncset.s32 $0xFFFFF086  }
0x25: {  	[simem:s6], [sflag:s4] =	dma.local [hbm:s3], $0xF7A  }
0x26: {  	[smem:$0x3F97] =	sst s1;
	(tag) =	ssettag s2;
	_ =	strace s9  }
0x27: {  	s1 =	sld [smem:$0x3FA7]  }
0x28: {  	s2 =	sld [smem:$0x3FA8]  }
0x29: {  	s4 =	sld [smem:$0x3FAA]  }
0x2a: {  	p0 =	seq.s32 s5, $0x0;
	s5 =	sld [smem:$0x3FAB]  }
0x2b: {  	s6 =	sld [smem:$0x3FAC]  }
0x2c: {  	s7 =	sld [smem:$0x3FAD]  }
0x2d: {  	s3 =	simm.s32 $0x108;
	s8 =	sld [smem:$0x3FAE]  }
0x2e: {  	s3 =	simm.s32 @!p0 $0x1082;
	s9 =	sld [smem:$0x3FAF]  }
0x2f: {  	lr =	sadd.s32 s0, s3;
	s0 =	sld [smem:$0x3FA6]  }
0x30: {  	s3 =	sld [smem:$0x3FA9]  }
0x31: {  	[smem:$0x3FB2] =	sst s10  }
0x32: {  	s10 =	sld [smem:$0x3FB0];
	_ =	sdelay $0x3  }
0x33: {  	p0 =	seq.s32 s10, $0x1;
	s10 =	sld [smem:$0x3FB2];
	_ =	sdelay $0x3  }
0x34: {  	[smem:$0x3FB2] =	sst s10  }
0x35: {  	s10 =	sld [smem:$0x3FB1];
	_ =	sdelay $0x3  }
0x36: {  	p1 =	seq.s32 s10, $0x1;
	s10 =	sld [smem:$0x3FB2];
	_ =	sdelay $0x3  }
0x37: {  	[smem:$0x3FB2] =	sst s10  }
0x38: {  	s10 =	sld [smem:$0x3FB3]  }
0x39: {  	_ = 	snop;
	(pc) =	sbr.ind lr, $3  }
0x3a: {  	_ = 	snop  }
0x3b: {  	_ = 	snop  }
0x3c: {  	p2 =	seq.s32 s10, $0x1;
	s10 =	sld [smem:$0x3FB2]  }
0x3d: {  	_ =	shalt  }
0x3e: {  	_ =	shalt  }
0x3f: {  	_ =	shalt  }
0x40: {  	_ =	shalt  }
0x41: {  	_ =	shalt  }
0x42: {  	_ =	shalt  }
0x43: {  	_ =	shalt  }
0x44: {  	_ =	shalt  }
0x45: {  	_ =	shalt  }
0x46: {  	_ =	shalt  }
0x47: {  	_ =	shalt  }
0x48: {  	_ =	shalt  }
0x49: {  	_ =	shalt  }
0x4a: {  	_ =	shalt  }
0x4b: {  	_ =	shalt  }
0x4c: {  	_ =	shalt  }
0x4d: {  	_ =	shalt  }
0x4e: {  	_ =	shalt  }
0x4f: {  	_ =	shalt  }
0x50: {  	_ =	shalt  }
0x51: {  	_ =	shalt  }
0x52: {  	_ =	shalt  }
0x53: {  	_ =	shalt  }
0x54: {  	_ =	shalt  }
0x55: {  	_ =	shalt  }
0x56: {  	_ =	shalt  }
0x57: {  	_ =	shalt  }
0x58: {  	_ =	shalt  }
0x59: {  	_ =	shalt  }
0x5a: {  	_ =	shalt  }
0x5b: {  	_ =	shalt  }
0x5c: {  	_ =	shalt  }
0x5d: {  	_ =	shalt  }
0x5e: {  	_ =	shalt  }
0x5f: {  	_ =	shalt  }
0x60: {  	_ =	shalt  }
0x61: {  	_ =	shalt  }
0x62: {  	_ =	shalt  }
0x63: {  	_ =	shalt  }
0x64: {  	_ =	shalt  }
0x65: {  	_ =	shalt  }
0x66: {  	_ =	shalt  }
0x67: {  	_ =	shalt  }
0x68: {  	_ =	shalt  }
0x69: {  	_ =	shalt  }
0x6a: {  	_ =	shalt  }
0x6b: {  	_ =	shalt  }
0x6c: {  	_ =	shalt  }
0x6d: {  	_ =	shalt  }
0x6e: {  	_ =	shalt  }
0x6f: {  	_ =	shalt  }
0x70: {  	_ =	shalt  }
0x71: {  	_ =	shalt  }
0x72: {  	_ =	shalt  }
0x73: {  	_ =	shalt  }
0x74: {  	_ =	shalt  }
0x75: {  	_ =	shalt  }
0x76: {  	_ =	shalt  }
0x77: {  	_ =	shalt  }
0x78: {  	_ =	shalt  }
0x79: {  	_ =	shalt  }
0x7a: {  	_ =	shalt  }
0x7b: {  	_ =	shalt  }
0x7c: {  	_ =	shalt  }
0x7d: {  	_ =	shalt  }
0x7e: {  	_ =	shalt  }
0x7f: {  	_ =	shalt  }
0x80: {  	_ =	shalt  }
0x81: {  	_ =	shalt  }
0x82: {  	_ =	shalt  }
0x83: {  	_ =	shalt  }
0x84: {  	_ =	shalt  }
0x85: {  	_ =	shalt  }
0x86: {  	_ =	shalt  }
0x87: {  	_ =	shalt  }
.Lfunc_end0:
.L_simem_size_0:
called_computation.5_lowered:
.L_overlay_start_0:
0x88: {  	s0 =	sld [smem:$0x3FD9]  }
0x89: {  	s1 =	sld [smem:$0x3FFE];
	_ =	sdelay $0x3  }
0x8a: {  	s0 =	sadd.s32 s1, s0  }
0x8b: {  	[smem:$0x3FBE] =	sst s0  }
0x8c: {  	_ = 	snop  }
0x8d: {  	(tm) =	ssettm $0x1  }
0x8e: {  	s15 =	sld [smem:$0x3FFB];
	_ =	sdelay $0x3  }
0x8f: {  	_ =	strace s15  }
0x90: {  	s0 =	sld [smem:$0x3FFC];
	_ =	sdelay $0x3  }
0x91: {  	_ =	strace s0  }
0x92: {  	s0 =	sld [smem:$0x3FFD];
	_ =	sdelay $0x3  }
0x93: {  	_ =	strace s0  }
0x94: {  	_ =	strace $0x8FFFFFFF  }
0x95: {  	s16 =	sld [smem:$0x3FDB];
	_ =	sdelay $0x1  }
0x96: {  	s17 =	simm.s32 $_scs_section_size  }
0x97: {  	s2 =	simm.s32 $_size__tile_overlayer_lowered;
	s3 =	simm.s32 $_tile_overlayer_lowered  }
0x98: {  	s20 =	simm.s32 $0x1BFF;
	s19 =	sshll.u32 s3, $0x1;
	s0 =	sadd.s32 s17, s16  }
0x99: {  	s4 =	simm.s32 $0x0;
	s18 =	sshll.u32 s2, $0x1;
	s2 =	sadd.s32 s19, s0  }
0x9a: {  	[timem:s4], [sflag:s20] =	dma.local [hbm:s2], s18  }
0x9b: {  	_ =	swait.ge [sflag:s20], s18  }
0x9c: {  	s1 =	ssub.s32 $0x0, s18;
	[sflag:s20] =	ssyncset.done $0x0  }
0x9d: {  	[sflag:s20] =	ssyncadd.s32 s1;
	_ =	sdelay $0x1  }
0x9e: {  	s21 =	simm.s32 $0x1B8B  }
0x9f: {  	_ =	swait.ge [sflag:s21], $0x1  }
0xa0: {  	[sflag:s21] =	ssyncset.done $0x0  }
0xa1: {  	s23 =	simm.s32 $0x1B8E;
	s22 =	sld [smem:$0x3FFE];
	[sflag:s21] =	ssyncadd.s32 $0xFFFFFFFF  }
0xa2: {  	s24 =	simm.s32 $execute0_lowered;
	[smem:$0x3FD2] =	sst s23  }
0xa3: {  	s2 =	sshll.u32 s24, $0x1;
	_ =	strace $0x80000058;
	[dreg:$0x1] =	wrdreg $0xFFFFFFFF  }
0xa4: {  	s25 =	simm.s32 $_size_execute0_lowered;
	s0 =	sadd.s32 s0, s2;
	[dreg:$0x0] =	wrdreg $0x0  }
0xa5: {  	s2 =	sshll.u32 s25, $0x1;
	[dreg:$0x2] =	wrdreg s0  }
0xa6: {  	[dreg:$0x3] =	wrdreg s2  }
0xa7: {  	[dreg:$0x4] =	wrdreg $0xC0  }
0xa8: {  	_ =	task [dreg:s4], $0x5FFFF  }
0xa9: {  	[dreg:$0x1] =	wrdreg $0xFFFFFFFF  }
0xaa: {  	[dreg:$0x0] =	wrdreg $0x60  }
0xab: {  	[dreg:$0x2] =	wrdreg s22  }
0xac: {  	[dreg:$0x3] =	wrdreg $0xCD000  }
0xad: {  	[dreg:$0x4] =	wrdreg $0x9  }
0xae: {  	_ =	task.clear_ibuf [dreg:s4], $0x5FFFF;
	_ =	strace $0x90000058  }
0xaf: {  	s26 =	simm.s32 $0x9;
	_ =	strace $0x8000005A  }
0xb0: {  	_ =	swait.ge [sflag:s26], $0x1  }
0xb1: {  	[sflag:s26] =	ssyncadd.s32 $0xFFFFFFFF  }
0xb2: {  	_ =	strace $0x9000005A  }
0xb3: {  	_ =	sfence  }
0xb4: {  	s28 =	sld [smem:$0x0];
	_ =	sdelay $0x1  }
0xb5: {  	s29 =	srdreg.scid  }
0xb6: {  	s30 =	sshll.u32 s29, $0xD;
	s31 =	sshrl.u32 s29, $0x2  }
0xb7: {  	s1 =	sand.u32 $0x1, s29;
	s2 =	sand.u32 $0x4000, s30;
	s0 =	sadd.s32 s31, s28  }
0xb8: {  	s1 =	sor.u32 s2, s1;
	s0 =	sshll.u32 s0, $0x11  }
0xb9: {  	s0 =	sor.u32 s0, s1  }
0xba: {  	s0 =	sadd.s32 $0x8F2B, s0  }
0xbb: {  	[sflag:s0] =	ssyncadd.remote.s32 $0x1  }
0xbc: {  	_ =	sfence.sel $0xFFFF  }
0xbd: {  	[dreg:$0x0] =	wrdreg $0xFFFFFFFF;
	(pc) =	sbr.abs _section_cstart, $3  }
0xbe: {  	[dreg:$0x1] =	wrdreg $0xFFFFFFFF  }
0xbf: {  	_ =	task.clear_ibuf [dreg:s4], $0x2FFFF;
	_ =	strace $0x9FFFFFFF  }
0xc0: {  	(tm) =	ssettm $0x7FFFFFFF  }
0xc1: {  	_ =	shalt  }
tec
execute0_lowered:
.L_overlay_start_1:
0x0: {  	(tag) =	ssettag $0x1  }
0x1: {  	s12 =	rddreg [dreg:$0x0];
	s0 =	stileid.u32  }
0x2: {  	s2 =	rddreg [dreg:$0x1];
	s3 =	smul.u32 $0x500, s0  }
0x3: {  	s1 =	rddreg [dreg:$0x2];
	s4 =	simm.s32 $0x0  }
0x4: {  	[smem:$0x7FF] =	sst s4;
	s6 =	sadd.s32 s3, s12  }
0x5: {  	s5 =	simm.s32 $0x9;
	_ =	strace $0x80000059;
	s3 =	sadd.s32 $0x15600, s6  }
0x6: {  	[tilespmem:s4], [sflag:$0x9] =	stream.linear.gather [hbm4b:s3+s4], $0x2800, $0x38;
	[tilespmem:$0x11C00] =	vst v63  }
0x7: {  	s7 =	smul.u32 $0x9E00, s0;
	_ =	swait.ge [sflag:s5], $0x2800  }
0x8: {  	s8 =	simm.s32 $0x2800;
	s25 =	sshll.u32 s0, $0x6;
	[sflag:s5] =	ssyncset.done $0x0  }
0x9: {  	s6 =	sadd.s32 $0x3C00, s6;
	s3 =	sshrl.u32 s7, $0x4;
	[sflag:s5] =	ssyncadd.s32 $0xFFFFD800  }
0xa: {  	[tilespmem:s8], [sflag:$0x9] =	stream.linear.gather [hbm4b:s6+s4], $0x2800, $0x38;
	[tilespmem:$0x11C00] =	vst v63  }
0xb: {  	s7 =	sshrl.u32 s7, $0x1;
	s23 =	sadd.s32 s3, s12;
	_ =	swait.ge [sflag:s5], $0x2800  }
0xc: {  	s7 =	sadd.s32 s7, s2;
	s24 =	sadd.s32 $0x1F600, s23;
	[sflag:s5] =	ssyncset.done $0x0  }
0xd: {  	s7 =	sshrl.u32 s7, $0x3;
	s6 =	sor.u32 $0x1C09, s25;
	[sflag:s5] =	ssyncadd.s32 $0xFFFFD800  }
0xe: {  	[spmem:s7], [sflag:s6] =	dma.local [hbm:s24], $0x9E0  }
0xf: {  	_ =	swait.ge [sflag:s5], $0x9E0  }
0x10: {  	[sflag:s5] =	ssyncset.done $0x0  }
0x11: {  	s9 =	simm.s32 $0x7D;
	[sflag:s5] =	ssyncadd.s32 $0xFFFFF620  }
0x12: {  	s10 =	simm.s32 $0x5000;
	s8 =	sadd.s32 $0x50600, s12;
	[bflag:$0x0] =	sbarrier.arrive $0xFFFF  }
0x13: {  	[tilespmem:s10], [sflag:$0x1] =	stream.indirect.gather [hbm4b:s8+s9], $0x20, s4, s9, $0xb8;
	[tilespmem:$0x11C00] =	vst v63  }
0x14: {  	s11 =	simm.s32 $0x80;
	s13 =	simm.s32 $0x5FA0  }
0x15: {  	[tilespmem:s13], [sflag:$0x2] =	stream.indirect.gather [hbm4b:s8+s9], $0x20, s11, s9, $0xb8;
	[tilespmem:$0x11C00] =	vst v63  }
0x16: {  	s26 =	simm.s32 $0x100;
	s11 =	simm.s32 $0x6F40  }
0x17: {  	[tilespmem:s11], [sflag:$0x3] =	stream.indirect.gather [hbm4b:s8+s9], $0x20, s26, s9, $0xb8;
	[tilespmem:$0x11C00] =	vst v63  }
0x18: {  	s28 =	simm.s32 $0x180;
	s14 =	simm.s32 $0x7EE0  }
0x19: {  	[tilespmem:s14], [sflag:$0x4] =	stream.indirect.gather [hbm4b:s8+s9], $0x20, s28, s9, $0xb8;
	[tilespmem:$0x11C00] =	vst v63  }
0x1a: {  	s29 =	simm.s32 $0x200;
	s13 =	simm.s32 $0x8E80  }
0x1b: {  	[tilespmem:s13], [sflag:$0x5] =	stream.indirect.gather [hbm4b:s8+s9], $0x20, s29, s9, $0xb8;
	[tilespmem:$0x11C00] =	vst v63  }
0x1c: {  	s30 =	simm.s32 $0x280;
	s15 =	simm.s32 $0x9E20;
	s31 =	simm.s32 $0x300  }
0x1d: {  	[tilespmem:s15], [sflag:$0x6] =	stream.indirect.gather [hbm4b:s8+s9], $0x20, s30, s9, $0xb8;
	[tilespmem:$0x11C00] =	vst v63  }
0x1e: {  	s16 =	simm.s32 $0x380;
	s17 =	simm.s32 $0x3;
	s14 =	simm.s32 $0xADC0  }
0x1f: {  	[tilespmem:s14], [sflag:$0x7] =	stream.indirect.gather [hbm4b:s8+s9], $0x20, s31, s9, $0xb8;
	[tilespmem:$0x11C00] =	vst v63  }
0x20: {  	s18 =	simm.s32 $0x5;
	s19 =	simm.s32 $0x7;
	s15 =	simm.s32 $0xBD60  }
0x21: {  	[tilespmem:s15], [sflag:$0x8] =	stream.indirect.gather [hbm4b:s8+s9], $0x20, s16, s9, $0xb8;
	[tilespmem:$0x11C00] =	vst v63  }
0x22: {  	s20 =	simm.s32 $0x8;
	s12 =	sadd.s32 $0x64200, s12;
	s16 =	simm.s32 $0x1  }
.LBB2_1:
0x23: {  	_ =	swait.ge [sflag:s16], $0xFA0  }
0x24: {  	s21 =	sshra.s32 s4, $0x2;
	[sflag:s16] =	ssyncset.done $0x0  }
0x25: {  	s22 =	sadd.s32 $0x2800, s21;
	[sflag:s16] =	ssyncadd.s32 $0xFFFFF060  }
0x26: {  	[spmem:s2] =	stream.indirect.scatter.add.bf16 [tilespmem:s10], [sflag:$0x9], $0x20, s22, s9, $0xb8;
	[tilespmem:$0x11C00] =	vst v63  }
0x27: {  	_ =	swait.ge [sflag:s5], $0xFA0  }
0x28: {  	p0 =	seq.s32 s4, $0x9000;
	[sflag:s5] =	ssyncset.done $0x0  }
0x29: {  	s22 =	simm.s32 @p0 $0x2;
	[sflag:s5] =	ssyncadd.s32 $0xFFFFF060  }
0x2a: {  	s24 =	sshra.s32 @p0 s4, $0x2;
	_ =	swait.ge @p0 [sflag:s22], $0xFA0  }
0x2b: {  	s25 =	simm.s32 @p0 $0x7D;
	s23 =	simm.s32 @p0 $0x5FA0;
	[sflag:s22] =	ssyncset.done @p0 $0x0  }
0x2c: {  	s26 =	simm.s32 @p0 $0x9;
	[sflag:s22] =	ssyncadd.s32 @p0 $0xFFFFF060;
	s22 =	sadd.s32 @p0 $0x2880, s24  }
0x2d: {  	[spmem:s2] =	stream.indirect.scatter.add.bf16 @p0 [tilespmem:s23], [sflag:$0x9], $0x20, s22, s25, $0xb8;
	[tilespmem:$0x11C00] =	vst v63  }
0x2e: {  	_ =	swait.ge @p0 [sflag:s26], $0xFA0  }
0x2f: {  	s29 =	simm.s32 @!p0 $0x5000;
	s22 =	sshra.s32 @!p0 s4, $0x2;
	[sflag:s26] =	ssyncset.done @p0 $0x0  }
0x30: {  	s23 =	simm.s32 @!p0 $0x7D;
	s28 =	sadd.s32 @!p0 $0x400, s22;
	[sflag:s26] =	ssyncadd.s32 @p0 $0xFFFFF060  }
0x31: {  	[tilespmem:s29], [sflag:$0x1] =	stream.indirect.gather @!p0 [hbm4b:s8+s23], $0x20, s28, s23, $0xb8;
	[tilespmem:$0x11C00] =	vst v63  }
0x32: {  	s28 =	simm.s32 @!p0 $0x2  }
0x33: {  	_ =	swait.ge @!p0 [sflag:s28], $0xFA0  }
0x34: {  	[sflag:s28] =	ssyncset.done @!p0 $0x0  }
0x35: {  	s29 =	simm.s32 @!p0 $0x5FA0;
	[sflag:s28] =	ssyncadd.s32 @!p0 $0xFFFFF060;
	s28 =	sadd.s32 @!p0 $0x2880, s22  }
0x36: {  	[spmem:s2] =	stream.indirect.scatter.add.bf16 @!p0 [tilespmem:s29], [sflag:$0x9], $0x20, s28, s23, $0xb8;
	[tilespmem:$0x11C00] =	vst v63  }
0x37: {  	s28 =	simm.s32 @!p0 $0x9  }
0x38: {  	_ =	swait.ge @!p0 [sflag:s28], $0xFA0  }
0x39: {  	[sflag:s28] =	ssyncset.done @!p0 $0x0  }
0x3a: {  	s30 =	sadd.s32 @!p0 $0x480, s22;
	[sflag:s28] =	ssyncadd.s32 @!p0 $0xFFFFF060  }
0x3b: {  	[tilespmem:s29], [sflag:$0x2] =	stream.indirect.gather @!p0 [hbm4b:s8+s23], $0x20, s30, s23, $0xb8;
	[tilespmem:$0x11C00] =	vst v63  }
0x3c: {  	_ =	swait.ge [sflag:s17], $0xFA0  }
0x3d: {  	[sflag:s17] =	ssyncset.done $0x0  }
0x3e: {  	s31 =	sadd.s32 $0x2900, s21;
	[sflag:s17] =	ssyncadd.s32 $0xFFFFF060  }
0x3f: {  	[spmem:s2] =	stream.indirect.scatter.add.bf16 [tilespmem:s11], [sflag:$0x9], $0x20, s31, s9, $0xb8;
	[tilespmem:$0x11C00] =	vst v63  }
0x40: {  	_ =	swait.ge [sflag:s5], $0xFA0  }
0x41: {  	[sflag:s5] =	ssyncset.done $0x0  }
0x42: {  	s29 =	simm.s32 @p0 $0x4;
	[sflag:s5] =	ssyncadd.s32 $0xFFFFF060  }
0x43: {  	_ =	swait.ge @p0 [sflag:s29], $0xFA0  }
0x44: {  	[sflag:s29] =	ssyncset.done @p0 $0x0  }
0x45: {  	s30 =	simm.s32 @p0 $0x7EE0;
	[sflag:s29] =	ssyncadd.s32 @p0 $0xFFFFF060;
	s29 =	sadd.s32 @p0 $0x2980, s24  }
0x46: {  	[spmem:s2] =	stream.indirect.scatter.add.bf16 @p0 [tilespmem:s30], [sflag:$0x9], $0x20, s29, s25, $0xb8;
	[tilespmem:$0x11C00] =	vst v63  }
0x47: {  	_ =	swait.ge @p0 [sflag:s26], $0xFA0  }
0x48: {  	[sflag:s26] =	ssyncset.done @p0 $0x0  }
0x49: {  	s29 =	sadd.s32 @!p0 $0x500, s22;
	s30 =	simm.s32 @!p0 $0x6F40;
	[sflag:s26] =	ssyncadd.s32 @p0 $0xFFFFF060  }
0x4a: {  	[tilespmem:s30], [sflag:$0x3] =	stream.indirect.gather @!p0 [hbm4b:s8+s23], $0x20, s29, s23, $0xb8;
	[tilespmem:$0x11C00] =	vst v63  }
0x4b: {  	s29 =	simm.s32 @!p0 $0x4  }
0x4c: {  	_ =	swait.ge @!p0 [sflag:s29], $0xFA0  }
0x4d: {  	[sflag:s29] =	ssyncset.done @!p0 $0x0  }
0x4e: {  	s30 =	simm.s32 @!p0 $0x7EE0;
	[sflag:s29] =	ssyncadd.s32 @!p0 $0xFFFFF060;
	s29 =	sadd.s32 @!p0 $0x2980, s22  }
0x4f: {  	[spmem:s2] =	stream.indirect.scatter.add.bf16 @!p0 [tilespmem:s30], [sflag:$0x9], $0x20, s29, s23, $0xb8;
	[tilespmem:$0x11C00] =	vst v63  }
0x50: {  	_ =	swait.ge @!p0 [sflag:s28], $0xFA0  }
0x51: {  	[sflag:s28] =	ssyncset.done @!p0 $0x0  }
0x52: {  	s29 =	sadd.s32 @!p0 $0x580, s22;
	[sflag:s28] =	ssyncadd.s32 @!p0 $0xFFFFF060  }
0x53: {  	[tilespmem:s30], [sflag:$0x4] =	stream.indirect.gather @!p0 [hbm4b:s8+s23], $0x20, s29, s23, $0xb8;
	[tilespmem:$0x11C00] =	vst v63  }
0x54: {  	_ =	swait.ge [sflag:s18], $0xFA0  }
0x55: {  	[sflag:s18] =	ssyncset.done $0x0  }
0x56: {  	s30 =	sadd.s32 $0x2A00, s21;
	[sflag:s18] =	ssyncadd.s32 $0xFFFFF060  }
0x57: {  	[spmem:s2] =	stream.indirect.scatter.add.bf16 [tilespmem:s13], [sflag:$0x9], $0x20, s30, s9, $0xb8;
	[tilespmem:$0x11C00] =	vst v63  }
0x58: {  	_ =	swait.ge [sflag:s5], $0xFA0  }
0x59: {  	[sflag:s5] =	ssyncset.done $0x0  }
0x5a: {  	s29 =	simm.s32 @p0 $0x6;
	[sflag:s5] =	ssyncadd.s32 $0xFFFFF060  }
0x5b: {  	_ =	swait.ge @p0 [sflag:s29], $0xFA0  }
0x5c: {  	[sflag:s29] =	ssyncset.done @p0 $0x0  }
0x5d: {  	s24 =	sadd.s32 @p0 $0x2A80, s24;
	[sflag:s29] =	ssyncadd.s32 @p0 $0xFFFFF060;
	s29 =	simm.s32 @p0 $0x9E20  }
0x5e: {  	[spmem:s2] =	stream.indirect.scatter.add.bf16 @p0 [tilespmem:s29], [sflag:$0x9], $0x20, s24, s25, $0xb8;
	[tilespmem:$0x11C00] =	vst v63  }
0x5f: {  	_ =	swait.ge @p0 [sflag:s26], $0xFA0  }
0x60: {  	[sflag:s26] =	ssyncset.done @p0 $0x0  }
0x61: {  	s24 =	sadd.s32 @!p0 $0x600, s22;
	s25 =	simm.s32 @!p0 $0x8E80;
	[sflag:s26] =	ssyncadd.s32 @p0 $0xFFFFF060  }
0x62: {  	[tilespmem:s25], [sflag:$0x5] =	stream.indirect.gather @!p0 [hbm4b:s8+s23], $0x20, s24, s23, $0xb8;
	[tilespmem:$0x11C00] =	vst v63  }
0x63: {  	s24 =	simm.s32 @!p0 $0x6  }
0x64: {  	_ =	swait.ge @!p0 [sflag:s24], $0xFA0  }
0x65: {  	[sflag:s24] =	ssyncset.done @!p0 $0x0  }
0x66: {  	s25 =	simm.s32 @!p0 $0x9E20;
	[sflag:s24] =	ssyncadd.s32 @!p0 $0xFFFFF060;
	s24 =	sadd.s32 @!p0 $0x2A80, s22  }
0x67: {  	[spmem:s2] =	stream.indirect.scatter.add.bf16 @!p0 [tilespmem:s25], [sflag:$0x9], $0x20, s24, s23, $0xb8;
	[tilespmem:$0x11C00] =	vst v63  }
0x68: {  	_ =	swait.ge @!p0 [sflag:s28], $0xFA0  }
0x69: {  	[sflag:s28] =	ssyncset.done @!p0 $0x0  }
0x6a: {  	s22 =	sadd.s32 @!p0 $0x680, s22;
	[sflag:s28] =	ssyncadd.s32 @!p0 $0xFFFFF060  }
0x6b: {  	[tilespmem:s25], [sflag:$0x6] =	stream.indirect.gather @!p0 [hbm4b:s8+s23], $0x20, s22, s23, $0xb8;
	[tilespmem:$0x11C00] =	vst v63  }
0x6c: {  	_ =	swait.ge [sflag:s19], $0xFA0  }
0x6d: {  	[sflag:s19] =	ssyncset.done $0x0  }
.Ltmp0:
0x6e: {  	s31 =	sadd.s32 $0x2B00, s21;
	[sflag:s19] =	ssyncadd.s32 $0xFFFFF060;
	(pc) =	sbr.rel @p0 .LBB2_3-.Ltmp0, $4  }
0x6f: {  	[spmem:s2] =	stream.indirect.scatter.add.bf16 [tilespmem:s14], [sflag:$0x9], $0x20, s31, s9, $0xb8;
	[tilespmem:$0x11C00] =	vst v63  }
0x70: {  	_ =	swait.ge [sflag:s5], $0xFA0  }
0x71: {  	[sflag:s5] =	ssyncset.done $0x0  }
0x72: {  	[sflag:s5] =	ssyncadd.s32 $0xFFFFF060  }
0x73: {  	s22 =	sadd.s32 $0x700, s21  }
0x74: {  	[tilespmem:s14], [sflag:$0x7] =	stream.indirect.gather [hbm4b:s8+s9], $0x20, s22, s9, $0xb8;
	[tilespmem:$0x11C00] =	vst v63  }
0x75: {  	_ =	swait.ge [sflag:s20], $0xFA0  }
0x76: {  	[sflag:s20] =	ssyncset.done $0x0  }
0x77: {  	s30 =	sadd.s32 $0x2B80, s21;
	[sflag:s20] =	ssyncadd.s32 $0xFFFFF060  }
0x78: {  	[spmem:s2] =	stream.indirect.scatter.add.bf16 [tilespmem:s15], [sflag:$0x9], $0x20, s30, s9, $0xb8;
	[tilespmem:$0x11C00] =	vst v63  }
.Ltmp1:
0x79: {  	_ = 	snop;
	(pc) =	sbr.rel .LBB2_1-.Ltmp1, $4  }
0x7a: {  	_ =	swait.ge [sflag:s5], $0xFA0  }
0x7b: {  	[sflag:s5] =	ssyncset.done $0x0  }
0x7c: {  	s31 =	sadd.s32 $0x780, s21;
	s4 =	sadd.s32 $0x1000, s4;
	[sflag:s5] =	ssyncadd.s32 $0xFFFFF060  }
0x7d: {  	[tilespmem:s15], [sflag:$0x8] =	stream.indirect.gather [hbm4b:s8+s9], $0x20, s31, s9, $0xb8;
	[tilespmem:$0x11C00] =	vst v63  }
.LBB2_3:
0x7e: {  	s4 =	simm.s32 $0x8  }
0x7f: {  	_ =	swait.ge [sflag:s4], $0xFA0  }
0x80: {  	s30 =	sadd.s32 $0x2B80, s21;
	s5 =	simm.s32 $0x7D;
	[sflag:s4] =	ssyncset.done $0x0  }
0x81: {  	s8 =	simm.s32 $0xBD60;
	s31 =	simm.s32 $0x9;
	[sflag:s4] =	ssyncadd.s32 $0xFFFFF060  }
0x82: {  	[spmem:s2] =	stream.indirect.scatter.add.bf16 [tilespmem:s8], [sflag:$0x9], $0x20, s30, s5, $0xb8;
	[tilespmem:$0x11C00] =	vst v63  }
0x83: {  	_ =	swait.ge [sflag:s31], $0xFA0  }
0x84: {  	[sflag:s31] =	ssyncset.done $0x0  }
0x85: {  	[sflag:s31] =	ssyncadd.s32 $0xFFFFF060  }
0x86: {  	s3 =	sadd.s32 s12, s3;
	[bflag:$0x0] =	sbarrier.arrive $0xFFFF  }
0x87: {  	[hbm:s3], [sflag:s6] =	dma.local [spmem:s7], $0x9E0  }
0x88: {  	_ =	swait.ge [sflag:s31], $0x9E0  }
0x89: {  	[sflag:s31] =	ssyncset.done $0x0  }
0x8a: {  	[sflag:s31] =	ssyncadd.s32 $0xFFFFF620  }
0x8b: {  	_ =	sfence.sel $0x180000  }
0x8c: {  	[bflag:$0x0] =	sbarrier.arrive $0xFFFF  }
0x8d: {  	p0 =	sne.s32 s0, $0x0;
	_ =	strace $0x90000059  }
0x8e: {  	s0 =	sadd.s32 @!p0 $0x100000, s1;
	[bflag:$0x2] =	sbarrier.arrive $0xFFFF  }
0x8f: {  	[sflag:s0] =	ssyncadd.tile.s32 @!p0 $0x1;
	_ =	shalt  }
.Lfunc_end2:
_tile_overlayer_lowered:
.L_overlay_start_2:
0x90: {  	(tag) =	ssettag $0x2  }
0x91: {  	s0 =	rddreg [dreg:$0x0];
	s2 =	stileid.u32  }
0x92: {  	s1 =	rddreg [dreg:$0x1];
	p0 =	sne.s32 s2, $0x0  }
0x93: {  	s3 =	rddreg [dreg:$0x2];
	[bflag:$0x3] =	sbarrier.arrive $0xFFFF;
	s2 =	simm.s32 @!p0 $0x1C09  }
0x94: {  	[timem:s3], [sflag:s2] =	dma.local @!p0 [hbm:s0], s1  }
0x95: {  	s0 =	simm.s32 @!p0 $0x9  }
0x96: {  	_ =	swait.ge @!p0 [sflag:s0], s1  }
0x97: {  	s1 =	ssub.s32 @!p0 $0x0, s1;
	[sflag:s0] =	ssyncset.done @!p0 $0x0  }
0x98: {  	[sflag:s0] =	ssyncadd.s32 @!p0 s1  }
0x99: {  	[bflag:$0x3] =	sbarrier.arrive $0xFFFF  }
0x9a: {  	_ =	shalt  }

// kernel: kernel.32.cloned.1.call-start
scs
__scs_entry_jumppad:
0x0: {  	(pc) =	sbr.rel $0x88, $3  }
0x1: {  	(tag) =	ssettag $0x0;
	lr =	simm.s32 $0x1  }
0x2: {  	[smem:$0x3F97] =	sst lr;
	_ =	strace $0xD0000000  }
0x3: {  	_ = 	snop  }
0x4: {  	_ = 	snop  }
0x5: {  	_ = 	snop  }
0x6: {  	_ = 	snop  }
0x7: {  	_ = 	snop  }
__scs_overlays_trampoline_lowered:
0x8: {  	[smem:$0x3FA6] =	sst s0  }
0x9: {  	[smem:$0x3FA7] =	sst s1  }
0xa: {  	[smem:$0x3FA8] =	sst s2  }
0xb: {  	[smem:$0x3FA9] =	sst s3  }
0xc: {  	[smem:$0x3FAA] =	sst s4  }
0xd: {  	[smem:$0x3FAB] =	sst s5  }
0xe: {  	[smem:$0x3FAC] =	sst s6  }
0xf: {  	[smem:$0x3FAD] =	sst s7  }
0x10: {  	[smem:$0x3FAE] =	sst s8  }
0x11: {  	[smem:$0x3FAF] =	sst s9;
	s0 =	simm.s32 @!p0 $0x0  }
0x12: {  	s1 =	sld [smem:$0x3F95];
	s0 =	simm.s32 @p0 $0x1  }
0x13: {  	[smem:$0x3FB0] =	sst s0;
	s0 =	simm.s32 @!p1 $0x0  }
0x14: {  	s2 =	sld [smem:$0x3F94];
	s0 =	simm.s32 @p1 $0x1  }
0x15: {  	[smem:$0x3FB1] =	sst s0;
	s0 =	simm.s32 @!p2 $0x0  }
0x16: {  	s3 =	sld [smem:$0x3FDB];
	s0 =	simm.s32 @p2 $0x1  }
0x17: {  	s4 =	simm.s32 $0x1BF5;
	[smem:$0x3FB3] =	sst s0  }
0x18: {  	s0 =	sld [smem:$0x3F96];
	_ =	swait.ge [sflag:s4], $0x0  }
0x19: {  	s7 =	sld [smem:$0x3F97]  }
0x1a: {  	s8 =	sadd.s32 $0xFFFFE003, lr  }
0x1b: {  	s9 =	sadd.s32 $0xFFFFFEF7, lr;
	s5 =	simm.s32 $0xFFFFFFFF;
	p2 =	slt.u32 s8, $0xFFFFF086  }
0x1c: {  	p1 =	slt.u32 s9, $0xF7A;
	s5 =	simm.s32 @!p2 $0x0  }
0x1d: {  	s5 =	simm.s32 @p1 $0x1;
	p0 =	seq.s32 s7, s2  }
0x1e: {  	s7 =	smul.u32 @!p0 $0xF7A, s2;
	p2 =	seq.s32 @!p0 s5, $0x0  }
0x1f: {  	s9 =	smul.u32 $0xF7A, s1;
	s8 =	simm.s32 @!p0 $0x1BF5;
	p2 =	por !p2, p0  }
0x20: {  	[sflag:s8] =	ssyncset.s32 @!p0 $0xFFFFF086;
	s6 =	sadd.s32 @!p0 s3, s7;
	s7 =	simm.s32 @!p0 $0x108  }
0x21: {  	s3 =	sadd.s32 s3, s9;
	s6 =	sadd.s32 @!p0 $0x88, s6;
	s7 =	simm.s32 @p2 $0x1082  }
0x22: {  	[simem:s7], [sflag:s8] =	dma.local @!p0 [hbm:s6], $0xF7A  }
0x23: {  	s9 =	sor.u32 $0xD0000000, s2;
	s6 =	simm.s32 $0x108;
	_ =	swait.ge @!p0 [sflag:s8], $0x0  }
0x24: {  	s3 =	sadd.s32 $0x88, s3;
	s6 =	simm.s32 @!p1 $0x1082;
	[sflag:s4] =	ssyncset.s32 $0xFFFFF086  }
0x25: {  	[simem:s6], [sflag:s4] =	dma.local [hbm:s3], $0xF7A  }
0x26: {  	[smem:$0x3F97] =	sst s1;
	(tag) =	ssettag s2;
	_ =	strace s9  }
0x27: {  	s1 =	sld [smem:$0x3FA7]  }
0x28: {  	s2 =	sld [smem:$0x3FA8]  }
0x29: {  	s4 =	sld [smem:$0x3FAA]  }
0x2a: {  	p0 =	seq.s32 s5, $0x0;
	s5 =	sld [smem:$0x3FAB]  }
0x2b: {  	s6 =	sld [smem:$0x3FAC]  }
0x2c: {  	s7 =	sld [smem:$0x3FAD]  }
0x2d: {  	s3 =	simm.s32 $0x108;
	s8 =	sld [smem:$0x3FAE]  }
0x2e: {  	s3 =	simm.s32 @!p0 $0x1082;
	s9 =	sld [smem:$0x3FAF]  }
0x2f: {  	lr =	sadd.s32 s0, s3;
	s0 =	sld [smem:$0x3FA6]  }
0x30: {  	s3 =	sld [smem:$0x3FA9]  }
0x31: {  	[smem:$0x3FB2] =	sst s10  }
0x32: {  	s10 =	sld [smem:$0x3FB0];
	_ =	sdelay $0x3  }
0x33: {  	p0 =	seq.s32 s10, $0x1;
	s10 =	sld [smem:$0x3FB2];
	_ =	sdelay $0x3  }
0x34: {  	[smem:$0x3FB2] =	sst s10  }
0x35: {  	s10 =	sld [smem:$0x3FB1];
	_ =	sdelay $0x3  }
0x36: {  	p1 =	seq.s32 s10, $0x1;
	s10 =	sld [smem:$0x3FB2];
	_ =	sdelay $0x3  }
0x37: {  	[smem:$0x3FB2] =	sst s10  }
0x38: {  	s10 =	sld [smem:$0x3FB3]  }
0x39: {  	_ = 	snop;
	(pc) =	sbr.ind lr, $3  }
0x3a: {  	_ = 	snop  }
0x3b: {  	_ = 	snop  }
0x3c: {  	p2 =	seq.s32 s10, $0x1;
	s10 =	sld [smem:$0x3FB2]  }
0x3d: {  	_ =	shalt  }
0x3e: {  	_ =	shalt  }
0x3f: {  	_ =	shalt  }
0x40: {  	_ =	shalt  }
0x41: {  	_ =	shalt  }
0x42: {  	_ =	shalt  }
0x43: {  	_ =	shalt  }
0x44: {  	_ =	shalt  }
0x45: {  	_ =	shalt  }
0x46: {  	_ =	shalt  }
0x47: {  	_ =	shalt  }
0x48: {  	_ =	shalt  }
0x49: {  	_ =	shalt  }
0x4a: {  	_ =	shalt  }
0x4b: {  	_ =	shalt  }
0x4c: {  	_ =	shalt  }
0x4d: {  	_ =	shalt  }
0x4e: {  	_ =	shalt  }
0x4f: {  	_ =	shalt  }
0x50: {  	_ =	shalt  }
0x51: {  	_ =	shalt  }
0x52: {  	_ =	shalt  }
0x53: {  	_ =	shalt  }
0x54: {  	_ =	shalt  }
0x55: {  	_ =	shalt  }
0x56: {  	_ =	shalt  }
0x57: {  	_ =	shalt  }
0x58: {  	_ =	shalt  }
0x59: {  	_ =	shalt  }
0x5a: {  	_ =	shalt  }
0x5b: {  	_ =	shalt  }
0x5c: {  	_ =	shalt  }
0x5d: {  	_ =	shalt  }
0x5e: {  	_ =	shalt  }
0x5f: {  	_ =	shalt  }
0x60: {  	_ =	shalt  }
0x61: {  	_ =	shalt  }
0x62: {  	_ =	shalt  }
0x63: {  	_ =	shalt  }
0x64: {  	_ =	shalt  }
0x65: {  	_ =	shalt  }
0x66: {  	_ =	shalt  }
0x67: {  	_ =	shalt  }
0x68: {  	_ =	shalt  }
0x69: {  	_ =	shalt  }
0x6a: {  	_ =	shalt  }
0x6b: {  	_ =	shalt  }
0x6c: {  	_ =	shalt  }
0x6d: {  	_ =	shalt  }
0x6e: {  	_ =	shalt  }
0x6f: {  	_ =	shalt  }
0x70: {  	_ =	shalt  }
0x71: {  	_ =	shalt  }
0x72: {  	_ =	shalt  }
0x73: {  	_ =	shalt  }
0x74: {  	_ =	shalt  }
0x75: {  	_ =	shalt  }
0x76: {  	_ =	shalt  }
0x77: {  	_ =	shalt  }
0x78: {  	_ =	shalt  }
0x79: {  	_ =	shalt  }
0x7a: {  	_ =	shalt  }
0x7b: {  	_ =	shalt  }
0x7c: {  	_ =	shalt  }
0x7d: {  	_ =	shalt  }
0x7e: {  	_ =	shalt  }
0x7f: {  	_ =	shalt  }
0x80: {  	_ =	shalt  }
0x81: {  	_ =	shalt  }
0x82: {  	_ =	shalt  }
0x83: {  	_ =	shalt  }
0x84: {  	_ =	shalt  }
0x85: {  	_ =	shalt  }
0x86: {  	_ =	shalt  }
0x87: {  	_ =	shalt  }
.Lfunc_end0:
.L_simem_size_0:
called_computation.6_lowered:
.L_overlay_start_0:
0x88: {  	s0 =	sld [smem:$0x3FD9]  }
0x89: {  	s1 =	sld [smem:$0x3FFE];
	_ =	sdelay $0x3  }
0x8a: {  	s0 =	sadd.s32 s1, s0  }
0x8b: {  	[smem:$0x3FBE] =	sst s0  }
0x8c: {  	_ = 	snop  }
0x8d: {  	(tm) =	ssettm $0x1  }
0x8e: {  	s15 =	sld [smem:$0x3FFB];
	_ =	sdelay $0x3  }
0x8f: {  	_ =	strace s15  }
0x90: {  	s0 =	sld [smem:$0x3FFC];
	_ =	sdelay $0x3  }
0x91: {  	_ =	strace s0  }
0x92: {  	s0 =	sld [smem:$0x3FFD];
	_ =	sdelay $0x3  }
0x93: {  	_ =	strace s0  }
0x94: {  	_ =	strace $0x8FFFFFFF  }
0x95: {  	s16 =	sld [smem:$0x3FDB];
	_ =	sdelay $0x1  }
0x96: {  	s17 =	simm.s32 $_scs_section_size  }
0x97: {  	s2 =	simm.s32 $_size__tile_overlayer_lowered;
	s3 =	simm.s32 $_tile_overlayer_lowered  }
0x98: {  	s20 =	simm.s32 $0x1BFF;
	s19 =	sshll.u32 s3, $0x1;
	s0 =	sadd.s32 s17, s16  }
0x99: {  	s4 =	simm.s32 $0x0;
	s18 =	sshll.u32 s2, $0x1;
	s2 =	sadd.s32 s19, s0  }
0x9a: {  	[timem:s4], [sflag:s20] =	dma.local [hbm:s2], s18  }
0x9b: {  	_ =	swait.ge [sflag:s20], s18  }
0x9c: {  	s1 =	ssub.s32 $0x0, s18;
	[sflag:s20] =	ssyncset.done $0x0  }
0x9d: {  	[sflag:s20] =	ssyncadd.s32 s1;
	_ =	sdelay $0x1  }
0x9e: {  	s21 =	simm.s32 $0x1B8B  }
0x9f: {  	_ =	swait.ge [sflag:s21], $0x1  }
0xa0: {  	[sflag:s21] =	ssyncset.done $0x0  }
0xa1: {  	s23 =	simm.s32 $0x1B8E;
	s22 =	sld [smem:$0x3FFE];
	[sflag:s21] =	ssyncadd.s32 $0xFFFFFFFF  }
0xa2: {  	s24 =	simm.s32 $execute0_lowered;
	[smem:$0x3FD2] =	sst s23  }
0xa3: {  	s2 =	sshll.u32 s24, $0x1;
	_ =	strace $0x80000055;
	[dreg:$0x1] =	wrdreg $0xFFFFFFFF  }
0xa4: {  	s25 =	simm.s32 $_size_execute0_lowered;
	s0 =	sadd.s32 s0, s2;
	[dreg:$0x0] =	wrdreg $0x0  }
0xa5: {  	s2 =	sshll.u32 s25, $0x1;
	[dreg:$0x2] =	wrdreg s0  }
0xa6: {  	[dreg:$0x3] =	wrdreg s2  }
0xa7: {  	[dreg:$0x4] =	wrdreg $0xC0  }
0xa8: {  	_ =	task [dreg:s4], $0x5FFFF  }
0xa9: {  	[dreg:$0x1] =	wrdreg $0xFFFFFFFF  }
0xaa: {  	[dreg:$0x0] =	wrdreg $0x60  }
0xab: {  	[dreg:$0x2] =	wrdreg s22  }
0xac: {  	[dreg:$0x3] =	wrdreg $0xCD000  }
0xad: {  	[dreg:$0x4] =	wrdreg $0xA  }
0xae: {  	_ =	task.clear_ibuf [dreg:s4], $0x5FFFF;
	_ =	strace $0x90000055  }
0xaf: {  	s26 =	simm.s32 $0xA;
	_ =	strace $0x80000057  }
0xb0: {  	_ =	swait.ge [sflag:s26], $0x1  }
0xb1: {  	[sflag:s26] =	ssyncadd.s32 $0xFFFFFFFF  }
0xb2: {  	_ =	strace $0x90000057  }
0xb3: {  	_ =	sfence  }
0xb4: {  	s28 =	sld [smem:$0x0];
	_ =	sdelay $0x1  }
0xb5: {  	s29 =	srdreg.scid  }
0xb6: {  	s30 =	sshll.u32 s29, $0xD;
	s31 =	sshrl.u32 s29, $0x2  }
0xb7: {  	s1 =	sand.u32 $0x1, s29;
	s2 =	sand.u32 $0x4000, s30;
	s0 =	sadd.s32 s31, s28  }
0xb8: {  	s1 =	sor.u32 s2, s1;
	s0 =	sshll.u32 s0, $0x11  }
0xb9: {  	s0 =	sor.u32 s0, s1  }
0xba: {  	s0 =	sadd.s32 $0x8F2B, s0  }
0xbb: {  	[sflag:s0] =	ssyncadd.remote.s32 $0x1  }
0xbc: {  	_ =	sfence.sel $0xFFFF  }
0xbd: {  	[dreg:$0x0] =	wrdreg $0xFFFFFFFF;
	(pc) =	sbr.abs _section_cstart, $3  }
0xbe: {  	[dreg:$0x1] =	wrdreg $0xFFFFFFFF  }
0xbf: {  	_ =	task.clear_ibuf [dreg:s4], $0x2FFFF;
	_ =	strace $0x9FFFFFFF  }
0xc0: {  	(tm) =	ssettm $0x7FFFFFFF  }
0xc1: {  	_ =	shalt  }
tec
execute0_lowered:
.L_overlay_start_1:
0x0: {  	(tag) =	ssettag $0x1  }
0x1: {  	s0 =	stileid.u32  }
0x2: {  	s12 =	rddreg [dreg:$0x0];
	s3 =	smul.u32 $0x2800, s0  }
0x3: {  	s2 =	rddreg [dreg:$0x1]  }
0x4: {  	s1 =	rddreg [dreg:$0x2];
	s4 =	simm.s32 $0x0;
	s3 =	sshrl.u32 s3, $0x3  }
0x5: {  	[smem:$0x7FF] =	sst s4;
	s6 =	sadd.s32 s12, s3  }
0x6: {  	s5 =	simm.s32 $0x9;
	_ =	strace $0x80000056;
	s3 =	sadd.s32 $0x1A600, s6  }
0x7: {  	[tilespmem:s4], [sflag:$0x9] =	stream.linear.gather [hbm4b:s3+s4], $0x2800, $0x38;
	[tilespmem:$0x11C00] =	vst v63  }
0x8: {  	s7 =	smul.u32 $0x9E00, s0;
	_ =	swait.ge [sflag:s5], $0x2800  }
0x9: {  	s8 =	simm.s32 $0x2800;
	s25 =	sshll.u32 s0, $0x6;
	[sflag:s5] =	ssyncset.done $0x0  }
0xa: {  	s6 =	sadd.s32 $0x8C00, s6;
	s3 =	sshrl.u32 s7, $0x4;
	[sflag:s5] =	ssyncadd.s32 $0xFFFFD800  }
0xb: {  	[tilespmem:s8], [sflag:$0x9] =	stream.linear.gather [hbm4b:s6+s4], $0x2800, $0x38;
	[tilespmem:$0x11C00] =	vst v63  }
0xc: {  	s7 =	sshrl.u32 s7, $0x1;
	s23 =	sadd.s32 s3, s12;
	_ =	swait.ge [sflag:s5], $0x2800  }
0xd: {  	s7 =	sadd.s32 s7, s2;
	s24 =	sadd.s32 $0x1F600, s23;
	[sflag:s5] =	ssyncset.done $0x0  }
0xe: {  	s7 =	sshrl.u32 s7, $0x3;
	s6 =	sor.u32 $0x1C09, s25;
	[sflag:s5] =	ssyncadd.s32 $0xFFFFD800  }
0xf: {  	[spmem:s7], [sflag:s6] =	dma.local [hbm:s24], $0x9E0  }
0x10: {  	_ =	swait.ge [sflag:s5], $0x9E0  }
0x11: {  	[sflag:s5] =	ssyncset.done $0x0  }
0x12: {  	s9 =	simm.s32 $0x7D;
	[sflag:s5] =	ssyncadd.s32 $0xFFFFF620  }
0x13: {  	s10 =	simm.s32 $0x5000;
	s8 =	sadd.s32 $0x50600, s12;
	[bflag:$0x0] =	sbarrier.arrive $0xFFFF  }
0x14: {  	[tilespmem:s10], [sflag:$0x1] =	stream.indirect.gather [hbm4b:s8+s9], $0x20, s4, s9, $0xb8;
	[tilespmem:$0x11C00] =	vst v63  }
0x15: {  	s11 =	simm.s32 $0x80;
	s13 =	simm.s32 $0x5FA0  }
0x16: {  	[tilespmem:s13], [sflag:$0x2] =	stream.indirect.gather [hbm4b:s8+s9], $0x20, s11, s9, $0xb8;
	[tilespmem:$0x11C00] =	vst v63  }
0x17: {  	s26 =	simm.s32 $0x100;
	s11 =	simm.s32 $0x6F40  }
0x18: {  	[tilespmem:s11], [sflag:$0x3] =	stream.indirect.gather [hbm4b:s8+s9], $0x20, s26, s9, $0xb8;
	[tilespmem:$0x11C00] =	vst v63  }
0x19: {  	s28 =	simm.s32 $0x180;
	s14 =	simm.s32 $0x7EE0  }
0x1a: {  	[tilespmem:s14], [sflag:$0x4] =	stream.indirect.gather [hbm4b:s8+s9], $0x20, s28, s9, $0xb8;
	[tilespmem:$0x11C00] =	vst v63  }
0x1b: {  	s29 =	simm.s32 $0x200;
	s13 =	simm.s32 $0x8E80  }
0x1c: {  	[tilespmem:s13], [sflag:$0x5] =	stream.indirect.gather [hbm4b:s8+s9], $0x20, s29, s9, $0xb8;
	[tilespmem:$0x11C00] =	vst v63  }
0x1d: {  	s30 =	simm.s32 $0x280;
	s15 =	simm.s32 $0x9E20;
	s31 =	simm.s32 $0x300  }
0x1e: {  	[tilespmem:s15], [sflag:$0x6] =	stream.indirect.gather [hbm4b:s8+s9], $0x20, s30, s9, $0xb8;
	[tilespmem:$0x11C00] =	vst v63  }
0x1f: {  	s16 =	simm.s32 $0x380;
	s17 =	simm.s32 $0x3;
	s14 =	simm.s32 $0xADC0  }
0x20: {  	[tilespmem:s14], [sflag:$0x7] =	stream.indirect.gather [hbm4b:s8+s9], $0x20, s31, s9, $0xb8;
	[tilespmem:$0x11C00] =	vst v63  }
0x21: {  	s18 =	simm.s32 $0x5;
	s19 =	simm.s32 $0x7;
	s15 =	simm.s32 $0xBD60  }
0x22: {  	[tilespmem:s15], [sflag:$0x8] =	stream.indirect.gather [hbm4b:s8+s9], $0x20, s16, s9, $0xb8;
	[tilespmem:$0x11C00] =	vst v63  }
0x23: {  	s20 =	simm.s32 $0x8;
	s12 =	sadd.s32 $0x5A400, s12;
	s16 =	simm.s32 $0x1  }
.LBB2_1:
0x24: {  	_ =	swait.ge [sflag:s16], $0xFA0  }
0x25: {  	s21 =	sshra.s32 s4, $0x2;
	[sflag:s16] =	ssyncset.done $0x0  }
0x26: {  	s22 =	sadd.s32 $0x2800, s21;
	[sflag:s16] =	ssyncadd.s32 $0xFFFFF060  }
0x27: {  	[spmem:s2] =	stream.indirect.scatter.add.bf16 [tilespmem:s10], [sflag:$0x9], $0x20, s22, s9, $0xb8;
	[tilespmem:$0x11C00] =	vst v63  }
0x28: {  	_ =	swait.ge [sflag:s5], $0xFA0  }
0x29: {  	p0 =	seq.s32 s4, $0x9000;
	[sflag:s5] =	ssyncset.done $0x0  }
0x2a: {  	s22 =	simm.s32 @p0 $0x2;
	[sflag:s5] =	ssyncadd.s32 $0xFFFFF060  }
0x2b: {  	s24 =	sshra.s32 @p0 s4, $0x2;
	_ =	swait.ge @p0 [sflag:s22], $0xFA0  }
0x2c: {  	s25 =	simm.s32 @p0 $0x7D;
	s23 =	simm.s32 @p0 $0x5FA0;
	[sflag:s22] =	ssyncset.done @p0 $0x0  }
0x2d: {  	s26 =	simm.s32 @p0 $0x9;
	[sflag:s22] =	ssyncadd.s32 @p0 $0xFFFFF060;
	s22 =	sadd.s32 @p0 $0x2880, s24  }
0x2e: {  	[spmem:s2] =	stream.indirect.scatter.add.bf16 @p0 [tilespmem:s23], [sflag:$0x9], $0x20, s22, s25, $0xb8;
	[tilespmem:$0x11C00] =	vst v63  }
0x2f: {  	_ =	swait.ge @p0 [sflag:s26], $0xFA0  }
0x30: {  	s29 =	simm.s32 @!p0 $0x5000;
	s22 =	sshra.s32 @!p0 s4, $0x2;
	[sflag:s26] =	ssyncset.done @p0 $0x0  }
0x31: {  	s23 =	simm.s32 @!p0 $0x7D;
	s28 =	sadd.s32 @!p0 $0x400, s22;
	[sflag:s26] =	ssyncadd.s32 @p0 $0xFFFFF060  }
0x32: {  	[tilespmem:s29], [sflag:$0x1] =	stream.indirect.gather @!p0 [hbm4b:s8+s23], $0x20, s28, s23, $0xb8;
	[tilespmem:$0x11C00] =	vst v63  }
0x33: {  	s28 =	simm.s32 @!p0 $0x2  }
0x34: {  	_ =	swait.ge @!p0 [sflag:s28], $0xFA0  }
0x35: {  	[sflag:s28] =	ssyncset.done @!p0 $0x0  }
0x36: {  	s29 =	simm.s32 @!p0 $0x5FA0;
	[sflag:s28] =	ssyncadd.s32 @!p0 $0xFFFFF060;
	s28 =	sadd.s32 @!p0 $0x2880, s22  }
0x37: {  	[spmem:s2] =	stream.indirect.scatter.add.bf16 @!p0 [tilespmem:s29], [sflag:$0x9], $0x20, s28, s23, $0xb8;
	[tilespmem:$0x11C00] =	vst v63  }
0x38: {  	s28 =	simm.s32 @!p0 $0x9  }
0x39: {  	_ =	swait.ge @!p0 [sflag:s28], $0xFA0  }
0x3a: {  	[sflag:s28] =	ssyncset.done @!p0 $0x0  }
0x3b: {  	s30 =	sadd.s32 @!p0 $0x480, s22;
	[sflag:s28] =	ssyncadd.s32 @!p0 $0xFFFFF060  }
0x3c: {  	[tilespmem:s29], [sflag:$0x2] =	stream.indirect.gather @!p0 [hbm4b:s8+s23], $0x20, s30, s23, $0xb8;
	[tilespmem:$0x11C00] =	vst v63  }
0x3d: {  	_ =	swait.ge [sflag:s17], $0xFA0  }
0x3e: {  	[sflag:s17] =	ssyncset.done $0x0  }
0x3f: {  	s31 =	sadd.s32 $0x2900, s21;
	[sflag:s17] =	ssyncadd.s32 $0xFFFFF060  }
0x40: {  	[spmem:s2] =	stream.indirect.scatter.add.bf16 [tilespmem:s11], [sflag:$0x9], $0x20, s31, s9, $0xb8;
	[tilespmem:$0x11C00] =	vst v63  }
0x41: {  	_ =	swait.ge [sflag:s5], $0xFA0  }
0x42: {  	[sflag:s5] =	ssyncset.done $0x0  }
0x43: {  	s29 =	simm.s32 @p0 $0x4;
	[sflag:s5] =	ssyncadd.s32 $0xFFFFF060  }
0x44: {  	_ =	swait.ge @p0 [sflag:s29], $0xFA0  }
0x45: {  	[sflag:s29] =	ssyncset.done @p0 $0x0  }
0x46: {  	s30 =	simm.s32 @p0 $0x7EE0;
	[sflag:s29] =	ssyncadd.s32 @p0 $0xFFFFF060;
	s29 =	sadd.s32 @p0 $0x2980, s24  }
0x47: {  	[spmem:s2] =	stream.indirect.scatter.add.bf16 @p0 [tilespmem:s30], [sflag:$0x9], $0x20, s29, s25, $0xb8;
	[tilespmem:$0x11C00] =	vst v63  }
0x48: {  	_ =	swait.ge @p0 [sflag:s26], $0xFA0  }
0x49: {  	[sflag:s26] =	ssyncset.done @p0 $0x0  }
0x4a: {  	s29 =	sadd.s32 @!p0 $0x500, s22;
	s30 =	simm.s32 @!p0 $0x6F40;
	[sflag:s26] =	ssyncadd.s32 @p0 $0xFFFFF060  }
0x4b: {  	[tilespmem:s30], [sflag:$0x3] =	stream.indirect.gather @!p0 [hbm4b:s8+s23], $0x20, s29, s23, $0xb8;
	[tilespmem:$0x11C00] =	vst v63  }
0x4c: {  	s29 =	simm.s32 @!p0 $0x4  }
0x4d: {  	_ =	swait.ge @!p0 [sflag:s29], $0xFA0  }
0x4e: {  	[sflag:s29] =	ssyncset.done @!p0 $0x0  }
0x4f: {  	s30 =	simm.s32 @!p0 $0x7EE0;
	[sflag:s29] =	ssyncadd.s32 @!p0 $0xFFFFF060;
	s29 =	sadd.s32 @!p0 $0x2980, s22  }
0x50: {  	[spmem:s2] =	stream.indirect.scatter.add.bf16 @!p0 [tilespmem:s30], [sflag:$0x9], $0x20, s29, s23, $0xb8;
	[tilespmem:$0x11C00] =	vst v63  }
0x51: {  	_ =	swait.ge @!p0 [sflag:s28], $0xFA0  }
0x52: {  	[sflag:s28] =	ssyncset.done @!p0 $0x0  }
0x53: {  	s29 =	sadd.s32 @!p0 $0x580, s22;
	[sflag:s28] =	ssyncadd.s32 @!p0 $0xFFFFF060  }
0x54: {  	[tilespmem:s30], [sflag:$0x4] =	stream.indirect.gather @!p0 [hbm4b:s8+s23], $0x20, s29, s23, $0xb8;
	[tilespmem:$0x11C00] =	vst v63  }
0x55: {  	_ =	swait.ge [sflag:s18], $0xFA0  }
0x56: {  	[sflag:s18] =	ssyncset.done $0x0  }
0x57: {  	s30 =	sadd.s32 $0x2A00, s21;
	[sflag:s18] =	ssyncadd.s32 $0xFFFFF060  }
0x58: {  	[spmem:s2] =	stream.indirect.scatter.add.bf16 [tilespmem:s13], [sflag:$0x9], $0x20, s30, s9, $0xb8;
	[tilespmem:$0x11C00] =	vst v63  }
0x59: {  	_ =	swait.ge [sflag:s5], $0xFA0  }
0x5a: {  	[sflag:s5] =	ssyncset.done $0x0  }
0x5b: {  	s29 =	simm.s32 @p0 $0x6;
	[sflag:s5] =	ssyncadd.s32 $0xFFFFF060  }
0x5c: {  	_ =	swait.ge @p0 [sflag:s29], $0xFA0  }
0x5d: {  	[sflag:s29] =	ssyncset.done @p0 $0x0  }
0x5e: {  	s24 =	sadd.s32 @p0 $0x2A80, s24;
	[sflag:s29] =	ssyncadd.s32 @p0 $0xFFFFF060;
	s29 =	simm.s32 @p0 $0x9E20  }
0x5f: {  	[spmem:s2] =	stream.indirect.scatter.add.bf16 @p0 [tilespmem:s29], [sflag:$0x9], $0x20, s24, s25, $0xb8;
	[tilespmem:$0x11C00] =	vst v63  }
0x60: {  	_ =	swait.ge @p0 [sflag:s26], $0xFA0  }
0x61: {  	[sflag:s26] =	ssyncset.done @p0 $0x0  }
0x62: {  	s24 =	sadd.s32 @!p0 $0x600, s22;
	s25 =	simm.s32 @!p0 $0x8E80;
	[sflag:s26] =	ssyncadd.s32 @p0 $0xFFFFF060  }
0x63: {  	[tilespmem:s25], [sflag:$0x5] =	stream.indirect.gather @!p0 [hbm4b:s8+s23], $0x20, s24, s23, $0xb8;
	[tilespmem:$0x11C00] =	vst v63  }
0x64: {  	s24 =	simm.s32 @!p0 $0x6  }
0x65: {  	_ =	swait.ge @!p0 [sflag:s24], $0xFA0  }
0x66: {  	[sflag:s24] =	ssyncset.done @!p0 $0x0  }
0x67: {  	s25 =	simm.s32 @!p0 $0x9E20;
	[sflag:s24] =	ssyncadd.s32 @!p0 $0xFFFFF060;
	s24 =	sadd.s32 @!p0 $0x2A80, s22  }
0x68: {  	[spmem:s2] =	stream.indirect.scatter.add.bf16 @!p0 [tilespmem:s25], [sflag:$0x9], $0x20, s24, s23, $0xb8;
	[tilespmem:$0x11C00] =	vst v63  }
0x69: {  	_ =	swait.ge @!p0 [sflag:s28], $0xFA0  }
0x6a: {  	[sflag:s28] =	ssyncset.done @!p0 $0x0  }
0x6b: {  	s22 =	sadd.s32 @!p0 $0x680, s22;
	[sflag:s28] =	ssyncadd.s32 @!p0 $0xFFFFF060  }
0x6c: {  	[tilespmem:s25], [sflag:$0x6] =	stream.indirect.gather @!p0 [hbm4b:s8+s23], $0x20, s22, s23, $0xb8;
	[tilespmem:$0x11C00] =	vst v63  }
0x6d: {  	_ =	swait.ge [sflag:s19], $0xFA0  }
0x6e: {  	[sflag:s19] =	ssyncset.done $0x0  }
.Ltmp0:
0x6f: {  	s31 =	sadd.s32 $0x2B00, s21;
	[sflag:s19] =	ssyncadd.s32 $0xFFFFF060;
	(pc) =	sbr.rel @p0 .LBB2_3-.Ltmp0, $4  }
0x70: {  	[spmem:s2] =	stream.indirect.scatter.add.bf16 [tilespmem:s14], [sflag:$0x9], $0x20, s31, s9, $0xb8;
	[tilespmem:$0x11C00] =	vst v63  }
0x71: {  	_ =	swait.ge [sflag:s5], $0xFA0  }
0x72: {  	[sflag:s5] =	ssyncset.done $0x0  }
0x73: {  	[sflag:s5] =	ssyncadd.s32 $0xFFFFF060  }
0x74: {  	s22 =	sadd.s32 $0x700, s21  }
0x75: {  	[tilespmem:s14], [sflag:$0x7] =	stream.indirect.gather [hbm4b:s8+s9], $0x20, s22, s9, $0xb8;
	[tilespmem:$0x11C00] =	vst v63  }
0x76: {  	_ =	swait.ge [sflag:s20], $0xFA0  }
0x77: {  	[sflag:s20] =	ssyncset.done $0x0  }
0x78: {  	s30 =	sadd.s32 $0x2B80, s21;
	[sflag:s20] =	ssyncadd.s32 $0xFFFFF060  }
0x79: {  	[spmem:s2] =	stream.indirect.scatter.add.bf16 [tilespmem:s15], [sflag:$0x9], $0x20, s30, s9, $0xb8;
	[tilespmem:$0x11C00] =	vst v63  }
.Ltmp1:
0x7a: {  	_ = 	snop;
	(pc) =	sbr.rel .LBB2_1-.Ltmp1, $4  }
0x7b: {  	_ =	swait.ge [sflag:s5], $0xFA0  }
0x7c: {  	[sflag:s5] =	ssyncset.done $0x0  }
0x7d: {  	s31 =	sadd.s32 $0x780, s21;
	s4 =	sadd.s32 $0x1000, s4;
	[sflag:s5] =	ssyncadd.s32 $0xFFFFF060  }
0x7e: {  	[tilespmem:s15], [sflag:$0x8] =	stream.indirect.gather [hbm4b:s8+s9], $0x20, s31, s9, $0xb8;
	[tilespmem:$0x11C00] =	vst v63  }
.LBB2_3:
0x7f: {  	s4 =	simm.s32 $0x8  }
0x80: {  	_ =	swait.ge [sflag:s4], $0xFA0  }
0x81: {  	s30 =	sadd.s32 $0x2B80, s21;
	s5 =	simm.s32 $0x7D;
	[sflag:s4] =	ssyncset.done $0x0  }
0x82: {  	s8 =	simm.s32 $0xBD60;
	s31 =	simm.s32 $0x9;
	[sflag:s4] =	ssyncadd.s32 $0xFFFFF060  }
0x83: {  	[spmem:s2] =	stream.indirect.scatter.add.bf16 [tilespmem:s8], [sflag:$0x9], $0x20, s30, s5, $0xb8;
	[tilespmem:$0x11C00] =	vst v63  }
0x84: {  	_ =	swait.ge [sflag:s31], $0xFA0  }
0x85: {  	[sflag:s31] =	ssyncset.done $0x0  }
0x86: {  	[sflag:s31] =	ssyncadd.s32 $0xFFFFF060  }
0x87: {  	s3 =	sadd.s32 s12, s3;
	[bflag:$0x0] =	sbarrier.arrive $0xFFFF  }
0x88: {  	[hbm:s3], [sflag:s6] =	dma.local [spmem:s7], $0x9E0  }
0x89: {  	_ =	swait.ge [sflag:s31], $0x9E0  }
0x8a: {  	[sflag:s31] =	ssyncset.done $0x0  }
0x8b: {  	[sflag:s31] =	ssyncadd.s32 $0xFFFFF620  }
0x8c: {  	_ =	sfence.sel $0x180000  }
0x8d: {  	[bflag:$0x0] =	sbarrier.arrive $0xFFFF  }
0x8e: {  	p0 =	sne.s32 s0, $0x0;
	_ =	strace $0x90000056  }
0x8f: {  	s0 =	sadd.s32 @!p0 $0x100000, s1;
	[bflag:$0x2] =	sbarrier.arrive $0xFFFF  }
0x90: {  	[sflag:s0] =	ssyncadd.tile.s32 @!p0 $0x1;
	_ =	shalt  }
.Lfunc_end2:
_tile_overlayer_lowered:
.L_overlay_start_2:
0x91: {  	(tag) =	ssettag $0x2  }
0x92: {  	s0 =	rddreg [dreg:$0x0];
	s2 =	stileid.u32  }
0x93: {  	s1 =	rddreg [dreg:$0x1];
	p0 =	sne.s32 s2, $0x0  }
0x94: {  	s3 =	rddreg [dreg:$0x2];
	[bflag:$0x3] =	sbarrier.arrive $0xFFFF;
	s2 =	simm.s32 @!p0 $0x1C09  }
0x95: {  	[timem:s3], [sflag:s2] =	dma.local @!p0 [hbm:s0], s1  }
0x96: {  	s0 =	simm.s32 @!p0 $0x9  }
0x97: {  	_ =	swait.ge @!p0 [sflag:s0], s1  }
0x98: {  	s1 =	ssub.s32 @!p0 $0x0, s1;
	[sflag:s0] =	ssyncset.done @!p0 $0x0  }
0x99: {  	[sflag:s0] =	ssyncadd.s32 @!p0 s1  }
0x9a: {  	[bflag:$0x3] =	sbarrier.arrive $0xFFFF  }
0x9b: {  	_ =	shalt  }

</sc_bundles>
